<compile_context>
chip_gen: v7x
topology: tpu7x:2x2x1
jax: 0.10.2.dev20260603
libtpu: 0.0.44.dev20260713+nightly
codegen_flags: <defaults>
</compile_context>

<pallas_src>
import functools

import jax
import jax.numpy as jnp
from jax import lax
from jax.experimental import pallas as pl
from jax.experimental.pallas import tpu as pltpu
from jax.experimental.pallas import tpu_sc as plsc

N = 10000
C_OUT = 64
NC = 2
NS = 16
NW = NC * NS
CHUNK = 128
ACC_ROWS = 10240
ROWS_PT = ACC_ROWS // NS
ZCH = ROWS_PT // CHUNK

_f32 = jnp.float32


def _mesh():
    return plsc.VectorSubcoreMesh(core_axis_name="c", subcore_axis_name="s")


def _make_spmm(F, CPT, NBUF):
    assert CPT % NBUF == 0

    @functools.partial(
        pl.kernel,
        out_type=jax.ShapeDtypeStruct((NC, ACC_ROWS, F), _f32),
        mesh=_mesh(),
        compiler_params=pltpu.CompilerParams(use_tc_tiling_on_sc=(F % 128 == 0)),
        scratch_types=(
            [pltpu.VMEM((CPT, CHUNK), jnp.int32)]
            + [pltpu.VMEM((2, CHUNK), jnp.int32) for _ in range(NBUF)]
            + [pltpu.VMEM((CHUNK, F), _f32) for _ in range(NBUF)]
            + [pltpu.VMEM_SHARED((ACC_ROWS, F), _f32)]
            + [pltpu.SemaphoreType.DMA for _ in range(NBUF)]
        ),
    )
    def spmm(support_hbm, packed_hbm, out_hbm, packed_v, *rest):
        rcs = rest[:NBUF]
        gbufs = rest[NBUF:2 * NBUF]
        acc = rest[2 * NBUF]
        sems = rest[2 * NBUF + 1:]
        c = lax.axis_index("c")
        s = lax.axis_index("s")
        wid = c * NS + s
        pltpu.sync_copy(packed_hbm.at[wid], packed_v)

        zv = jnp.zeros((16,), _f32)

        def zrow(i, carry):
            for j in range(F // 16):
                gbufs[0][i, pl.ds(j * 16, 16)] = zv
            return carry

        lax.fori_loop(0, CHUNK, zrow, 0)
        for k in range(ZCH):
            pltpu.sync_copy(gbufs[0], acc.at[pl.ds(s * ROWS_PT + k * CHUNK, CHUNK)])
        plsc.subcore_barrier()

        def prep(j, b):
            for k in range(CHUNK // 16):
                pv = packed_v[j, pl.ds(k * 16, 16)]
                rcs[b][0, pl.ds(k * 16, 16)] = lax.shift_right_logical(pv, 14)
                rcs[b][1, pl.ds(k * 16, 16)] = lax.bitwise_and(pv, 16383)
            pltpu.async_copy(support_hbm.at[rcs[b].at[1]], gbufs[b], sems[b])

        def _drain_g(b):
            pltpu.make_async_copy(support_hbm.at[pl.ds(0, CHUNK)],
                                  gbufs[b], sems[b]).wait()

        for b in range(NBUF - 1):
            prep(b, b)

        def group(i, carry):
            j0 = i * NBUF
            for b in range(NBUF):
                j = j0 + b
                prep(jnp.minimum(j + NBUF - 1, CPT - 1), (b - 1) % NBUF)
                _drain_g(b)
                pltpu.sync_copy(gbufs[b], acc.at[rcs[b].at[0]], add=True)
            return carry

        lax.fori_loop(0, CPT // NBUF, group, 0)
        for b in range(NBUF - 1):
            _drain_g(b)
        plsc.subcore_barrier()
        pltpu.sync_copy(acc.at[pl.ds(s * ROWS_PT, ROWS_PT)],
                        out_hbm.at[c, pl.ds(s * ROWS_PT, ROWS_PT)])

    return spmm


def _make_hist(CPT):

    @functools.partial(
        pl.kernel,
        out_type=jax.ShapeDtypeStruct((NC, ACC_ROWS), _f32),
        mesh=_mesh(),
        scratch_types=[
            pltpu.VMEM((CPT, CHUNK), jnp.int32),
            pltpu.VMEM((CHUNK,), jnp.int32),
            pltpu.VMEM((CHUNK,), _f32),
            pltpu.VMEM((ROWS_PT,), _f32),
            pltpu.VMEM_SHARED((ACC_ROWS,), _f32),
        ],
    )
    def hist(packed_hbm, out_hbm, packed_v, ridx, ones_v, zb, acc):
        c = lax.axis_index("c")
        s = lax.axis_index("s")
        wid = c * NS + s
        pltpu.sync_copy(packed_hbm.at[wid], packed_v)
        ov = jnp.ones((16,), _f32)
        zv = jnp.zeros((16,), _f32)
        for j in range(CHUNK // 16):
            ones_v[pl.ds(j * 16, 16)] = ov
        for j in range(ROWS_PT // 16):
            zb[pl.ds(j * 16, 16)] = zv
        pltpu.sync_copy(zb, acc.at[pl.ds(s * ROWS_PT, ROWS_PT)])
        plsc.subcore_barrier()

        def step(j, carry):
            for k in range(CHUNK // 16):
                pv = packed_v[j, pl.ds(k * 16, 16)]
                ridx[pl.ds(k * 16, 16)] = lax.shift_right_logical(pv, 14)
            pltpu.sync_copy(ones_v, acc.at[ridx], add=True)
            return carry

        lax.fori_loop(0, CPT, step, 0)
        plsc.subcore_barrier()
        pltpu.sync_copy(acc.at[pl.ds(s * ROWS_PT, ROWS_PT)],
                        out_hbm.at[c, pl.ds(s * ROWS_PT, ROWS_PT)])

    return hist


_CONTRACT_LAST = (((1,), (1,)), ((), ()))


def _mm1_body(x_ref, w_ref, o_ref):
    o_ref[...] = lax.dot_general(x_ref[...], w_ref[...], _CONTRACT_LAST,
                                 preferred_element_type=_f32)


def _dense1(x, W1):
    return pl.pallas_call(
        _mm1_body,
        grid=(10,),
        in_specs=[pl.BlockSpec((1000, 128), lambda i: (i, 0)),
                  pl.BlockSpec((128, 128), lambda i: (0, 0))],
        out_specs=pl.BlockSpec((1000, 128), lambda i: (i, 0)),
        out_shape=jax.ShapeDtypeStruct((N, 128), _f32),
    )(x, W1)


def _mid_body(p_ref, s1_ref, d0_ref, d1_ref, w2_ref, o_ref):
    inv = 1.0 / (1.0 + d0_ref[...] + d1_ref[...])
    h = jnp.maximum((p_ref[0] + p_ref[1] + s1_ref[...]) * inv, 0.0)
    o_ref[...] = lax.dot_general(h, w2_ref[...], _CONTRACT_LAST,
                                 preferred_element_type=_f32)


def _dense_mid(p, s1, d0, d1, W2):
    return pl.pallas_call(
        _mid_body,
        grid=(10,),
        in_specs=[pl.BlockSpec((2, 1000, 128), lambda i: (0, i, 0)),
                  pl.BlockSpec((1000, 128), lambda i: (i, 0)),
                  pl.BlockSpec((1000, 1), lambda i: (i, 0)),
                  pl.BlockSpec((1000, 1), lambda i: (i, 0)),
                  pl.BlockSpec((64, 128), lambda i: (0, 0))],
        out_specs=pl.BlockSpec((1000, 64), lambda i: (i, 0)),
        out_shape=jax.ShapeDtypeStruct((N, 64), _f32),
    )(p, s1, d0, d1, W2)


def _fin_body(q_ref, s2_ref, invp_ref, o_ref):
    o_ref[...] = (q_ref[0] + q_ref[1] + s2_ref[...]) * invp_ref[...]


def _dense_fin(q_pair, s2_pair, inv_pair):
    return pl.pallas_call(
        _fin_body,
        grid=(5,),
        in_specs=[pl.BlockSpec((2, 1000, 128), lambda i: (0, i, 0)),
                  pl.BlockSpec((1000, 128), lambda i: (i, 0)),
                  pl.BlockSpec((1000, 128), lambda i: (i, 0))],
        out_specs=pl.BlockSpec((1000, 128), lambda i: (i, 0)),
        out_shape=jax.ShapeDtypeStruct((N // 2, 128), _f32),
    )(q_pair, s2_pair, inv_pair)


def kernel(x, edge_index, W1, W2):
    E = edge_index.shape[1]
    per_chunk_round = NW * CHUNK
    CPT = -(-E // per_chunk_round)
    CPT = -(-CPT // 4) * 4
    EPAD = CPT * per_chunk_round
    pad = EPAD - E
    pidx = jnp.arange(pad, dtype=jnp.int32)
    packed = jnp.concatenate([
        (edge_index[0] << 14) | edge_index[1],
        ((N + pidx % (ACC_ROWS - N)) << 14) | (pidx % N),
    ])
    packed_r = packed.reshape(NW, CPT, CHUNK)

    deg = _make_hist(CPT)(packed_r)
    d0 = deg[0, :N, None]
    d1 = deg[1, :N, None]

    inv = 1.0 / (1.0 + deg[0, :N] + deg[1, :N])
    inv_pair = jnp.repeat(inv.reshape(N // 2, 2), C_OUT, axis=1)

    s1 = _dense1(x, W1)
    p = _make_spmm(128, CPT, 2)(s1, packed_r)
    s2 = _dense_mid(p, s1, d0, d1, W2)
    q = _make_spmm(64, CPT, 4)(s2, packed_r)
    q_pair = q.reshape(NC, ACC_ROWS // 2, 128)
    s2_pair = s2.reshape(N // 2, 128)
    out_pair = _dense_fin(q_pair, s2_pair, inv_pair)
    return out_pair.reshape(N, 64)

# --- scband reference (transcript-rebuilt; emitter-appended) ---
"""Pipeline reference for scband-sparse-gcn-23965917512254 (READ-ONLY COPY).

The authoritative reference and input builder live on the scoring server;
editing this copy changes nothing except your own understanding.
"""

import jax, jax.numpy as jnp
import numpy as np

N = 10000
E = 320000
F_IN = 128
H = 128
C = 64


def setup_inputs(seed: int = 0) -> dict:
    key = jax.random.key(seed)
    k1, k2, k3, k4 = jax.random.split(key, 4)
    x = jax.random.normal(k1, (N, F_IN), dtype=jnp.float32)
    edge_index = jax.random.randint(k2, (2, E), 0, N, dtype=jnp.int32)
    # torch.nn.Linear weights, re-initialized uniform(-stdv, stdv) with stdv = 1/sqrt(out_features)
    stdv1 = 1.0 / np.sqrt(H)
    W1 = jax.random.uniform(k3, (H, F_IN), minval=-stdv1, maxval=stdv1, dtype=jnp.float32)
    stdv2 = 1.0 / np.sqrt(C)
    W2 = jax.random.uniform(k4, (C, H), minval=-stdv2, maxval=stdv2, dtype=jnp.float32)
    return {"x": x, "edge_index": edge_index, "W1": W1, "W2": W2}


def _norm_adj(edge_index):
    # renormalization trick: A_hat = D^-1 (A + I), A binary
    loops = jnp.arange(N, dtype=edge_index.dtype)
    ei = jnp.concatenate([edge_index, jnp.stack([loops, loops])], axis=1)
    row = ei[0]
    col = ei[1]
    deg = jax.ops.segment_sum(jnp.ones(ei.shape[1], dtype=jnp.float32), row, num_segments=N)
    inv_deg = jnp.where(deg > 0, 1.0 / deg, 0.0)
    w = inv_deg[row]
    return row, col, w


def _spmm(row, col, w, support):
    # output = A_hat @ support via gather + scatter-add
    msgs = w[:, None] * jnp.take(support, col, axis=0)
    return jax.ops.segment_sum(msgs, row, num_segments=N)


def reference(x, edge_index, W1, W2):
    row, col, w = _norm_adj(edge_index)
    # gc_first: support = x @ W1^T ; out = spmm(adj, support) ; relu
    h = jax.nn.relu(_spmm(row, col, w, x @ W1.T))
    # dropout is identity in eval mode (training=False)
    # gc_last
    out = _spmm(row, col, w, h @ W2.T)
    return out

if __name__ == "__main__":
    import jax
    _d = setup_inputs()
    print(jax.jit(kernel)(*tuple(_d.values())))

</pallas_src>

<mosaic_0001>
#map = affine_map<(d0, d1) -> (0, 0)>
#map1 = affine_map<(d0, d1) -> (0, 0, 0)>
module attributes {stable_mosaic.version = 14 : i64} {
  func.func @spmm(%arg0: i32, %arg1: i32, %arg2: memref<10000x64xf32, #tpu.memory_space<hbm>>, %arg3: memref<32x80x128xi32, #tpu.memory_space<hbm>>, %arg4: memref<2x10240x64xf32, #tpu.memory_space<hbm>>, %arg5: memref<80x128xi32, #tpu.memory_space<vmem>>, %arg6: memref<2x128xi32, #tpu.memory_space<vmem>>, %arg7: memref<2x128xi32, #tpu.memory_space<vmem>>, %arg8: memref<2x128xi32, #tpu.memory_space<vmem>>, %arg9: memref<2x128xi32, #tpu.memory_space<vmem>>, %arg10: memref<128x64xf32, #tpu.memory_space<vmem>>, %arg11: memref<128x64xf32, #tpu.memory_space<vmem>>, %arg12: memref<128x64xf32, #tpu.memory_space<vmem>>, %arg13: memref<128x64xf32, #tpu.memory_space<vmem>>, %arg14: memref<10240x64xf32, #tpu.memory_space<vmem_shared>>, %arg15: memref<!tpu.dma_semaphore, #tpu.memory_space<semaphore_mem>>, %arg16: memref<!tpu.dma_semaphore, #tpu.memory_space<semaphore_mem>>, %arg17: memref<!tpu.dma_semaphore, #tpu.memory_space<semaphore_mem>>, %arg18: memref<!tpu.dma_semaphore, #tpu.memory_space<semaphore_mem>>) attributes {dimension_semantics = [#tpu.dimension_semantics<core_parallel>, #tpu.dimension_semantics<subcore_parallel>], iteration_bounds = array<i64: 2, 16>, scalar_prefetch = 0 : i64, scratch_operands = 14 : i64, tpu.core_type = #tpu.core_type<sc_vector_subcore>, window_params = [{transform_indices = #map}, {transform_indices = #map1}, {transform_indices = #map1}]} {
    %mul3A = arith.constant 16 : i32
    %mul3A_0 = arith.muli %arg0, %mul3A : i32
    %add3A = arith.addi %mul3A_0, %arg1 : i32
    "tpu.region"() ({
      %run_scoped3A = tpu.sem_alloc : memref<!tpu.dma_semaphore, #tpu.memory_space<semaphore_mem>>
      %dma_start3A_623 = arith.constant 0 : i32
      %dma_start3A_624 = arith.constant 0 : i32
      %dma_start3A_625 = tpu.memref_slice %arg3[%add3A, %dma_start3A_623, %dma_start3A_624] : memref<32x80x128xi32, #tpu.memory_space<hbm>> -> memref<1x80x128xi32, #tpu.memory_space<hbm>>
      %dma_start3A_626 = tpu.memref_squeeze %dma_start3A_625 : memref<1x80x128xi32, #tpu.memory_space<hbm>> -> memref<80x128xi32, #tpu.memory_space<hbm>>
      %dma_start3A_627 = arith.constant 0 : i32
      %dma_start3A_628 = arith.constant 0 : i32
      %dma_start3A_629 = tpu.memref_slice %arg3[%add3A, %dma_start3A_627, %dma_start3A_628] : memref<32x80x128xi32, #tpu.memory_space<hbm>> -> memref<1x80x128xi32, #tpu.memory_space<hbm>>
      %dma_start3A_630 = tpu.memref_squeeze %dma_start3A_629 : memref<1x80x128xi32, #tpu.memory_space<hbm>> -> memref<80x128xi32, #tpu.memory_space<hbm>>
      tpu.enqueue_dma source(%dma_start3A_630 : memref<80x128xi32, #tpu.memory_space<hbm>>) target(%arg5 : memref<80x128xi32, #tpu.memory_space<vmem>>) target_semaphore(%run_scoped3A : memref<!tpu.dma_semaphore, #tpu.memory_space<semaphore_mem>>)
      %dma_wait3A_631 = arith.constant 0 : i32
      %dma_wait3A_632 = arith.constant 0 : i32
      %dma_wait3A_633 = tpu.memref_slice %arg3[%add3A, %dma_wait3A_631, %dma_wait3A_632] : memref<32x80x128xi32, #tpu.memory_space<hbm>> -> memref<1x80x128xi32, #tpu.memory_space<hbm>>
      %dma_wait3A_634 = tpu.memref_squeeze %dma_wait3A_633 : memref<1x80x128xi32, #tpu.memory_space<hbm>> -> memref<80x128xi32, #tpu.memory_space<hbm>>
      %dma_wait3A_635 = arith.constant 0 : i32
      %dma_wait3A_636 = arith.constant 0 : i32
      %dma_wait3A_637 = tpu.memref_slice %arg3[%add3A, %dma_wait3A_635, %dma_wait3A_636] : memref<32x80x128xi32, #tpu.memory_space<hbm>> -> memref<1x80x128xi32, #tpu.memory_space<hbm>>
      %dma_wait3A_638 = tpu.memref_squeeze %dma_wait3A_637 : memref<1x80x128xi32, #tpu.memory_space<hbm>> -> memref<80x128xi32, #tpu.memory_space<hbm>>
      tpu.wait_dma2 semaphore(%run_scoped3A : memref<!tpu.dma_semaphore, #tpu.memory_space<semaphore_mem>>) src(%dma_wait3A_638 : memref<80x128xi32, #tpu.memory_space<hbm>>) dst(%arg5 : memref<80x128xi32, #tpu.memory_space<vmem>>)
      tpu.yield
    }) : () -> ()
    %broadcast_in_dim3A = arith.constant 0.000000e+00 : f32
    %broadcast_in_dim3A_1 = vector.broadcast %broadcast_in_dim3A : f32 to vector<16xf32>
    %scan3A = arith.constant 0 : i32
    %scan3A_2 = arith.constant 0 : i32
    %scan3A_3 = arith.constant 128 : i32
    %scan3A_4 = arith.addi %scan3A_2, %scan3A_3 : i32
    %scan3A_5 = arith.constant 1 : i32
    scf.for %scan3A_623 = %scan3A_2 to %scan3A_4 step %scan3A_5  : i32 {
      %swap3A_624 = arith.index_cast %scan3A_623 : i32 to index
      %swap3A_625 = arith.constant 0 : index
      %swap3A_626 = tpu.vector_load %arg10[%swap3A_624, %swap3A_625] {strides = array<i32>} : memref<128x64xf32, #tpu.memory_space<vmem>>, vector<1x16xf32>,
      %swap3A_627 = vector.shape_cast %swap3A_626 : vector<1x16xf32> to vector<16xf32>
      %swap3A_628 = vector.shape_cast %broadcast_in_dim3A_1 : vector<16xf32> to vector<1x16xf32>
      tpu.vector_store %arg10[%swap3A_624, %swap3A_625], %swap3A_628 {strides = array<i32>} : memref<128x64xf32, #tpu.memory_space<vmem>>, vector<1x16xf32>,
      %swap3A_629 = arith.index_cast %scan3A_623 : i32 to index
      %swap3A_630 = arith.constant 16 : index
      %swap3A_631 = tpu.vector_load %arg10[%swap3A_629, %swap3A_630] {strides = array<i32>} : memref<128x64xf32, #tpu.memory_space<vmem>>, vector<1x16xf32>,
      %swap3A_632 = vector.shape_cast %swap3A_631 : vector<1x16xf32> to vector<16xf32>
      %swap3A_633 = vector.shape_cast %broadcast_in_dim3A_1 : vector<16xf32> to vector<1x16xf32>
      tpu.vector_store %arg10[%swap3A_629, %swap3A_630], %swap3A_633 {strides = array<i32>} : memref<128x64xf32, #tpu.memory_space<vmem>>, vector<1x16xf32>,
      %swap3A_634 = arith.index_cast %scan3A_623 : i32 to index
      %swap3A_635 = arith.constant 32 : index
      %swap3A_636 = tpu.vector_load %arg10[%swap3A_634, %swap3A_635] {strides = array<i32>} : memref<128x64xf32, #tpu.memory_space<vmem>>, vector<1x16xf32>,
      %swap3A_637 = vector.shape_cast %swap3A_636 : vector<1x16xf32> to vector<16xf32>
      %swap3A_638 = vector.shape_cast %broadcast_in_dim3A_1 : vector<16xf32> to vector<1x16xf32>
      tpu.vector_store %arg10[%swap3A_634, %swap3A_635], %swap3A_638 {strides = array<i32>} : memref<128x64xf32, #tpu.memory_space<vmem>>, vector<1x16xf32>,
      %swap3A_639 = arith.index_cast %scan3A_623 : i32 to index
      %swap3A_640 = arith.constant 48 : index
      %swap3A_641 = tpu.vector_load %arg10[%swap3A_639, %swap3A_640] {strides = array<i32>} : memref<128x64xf32, #tpu.memory_space<vmem>>, vector<1x16xf32>,
      %swap3A_642 = vector.shape_cast %swap3A_641 : vector<1x16xf32> to vector<16xf32>
      %swap3A_643 = vector.shape_cast %broadcast_in_dim3A_1 : vector<16xf32> to vector<1x16xf32>
      tpu.vector_store %arg10[%swap3A_639, %swap3A_640], %swap3A_643 {strides = array<i32>} : memref<128x64xf32, #tpu.memory_space<vmem>>, vector<1x16xf32>,
    }
    %scan3A_6 = arith.constant 128 : i32
    %mul3A_7 = arith.constant 640 : i32
    %mul3A_8 = arith.muli %arg1, %mul3A_7 : i32
    %add3A_9 = arith.constant 0 : i32
    %add3A_10 = arith.addi %mul3A_8, %add3A_9 : i32
    "tpu.region"() ({
      %run_scoped3A = tpu.sem_alloc : memref<!tpu.dma_semaphore, #tpu.memory_space<semaphore_mem>>
      %dma_start3A_623 = arith.constant 0 : i32
      %dma_start3A_624 = tpu.memref_slice %arg14[%add3A_10, %dma_start3A_623] : memref<10240x64xf32, #tpu.memory_space<vmem_shared>> -> memref<128x64xf32, #tpu.memory_space<vmem_shared>>
      %dma_start3A_625 = arith.constant 0 : i32
      %dma_start3A_626 = tpu.memref_slice %arg14[%add3A_10, %dma_start3A_625] : memref<10240x64xf32, #tpu.memory_space<vmem_shared>> -> memref<128x64xf32, #tpu.memory_space<vmem_shared>>
      tpu.enqueue_dma source(%arg10 : memref<128x64xf32, #tpu.memory_space<vmem>>) target(%dma_start3A_626 : memref<128x64xf32, #tpu.memory_space<vmem_shared>>) target_semaphore(%run_scoped3A : memref<!tpu.dma_semaphore, #tpu.memory_space<semaphore_mem>>)
      %dma_wait3A_627 = arith.constant 0 : i32
      %dma_wait3A_628 = tpu.memref_slice %arg14[%add3A_10, %dma_wait3A_627] : memref<10240x64xf32, #tpu.memory_space<vmem_shared>> -> memref<128x64xf32, #tpu.memory_space<vmem_shared>>
      %dma_wait3A_629 = arith.constant 0 : i32
      %dma_wait3A_630 = tpu.memref_slice %arg14[%add3A_10, %dma_wait3A_629] : memref<10240x64xf32, #tpu.memory_space<vmem_shared>> -> memref<128x64xf32, #tpu.memory_space<vmem_shared>>
      tpu.wait_dma2 semaphore(%run_scoped3A : memref<!tpu.dma_semaphore, #tpu.memory_space<semaphore_mem>>) src(%arg10 : memref<128x64xf32, #tpu.memory_space<vmem>>) dst(%dma_wait3A_630 : memref<128x64xf32, #tpu.memory_space<vmem_shared>>)
      tpu.yield
    }) : () -> ()
    %mul3A_11 = arith.constant 640 : i32
    %mul3A_12 = arith.muli %arg1, %mul3A_11 : i32
    %add3A_13 = arith.constant 128 : i32
    %add3A_14 = arith.addi %mul3A_12, %add3A_13 : i32
    "tpu.region"() ({
      %run_scoped3A = tpu.sem_alloc : memref<!tpu.dma_semaphore, #tpu.memory_space<semaphore_mem>>
      %dma_start3A_623 = arith.constant 0 : i32
      %dma_start3A_624 = tpu.memref_slice %arg14[%add3A_14, %dma_start3A_623] : memref<10240x64xf32, #tpu.memory_space<vmem_shared>> -> memref<128x64xf32, #tpu.memory_space<vmem_shared>>
      %dma_start3A_625 = arith.constant 0 : i32
      %dma_start3A_626 = tpu.memref_slice %arg14[%add3A_14, %dma_start3A_625] : memref<10240x64xf32, #tpu.memory_space<vmem_shared>> -> memref<128x64xf32, #tpu.memory_space<vmem_shared>>
      tpu.enqueue_dma source(%arg10 : memref<128x64xf32, #tpu.memory_space<vmem>>) target(%dma_start3A_626 : memref<128x64xf32, #tpu.memory_space<vmem_shared>>) target_semaphore(%run_scoped3A : memref<!tpu.dma_semaphore, #tpu.memory_space<semaphore_mem>>)
      %dma_wait3A_627 = arith.constant 0 : i32
      %dma_wait3A_628 = tpu.memref_slice %arg14[%add3A_14, %dma_wait3A_627] : memref<10240x64xf32, #tpu.memory_space<vmem_shared>> -> memref<128x64xf32, #tpu.memory_space<vmem_shared>>
      %dma_wait3A_629 = arith.constant 0 : i32
      %dma_wait3A_630 = tpu.memref_slice %arg14[%add3A_14, %dma_wait3A_629] : memref<10240x64xf32, #tpu.memory_space<vmem_shared>> -> memref<128x64xf32, #tpu.memory_space<vmem_shared>>
      tpu.wait_dma2 semaphore(%run_scoped3A : memref<!tpu.dma_semaphore, #tpu.memory_space<semaphore_mem>>) src(%arg10 : memref<128x64xf32, #tpu.memory_space<vmem>>) dst(%dma_wait3A_630 : memref<128x64xf32, #tpu.memory_space<vmem_shared>>)
      tpu.yield
    }) : () -> ()
    %mul3A_15 = arith.constant 640 : i32
    %mul3A_16 = arith.muli %arg1, %mul3A_15 : i32
    %add3A_17 = arith.constant 256 : i32
    %add3A_18 = arith.addi %mul3A_16, %add3A_17 : i32
    "tpu.region"() ({
      %run_scoped3A = tpu.sem_alloc : memref<!tpu.dma_semaphore, #tpu.memory_space<semaphore_mem>>
      %dma_start3A_623 = arith.constant 0 : i32
      %dma_start3A_624 = tpu.memref_slice %arg14[%add3A_18, %dma_start3A_623] : memref<10240x64xf32, #tpu.memory_space<vmem_shared>> -> memref<128x64xf32, #tpu.memory_space<vmem_shared>>
      %dma_start3A_625 = arith.constant 0 : i32
      %dma_start3A_626 = tpu.memref_slice %arg14[%add3A_18, %dma_start3A_625] : memref<10240x64xf32, #tpu.memory_space<vmem_shared>> -> memref<128x64xf32, #tpu.memory_space<vmem_shared>>
      tpu.enqueue_dma source(%arg10 : memref<128x64xf32, #tpu.memory_space<vmem>>) target(%dma_start3A_626 : memref<128x64xf32, #tpu.memory_space<vmem_shared>>) target_semaphore(%run_scoped3A : memref<!tpu.dma_semaphore, #tpu.memory_space<semaphore_mem>>)
      %dma_wait3A_627 = arith.constant 0 : i32
      %dma_wait3A_628 = tpu.memref_slice %arg14[%add3A_18, %dma_wait3A_627] : memref<10240x64xf32, #tpu.memory_space<vmem_shared>> -> memref<128x64xf32, #tpu.memory_space<vmem_shared>>
      %dma_wait3A_629 = arith.constant 0 : i32
      %dma_wait3A_630 = tpu.memref_slice %arg14[%add3A_18, %dma_wait3A_629] : memref<10240x64xf32, #tpu.memory_space<vmem_shared>> -> memref<128x64xf32, #tpu.memory_space<vmem_shared>>
      tpu.wait_dma2 semaphore(%run_scoped3A : memref<!tpu.dma_semaphore, #tpu.memory_space<semaphore_mem>>) src(%arg10 : memref<128x64xf32, #tpu.memory_space<vmem>>) dst(%dma_wait3A_630 : memref<128x64xf32, #tpu.memory_space<vmem_shared>>)
      tpu.yield
    }) : () -> ()
    %mul3A_19 = arith.constant 640 : i32
    %mul3A_20 = arith.muli %arg1, %mul3A_19 : i32
    %add3A_21 = arith.constant 384 : i32
    %add3A_22 = arith.addi %mul3A_20, %add3A_21 : i32
    "tpu.region"() ({
      %run_scoped3A = tpu.sem_alloc : memref<!tpu.dma_semaphore, #tpu.memory_space<semaphore_mem>>
      %dma_start3A_623 = arith.constant 0 : i32
      %dma_start3A_624 = tpu.memref_slice %arg14[%add3A_22, %dma_start3A_623] : memref<10240x64xf32, #tpu.memory_space<vmem_shared>> -> memref<128x64xf32, #tpu.memory_space<vmem_shared>>
      %dma_start3A_625 = arith.constant 0 : i32
      %dma_start3A_626 = tpu.memref_slice %arg14[%add3A_22, %dma_start3A_625] : memref<10240x64xf32, #tpu.memory_space<vmem_shared>> -> memref<128x64xf32, #tpu.memory_space<vmem_shared>>
      tpu.enqueue_dma source(%arg10 : memref<128x64xf32, #tpu.memory_space<vmem>>) target(%dma_start3A_626 : memref<128x64xf32, #tpu.memory_space<vmem_shared>>) target_semaphore(%run_scoped3A : memref<!tpu.dma_semaphore, #tpu.memory_space<semaphore_mem>>)
      %dma_wait3A_627 = arith.constant 0 : i32
      %dma_wait3A_628 = tpu.memref_slice %arg14[%add3A_22, %dma_wait3A_627] : memref<10240x64xf32, #tpu.memory_space<vmem_shared>> -> memref<128x64xf32, #tpu.memory_space<vmem_shared>>
      %dma_wait3A_629 = arith.constant 0 : i32
      %dma_wait3A_630 = tpu.memref_slice %arg14[%add3A_22, %dma_wait3A_629] : memref<10240x64xf32, #tpu.memory_space<vmem_shared>> -> memref<128x64xf32, #tpu.memory_space<vmem_shared>>
      tpu.wait_dma2 semaphore(%run_scoped3A : memref<!tpu.dma_semaphore, #tpu.memory_space<semaphore_mem>>) src(%arg10 : memref<128x64xf32, #tpu.memory_space<vmem>>) dst(%dma_wait3A_630 : memref<128x64xf32, #tpu.memory_space<vmem_shared>>)
      tpu.yield
    }) : () -> ()
    %mul3A_23 = arith.constant 640 : i32
    %mul3A_24 = arith.muli %arg1, %mul3A_23 : i32
    %add3A_25 = arith.constant 512 : i32
    %add3A_26 = arith.addi %mul3A_24, %add3A_25 : i32
    "tpu.region"() ({
      %run_scoped3A = tpu.sem_alloc : memref<!tpu.dma_semaphore, #tpu.memory_space<semaphore_mem>>
      %dma_start3A_623 = arith.constant 0 : i32
      %dma_start3A_624 = tpu.memref_slice %arg14[%add3A_26, %dma_start3A_623] : memref<10240x64xf32, #tpu.memory_space<vmem_shared>> -> memref<128x64xf32, #tpu.memory_space<vmem_shared>>
      %dma_start3A_625 = arith.constant 0 : i32
      %dma_start3A_626 = tpu.memref_slice %arg14[%add3A_26, %dma_start3A_625] : memref<10240x64xf32, #tpu.memory_space<vmem_shared>> -> memref<128x64xf32, #tpu.memory_space<vmem_shared>>
      tpu.enqueue_dma source(%arg10 : memref<128x64xf32, #tpu.memory_space<vmem>>) target(%dma_start3A_626 : memref<128x64xf32, #tpu.memory_space<vmem_shared>>) target_semaphore(%run_scoped3A : memref<!tpu.dma_semaphore, #tpu.memory_space<semaphore_mem>>)
      %dma_wait3A_627 = arith.constant 0 : i32
      %dma_wait3A_628 = tpu.memref_slice %arg14[%add3A_26, %dma_wait3A_627] : memref<10240x64xf32, #tpu.memory_space<vmem_shared>> -> memref<128x64xf32, #tpu.memory_space<vmem_shared>>
      %dma_wait3A_629 = arith.constant 0 : i32
      %dma_wait3A_630 = tpu.memref_slice %arg14[%add3A_26, %dma_wait3A_629] : memref<10240x64xf32, #tpu.memory_space<vmem_shared>> -> memref<128x64xf32, #tpu.memory_space<vmem_shared>>
      tpu.wait_dma2 semaphore(%run_scoped3A : memref<!tpu.dma_semaphore, #tpu.memory_space<semaphore_mem>>) src(%arg10 : memref<128x64xf32, #tpu.memory_space<vmem>>) dst(%dma_wait3A_630 : memref<128x64xf32, #tpu.memory_space<vmem_shared>>)
      tpu.yield
    }) : () -> ()
    %barrier3A = arith.constant 0 : index
    tpu.barrier barrier_id(%barrier3A)
    %get3A = arith.constant 0 : i32
    %get3A_27 = arith.index_cast %get3A : i32 to index
    %get3A_28 = arith.constant 0 : index
    %get3A_29 = tpu.vector_load %arg5[%get3A_27, %get3A_28] {strides = array<i32>} : memref<80x128xi32, #tpu.memory_space<vmem>>, vector<1x16xi32>,
    %get3A_30 = vector.shape_cast %get3A_29 : vector<1x16xi32> to vector<16xi32>
    %shift_right_logical3A = arith.constant 14 : i32
    %shift_right_logical3A_31 = vector.broadcast %shift_right_logical3A : i32 to vector<16xi32>
    %shift_right_logical3A_32 = arith.shrui %get3A_30, %shift_right_logical3A_31 : vector<16xi32>
    %swap3A = arith.constant 0 : i32
    %swap3A_33 = arith.index_cast %swap3A : i32 to index
    %swap3A_34 = arith.constant 0 : index
    %swap3A_35 = tpu.vector_load %arg6[%swap3A_33, %swap3A_34] {strides = array<i32>} : memref<2x128xi32, #tpu.memory_space<vmem>>, vector<1x16xi32>,
    %swap3A_36 = vector.shape_cast %swap3A_35 : vector<1x16xi32> to vector<16xi32>
    %swap3A_37 = vector.shape_cast %shift_right_logical3A_32 : vector<16xi32> to vector<1x16xi32>
    tpu.vector_store %arg6[%swap3A_33, %swap3A_34], %swap3A_37 {strides = array<i32>} : memref<2x128xi32, #tpu.memory_space<vmem>>, vector<1x16xi32>,
    %and3A = arith.constant 16383 : i32
    %and3A_38 = vector.broadcast %and3A : i32 to vector<16xi32>
    %and3A_39 = arith.andi %get3A_30, %and3A_38 : vector<16xi32>
    %swap3A_40 = arith.constant 1 : i32
    %swap3A_41 = arith.index_cast %swap3A_40 : i32 to index
    %swap3A_42 = arith.constant 0 : index
    %swap3A_43 = tpu.vector_load %arg6[%swap3A_41, %swap3A_42] {strides = array<i32>} : memref<2x128xi32, #tpu.memory_space<vmem>>, vector<1x16xi32>,
    %swap3A_44 = vector.shape_cast %swap3A_43 : vector<1x16xi32> to vector<16xi32>
    %swap3A_45 = vector.shape_cast %and3A_39 : vector<16xi32> to vector<1x16xi32>
    tpu.vector_store %arg6[%swap3A_41, %swap3A_42], %swap3A_45 {strides = array<i32>} : memref<2x128xi32, #tpu.memory_space<vmem>>, vector<1x16xi32>,
    %get3A_46 = arith.constant 0 : i32
    %get3A_47 = arith.index_cast %get3A_46 : i32 to index
    %get3A_48 = arith.constant 16 : index
    %get3A_49 = tpu.vector_load %arg5[%get3A_47, %get3A_48] {strides = array<i32>} : memref<80x128xi32, #tpu.memory_space<vmem>>, vector<1x16xi32>,
    %get3A_50 = vector.shape_cast %get3A_49 : vector<1x16xi32> to vector<16xi32>
    %shift_right_logical3A_51 = arith.constant 14 : i32
    %shift_right_logical3A_52 = vector.broadcast %shift_right_logical3A_51 : i32 to vector<16xi32>
    %shift_right_logical3A_53 = arith.shrui %get3A_50, %shift_right_logical3A_52 : vector<16xi32>
    %swap3A_54 = arith.constant 0 : i32
    %swap3A_55 = arith.index_cast %swap3A_54 : i32 to index
    %swap3A_56 = arith.constant 16 : index
    %swap3A_57 = tpu.vector_load %arg6[%swap3A_55, %swap3A_56] {strides = array<i32>} : memref<2x128xi32, #tpu.memory_space<vmem>>, vector<1x16xi32>,
    %swap3A_58 = vector.shape_cast %swap3A_57 : vector<1x16xi32> to vector<16xi32>
    %swap3A_59 = vector.shape_cast %shift_right_logical3A_53 : vector<16xi32> to vector<1x16xi32>
    tpu.vector_store %arg6[%swap3A_55, %swap3A_56], %swap3A_59 {strides = array<i32>} : memref<2x128xi32, #tpu.memory_space<vmem>>, vector<1x16xi32>,
    %and3A_60 = arith.constant 16383 : i32
    %and3A_61 = vector.broadcast %and3A_60 : i32 to vector<16xi32>
    %and3A_62 = arith.andi %get3A_50, %and3A_61 : vector<16xi32>
    %swap3A_63 = arith.constant 1 : i32
    %swap3A_64 = arith.index_cast %swap3A_63 : i32 to index
    %swap3A_65 = arith.constant 16 : index
    %swap3A_66 = tpu.vector_load %arg6[%swap3A_64, %swap3A_65] {strides = array<i32>} : memref<2x128xi32, #tpu.memory_space<vmem>>, vector<1x16xi32>,
    %swap3A_67 = vector.shape_cast %swap3A_66 : vector<1x16xi32> to vector<16xi32>
    %swap3A_68 = vector.shape_cast %and3A_62 : vector<16xi32> to vector<1x16xi32>
    tpu.vector_store %arg6[%swap3A_64, %swap3A_65], %swap3A_68 {strides = array<i32>} : memref<2x128xi32, #tpu.memory_space<vmem>>, vector<1x16xi32>,
    %get3A_69 = arith.constant 0 : i32
    %get3A_70 = arith.index_cast %get3A_69 : i32 to index
    %get3A_71 = arith.constant 32 : index
    %get3A_72 = tpu.vector_load %arg5[%get3A_70, %get3A_71] {strides = array<i32>} : memref<80x128xi32, #tpu.memory_space<vmem>>, vector<1x16xi32>,
    %get3A_73 = vector.shape_cast %get3A_72 : vector<1x16xi32> to vector<16xi32>
    %shift_right_logical3A_74 = arith.constant 14 : i32
    %shift_right_logical3A_75 = vector.broadcast %shift_right_logical3A_74 : i32 to vector<16xi32>
    %shift_right_logical3A_76 = arith.shrui %get3A_73, %shift_right_logical3A_75 : vector<16xi32>
    %swap3A_77 = arith.constant 0 : i32
    %swap3A_78 = arith.index_cast %swap3A_77 : i32 to index
    %swap3A_79 = arith.constant 32 : index
    %swap3A_80 = tpu.vector_load %arg6[%swap3A_78, %swap3A_79] {strides = array<i32>} : memref<2x128xi32, #tpu.memory_space<vmem>>, vector<1x16xi32>,
    %swap3A_81 = vector.shape_cast %swap3A_80 : vector<1x16xi32> to vector<16xi32>
    %swap3A_82 = vector.shape_cast %shift_right_logical3A_76 : vector<16xi32> to vector<1x16xi32>
    tpu.vector_store %arg6[%swap3A_78, %swap3A_79], %swap3A_82 {strides = array<i32>} : memref<2x128xi32, #tpu.memory_space<vmem>>, vector<1x16xi32>,
    %and3A_83 = arith.constant 16383 : i32
    %and3A_84 = vector.broadcast %and3A_83 : i32 to vector<16xi32>
    %and3A_85 = arith.andi %get3A_73, %and3A_84 : vector<16xi32>
    %swap3A_86 = arith.constant 1 : i32
    %swap3A_87 = arith.index_cast %swap3A_86 : i32 to index
    %swap3A_88 = arith.constant 32 : index
    %swap3A_89 = tpu.vector_load %arg6[%swap3A_87, %swap3A_88] {strides = array<i32>} : memref<2x128xi32, #tpu.memory_space<vmem>>, vector<1x16xi32>,
    %swap3A_90 = vector.shape_cast %swap3A_89 : vector<1x16xi32> to vector<16xi32>
    %swap3A_91 = vector.shape_cast %and3A_85 : vector<16xi32> to vector<1x16xi32>
    tpu.vector_store %arg6[%swap3A_87, %swap3A_88], %swap3A_91 {strides = array<i32>} : memref<2x128xi32, #tpu.memory_space<vmem>>, vector<1x16xi32>,
    %get3A_92 = arith.constant 0 : i32
    %get3A_93 = arith.index_cast %get3A_92 : i32 to index
    %get3A_94 = arith.constant 48 : index
    %get3A_95 = tpu.vector_load %arg5[%get3A_93, %get3A_94] {strides = array<i32>} : memref<80x128xi32, #tpu.memory_space<vmem>>, vector<1x16xi32>,
    %get3A_96 = vector.shape_cast %get3A_95 : vector<1x16xi32> to vector<16xi32>
    %shift_right_logical3A_97 = arith.constant 14 : i32
    %shift_right_logical3A_98 = vector.broadcast %shift_right_logical3A_97 : i32 to vector<16xi32>
    %shift_right_logical3A_99 = arith.shrui %get3A_96, %shift_right_logical3A_98 : vector<16xi32>
    %swap3A_100 = arith.constant 0 : i32
    %swap3A_101 = arith.index_cast %swap3A_100 : i32 to index
    %swap3A_102 = arith.constant 48 : index
    %swap3A_103 = tpu.vector_load %arg6[%swap3A_101, %swap3A_102] {strides = array<i32>} : memref<2x128xi32, #tpu.memory_space<vmem>>, vector<1x16xi32>,
    %swap3A_104 = vector.shape_cast %swap3A_103 : vector<1x16xi32> to vector<16xi32>
    %swap3A_105 = vector.shape_cast %shift_right_logical3A_99 : vector<16xi32> to vector<1x16xi32>
    tpu.vector_store %arg6[%swap3A_101, %swap3A_102], %swap3A_105 {strides = array<i32>} : memref<2x128xi32, #tpu.memory_space<vmem>>, vector<1x16xi32>,
    %and3A_106 = arith.constant 16383 : i32
    %and3A_107 = vector.broadcast %and3A_106 : i32 to vector<16xi32>
    %and3A_108 = arith.andi %get3A_96, %and3A_107 : vector<16xi32>
    %swap3A_109 = arith.constant 1 : i32
    %swap3A_110 = arith.index_cast %swap3A_109 : i32 to index
    %swap3A_111 = arith.constant 48 : index
    %swap3A_112 = tpu.vector_load %arg6[%swap3A_110, %swap3A_111] {strides = array<i32>} : memref<2x128xi32, #tpu.memory_space<vmem>>, vector<1x16xi32>,
    %swap3A_113 = vector.shape_cast %swap3A_112 : vector<1x16xi32> to vector<16xi32>
    %swap3A_114 = vector.shape_cast %and3A_108 : vector<16xi32> to vector<1x16xi32>
    tpu.vector_store %arg6[%swap3A_110, %swap3A_111], %swap3A_114 {strides = array<i32>} : memref<2x128xi32, #tpu.memory_space<vmem>>, vector<1x16xi32>,
    %get3A_115 = arith.constant 0 : i32
    %get3A_116 = arith.index_cast %get3A_115 : i32 to index
    %get3A_117 = arith.constant 64 : index
    %get3A_118 = tpu.vector_load %arg5[%get3A_116, %get3A_117] {strides = array<i32>} : memref<80x128xi32, #tpu.memory_space<vmem>>, vector<1x16xi32>,
    %get3A_119 = vector.shape_cast %get3A_118 : vector<1x16xi32> to vector<16xi32>
    %shift_right_logical3A_120 = arith.constant 14 : i32
    %shift_right_logical3A_121 = vector.broadcast %shift_right_logical3A_120 : i32 to vector<16xi32>
    %shift_right_logical3A_122 = arith.shrui %get3A_119, %shift_right_logical3A_121 : vector<16xi32>
    %swap3A_123 = arith.constant 0 : i32
    %swap3A_124 = arith.index_cast %swap3A_123 : i32 to index
    %swap3A_125 = arith.constant 64 : index
    %swap3A_126 = tpu.vector_load %arg6[%swap3A_124, %swap3A_125] {strides = array<i32>} : memref<2x128xi32, #tpu.memory_space<vmem>>, vector<1x16xi32>,
    %swap3A_127 = vector.shape_cast %swap3A_126 : vector<1x16xi32> to vector<16xi32>
    %swap3A_128 = vector.shape_cast %shift_right_logical3A_122 : vector<16xi32> to vector<1x16xi32>
    tpu.vector_store %arg6[%swap3A_124, %swap3A_125], %swap3A_128 {strides = array<i32>} : memref<2x128xi32, #tpu.memory_space<vmem>>, vector<1x16xi32>,
    %and3A_129 = arith.constant 16383 : i32
    %and3A_130 = vector.broadcast %and3A_129 : i32 to vector<16xi32>
    %and3A_131 = arith.andi %get3A_119, %and3A_130 : vector<16xi32>
    %swap3A_132 = arith.constant 1 : i32
    %swap3A_133 = arith.index_cast %swap3A_132 : i32 to index
    %swap3A_134 = arith.constant 64 : index
    %swap3A_135 = tpu.vector_load %arg6[%swap3A_133, %swap3A_134] {strides = array<i32>} : memref<2x128xi32, #tpu.memory_space<vmem>>, vector<1x16xi32>,
    %swap3A_136 = vector.shape_cast %swap3A_135 : vector<1x16xi32> to vector<16xi32>
    %swap3A_137 = vector.shape_cast %and3A_131 : vector<16xi32> to vector<1x16xi32>
    tpu.vector_store %arg6[%swap3A_133, %swap3A_134], %swap3A_137 {strides = array<i32>} : memref<2x128xi32, #tpu.memory_space<vmem>>, vector<1x16xi32>,
    %get3A_138 = arith.constant 0 : i32
    %get3A_139 = arith.index_cast %get3A_138 : i32 to index
    %get3A_140 = arith.constant 80 : index
    %get3A_141 = tpu.vector_load %arg5[%get3A_139, %get3A_140] {strides = array<i32>} : memref<80x128xi32, #tpu.memory_space<vmem>>, vector<1x16xi32>,
    %get3A_142 = vector.shape_cast %get3A_141 : vector<1x16xi32> to vector<16xi32>
    %shift_right_logical3A_143 = arith.constant 14 : i32
    %shift_right_logical3A_144 = vector.broadcast %shift_right_logical3A_143 : i32 to vector<16xi32>
    %shift_right_logical3A_145 = arith.shrui %get3A_142, %shift_right_logical3A_144 : vector<16xi32>
    %swap3A_146 = arith.constant 0 : i32
    %swap3A_147 = arith.index_cast %swap3A_146 : i32 to index
    %swap3A_148 = arith.constant 80 : index
    %swap3A_149 = tpu.vector_load %arg6[%swap3A_147, %swap3A_148] {strides = array<i32>} : memref<2x128xi32, #tpu.memory_space<vmem>>, vector<1x16xi32>,
    %swap3A_150 = vector.shape_cast %swap3A_149 : vector<1x16xi32> to vector<16xi32>
    %swap3A_151 = vector.shape_cast %shift_right_logical3A_145 : vector<16xi32> to vector<1x16xi32>
    tpu.vector_store %arg6[%swap3A_147, %swap3A_148], %swap3A_151 {strides = array<i32>} : memref<2x128xi32, #tpu.memory_space<vmem>>, vector<1x16xi32>,
    %and3A_152 = arith.constant 16383 : i32
    %and3A_153 = vector.broadcast %and3A_152 : i32 to vector<16xi32>
    %and3A_154 = arith.andi %get3A_142, %and3A_153 : vector<16xi32>
    %swap3A_155 = arith.constant 1 : i32
    %swap3A_156 = arith.index_cast %swap3A_155 : i32 to index
    %swap3A_157 = arith.constant 80 : index
    %swap3A_158 = tpu.vector_load %arg6[%swap3A_156, %swap3A_157] {strides = array<i32>} : memref<2x128xi32, #tpu.memory_space<vmem>>, vector<1x16xi32>,
    %swap3A_159 = vector.shape_cast %swap3A_158 : vector<1x16xi32> to vector<16xi32>
    %swap3A_160 = vector.shape_cast %and3A_154 : vector<16xi32> to vector<1x16xi32>
    tpu.vector_store %arg6[%swap3A_156, %swap3A_157], %swap3A_160 {strides = array<i32>} : memref<2x128xi32, #tpu.memory_space<vmem>>, vector<1x16xi32>,
    %get3A_161 = arith.constant 0 : i32
    %get3A_162 = arith.index_cast %get3A_161 : i32 to index
    %get3A_163 = arith.constant 96 : index
    %get3A_164 = tpu.vector_load %arg5[%get3A_162, %get3A_163] {strides = array<i32>} : memref<80x128xi32, #tpu.memory_space<vmem>>, vector<1x16xi32>,
    %get3A_165 = vector.shape_cast %get3A_164 : vector<1x16xi32> to vector<16xi32>
    %shift_right_logical3A_166 = arith.constant 14 : i32
    %shift_right_logical3A_167 = vector.broadcast %shift_right_logical3A_166 : i32 to vector<16xi32>
    %shift_right_logical3A_168 = arith.shrui %get3A_165, %shift_right_logical3A_167 : vector<16xi32>
    %swap3A_169 = arith.constant 0 : i32
    %swap3A_170 = arith.index_cast %swap3A_169 : i32 to index
    %swap3A_171 = arith.constant 96 : index
    %swap3A_172 = tpu.vector_load %arg6[%swap3A_170, %swap3A_171] {strides = array<i32>} : memref<2x128xi32, #tpu.memory_space<vmem>>, vector<1x16xi32>,
    %swap3A_173 = vector.shape_cast %swap3A_172 : vector<1x16xi32> to vector<16xi32>
    %swap3A_174 = vector.shape_cast %shift_right_logical3A_168 : vector<16xi32> to vector<1x16xi32>
    tpu.vector_store %arg6[%swap3A_170, %swap3A_171], %swap3A_174 {strides = array<i32>} : memref<2x128xi32, #tpu.memory_space<vmem>>, vector<1x16xi32>,
    %and3A_175 = arith.constant 16383 : i32
    %and3A_176 = vector.broadcast %and3A_175 : i32 to vector<16xi32>
    %and3A_177 = arith.andi %get3A_165, %and3A_176 : vector<16xi32>
    %swap3A_178 = arith.constant 1 : i32
    %swap3A_179 = arith.index_cast %swap3A_178 : i32 to index
    %swap3A_180 = arith.constant 96 : index
    %swap3A_181 = tpu.vector_load %arg6[%swap3A_179, %swap3A_180] {strides = array<i32>} : memref<2x128xi32, #tpu.memory_space<vmem>>, vector<1x16xi32>,
    %swap3A_182 = vector.shape_cast %swap3A_181 : vector<1x16xi32> to vector<16xi32>
    %swap3A_183 = vector.shape_cast %and3A_177 : vector<16xi32> to vector<1x16xi32>
    tpu.vector_store %arg6[%swap3A_179, %swap3A_180], %swap3A_183 {strides = array<i32>} : memref<2x128xi32, #tpu.memory_space<vmem>>, vector<1x16xi32>,
    %get3A_184 = arith.constant 0 : i32
    %get3A_185 = arith.index_cast %get3A_184 : i32 to index
    %get3A_186 = arith.constant 112 : index
    %get3A_187 = tpu.vector_load %arg5[%get3A_185, %get3A_186] {strides = array<i32>} : memref<80x128xi32, #tpu.memory_space<vmem>>, vector<1x16xi32>,
    %get3A_188 = vector.shape_cast %get3A_187 : vector<1x16xi32> to vector<16xi32>
    %shift_right_logical3A_189 = arith.constant 14 : i32
    %shift_right_logical3A_190 = vector.broadcast %shift_right_logical3A_189 : i32 to vector<16xi32>
    %shift_right_logical3A_191 = arith.shrui %get3A_188, %shift_right_logical3A_190 : vector<16xi32>
    %swap3A_192 = arith.constant 0 : i32
    %swap3A_193 = arith.index_cast %swap3A_192 : i32 to index
    %swap3A_194 = arith.constant 112 : index
    %swap3A_195 = tpu.vector_load %arg6[%swap3A_193, %swap3A_194] {strides = array<i32>} : memref<2x128xi32, #tpu.memory_space<vmem>>, vector<1x16xi32>,
    %swap3A_196 = vector.shape_cast %swap3A_195 : vector<1x16xi32> to vector<16xi32>
    %swap3A_197 = vector.shape_cast %shift_right_logical3A_191 : vector<16xi32> to vector<1x16xi32>
    tpu.vector_store %arg6[%swap3A_193, %swap3A_194], %swap3A_197 {strides = array<i32>} : memref<2x128xi32, #tpu.memory_space<vmem>>, vector<1x16xi32>,
    %and3A_198 = arith.constant 16383 : i32
    %and3A_199 = vector.broadcast %and3A_198 : i32 to vector<16xi32>
    %and3A_200 = arith.andi %get3A_188, %and3A_199 : vector<16xi32>
    %swap3A_201 = arith.constant 1 : i32
    %swap3A_202 = arith.index_cast %swap3A_201 : i32 to index
    %swap3A_203 = arith.constant 112 : index
    %swap3A_204 = tpu.vector_load %arg6[%swap3A_202, %swap3A_203] {strides = array<i32>} : memref<2x128xi32, #tpu.memory_space<vmem>>, vector<1x16xi32>,
    %swap3A_205 = vector.shape_cast %swap3A_204 : vector<1x16xi32> to vector<16xi32>
    %swap3A_206 = vector.shape_cast %and3A_200 : vector<16xi32> to vector<1x16xi32>
    tpu.vector_store %arg6[%swap3A_202, %swap3A_203], %swap3A_206 {strides = array<i32>} : memref<2x128xi32, #tpu.memory_space<vmem>>, vector<1x16xi32>,
    %dma_start3A = arith.constant 1 : i32
    %dma_start3A_207 = arith.constant 0 : i32
    %dma_start3A_208 = tpu.memref_slice %arg6[%dma_start3A, %dma_start3A_207] : memref<2x128xi32, #tpu.memory_space<vmem>> -> memref<1x128xi32, #tpu.memory_space<vmem>>
    %dma_start3A_209 = tpu.memref_squeeze %dma_start3A_208 : memref<1x128xi32, #tpu.memory_space<vmem>> -> memref<128xi32, #tpu.memory_space<vmem>>
    %dma_start3A_210 = arith.constant 0 : i32
    %dma_start3A_211 = arith.constant 0 : i32
    %dma_start3A_212 = tpu.memref_slice %arg2[%dma_start3A_210, %dma_start3A_211] : memref<10000x64xf32, #tpu.memory_space<hbm>> -> memref<10000x64xf32, #tpu.memory_space<hbm>>
    tpu.enqueue_indirect_dma source(%dma_start3A_212 : memref<10000x64xf32, #tpu.memory_space<hbm>>) target(%arg10 : memref<128x64xf32, #tpu.memory_space<vmem>>) offsets(%dma_start3A_209 : memref<128xi32, #tpu.memory_space<vmem>>) semaphore(%arg15 : memref<!tpu.dma_semaphore, #tpu.memory_space<semaphore_mem>>)
    %get3A_213 = arith.constant 1 : i32
    %get3A_214 = arith.index_cast %get3A_213 : i32 to index
    %get3A_215 = arith.constant 0 : index
    %get3A_216 = tpu.vector_load %arg5[%get3A_214, %get3A_215] {strides = array<i32>} : memref<80x128xi32, #tpu.memory_space<vmem>>, vector<1x16xi32>,
    %get3A_217 = vector.shape_cast %get3A_216 : vector<1x16xi32> to vector<16xi32>
    %shift_right_logical3A_218 = arith.constant 14 : i32
    %shift_right_logical3A_219 = vector.broadcast %shift_right_logical3A_218 : i32 to vector<16xi32>
    %shift_right_logical3A_220 = arith.shrui %get3A_217, %shift_right_logical3A_219 : vector<16xi32>
    %swap3A_221 = arith.constant 0 : i32
    %swap3A_222 = arith.index_cast %swap3A_221 : i32 to index
    %swap3A_223 = arith.constant 0 : index
    %swap3A_224 = tpu.vector_load %arg7[%swap3A_222, %swap3A_223] {strides = array<i32>} : memref<2x128xi32, #tpu.memory_space<vmem>>, vector<1x16xi32>,
    %swap3A_225 = vector.shape_cast %swap3A_224 : vector<1x16xi32> to vector<16xi32>
    %swap3A_226 = vector.shape_cast %shift_right_logical3A_220 : vector<16xi32> to vector<1x16xi32>
    tpu.vector_store %arg7[%swap3A_222, %swap3A_223], %swap3A_226 {strides = array<i32>} : memref<2x128xi32, #tpu.memory_space<vmem>>, vector<1x16xi32>,
    %and3A_227 = arith.constant 16383 : i32
    %and3A_228 = vector.broadcast %and3A_227 : i32 to vector<16xi32>
    %and3A_229 = arith.andi %get3A_217, %and3A_228 : vector<16xi32>
    %swap3A_230 = arith.constant 1 : i32
    %swap3A_231 = arith.index_cast %swap3A_230 : i32 to index
    %swap3A_232 = arith.constant 0 : index
    %swap3A_233 = tpu.vector_load %arg7[%swap3A_231, %swap3A_232] {strides = array<i32>} : memref<2x128xi32, #tpu.memory_space<vmem>>, vector<1x16xi32>,
    %swap3A_234 = vector.shape_cast %swap3A_233 : vector<1x16xi32> to vector<16xi32>
    %swap3A_235 = vector.shape_cast %and3A_229 : vector<16xi32> to vector<1x16xi32>
    tpu.vector_store %arg7[%swap3A_231, %swap3A_232], %swap3A_235 {strides = array<i32>} : memref<2x128xi32, #tpu.memory_space<vmem>>, vector<1x16xi32>,
    %get3A_236 = arith.constant 1 : i32
    %get3A_237 = arith.index_cast %get3A_236 : i32 to index
    %get3A_238 = arith.constant 16 : index
    %get3A_239 = tpu.vector_load %arg5[%get3A_237, %get3A_238] {strides = array<i32>} : memref<80x128xi32, #tpu.memory_space<vmem>>, vector<1x16xi32>,
    %get3A_240 = vector.shape_cast %get3A_239 : vector<1x16xi32> to vector<16xi32>
    %shift_right_logical3A_241 = arith.constant 14 : i32
    %shift_right_logical3A_242 = vector.broadcast %shift_right_logical3A_241 : i32 to vector<16xi32>
    %shift_right_logical3A_243 = arith.shrui %get3A_240, %shift_right_logical3A_242 : vector<16xi32>
    %swap3A_244 = arith.constant 0 : i32
    %swap3A_245 = arith.index_cast %swap3A_244 : i32 to index
    %swap3A_246 = arith.constant 16 : index
    %swap3A_247 = tpu.vector_load %arg7[%swap3A_245, %swap3A_246] {strides = array<i32>} : memref<2x128xi32, #tpu.memory_space<vmem>>, vector<1x16xi32>,
    %swap3A_248 = vector.shape_cast %swap3A_247 : vector<1x16xi32> to vector<16xi32>
    %swap3A_249 = vector.shape_cast %shift_right_logical3A_243 : vector<16xi32> to vector<1x16xi32>
    tpu.vector_store %arg7[%swap3A_245, %swap3A_246], %swap3A_249 {strides = array<i32>} : memref<2x128xi32, #tpu.memory_space<vmem>>, vector<1x16xi32>,
    %and3A_250 = arith.constant 16383 : i32
    %and3A_251 = vector.broadcast %and3A_250 : i32 to vector<16xi32>
    %and3A_252 = arith.andi %get3A_240, %and3A_251 : vector<16xi32>
    %swap3A_253 = arith.constant 1 : i32
    %swap3A_254 = arith.index_cast %swap3A_253 : i32 to index
    %swap3A_255 = arith.constant 16 : index
    %swap3A_256 = tpu.vector_load %arg7[%swap3A_254, %swap3A_255] {strides = array<i32>} : memref<2x128xi32, #tpu.memory_space<vmem>>, vector<1x16xi32>,
    %swap3A_257 = vector.shape_cast %swap3A_256 : vector<1x16xi32> to vector<16xi32>
    %swap3A_258 = vector.shape_cast %and3A_252 : vector<16xi32> to vector<1x16xi32>
    tpu.vector_store %arg7[%swap3A_254, %swap3A_255], %swap3A_258 {strides = array<i32>} : memref<2x128xi32, #tpu.memory_space<vmem>>, vector<1x16xi32>,
    %get3A_259 = arith.constant 1 : i32
    %get3A_260 = arith.index_cast %get3A_259 : i32 to index
    %get3A_261 = arith.constant 32 : index
    %get3A_262 = tpu.vector_load %arg5[%get3A_260, %get3A_261] {strides = array<i32>} : memref<80x128xi32, #tpu.memory_space<vmem>>, vector<1x16xi32>,
    %get3A_263 = vector.shape_cast %get3A_262 : vector<1x16xi32> to vector<16xi32>
    %shift_right_logical3A_264 = arith.constant 14 : i32
    %shift_right_logical3A_265 = vector.broadcast %shift_right_logical3A_264 : i32 to vector<16xi32>
    %shift_right_logical3A_266 = arith.shrui %get3A_263, %shift_right_logical3A_265 : vector<16xi32>
    %swap3A_267 = arith.constant 0 : i32
    %swap3A_268 = arith.index_cast %swap3A_267 : i32 to index
    %swap3A_269 = arith.constant 32 : index
    %swap3A_270 = tpu.vector_load %arg7[%swap3A_268, %swap3A_269] {strides = array<i32>} : memref<2x128xi32, #tpu.memory_space<vmem>>, vector<1x16xi32>,
    %swap3A_271 = vector.shape_cast %swap3A_270 : vector<1x16xi32> to vector<16xi32>
    %swap3A_272 = vector.shape_cast %shift_right_logical3A_266 : vector<16xi32> to vector<1x16xi32>
    tpu.vector_store %arg7[%swap3A_268, %swap3A_269], %swap3A_272 {strides = array<i32>} : memref<2x128xi32, #tpu.memory_space<vmem>>, vector<1x16xi32>,
    %and3A_273 = arith.constant 16383 : i32
    %and3A_274 = vector.broadcast %and3A_273 : i32 to vector<16xi32>
    %and3A_275 = arith.andi %get3A_263, %and3A_274 : vector<16xi32>
    %swap3A_276 = arith.constant 1 : i32
    %swap3A_277 = arith.index_cast %swap3A_276 : i32 to index
    %swap3A_278 = arith.constant 32 : index
    %swap3A_279 = tpu.vector_load %arg7[%swap3A_277, %swap3A_278] {strides = array<i32>} : memref<2x128xi32, #tpu.memory_space<vmem>>, vector<1x16xi32>,
    %swap3A_280 = vector.shape_cast %swap3A_279 : vector<1x16xi32> to vector<16xi32>
    %swap3A_281 = vector.shape_cast %and3A_275 : vector<16xi32> to vector<1x16xi32>
    tpu.vector_store %arg7[%swap3A_277, %swap3A_278], %swap3A_281 {strides = array<i32>} : memref<2x128xi32, #tpu.memory_space<vmem>>, vector<1x16xi32>,
    %get3A_282 = arith.constant 1 : i32
    %get3A_283 = arith.index_cast %get3A_282 : i32 to index
    %get3A_284 = arith.constant 48 : index
    %get3A_285 = tpu.vector_load %arg5[%get3A_283, %get3A_284] {strides = array<i32>} : memref<80x128xi32, #tpu.memory_space<vmem>>, vector<1x16xi32>,
    %get3A_286 = vector.shape_cast %get3A_285 : vector<1x16xi32> to vector<16xi32>
    %shift_right_logical3A_287 = arith.constant 14 : i32
    %shift_right_logical3A_288 = vector.broadcast %shift_right_logical3A_287 : i32 to vector<16xi32>
    %shift_right_logical3A_289 = arith.shrui %get3A_286, %shift_right_logical3A_288 : vector<16xi32>
    %swap3A_290 = arith.constant 0 : i32
    %swap3A_291 = arith.index_cast %swap3A_290 : i32 to index
    %swap3A_292 = arith.constant 48 : index
    %swap3A_293 = tpu.vector_load %arg7[%swap3A_291, %swap3A_292] {strides = array<i32>} : memref<2x128xi32, #tpu.memory_space<vmem>>, vector<1x16xi32>,
    %swap3A_294 = vector.shape_cast %swap3A_293 : vector<1x16xi32> to vector<16xi32>
    %swap3A_295 = vector.shape_cast %shift_right_logical3A_289 : vector<16xi32> to vector<1x16xi32>
    tpu.vector_store %arg7[%swap3A_291, %swap3A_292], %swap3A_295 {strides = array<i32>} : memref<2x128xi32, #tpu.memory_space<vmem>>, vector<1x16xi32>,
    %and3A_296 = arith.constant 16383 : i32
    %and3A_297 = vector.broadcast %and3A_296 : i32 to vector<16xi32>
    %and3A_298 = arith.andi %get3A_286, %and3A_297 : vector<16xi32>
    %swap3A_299 = arith.constant 1 : i32
    %swap3A_300 = arith.index_cast %swap3A_299 : i32 to index
    %swap3A_301 = arith.constant 48 : index
    %swap3A_302 = tpu.vector_load %arg7[%swap3A_300, %swap3A_301] {strides = array<i32>} : memref<2x128xi32, #tpu.memory_space<vmem>>, vector<1x16xi32>,
    %swap3A_303 = vector.shape_cast %swap3A_302 : vector<1x16xi32> to vector<16xi32>
    %swap3A_304 = vector.shape_cast %and3A_298 : vector<16xi32> to vector<1x16xi32>
    tpu.vector_store %arg7[%swap3A_300, %swap3A_301], %swap3A_304 {strides = array<i32>} : memref<2x128xi32, #tpu.memory_space<vmem>>, vector<1x16xi32>,
    %get3A_305 = arith.constant 1 : i32
    %get3A_306 = arith.index_cast %get3A_305 : i32 to index
    %get3A_307 = arith.constant 64 : index
    %get3A_308 = tpu.vector_load %arg5[%get3A_306, %get3A_307] {strides = array<i32>} : memref<80x128xi32, #tpu.memory_space<vmem>>, vector<1x16xi32>,
    %get3A_309 = vector.shape_cast %get3A_308 : vector<1x16xi32> to vector<16xi32>
    %shift_right_logical3A_310 = arith.constant 14 : i32
    %shift_right_logical3A_311 = vector.broadcast %shift_right_logical3A_310 : i32 to vector<16xi32>
    %shift_right_logical3A_312 = arith.shrui %get3A_309, %shift_right_logical3A_311 : vector<16xi32>
    %swap3A_313 = arith.constant 0 : i32
    %swap3A_314 = arith.index_cast %swap3A_313 : i32 to index
    %swap3A_315 = arith.constant 64 : index
    %swap3A_316 = tpu.vector_load %arg7[%swap3A_314, %swap3A_315] {strides = array<i32>} : memref<2x128xi32, #tpu.memory_space<vmem>>, vector<1x16xi32>,
    %swap3A_317 = vector.shape_cast %swap3A_316 : vector<1x16xi32> to vector<16xi32>
    %swap3A_318 = vector.shape_cast %shift_right_logical3A_312 : vector<16xi32> to vector<1x16xi32>
    tpu.vector_store %arg7[%swap3A_314, %swap3A_315], %swap3A_318 {strides = array<i32>} : memref<2x128xi32, #tpu.memory_space<vmem>>, vector<1x16xi32>,
    %and3A_319 = arith.constant 16383 : i32
    %and3A_320 = vector.broadcast %and3A_319 : i32 to vector<16xi32>
    %and3A_321 = arith.andi %get3A_309, %and3A_320 : vector<16xi32>
    %swap3A_322 = arith.constant 1 : i32
    %swap3A_323 = arith.index_cast %swap3A_322 : i32 to index
    %swap3A_324 = arith.constant 64 : index
    %swap3A_325 = tpu.vector_load %arg7[%swap3A_323, %swap3A_324] {strides = array<i32>} : memref<2x128xi32, #tpu.memory_space<vmem>>, vector<1x16xi32>,
    %swap3A_326 = vector.shape_cast %swap3A_325 : vector<1x16xi32> to vector<16xi32>
    %swap3A_327 = vector.shape_cast %and3A_321 : vector<16xi32> to vector<1x16xi32>
    tpu.vector_store %arg7[%swap3A_323, %swap3A_324], %swap3A_327 {strides = array<i32>} : memref<2x128xi32, #tpu.memory_space<vmem>>, vector<1x16xi32>,
    %get3A_328 = arith.constant 1 : i32
    %get3A_329 = arith.index_cast %get3A_328 : i32 to index
    %get3A_330 = arith.constant 80 : index
    %get3A_331 = tpu.vector_load %arg5[%get3A_329, %get3A_330] {strides = array<i32>} : memref<80x128xi32, #tpu.memory_space<vmem>>, vector<1x16xi32>,
    %get3A_332 = vector.shape_cast %get3A_331 : vector<1x16xi32> to vector<16xi32>
    %shift_right_logical3A_333 = arith.constant 14 : i32
    %shift_right_logical3A_334 = vector.broadcast %shift_right_logical3A_333 : i32 to vector<16xi32>
    %shift_right_logical3A_335 = arith.shrui %get3A_332, %shift_right_logical3A_334 : vector<16xi32>
    %swap3A_336 = arith.constant 0 : i32
    %swap3A_337 = arith.index_cast %swap3A_336 : i32 to index
    %swap3A_338 = arith.constant 80 : index
    %swap3A_339 = tpu.vector_load %arg7[%swap3A_337, %swap3A_338] {strides = array<i32>} : memref<2x128xi32, #tpu.memory_space<vmem>>, vector<1x16xi32>,
    %swap3A_340 = vector.shape_cast %swap3A_339 : vector<1x16xi32> to vector<16xi32>
    %swap3A_341 = vector.shape_cast %shift_right_logical3A_335 : vector<16xi32> to vector<1x16xi32>
    tpu.vector_store %arg7[%swap3A_337, %swap3A_338], %swap3A_341 {strides = array<i32>} : memref<2x128xi32, #tpu.memory_space<vmem>>, vector<1x16xi32>,
    %and3A_342 = arith.constant 16383 : i32
    %and3A_343 = vector.broadcast %and3A_342 : i32 to vector<16xi32>
    %and3A_344 = arith.andi %get3A_332, %and3A_343 : vector<16xi32>
    %swap3A_345 = arith.constant 1 : i32
    %swap3A_346 = arith.index_cast %swap3A_345 : i32 to index
    %swap3A_347 = arith.constant 80 : index
    %swap3A_348 = tpu.vector_load %arg7[%swap3A_346, %swap3A_347] {strides = array<i32>} : memref<2x128xi32, #tpu.memory_space<vmem>>, vector<1x16xi32>,
    %swap3A_349 = vector.shape_cast %swap3A_348 : vector<1x16xi32> to vector<16xi32>
    %swap3A_350 = vector.shape_cast %and3A_344 : vector<16xi32> to vector<1x16xi32>
    tpu.vector_store %arg7[%swap3A_346, %swap3A_347], %swap3A_350 {strides = array<i32>} : memref<2x128xi32, #tpu.memory_space<vmem>>, vector<1x16xi32>,
    %get3A_351 = arith.constant 1 : i32
    %get3A_352 = arith.index_cast %get3A_351 : i32 to index
    %get3A_353 = arith.constant 96 : index
    %get3A_354 = tpu.vector_load %arg5[%get3A_352, %get3A_353] {strides = array<i32>} : memref<80x128xi32, #tpu.memory_space<vmem>>, vector<1x16xi32>,
    %get3A_355 = vector.shape_cast %get3A_354 : vector<1x16xi32> to vector<16xi32>
    %shift_right_logical3A_356 = arith.constant 14 : i32
    %shift_right_logical3A_357 = vector.broadcast %shift_right_logical3A_356 : i32 to vector<16xi32>
    %shift_right_logical3A_358 = arith.shrui %get3A_355, %shift_right_logical3A_357 : vector<16xi32>
    %swap3A_359 = arith.constant 0 : i32
    %swap3A_360 = arith.index_cast %swap3A_359 : i32 to index
    %swap3A_361 = arith.constant 96 : index
    %swap3A_362 = tpu.vector_load %arg7[%swap3A_360, %swap3A_361] {strides = array<i32>} : memref<2x128xi32, #tpu.memory_space<vmem>>, vector<1x16xi32>,
    %swap3A_363 = vector.shape_cast %swap3A_362 : vector<1x16xi32> to vector<16xi32>
    %swap3A_364 = vector.shape_cast %shift_right_logical3A_358 : vector<16xi32> to vector<1x16xi32>
    tpu.vector_store %arg7[%swap3A_360, %swap3A_361], %swap3A_364 {strides = array<i32>} : memref<2x128xi32, #tpu.memory_space<vmem>>, vector<1x16xi32>,
    %and3A_365 = arith.constant 16383 : i32
    %and3A_366 = vector.broadcast %and3A_365 : i32 to vector<16xi32>
    %and3A_367 = arith.andi %get3A_355, %and3A_366 : vector<16xi32>
    %swap3A_368 = arith.constant 1 : i32
    %swap3A_369 = arith.index_cast %swap3A_368 : i32 to index
    %swap3A_370 = arith.constant 96 : index
    %swap3A_371 = tpu.vector_load %arg7[%swap3A_369, %swap3A_370] {strides = array<i32>} : memref<2x128xi32, #tpu.memory_space<vmem>>, vector<1x16xi32>,
    %swap3A_372 = vector.shape_cast %swap3A_371 : vector<1x16xi32> to vector<16xi32>
    %swap3A_373 = vector.shape_cast %and3A_367 : vector<16xi32> to vector<1x16xi32>
    tpu.vector_store %arg7[%swap3A_369, %swap3A_370], %swap3A_373 {strides = array<i32>} : memref<2x128xi32, #tpu.memory_space<vmem>>, vector<1x16xi32>,
    %get3A_374 = arith.constant 1 : i32
    %get3A_375 = arith.index_cast %get3A_374 : i32 to index
    %get3A_376 = arith.constant 112 : index
    %get3A_377 = tpu.vector_load %arg5[%get3A_375, %get3A_376] {strides = array<i32>} : memref<80x128xi32, #tpu.memory_space<vmem>>, vector<1x16xi32>,
    %get3A_378 = vector.shape_cast %get3A_377 : vector<1x16xi32> to vector<16xi32>
    %shift_right_logical3A_379 = arith.constant 14 : i32
    %shift_right_logical3A_380 = vector.broadcast %shift_right_logical3A_379 : i32 to vector<16xi32>
    %shift_right_logical3A_381 = arith.shrui %get3A_378, %shift_right_logical3A_380 : vector<16xi32>
    %swap3A_382 = arith.constant 0 : i32
    %swap3A_383 = arith.index_cast %swap3A_382 : i32 to index
    %swap3A_384 = arith.constant 112 : index
    %swap3A_385 = tpu.vector_load %arg7[%swap3A_383, %swap3A_384] {strides = array<i32>} : memref<2x128xi32, #tpu.memory_space<vmem>>, vector<1x16xi32>,
    %swap3A_386 = vector.shape_cast %swap3A_385 : vector<1x16xi32> to vector<16xi32>
    %swap3A_387 = vector.shape_cast %shift_right_logical3A_381 : vector<16xi32> to vector<1x16xi32>
    tpu.vector_store %arg7[%swap3A_383, %swap3A_384], %swap3A_387 {strides = array<i32>} : memref<2x128xi32, #tpu.memory_space<vmem>>, vector<1x16xi32>,
    %and3A_388 = arith.constant 16383 : i32
    %and3A_389 = vector.broadcast %and3A_388 : i32 to vector<16xi32>
    %and3A_390 = arith.andi %get3A_378, %and3A_389 : vector<16xi32>
    %swap3A_391 = arith.constant 1 : i32
    %swap3A_392 = arith.index_cast %swap3A_391 : i32 to index
    %swap3A_393 = arith.constant 112 : index
    %swap3A_394 = tpu.vector_load %arg7[%swap3A_392, %swap3A_393] {strides = array<i32>} : memref<2x128xi32, #tpu.memory_space<vmem>>, vector<1x16xi32>,
    %swap3A_395 = vector.shape_cast %swap3A_394 : vector<1x16xi32> to vector<16xi32>
    %swap3A_396 = vector.shape_cast %and3A_390 : vector<16xi32> to vector<1x16xi32>
    tpu.vector_store %arg7[%swap3A_392, %swap3A_393], %swap3A_396 {strides = array<i32>} : memref<2x128xi32, #tpu.memory_space<vmem>>, vector<1x16xi32>,
    %dma_start3A_397 = arith.constant 1 : i32
    %dma_start3A_398 = arith.constant 0 : i32
    %dma_start3A_399 = tpu.memref_slice %arg7[%dma_start3A_397, %dma_start3A_398] : memref<2x128xi32, #tpu.memory_space<vmem>> -> memref<1x128xi32, #tpu.memory_space<vmem>>
    %dma_start3A_400 = tpu.memref_squeeze %dma_start3A_399 : memref<1x128xi32, #tpu.memory_space<vmem>> -> memref<128xi32, #tpu.memory_space<vmem>>
    %dma_start3A_401 = arith.constant 0 : i32
    %dma_start3A_402 = arith.constant 0 : i32
    %dma_start3A_403 = tpu.memref_slice %arg2[%dma_start3A_401, %dma_start3A_402] : memref<10000x64xf32, #tpu.memory_space<hbm>> -> memref<10000x64xf32, #tpu.memory_space<hbm>>
    tpu.enqueue_indirect_dma source(%dma_start3A_403 : memref<10000x64xf32, #tpu.memory_space<hbm>>) target(%arg11 : memref<128x64xf32, #tpu.memory_space<vmem>>) offsets(%dma_start3A_400 : memref<128xi32, #tpu.memory_space<vmem>>) semaphore(%arg16 : memref<!tpu.dma_semaphore, #tpu.memory_space<semaphore_mem>>)
    %get3A_404 = arith.constant 2 : i32
    %get3A_405 = arith.index_cast %get3A_404 : i32 to index
    %get3A_406 = arith.constant 0 : index
    %get3A_407 = tpu.vector_load %arg5[%get3A_405, %get3A_406] {strides = array<i32>} : memref<80x128xi32, #tpu.memory_space<vmem>>, vector<1x16xi32>,
    %get3A_408 = vector.shape_cast %get3A_407 : vector<1x16xi32> to vector<16xi32>
    %shift_right_logical3A_409 = arith.constant 14 : i32
    %shift_right_logical3A_410 = vector.broadcast %shift_right_logical3A_409 : i32 to vector<16xi32>
    %shift_right_logical3A_411 = arith.shrui %get3A_408, %shift_right_logical3A_410 : vector<16xi32>
    %swap3A_412 = arith.constant 0 : i32
    %swap3A_413 = arith.index_cast %swap3A_412 : i32 to index
    %swap3A_414 = arith.constant 0 : index
    %swap3A_415 = tpu.vector_load %arg8[%swap3A_413, %swap3A_414] {strides = array<i32>} : memref<2x128xi32, #tpu.memory_space<vmem>>, vector<1x16xi32>,
    %swap3A_416 = vector.shape_cast %swap3A_415 : vector<1x16xi32> to vector<16xi32>
    %swap3A_417 = vector.shape_cast %shift_right_logical3A_411 : vector<16xi32> to vector<1x16xi32>
    tpu.vector_store %arg8[%swap3A_413, %swap3A_414], %swap3A_417 {strides = array<i32>} : memref<2x128xi32, #tpu.memory_space<vmem>>, vector<1x16xi32>,
    %and3A_418 = arith.constant 16383 : i32
    %and3A_419 = vector.broadcast %and3A_418 : i32 to vector<16xi32>
    %and3A_420 = arith.andi %get3A_408, %and3A_419 : vector<16xi32>
    %swap3A_421 = arith.constant 1 : i32
    %swap3A_422 = arith.index_cast %swap3A_421 : i32 to index
    %swap3A_423 = arith.constant 0 : index
    %swap3A_424 = tpu.vector_load %arg8[%swap3A_422, %swap3A_423] {strides = array<i32>} : memref<2x128xi32, #tpu.memory_space<vmem>>, vector<1x16xi32>,
    %swap3A_425 = vector.shape_cast %swap3A_424 : vector<1x16xi32> to vector<16xi32>
    %swap3A_426 = vector.shape_cast %and3A_420 : vector<16xi32> to vector<1x16xi32>
    tpu.vector_store %arg8[%swap3A_422, %swap3A_423], %swap3A_426 {strides = array<i32>} : memref<2x128xi32, #tpu.memory_space<vmem>>, vector<1x16xi32>,
    %get3A_427 = arith.constant 2 : i32
    %get3A_428 = arith.index_cast %get3A_427 : i32 to index
    %get3A_429 = arith.constant 16 : index
    %get3A_430 = tpu.vector_load %arg5[%get3A_428, %get3A_429] {strides = array<i32>} : memref<80x128xi32, #tpu.memory_space<vmem>>, vector<1x16xi32>,
    %get3A_431 = vector.shape_cast %get3A_430 : vector<1x16xi32> to vector<16xi32>
    %shift_right_logical3A_432 = arith.constant 14 : i32
    %shift_right_logical3A_433 = vector.broadcast %shift_right_logical3A_432 : i32 to vector<16xi32>
    %shift_right_logical3A_434 = arith.shrui %get3A_431, %shift_right_logical3A_433 : vector<16xi32>
    %swap3A_435 = arith.constant 0 : i32
    %swap3A_436 = arith.index_cast %swap3A_435 : i32 to index
    %swap3A_437 = arith.constant 16 : index
    %swap3A_438 = tpu.vector_load %arg8[%swap3A_436, %swap3A_437] {strides = array<i32>} : memref<2x128xi32, #tpu.memory_space<vmem>>, vector<1x16xi32>,
    %swap3A_439 = vector.shape_cast %swap3A_438 : vector<1x16xi32> to vector<16xi32>
    %swap3A_440 = vector.shape_cast %shift_right_logical3A_434 : vector<16xi32> to vector<1x16xi32>
    tpu.vector_store %arg8[%swap3A_436, %swap3A_437], %swap3A_440 {strides = array<i32>} : memref<2x128xi32, #tpu.memory_space<vmem>>, vector<1x16xi32>,
    %and3A_441 = arith.constant 16383 : i32
    %and3A_442 = vector.broadcast %and3A_441 : i32 to vector<16xi32>
    %and3A_443 = arith.andi %get3A_431, %and3A_442 : vector<16xi32>
    %swap3A_444 = arith.constant 1 : i32
    %swap3A_445 = arith.index_cast %swap3A_444 : i32 to index
    %swap3A_446 = arith.constant 16 : index
    %swap3A_447 = tpu.vector_load %arg8[%swap3A_445, %swap3A_446] {strides = array<i32>} : memref<2x128xi32, #tpu.memory_space<vmem>>, vector<1x16xi32>,
    %swap3A_448 = vector.shape_cast %swap3A_447 : vector<1x16xi32> to vector<16xi32>
    %swap3A_449 = vector.shape_cast %and3A_443 : vector<16xi32> to vector<1x16xi32>
    tpu.vector_store %arg8[%swap3A_445, %swap3A_446], %swap3A_449 {strides = array<i32>} : memref<2x128xi32, #tpu.memory_space<vmem>>, vector<1x16xi32>,
    %get3A_450 = arith.constant 2 : i32
    %get3A_451 = arith.index_cast %get3A_450 : i32 to index
    %get3A_452 = arith.constant 32 : index
    %get3A_453 = tpu.vector_load %arg5[%get3A_451, %get3A_452] {strides = array<i32>} : memref<80x128xi32, #tpu.memory_space<vmem>>, vector<1x16xi32>,
    %get3A_454 = vector.shape_cast %get3A_453 : vector<1x16xi32> to vector<16xi32>
    %shift_right_logical3A_455 = arith.constant 14 : i32
    %shift_right_logical3A_456 = vector.broadcast %shift_right_logical3A_455 : i32 to vector<16xi32>
    %shift_right_logical3A_457 = arith.shrui %get3A_454, %shift_right_logical3A_456 : vector<16xi32>
    %swap3A_458 = arith.constant 0 : i32
    %swap3A_459 = arith.index_cast %swap3A_458 : i32 to index
    %swap3A_460 = arith.constant 32 : index
    %swap3A_461 = tpu.vector_load %arg8[%swap3A_459, %swap3A_460] {strides = array<i32>} : memref<2x128xi32, #tpu.memory_space<vmem>>, vector<1x16xi32>,
    %swap3A_462 = vector.shape_cast %swap3A_461 : vector<1x16xi32> to vector<16xi32>
    %swap3A_463 = vector.shape_cast %shift_right_logical3A_457 : vector<16xi32> to vector<1x16xi32>
    tpu.vector_store %arg8[%swap3A_459, %swap3A_460], %swap3A_463 {strides = array<i32>} : memref<2x128xi32, #tpu.memory_space<vmem>>, vector<1x16xi32>,
    %and3A_464 = arith.constant 16383 : i32
    %and3A_465 = vector.broadcast %and3A_464 : i32 to vector<16xi32>
    %and3A_466 = arith.andi %get3A_454, %and3A_465 : vector<16xi32>
    %swap3A_467 = arith.constant 1 : i32
    %swap3A_468 = arith.index_cast %swap3A_467 : i32 to index
    %swap3A_469 = arith.constant 32 : index
    %swap3A_470 = tpu.vector_load %arg8[%swap3A_468, %swap3A_469] {strides = array<i32>} : memref<2x128xi32, #tpu.memory_space<vmem>>, vector<1x16xi32>,
    %swap3A_471 = vector.shape_cast %swap3A_470 : vector<1x16xi32> to vector<16xi32>
    %swap3A_472 = vector.shape_cast %and3A_466 : vector<16xi32> to vector<1x16xi32>
    tpu.vector_store %arg8[%swap3A_468, %swap3A_469], %swap3A_472 {strides = array<i32>} : memref<2x128xi32, #tpu.memory_space<vmem>>, vector<1x16xi32>,
    %get3A_473 = arith.constant 2 : i32
    %get3A_474 = arith.index_cast %get3A_473 : i32 to index
    %get3A_475 = arith.constant 48 : index
    %get3A_476 = tpu.vector_load %arg5[%get3A_474, %get3A_475] {strides = array<i32>} : memref<80x128xi32, #tpu.memory_space<vmem>>, vector<1x16xi32>,
    %get3A_477 = vector.shape_cast %get3A_476 : vector<1x16xi32> to vector<16xi32>
    %shift_right_logical3A_478 = arith.constant 14 : i32
    %shift_right_logical3A_479 = vector.broadcast %shift_right_logical3A_478 : i32 to vector<16xi32>
    %shift_right_logical3A_480 = arith.shrui %get3A_477, %shift_right_logical3A_479 : vector<16xi32>
    %swap3A_481 = arith.constant 0 : i32
    %swap3A_482 = arith.index_cast %swap3A_481 : i32 to index
    %swap3A_483 = arith.constant 48 : index
    %swap3A_484 = tpu.vector_load %arg8[%swap3A_482, %swap3A_483] {strides = array<i32>} : memref<2x128xi32, #tpu.memory_space<vmem>>, vector<1x16xi32>,
    %swap3A_485 = vector.shape_cast %swap3A_484 : vector<1x16xi32> to vector<16xi32>
    %swap3A_486 = vector.shape_cast %shift_right_logical3A_480 : vector<16xi32> to vector<1x16xi32>
    tpu.vector_store %arg8[%swap3A_482, %swap3A_483], %swap3A_486 {strides = array<i32>} : memref<2x128xi32, #tpu.memory_space<vmem>>, vector<1x16xi32>,
    %and3A_487 = arith.constant 16383 : i32
    %and3A_488 = vector.broadcast %and3A_487 : i32 to vector<16xi32>
    %and3A_489 = arith.andi %get3A_477, %and3A_488 : vector<16xi32>
    %swap3A_490 = arith.constant 1 : i32
    %swap3A_491 = arith.index_cast %swap3A_490 : i32 to index
    %swap3A_492 = arith.constant 48 : index
    %swap3A_493 = tpu.vector_load %arg8[%swap3A_491, %swap3A_492] {strides = array<i32>} : memref<2x128xi32, #tpu.memory_space<vmem>>, vector<1x16xi32>,
    %swap3A_494 = vector.shape_cast %swap3A_493 : vector<1x16xi32> to vector<16xi32>
    %swap3A_495 = vector.shape_cast %and3A_489 : vector<16xi32> to vector<1x16xi32>
    tpu.vector_store %arg8[%swap3A_491, %swap3A_492], %swap3A_495 {strides = array<i32>} : memref<2x128xi32, #tpu.memory_space<vmem>>, vector<1x16xi32>,
    %get3A_496 = arith.constant 2 : i32
    %get3A_497 = arith.index_cast %get3A_496 : i32 to index
    %get3A_498 = arith.constant 64 : index
    %get3A_499 = tpu.vector_load %arg5[%get3A_497, %get3A_498] {strides = array<i32>} : memref<80x128xi32, #tpu.memory_space<vmem>>, vector<1x16xi32>,
    %get3A_500 = vector.shape_cast %get3A_499 : vector<1x16xi32> to vector<16xi32>
    %shift_right_logical3A_501 = arith.constant 14 : i32
    %shift_right_logical3A_502 = vector.broadcast %shift_right_logical3A_501 : i32 to vector<16xi32>
    %shift_right_logical3A_503 = arith.shrui %get3A_500, %shift_right_logical3A_502 : vector<16xi32>
    %swap3A_504 = arith.constant 0 : i32
    %swap3A_505 = arith.index_cast %swap3A_504 : i32 to index
    %swap3A_506 = arith.constant 64 : index
    %swap3A_507 = tpu.vector_load %arg8[%swap3A_505, %swap3A_506] {strides = array<i32>} : memref<2x128xi32, #tpu.memory_space<vmem>>, vector<1x16xi32>,
    %swap3A_508 = vector.shape_cast %swap3A_507 : vector<1x16xi32> to vector<16xi32>
    %swap3A_509 = vector.shape_cast %shift_right_logical3A_503 : vector<16xi32> to vector<1x16xi32>
    tpu.vector_store %arg8[%swap3A_505, %swap3A_506], %swap3A_509 {strides = array<i32>} : memref<2x128xi32, #tpu.memory_space<vmem>>, vector<1x16xi32>,
    %and3A_510 = arith.constant 16383 : i32
    %and3A_511 = vector.broadcast %and3A_510 : i32 to vector<16xi32>
    %and3A_512 = arith.andi %get3A_500, %and3A_511 : vector<16xi32>
    %swap3A_513 = arith.constant 1 : i32
    %swap3A_514 = arith.index_cast %swap3A_513 : i32 to index
    %swap3A_515 = arith.constant 64 : index
    %swap3A_516 = tpu.vector_load %arg8[%swap3A_514, %swap3A_515] {strides = array<i32>} : memref<2x128xi32, #tpu.memory_space<vmem>>, vector<1x16xi32>,
    %swap3A_517 = vector.shape_cast %swap3A_516 : vector<1x16xi32> to vector<16xi32>
    %swap3A_518 = vector.shape_cast %and3A_512 : vector<16xi32> to vector<1x16xi32>
    tpu.vector_store %arg8[%swap3A_514, %swap3A_515], %swap3A_518 {strides = array<i32>} : memref<2x128xi32, #tpu.memory_space<vmem>>, vector<1x16xi32>,
    %get3A_519 = arith.constant 2 : i32
    %get3A_520 = arith.index_cast %get3A_519 : i32 to index
    %get3A_521 = arith.constant 80 : index
    %get3A_522 = tpu.vector_load %arg5[%get3A_520, %get3A_521] {strides = array<i32>} : memref<80x128xi32, #tpu.memory_space<vmem>>, vector<1x16xi32>,
    %get3A_523 = vector.shape_cast %get3A_522 : vector<1x16xi32> to vector<16xi32>
    %shift_right_logical3A_524 = arith.constant 14 : i32
    %shift_right_logical3A_525 = vector.broadcast %shift_right_logical3A_524 : i32 to vector<16xi32>
    %shift_right_logical3A_526 = arith.shrui %get3A_523, %shift_right_logical3A_525 : vector<16xi32>
    %swap3A_527 = arith.constant 0 : i32
    %swap3A_528 = arith.index_cast %swap3A_527 : i32 to index
    %swap3A_529 = arith.constant 80 : index
    %swap3A_530 = tpu.vector_load %arg8[%swap3A_528, %swap3A_529] {strides = array<i32>} : memref<2x128xi32, #tpu.memory_space<vmem>>, vector<1x16xi32>,
    %swap3A_531 = vector.shape_cast %swap3A_530 : vector<1x16xi32> to vector<16xi32>
    %swap3A_532 = vector.shape_cast %shift_right_logical3A_526 : vector<16xi32> to vector<1x16xi32>
    tpu.vector_store %arg8[%swap3A_528, %swap3A_529], %swap3A_532 {strides = array<i32>} : memref<2x128xi32, #tpu.memory_space<vmem>>, vector<1x16xi32>,
    %and3A_533 = arith.constant 16383 : i32
    %and3A_534 = vector.broadcast %and3A_533 : i32 to vector<16xi32>
    %and3A_535 = arith.andi %get3A_523, %and3A_534 : vector<16xi32>
    %swap3A_536 = arith.constant 1 : i32
    %swap3A_537 = arith.index_cast %swap3A_536 : i32 to index
    %swap3A_538 = arith.constant 80 : index
    %swap3A_539 = tpu.vector_load %arg8[%swap3A_537, %swap3A_538] {strides = array<i32>} : memref<2x128xi32, #tpu.memory_space<vmem>>, vector<1x16xi32>,
    %swap3A_540 = vector.shape_cast %swap3A_539 : vector<1x16xi32> to vector<16xi32>
    %swap3A_541 = vector.shape_cast %and3A_535 : vector<16xi32> to vector<1x16xi32>
    tpu.vector_store %arg8[%swap3A_537, %swap3A_538], %swap3A_541 {strides = array<i32>} : memref<2x128xi32, #tpu.memory_space<vmem>>, vector<1x16xi32>,
    %get3A_542 = arith.constant 2 : i32
    %get3A_543 = arith.index_cast %get3A_542 : i32 to index
    %get3A_544 = arith.constant 96 : index
    %get3A_545 = tpu.vector_load %arg5[%get3A_543, %get3A_544] {strides = array<i32>} : memref<80x128xi32, #tpu.memory_space<vmem>>, vector<1x16xi32>,
    %get3A_546 = vector.shape_cast %get3A_545 : vector<1x16xi32> to vector<16xi32>
    %shift_right_logical3A_547 = arith.constant 14 : i32
    %shift_right_logical3A_548 = vector.broadcast %shift_right_logical3A_547 : i32 to vector<16xi32>
    %shift_right_logical3A_549 = arith.shrui %get3A_546, %shift_right_logical3A_548 : vector<16xi32>
    %swap3A_550 = arith.constant 0 : i32
    %swap3A_551 = arith.index_cast %swap3A_550 : i32 to index
    %swap3A_552 = arith.constant 96 : index
    %swap3A_553 = tpu.vector_load %arg8[%swap3A_551, %swap3A_552] {strides = array<i32>} : memref<2x128xi32, #tpu.memory_space<vmem>>, vector<1x16xi32>,
    %swap3A_554 = vector.shape_cast %swap3A_553 : vector<1x16xi32> to vector<16xi32>
    %swap3A_555 = vector.shape_cast %shift_right_logical3A_549 : vector<16xi32> to vector<1x16xi32>
    tpu.vector_store %arg8[%swap3A_551, %swap3A_552], %swap3A_555 {strides = array<i32>} : memref<2x128xi32, #tpu.memory_space<vmem>>, vector<1x16xi32>,
    %and3A_556 = arith.constant 16383 : i32
    %and3A_557 = vector.broadcast %and3A_556 : i32 to vector<16xi32>
    %and3A_558 = arith.andi %get3A_546, %and3A_557 : vector<16xi32>
    %swap3A_559 = arith.constant 1 : i32
    %swap3A_560 = arith.index_cast %swap3A_559 : i32 to index
    %swap3A_561 = arith.constant 96 : index
    %swap3A_562 = tpu.vector_load %arg8[%swap3A_560, %swap3A_561] {strides = array<i32>} : memref<2x128xi32, #tpu.memory_space<vmem>>, vector<1x16xi32>,
    %swap3A_563 = vector.shape_cast %swap3A_562 : vector<1x16xi32> to vector<16xi32>
    %swap3A_564 = vector.shape_cast %and3A_558 : vector<16xi32> to vector<1x16xi32>
    tpu.vector_store %arg8[%swap3A_560, %swap3A_561], %swap3A_564 {strides = array<i32>} : memref<2x128xi32, #tpu.memory_space<vmem>>, vector<1x16xi32>,
    %get3A_565 = arith.constant 2 : i32
    %get3A_566 = arith.index_cast %get3A_565 : i32 to index
    %get3A_567 = arith.constant 112 : index
    %get3A_568 = tpu.vector_load %arg5[%get3A_566, %get3A_567] {strides = array<i32>} : memref<80x128xi32, #tpu.memory_space<vmem>>, vector<1x16xi32>,
    %get3A_569 = vector.shape_cast %get3A_568 : vector<1x16xi32> to vector<16xi32>
    %shift_right_logical3A_570 = arith.constant 14 : i32
    %shift_right_logical3A_571 = vector.broadcast %shift_right_logical3A_570 : i32 to vector<16xi32>
    %shift_right_logical3A_572 = arith.shrui %get3A_569, %shift_right_logical3A_571 : vector<16xi32>
    %swap3A_573 = arith.constant 0 : i32
    %swap3A_574 = arith.index_cast %swap3A_573 : i32 to index
    %swap3A_575 = arith.constant 112 : index
    %swap3A_576 = tpu.vector_load %arg8[%swap3A_574, %swap3A_575] {strides = array<i32>} : memref<2x128xi32, #tpu.memory_space<vmem>>, vector<1x16xi32>,
    %swap3A_577 = vector.shape_cast %swap3A_576 : vector<1x16xi32> to vector<16xi32>
    %swap3A_578 = vector.shape_cast %shift_right_logical3A_572 : vector<16xi32> to vector<1x16xi32>
    tpu.vector_store %arg8[%swap3A_574, %swap3A_575], %swap3A_578 {strides = array<i32>} : memref<2x128xi32, #tpu.memory_space<vmem>>, vector<1x16xi32>,
    %and3A_579 = arith.constant 16383 : i32
    %and3A_580 = vector.broadcast %and3A_579 : i32 to vector<16xi32>
    %and3A_581 = arith.andi %get3A_569, %and3A_580 : vector<16xi32>
    %swap3A_582 = arith.constant 1 : i32
    %swap3A_583 = arith.index_cast %swap3A_582 : i32 to index
    %swap3A_584 = arith.constant 112 : index
    %swap3A_585 = tpu.vector_load %arg8[%swap3A_583, %swap3A_584] {strides = array<i32>} : memref<2x128xi32, #tpu.memory_space<vmem>>, vector<1x16xi32>,
    %swap3A_586 = vector.shape_cast %swap3A_585 : vector<1x16xi32> to vector<16xi32>
    %swap3A_587 = vector.shape_cast %and3A_581 : vector<16xi32> to vector<1x16xi32>
    tpu.vector_store %arg8[%swap3A_583, %swap3A_584], %swap3A_587 {strides = array<i32>} : memref<2x128xi32, #tpu.memory_space<vmem>>, vector<1x16xi32>,
    %dma_start3A_588 = arith.constant 1 : i32
    %dma_start3A_589 = arith.constant 0 : i32
    %dma_start3A_590 = tpu.memref_slice %arg8[%dma_start3A_588, %dma_start3A_589] : memref<2x128xi32, #tpu.memory_space<vmem>> -> memref<1x128xi32, #tpu.memory_space<vmem>>
    %dma_start3A_591 = tpu.memref_squeeze %dma_start3A_590 : memref<1x128xi32, #tpu.memory_space<vmem>> -> memref<128xi32, #tpu.memory_space<vmem>>
    %dma_start3A_592 = arith.constant 0 : i32
    %dma_start3A_593 = arith.constant 0 : i32
    %dma_start3A_594 = tpu.memref_slice %arg2[%dma_start3A_592, %dma_start3A_593] : memref<10000x64xf32, #tpu.memory_space<hbm>> -> memref<10000x64xf32, #tpu.memory_space<hbm>>
    tpu.enqueue_indirect_dma source(%dma_start3A_594 : memref<10000x64xf32, #tpu.memory_space<hbm>>) target(%arg12 : memref<128x64xf32, #tpu.memory_space<vmem>>) offsets(%dma_start3A_591 : memref<128xi32, #tpu.memory_space<vmem>>) semaphore(%arg17 : memref<!tpu.dma_semaphore, #tpu.memory_space<semaphore_mem>>)
    %scan3A_595 = arith.constant 0 : i32
    %scan3A_596 = arith.constant 0 : i32
    %scan3A_597 = arith.constant 20 : i32
    %scan3A_598 = arith.addi %scan3A_596, %scan3A_597 : i32
    %scan3A_599 = arith.constant 1 : i32
    scf.for %scan3A_623 = %scan3A_596 to %scan3A_598 step %scan3A_599  : i32 {
      %mul3A_624 = arith.constant 4 : i32
      %mul3A_625 = arith.muli %scan3A_623, %mul3A_624 : i32
      %add3A_626 = arith.constant 0 : i32
      %add3A_627 = arith.addi %mul3A_625, %add3A_626 : i32
      %add3A_628 = arith.constant 4 : i32
      %add3A_629 = arith.addi %add3A_627, %add3A_628 : i32
      %sub3A = arith.constant 1 : i32
      %sub3A_630 = arith.subi %add3A_629, %sub3A : i32
      %min3A = arith.constant 79 : i32
      %min3A_631 = arith.minsi %sub3A_630, %min3A : i32
      %get3A_632 = arith.index_cast %min3A_631 : i32 to index
      %get3A_633 = arith.constant 0 : index
      %get3A_634 = tpu.vector_load %arg5[%get3A_632, %get3A_633] {strides = array<i32>} : memref<80x128xi32, #tpu.memory_space<vmem>>, vector<1x16xi32>,
      %get3A_635 = vector.shape_cast %get3A_634 : vector<1x16xi32> to vector<16xi32>
      %shift_right_logical3A_636 = arith.constant 14 : i32
      %shift_right_logical3A_637 = vector.broadcast %shift_right_logical3A_636 : i32 to vector<16xi32>
      %shift_right_logical3A_638 = arith.shrui %get3A_635, %shift_right_logical3A_637 : vector<16xi32>
      %swap3A_639 = arith.constant 0 : i32
      %swap3A_640 = arith.index_cast %swap3A_639 : i32 to index
      %swap3A_641 = arith.constant 0 : index
      %swap3A_642 = tpu.vector_load %arg9[%swap3A_640, %swap3A_641] {strides = array<i32>} : memref<2x128xi32, #tpu.memory_space<vmem>>, vector<1x16xi32>,
      %swap3A_643 = vector.shape_cast %swap3A_642 : vector<1x16xi32> to vector<16xi32>
      %swap3A_644 = vector.shape_cast %shift_right_logical3A_638 : vector<16xi32> to vector<1x16xi32>
      tpu.vector_store %arg9[%swap3A_640, %swap3A_641], %swap3A_644 {strides = array<i32>} : memref<2x128xi32, #tpu.memory_space<vmem>>, vector<1x16xi32>,
      %and3A_645 = arith.constant 16383 : i32
      %and3A_646 = vector.broadcast %and3A_645 : i32 to vector<16xi32>
      %and3A_647 = arith.andi %get3A_635, %and3A_646 : vector<16xi32>
      %swap3A_648 = arith.constant 1 : i32
      %swap3A_649 = arith.index_cast %swap3A_648 : i32 to index
      %swap3A_650 = arith.constant 0 : index
      %swap3A_651 = tpu.vector_load %arg9[%swap3A_649, %swap3A_650] {strides = array<i32>} : memref<2x128xi32, #tpu.memory_space<vmem>>, vector<1x16xi32>,
      %swap3A_652 = vector.shape_cast %swap3A_651 : vector<1x16xi32> to vector<16xi32>
      %swap3A_653 = vector.shape_cast %and3A_647 : vector<16xi32> to vector<1x16xi32>
      tpu.vector_store %arg9[%swap3A_649, %swap3A_650], %swap3A_653 {strides = array<i32>} : memref<2x128xi32, #tpu.memory_space<vmem>>, vector<1x16xi32>,
      %get3A_654 = arith.index_cast %min3A_631 : i32 to index
      %get3A_655 = arith.constant 16 : index
      %get3A_656 = tpu.vector_load %arg5[%get3A_654, %get3A_655] {strides = array<i32>} : memref<80x128xi32, #tpu.memory_space<vmem>>, vector<1x16xi32>,
      %get3A_657 = vector.shape_cast %get3A_656 : vector<1x16xi32> to vector<16xi32>
      %shift_right_logical3A_658 = arith.constant 14 : i32
      %shift_right_logical3A_659 = vector.broadcast %shift_right_logical3A_658 : i32 to vector<16xi32>
      %shift_right_logical3A_660 = arith.shrui %get3A_657, %shift_right_logical3A_659 : vector<16xi32>
      %swap3A_661 = arith.constant 0 : i32
      %swap3A_662 = arith.index_cast %swap3A_661 : i32 to index
      %swap3A_663 = arith.constant 16 : index
      %swap3A_664 = tpu.vector_load %arg9[%swap3A_662, %swap3A_663] {strides = array<i32>} : memref<2x128xi32, #tpu.memory_space<vmem>>, vector<1x16xi32>,
      %swap3A_665 = vector.shape_cast %swap3A_664 : vector<1x16xi32> to vector<16xi32>
      %swap3A_666 = vector.shape_cast %shift_right_logical3A_660 : vector<16xi32> to vector<1x16xi32>
      tpu.vector_store %arg9[%swap3A_662, %swap3A_663], %swap3A_666 {strides = array<i32>} : memref<2x128xi32, #tpu.memory_space<vmem>>, vector<1x16xi32>,
      %and3A_667 = arith.constant 16383 : i32
      %and3A_668 = vector.broadcast %and3A_667 : i32 to vector<16xi32>
      %and3A_669 = arith.andi %get3A_657, %and3A_668 : vector<16xi32>
      %swap3A_670 = arith.constant 1 : i32
      %swap3A_671 = arith.index_cast %swap3A_670 : i32 to index
      %swap3A_672 = arith.constant 16 : index
      %swap3A_673 = tpu.vector_load %arg9[%swap3A_671, %swap3A_672] {strides = array<i32>} : memref<2x128xi32, #tpu.memory_space<vmem>>, vector<1x16xi32>,
      %swap3A_674 = vector.shape_cast %swap3A_673 : vector<1x16xi32> to vector<16xi32>
      %swap3A_675 = vector.shape_cast %and3A_669 : vector<16xi32> to vector<1x16xi32>
      tpu.vector_store %arg9[%swap3A_671, %swap3A_672], %swap3A_675 {strides = array<i32>} : memref<2x128xi32, #tpu.memory_space<vmem>>, vector<1x16xi32>,
      %get3A_676 = arith.index_cast %min3A_631 : i32 to index
      %get3A_677 = arith.constant 32 : index
      %get3A_678 = tpu.vector_load %arg5[%get3A_676, %get3A_677] {strides = array<i32>} : memref<80x128xi32, #tpu.memory_space<vmem>>, vector<1x16xi32>,
      %get3A_679 = vector.shape_cast %get3A_678 : vector<1x16xi32> to vector<16xi32>
      %shift_right_logical3A_680 = arith.constant 14 : i32
      %shift_right_logical3A_681 = vector.broadcast %shift_right_logical3A_680 : i32 to vector<16xi32>
      %shift_right_logical3A_682 = arith.shrui %get3A_679, %shift_right_logical3A_681 : vector<16xi32>
      %swap3A_683 = arith.constant 0 : i32
      %swap3A_684 = arith.index_cast %swap3A_683 : i32 to index
      %swap3A_685 = arith.constant 32 : index
      %swap3A_686 = tpu.vector_load %arg9[%swap3A_684, %swap3A_685] {strides = array<i32>} : memref<2x128xi32, #tpu.memory_space<vmem>>, vector<1x16xi32>,
      %swap3A_687 = vector.shape_cast %swap3A_686 : vector<1x16xi32> to vector<16xi32>
      %swap3A_688 = vector.shape_cast %shift_right_logical3A_682 : vector<16xi32> to vector<1x16xi32>
      tpu.vector_store %arg9[%swap3A_684, %swap3A_685], %swap3A_688 {strides = array<i32>} : memref<2x128xi32, #tpu.memory_space<vmem>>, vector<1x16xi32>,
      %and3A_689 = arith.constant 16383 : i32
      %and3A_690 = vector.broadcast %and3A_689 : i32 to vector<16xi32>
      %and3A_691 = arith.andi %get3A_679, %and3A_690 : vector<16xi32>
      %swap3A_692 = arith.constant 1 : i32
      %swap3A_693 = arith.index_cast %swap3A_692 : i32 to index
      %swap3A_694 = arith.constant 32 : index
      %swap3A_695 = tpu.vector_load %arg9[%swap3A_693, %swap3A_694] {strides = array<i32>} : memref<2x128xi32, #tpu.memory_space<vmem>>, vector<1x16xi32>,
      %swap3A_696 = vector.shape_cast %swap3A_695 : vector<1x16xi32> to vector<16xi32>
      %swap3A_697 = vector.shape_cast %and3A_691 : vector<16xi32> to vector<1x16xi32>
      tpu.vector_store %arg9[%swap3A_693, %swap3A_694], %swap3A_697 {strides = array<i32>} : memref<2x128xi32, #tpu.memory_space<vmem>>, vector<1x16xi32>,
      %get3A_698 = arith.index_cast %min3A_631 : i32 to index
      %get3A_699 = arith.constant 48 : index
      %get3A_700 = tpu.vector_load %arg5[%get3A_698, %get3A_699] {strides = array<i32>} : memref<80x128xi32, #tpu.memory_space<vmem>>, vector<1x16xi32>,
      %get3A_701 = vector.shape_cast %get3A_700 : vector<1x16xi32> to vector<16xi32>
      %shift_right_logical3A_702 = arith.constant 14 : i32
      %shift_right_logical3A_703 = vector.broadcast %shift_right_logical3A_702 : i32 to vector<16xi32>
      %shift_right_logical3A_704 = arith.shrui %get3A_701, %shift_right_logical3A_703 : vector<16xi32>
      %swap3A_705 = arith.constant 0 : i32
      %swap3A_706 = arith.index_cast %swap3A_705 : i32 to index
      %swap3A_707 = arith.constant 48 : index
      %swap3A_708 = tpu.vector_load %arg9[%swap3A_706, %swap3A_707] {strides = array<i32>} : memref<2x128xi32, #tpu.memory_space<vmem>>, vector<1x16xi32>,
      %swap3A_709 = vector.shape_cast %swap3A_708 : vector<1x16xi32> to vector<16xi32>
      %swap3A_710 = vector.shape_cast %shift_right_logical3A_704 : vector<16xi32> to vector<1x16xi32>
      tpu.vector_store %arg9[%swap3A_706, %swap3A_707], %swap3A_710 {strides = array<i32>} : memref<2x128xi32, #tpu.memory_space<vmem>>, vector<1x16xi32>,
      %and3A_711 = arith.constant 16383 : i32
      %and3A_712 = vector.broadcast %and3A_711 : i32 to vector<16xi32>
      %and3A_713 = arith.andi %get3A_701, %and3A_712 : vector<16xi32>
      %swap3A_714 = arith.constant 1 : i32
      %swap3A_715 = arith.index_cast %swap3A_714 : i32 to index
      %swap3A_716 = arith.constant 48 : index
      %swap3A_717 = tpu.vector_load %arg9[%swap3A_715, %swap3A_716] {strides = array<i32>} : memref<2x128xi32, #tpu.memory_space<vmem>>, vector<1x16xi32>,
      %swap3A_718 = vector.shape_cast %swap3A_717 : vector<1x16xi32> to vector<16xi32>
      %swap3A_719 = vector.shape_cast %and3A_713 : vector<16xi32> to vector<1x16xi32>
      tpu.vector_store %arg9[%swap3A_715, %swap3A_716], %swap3A_719 {strides = array<i32>} : memref<2x128xi32, #tpu.memory_space<vmem>>, vector<1x16xi32>,
      %get3A_720 = arith.index_cast %min3A_631 : i32 to index
      %get3A_721 = arith.constant 64 : index
      %get3A_722 = tpu.vector_load %arg5[%get3A_720, %get3A_721] {strides = array<i32>} : memref<80x128xi32, #tpu.memory_space<vmem>>, vector<1x16xi32>,
      %get3A_723 = vector.shape_cast %get3A_722 : vector<1x16xi32> to vector<16xi32>
      %shift_right_logical3A_724 = arith.constant 14 : i32
      %shift_right_logical3A_725 = vector.broadcast %shift_right_logical3A_724 : i32 to vector<16xi32>
      %shift_right_logical3A_726 = arith.shrui %get3A_723, %shift_right_logical3A_725 : vector<16xi32>
      %swap3A_727 = arith.constant 0 : i32
      %swap3A_728 = arith.index_cast %swap3A_727 : i32 to index
      %swap3A_729 = arith.constant 64 : index
      %swap3A_730 = tpu.vector_load %arg9[%swap3A_728, %swap3A_729] {strides = array<i32>} : memref<2x128xi32, #tpu.memory_space<vmem>>, vector<1x16xi32>,
      %swap3A_731 = vector.shape_cast %swap3A_730 : vector<1x16xi32> to vector<16xi32>
      %swap3A_732 = vector.shape_cast %shift_right_logical3A_726 : vector<16xi32> to vector<1x16xi32>
      tpu.vector_store %arg9[%swap3A_728, %swap3A_729], %swap3A_732 {strides = array<i32>} : memref<2x128xi32, #tpu.memory_space<vmem>>, vector<1x16xi32>,
      %and3A_733 = arith.constant 16383 : i32
      %and3A_734 = vector.broadcast %and3A_733 : i32 to vector<16xi32>
      %and3A_735 = arith.andi %get3A_723, %and3A_734 : vector<16xi32>
      %swap3A_736 = arith.constant 1 : i32
      %swap3A_737 = arith.index_cast %swap3A_736 : i32 to index
      %swap3A_738 = arith.constant 64 : index
      %swap3A_739 = tpu.vector_load %arg9[%swap3A_737, %swap3A_738] {strides = array<i32>} : memref<2x128xi32, #tpu.memory_space<vmem>>, vector<1x16xi32>,
      %swap3A_740 = vector.shape_cast %swap3A_739 : vector<1x16xi32> to vector<16xi32>
      %swap3A_741 = vector.shape_cast %and3A_735 : vector<16xi32> to vector<1x16xi32>
      tpu.vector_store %arg9[%swap3A_737, %swap3A_738], %swap3A_741 {strides = array<i32>} : memref<2x128xi32, #tpu.memory_space<vmem>>, vector<1x16xi32>,
      %get3A_742 = arith.index_cast %min3A_631 : i32 to index
      %get3A_743 = arith.constant 80 : index
      %get3A_744 = tpu.vector_load %arg5[%get3A_742, %get3A_743] {strides = array<i32>} : memref<80x128xi32, #tpu.memory_space<vmem>>, vector<1x16xi32>,
      %get3A_745 = vector.shape_cast %get3A_744 : vector<1x16xi32> to vector<16xi32>
      %shift_right_logical3A_746 = arith.constant 14 : i32
      %shift_right_logical3A_747 = vector.broadcast %shift_right_logical3A_746 : i32 to vector<16xi32>
      %shift_right_logical3A_748 = arith.shrui %get3A_745, %shift_right_logical3A_747 : vector<16xi32>
      %swap3A_749 = arith.constant 0 : i32
      %swap3A_750 = arith.index_cast %swap3A_749 : i32 to index
      %swap3A_751 = arith.constant 80 : index
      %swap3A_752 = tpu.vector_load %arg9[%swap3A_750, %swap3A_751] {strides = array<i32>} : memref<2x128xi32, #tpu.memory_space<vmem>>, vector<1x16xi32>,
      %swap3A_753 = vector.shape_cast %swap3A_752 : vector<1x16xi32> to vector<16xi32>
      %swap3A_754 = vector.shape_cast %shift_right_logical3A_748 : vector<16xi32> to vector<1x16xi32>
      tpu.vector_store %arg9[%swap3A_750, %swap3A_751], %swap3A_754 {strides = array<i32>} : memref<2x128xi32, #tpu.memory_space<vmem>>, vector<1x16xi32>,
      %and3A_755 = arith.constant 16383 : i32
      %and3A_756 = vector.broadcast %and3A_755 : i32 to vector<16xi32>
      %and3A_757 = arith.andi %get3A_745, %and3A_756 : vector<16xi32>
      %swap3A_758 = arith.constant 1 : i32
      %swap3A_759 = arith.index_cast %swap3A_758 : i32 to index
      %swap3A_760 = arith.constant 80 : index
      %swap3A_761 = tpu.vector_load %arg9[%swap3A_759, %swap3A_760] {strides = array<i32>} : memref<2x128xi32, #tpu.memory_space<vmem>>, vector<1x16xi32>,
      %swap3A_762 = vector.shape_cast %swap3A_761 : vector<1x16xi32> to vector<16xi32>
      %swap3A_763 = vector.shape_cast %and3A_757 : vector<16xi32> to vector<1x16xi32>
      tpu.vector_store %arg9[%swap3A_759, %swap3A_760], %swap3A_763 {strides = array<i32>} : memref<2x128xi32, #tpu.memory_space<vmem>>, vector<1x16xi32>,
      %get3A_764 = arith.index_cast %min3A_631 : i32 to index
      %get3A_765 = arith.constant 96 : index
      %get3A_766 = tpu.vector_load %arg5[%get3A_764, %get3A_765] {strides = array<i32>} : memref<80x128xi32, #tpu.memory_space<vmem>>, vector<1x16xi32>,
      %get3A_767 = vector.shape_cast %get3A_766 : vector<1x16xi32> to vector<16xi32>
      %shift_right_logical3A_768 = arith.constant 14 : i32
      %shift_right_logical3A_769 = vector.broadcast %shift_right_logical3A_768 : i32 to vector<16xi32>
      %shift_right_logical3A_770 = arith.shrui %get3A_767, %shift_right_logical3A_769 : vector<16xi32>
      %swap3A_771 = arith.constant 0 : i32
      %swap3A_772 = arith.index_cast %swap3A_771 : i32 to index
      %swap3A_773 = arith.constant 96 : index
      %swap3A_774 = tpu.vector_load %arg9[%swap3A_772, %swap3A_773] {strides = array<i32>} : memref<2x128xi32, #tpu.memory_space<vmem>>, vector<1x16xi32>,
      %swap3A_775 = vector.shape_cast %swap3A_774 : vector<1x16xi32> to vector<16xi32>
      %swap3A_776 = vector.shape_cast %shift_right_logical3A_770 : vector<16xi32> to vector<1x16xi32>
      tpu.vector_store %arg9[%swap3A_772, %swap3A_773], %swap3A_776 {strides = array<i32>} : memref<2x128xi32, #tpu.memory_space<vmem>>, vector<1x16xi32>,
      %and3A_777 = arith.constant 16383 : i32
      %and3A_778 = vector.broadcast %and3A_777 : i32 to vector<16xi32>
      %and3A_779 = arith.andi %get3A_767, %and3A_778 : vector<16xi32>
      %swap3A_780 = arith.constant 1 : i32
      %swap3A_781 = arith.index_cast %swap3A_780 : i32 to index
      %swap3A_782 = arith.constant 96 : index
      %swap3A_783 = tpu.vector_load %arg9[%swap3A_781, %swap3A_782] {strides = array<i32>} : memref<2x128xi32, #tpu.memory_space<vmem>>, vector<1x16xi32>,
      %swap3A_784 = vector.shape_cast %swap3A_783 : vector<1x16xi32> to vector<16xi32>
      %swap3A_785 = vector.shape_cast %and3A_779 : vector<16xi32> to vector<1x16xi32>
      tpu.vector_store %arg9[%swap3A_781, %swap3A_782], %swap3A_785 {strides = array<i32>} : memref<2x128xi32, #tpu.memory_space<vmem>>, vector<1x16xi32>,
      %get3A_786 = arith.index_cast %min3A_631 : i32 to index
      %get3A_787 = arith.constant 112 : index
      %get3A_788 = tpu.vector_load %arg5[%get3A_786, %get3A_787] {strides = array<i32>} : memref<80x128xi32, #tpu.memory_space<vmem>>, vector<1x16xi32>,
      %get3A_789 = vector.shape_cast %get3A_788 : vector<1x16xi32> to vector<16xi32>
      %shift_right_logical3A_790 = arith.constant 14 : i32
      %shift_right_logical3A_791 = vector.broadcast %shift_right_logical3A_790 : i32 to vector<16xi32>
      %shift_right_logical3A_792 = arith.shrui %get3A_789, %shift_right_logical3A_791 : vector<16xi32>
      %swap3A_793 = arith.constant 0 : i32
      %swap3A_794 = arith.index_cast %swap3A_793 : i32 to index
      %swap3A_795 = arith.constant 112 : index
      %swap3A_796 = tpu.vector_load %arg9[%swap3A_794, %swap3A_795] {strides = array<i32>} : memref<2x128xi32, #tpu.memory_space<vmem>>, vector<1x16xi32>,
      %swap3A_797 = vector.shape_cast %swap3A_796 : vector<1x16xi32> to vector<16xi32>
      %swap3A_798 = vector.shape_cast %shift_right_logical3A_792 : vector<16xi32> to vector<1x16xi32>
      tpu.vector_store %arg9[%swap3A_794, %swap3A_795], %swap3A_798 {strides = array<i32>} : memref<2x128xi32, #tpu.memory_space<vmem>>, vector<1x16xi32>,
      %and3A_799 = arith.constant 16383 : i32
      %and3A_800 = vector.broadcast %and3A_799 : i32 to vector<16xi32>
      %and3A_801 = arith.andi %get3A_789, %and3A_800 : vector<16xi32>
      %swap3A_802 = arith.constant 1 : i32
      %swap3A_803 = arith.index_cast %swap3A_802 : i32 to index
      %swap3A_804 = arith.constant 112 : index
      %swap3A_805 = tpu.vector_load %arg9[%swap3A_803, %swap3A_804] {strides = array<i32>} : memref<2x128xi32, #tpu.memory_space<vmem>>, vector<1x16xi32>,
      %swap3A_806 = vector.shape_cast %swap3A_805 : vector<1x16xi32> to vector<16xi32>
      %swap3A_807 = vector.shape_cast %and3A_801 : vector<16xi32> to vector<1x16xi32>
      tpu.vector_store %arg9[%swap3A_803, %swap3A_804], %swap3A_807 {strides = array<i32>} : memref<2x128xi32, #tpu.memory_space<vmem>>, vector<1x16xi32>,
      %dma_start3A_808 = arith.constant 1 : i32
      %dma_start3A_809 = arith.constant 0 : i32
      %dma_start3A_810 = tpu.memref_slice %arg9[%dma_start3A_808, %dma_start3A_809] : memref<2x128xi32, #tpu.memory_space<vmem>> -> memref<1x128xi32, #tpu.memory_space<vmem>>
      %dma_start3A_811 = tpu.memref_squeeze %dma_start3A_810 : memref<1x128xi32, #tpu.memory_space<vmem>> -> memref<128xi32, #tpu.memory_space<vmem>>
      %dma_start3A_812 = arith.constant 0 : i32
      %dma_start3A_813 = arith.constant 0 : i32
      %dma_start3A_814 = tpu.memref_slice %arg2[%dma_start3A_812, %dma_start3A_813] : memref<10000x64xf32, #tpu.memory_space<hbm>> -> memref<10000x64xf32, #tpu.memory_space<hbm>>
      tpu.enqueue_indirect_dma source(%dma_start3A_814 : memref<10000x64xf32, #tpu.memory_space<hbm>>) target(%arg13 : memref<128x64xf32, #tpu.memory_space<vmem>>) offsets(%dma_start3A_811 : memref<128xi32, #tpu.memory_space<vmem>>) semaphore(%arg18 : memref<!tpu.dma_semaphore, #tpu.memory_space<semaphore_mem>>)
      %dma_wait3A_815 = arith.constant 0 : i32
      %dma_wait3A_816 = arith.constant 0 : i32
      %dma_wait3A_817 = tpu.memref_slice %arg2[%dma_wait3A_815, %dma_wait3A_816] : memref<10000x64xf32, #tpu.memory_space<hbm>> -> memref<128x64xf32, #tpu.memory_space<hbm>>
      %dma_wait3A_818 = arith.constant 0 : i32
      %dma_wait3A_819 = arith.constant 0 : i32
      %dma_wait3A_820 = tpu.memref_slice %arg2[%dma_wait3A_818, %dma_wait3A_819] : memref<10000x64xf32, #tpu.memory_space<hbm>> -> memref<128x64xf32, #tpu.memory_space<hbm>>
      tpu.wait_dma2 semaphore(%arg15 : memref<!tpu.dma_semaphore, #tpu.memory_space<semaphore_mem>>) src(%dma_wait3A_820 : memref<128x64xf32, #tpu.memory_space<hbm>>) dst(%arg10 : memref<128x64xf32, #tpu.memory_space<vmem>>)
      %run_scoped3A = arith.constant 0 : i32
      "tpu.region"() ({
        %run_scoped3A_1415 = tpu.sem_alloc : memref<!tpu.dma_semaphore, #tpu.memory_space<semaphore_mem>>
        %dma_start3A_1416 = arith.constant 0 : i32
        %dma_start3A_1417 = tpu.memref_slice %arg6[%run_scoped3A, %dma_start3A_1416] : memref<2x128xi32, #tpu.memory_space<vmem>> -> memref<1x128xi32, #tpu.memory_space<vmem>>
        %dma_start3A_1418 = tpu.memref_squeeze %dma_start3A_1417 : memref<1x128xi32, #tpu.memory_space<vmem>> -> memref<128xi32, #tpu.memory_space<vmem>>
        %dma_start3A_1419 = arith.constant 0 : i32
        %dma_start3A_1420 = arith.constant 0 : i32
        %dma_start3A_1421 = tpu.memref_slice %arg14[%dma_start3A_1419, %dma_start3A_1420] : memref<10240x64xf32, #tpu.memory_space<vmem_shared>> -> memref<10240x64xf32, #tpu.memory_space<vmem_shared>>
        tpu.enqueue_indirect_dma source(%arg10 : memref<128x64xf32, #tpu.memory_space<vmem>>) target(%dma_start3A_1421 : memref<10240x64xf32, #tpu.memory_space<vmem_shared>>) offsets(%dma_start3A_1418 : memref<128xi32, #tpu.memory_space<vmem>>) semaphore(%run_scoped3A_1415 : memref<!tpu.dma_semaphore, #tpu.memory_space<semaphore_mem>>) {add = true}
        %dma_wait3A_1422 = arith.constant 0 : i32
        %dma_wait3A_1423 = tpu.memref_slice %arg6[%run_scoped3A, %dma_wait3A_1422] : memref<2x128xi32, #tpu.memory_space<vmem>> -> memref<1x128xi32, #tpu.memory_space<vmem>>
        %dma_wait3A_1424 = tpu.memref_squeeze %dma_wait3A_1423 : memref<1x128xi32, #tpu.memory_space<vmem>> -> memref<128xi32, #tpu.memory_space<vmem>>
        %dma_wait3A_1425 = arith.constant 0 : i32
        %dma_wait3A_1426 = arith.constant 0 : i32
        %dma_wait3A_1427 = tpu.memref_slice %arg14[%dma_wait3A_1425, %dma_wait3A_1426] : memref<10240x64xf32, #tpu.memory_space<vmem_shared>> -> memref<10240x64xf32, #tpu.memory_space<vmem_shared>>
        tpu.wait_indirect_dma semaphore(%run_scoped3A_1415 : memref<!tpu.dma_semaphore, #tpu.memory_space<semaphore_mem>>) src(%arg10 : memref<128x64xf32, #tpu.memory_space<vmem>>) dst(%dma_wait3A_1427 : memref<10240x64xf32, #tpu.memory_space<vmem_shared>>)
        tpu.yield
      }) : () -> ()
      %add3A_821 = arith.constant 1 : i32
      %add3A_822 = arith.addi %mul3A_625, %add3A_821 : i32
      %add3A_823 = arith.constant 4 : i32
      %add3A_824 = arith.addi %add3A_822, %add3A_823 : i32
      %sub3A_825 = arith.constant 1 : i32
      %sub3A_826 = arith.subi %add3A_824, %sub3A_825 : i32
      %min3A_827 = arith.constant 79 : i32
      %min3A_828 = arith.minsi %sub3A_826, %min3A_827 : i32
      %get3A_829 = arith.index_cast %min3A_828 : i32 to index
      %get3A_830 = arith.constant 0 : index
      %get3A_831 = tpu.vector_load %arg5[%get3A_829, %get3A_830] {strides = array<i32>} : memref<80x128xi32, #tpu.memory_space<vmem>>, vector<1x16xi32>,
      %get3A_832 = vector.shape_cast %get3A_831 : vector<1x16xi32> to vector<16xi32>
      %shift_right_logical3A_833 = arith.constant 14 : i32
      %shift_right_logical3A_834 = vector.broadcast %shift_right_logical3A_833 : i32 to vector<16xi32>
      %shift_right_logical3A_835 = arith.shrui %get3A_832, %shift_right_logical3A_834 : vector<16xi32>
      %swap3A_836 = arith.constant 0 : i32
      %swap3A_837 = arith.index_cast %swap3A_836 : i32 to index
      %swap3A_838 = arith.constant 0 : index
      %swap3A_839 = tpu.vector_load %arg6[%swap3A_837, %swap3A_838] {strides = array<i32>} : memref<2x128xi32, #tpu.memory_space<vmem>>, vector<1x16xi32>,
      %swap3A_840 = vector.shape_cast %swap3A_839 : vector<1x16xi32> to vector<16xi32>
      %swap3A_841 = vector.shape_cast %shift_right_logical3A_835 : vector<16xi32> to vector<1x16xi32>
      tpu.vector_store %arg6[%swap3A_837, %swap3A_838], %swap3A_841 {strides = array<i32>} : memref<2x128xi32, #tpu.memory_space<vmem>>, vector<1x16xi32>,
      %and3A_842 = arith.constant 16383 : i32
      %and3A_843 = vector.broadcast %and3A_842 : i32 to vector<16xi32>
      %and3A_844 = arith.andi %get3A_832, %and3A_843 : vector<16xi32>
      %swap3A_845 = arith.constant 1 : i32
      %swap3A_846 = arith.index_cast %swap3A_845 : i32 to index
      %swap3A_847 = arith.constant 0 : index
      %swap3A_848 = tpu.vector_load %arg6[%swap3A_846, %swap3A_847] {strides = array<i32>} : memref<2x128xi32, #tpu.memory_space<vmem>>, vector<1x16xi32>,
      %swap3A_849 = vector.shape_cast %swap3A_848 : vector<1x16xi32> to vector<16xi32>
      %swap3A_850 = vector.shape_cast %and3A_844 : vector<16xi32> to vector<1x16xi32>
      tpu.vector_store %arg6[%swap3A_846, %swap3A_847], %swap3A_850 {strides = array<i32>} : memref<2x128xi32, #tpu.memory_space<vmem>>, vector<1x16xi32>,
      %get3A_851 = arith.index_cast %min3A_828 : i32 to index
      %get3A_852 = arith.constant 16 : index
      %get3A_853 = tpu.vector_load %arg5[%get3A_851, %get3A_852] {strides = array<i32>} : memref<80x128xi32, #tpu.memory_space<vmem>>, vector<1x16xi32>,
      %get3A_854 = vector.shape_cast %get3A_853 : vector<1x16xi32> to vector<16xi32>
      %shift_right_logical3A_855 = arith.constant 14 : i32
      %shift_right_logical3A_856 = vector.broadcast %shift_right_logical3A_855 : i32 to vector<16xi32>
      %shift_right_logical3A_857 = arith.shrui %get3A_854, %shift_right_logical3A_856 : vector<16xi32>
      %swap3A_858 = arith.constant 0 : i32
      %swap3A_859 = arith.index_cast %swap3A_858 : i32 to index
      %swap3A_860 = arith.constant 16 : index
      %swap3A_861 = tpu.vector_load %arg6[%swap3A_859, %swap3A_860] {strides = array<i32>} : memref<2x128xi32, #tpu.memory_space<vmem>>, vector<1x16xi32>,
      %swap3A_862 = vector.shape_cast %swap3A_861 : vector<1x16xi32> to vector<16xi32>
      %swap3A_863 = vector.shape_cast %shift_right_logical3A_857 : vector<16xi32> to vector<1x16xi32>
      tpu.vector_store %arg6[%swap3A_859, %swap3A_860], %swap3A_863 {strides = array<i32>} : memref<2x128xi32, #tpu.memory_space<vmem>>, vector<1x16xi32>,
      %and3A_864 = arith.constant 16383 : i32
      %and3A_865 = vector.broadcast %and3A_864 : i32 to vector<16xi32>
      %and3A_866 = arith.andi %get3A_854, %and3A_865 : vector<16xi32>
      %swap3A_867 = arith.constant 1 : i32
      %swap3A_868 = arith.index_cast %swap3A_867 : i32 to index
      %swap3A_869 = arith.constant 16 : index
      %swap3A_870 = tpu.vector_load %arg6[%swap3A_868, %swap3A_869] {strides = array<i32>} : memref<2x128xi32, #tpu.memory_space<vmem>>, vector<1x16xi32>,
      %swap3A_871 = vector.shape_cast %swap3A_870 : vector<1x16xi32> to vector<16xi32>
      %swap3A_872 = vector.shape_cast %and3A_866 : vector<16xi32> to vector<1x16xi32>
      tpu.vector_store %arg6[%swap3A_868, %swap3A_869], %swap3A_872 {strides = array<i32>} : memref<2x128xi32, #tpu.memory_space<vmem>>, vector<1x16xi32>,
      %get3A_873 = arith.index_cast %min3A_828 : i32 to index
      %get3A_874 = arith.constant 32 : index
      %get3A_875 = tpu.vector_load %arg5[%get3A_873, %get3A_874] {strides = array<i32>} : memref<80x128xi32, #tpu.memory_space<vmem>>, vector<1x16xi32>,
      %get3A_876 = vector.shape_cast %get3A_875 : vector<1x16xi32> to vector<16xi32>
      %shift_right_logical3A_877 = arith.constant 14 : i32
      %shift_right_logical3A_878 = vector.broadcast %shift_right_logical3A_877 : i32 to vector<16xi32>
      %shift_right_logical3A_879 = arith.shrui %get3A_876, %shift_right_logical3A_878 : vector<16xi32>
      %swap3A_880 = arith.constant 0 : i32
      %swap3A_881 = arith.index_cast %swap3A_880 : i32 to index
      %swap3A_882 = arith.constant 32 : index
      %swap3A_883 = tpu.vector_load %arg6[%swap3A_881, %swap3A_882] {strides = array<i32>} : memref<2x128xi32, #tpu.memory_space<vmem>>, vector<1x16xi32>,
      %swap3A_884 = vector.shape_cast %swap3A_883 : vector<1x16xi32> to vector<16xi32>
      %swap3A_885 = vector.shape_cast %shift_right_logical3A_879 : vector<16xi32> to vector<1x16xi32>
      tpu.vector_store %arg6[%swap3A_881, %swap3A_882], %swap3A_885 {strides = array<i32>} : memref<2x128xi32, #tpu.memory_space<vmem>>, vector<1x16xi32>,
      %and3A_886 = arith.constant 16383 : i32
      %and3A_887 = vector.broadcast %and3A_886 : i32 to vector<16xi32>
      %and3A_888 = arith.andi %get3A_876, %and3A_887 : vector<16xi32>
      %swap3A_889 = arith.constant 1 : i32
      %swap3A_890 = arith.index_cast %swap3A_889 : i32 to index
      %swap3A_891 = arith.constant 32 : index
      %swap3A_892 = tpu.vector_load %arg6[%swap3A_890, %swap3A_891] {strides = array<i32>} : memref<2x128xi32, #tpu.memory_space<vmem>>, vector<1x16xi32>,
      %swap3A_893 = vector.shape_cast %swap3A_892 : vector<1x16xi32> to vector<16xi32>
      %swap3A_894 = vector.shape_cast %and3A_888 : vector<16xi32> to vector<1x16xi32>
      tpu.vector_store %arg6[%swap3A_890, %swap3A_891], %swap3A_894 {strides = array<i32>} : memref<2x128xi32, #tpu.memory_space<vmem>>, vector<1x16xi32>,
      %get3A_895 = arith.index_cast %min3A_828 : i32 to index
      %get3A_896 = arith.constant 48 : index
      %get3A_897 = tpu.vector_load %arg5[%get3A_895, %get3A_896] {strides = array<i32>} : memref<80x128xi32, #tpu.memory_space<vmem>>, vector<1x16xi32>,
      %get3A_898 = vector.shape_cast %get3A_897 : vector<1x16xi32> to vector<16xi32>
      %shift_right_logical3A_899 = arith.constant 14 : i32
      %shift_right_logical3A_900 = vector.broadcast %shift_right_logical3A_899 : i32 to vector<16xi32>
      %shift_right_logical3A_901 = arith.shrui %get3A_898, %shift_right_logical3A_900 : vector<16xi32>
      %swap3A_902 = arith.constant 0 : i32
      %swap3A_903 = arith.index_cast %swap3A_902 : i32 to index
      %swap3A_904 = arith.constant 48 : index
      %swap3A_905 = tpu.vector_load %arg6[%swap3A_903, %swap3A_904] {strides = array<i32>} : memref<2x128xi32, #tpu.memory_space<vmem>>, vector<1x16xi32>,
      %swap3A_906 = vector.shape_cast %swap3A_905 : vector<1x16xi32> to vector<16xi32>
      %swap3A_907 = vector.shape_cast %shift_right_logical3A_901 : vector<16xi32> to vector<1x16xi32>
      tpu.vector_store %arg6[%swap3A_903, %swap3A_904], %swap3A_907 {strides = array<i32>} : memref<2x128xi32, #tpu.memory_space<vmem>>, vector<1x16xi32>,
      %and3A_908 = arith.constant 16383 : i32
      %and3A_909 = vector.broadcast %and3A_908 : i32 to vector<16xi32>
      %and3A_910 = arith.andi %get3A_898, %and3A_909 : vector<16xi32>
      %swap3A_911 = arith.constant 1 : i32
      %swap3A_912 = arith.index_cast %swap3A_911 : i32 to index
      %swap3A_913 = arith.constant 48 : index
      %swap3A_914 = tpu.vector_load %arg6[%swap3A_912, %swap3A_913] {strides = array<i32>} : memref<2x128xi32, #tpu.memory_space<vmem>>, vector<1x16xi32>,
      %swap3A_915 = vector.shape_cast %swap3A_914 : vector<1x16xi32> to vector<16xi32>
      %swap3A_916 = vector.shape_cast %and3A_910 : vector<16xi32> to vector<1x16xi32>
      tpu.vector_store %arg6[%swap3A_912, %swap3A_913], %swap3A_916 {strides = array<i32>} : memref<2x128xi32, #tpu.memory_space<vmem>>, vector<1x16xi32>,
      %get3A_917 = arith.index_cast %min3A_828 : i32 to index
      %get3A_918 = arith.constant 64 : index
      %get3A_919 = tpu.vector_load %arg5[%get3A_917, %get3A_918] {strides = array<i32>} : memref<80x128xi32, #tpu.memory_space<vmem>>, vector<1x16xi32>,
      %get3A_920 = vector.shape_cast %get3A_919 : vector<1x16xi32> to vector<16xi32>
      %shift_right_logical3A_921 = arith.constant 14 : i32
      %shift_right_logical3A_922 = vector.broadcast %shift_right_logical3A_921 : i32 to vector<16xi32>
      %shift_right_logical3A_923 = arith.shrui %get3A_920, %shift_right_logical3A_922 : vector<16xi32>
      %swap3A_924 = arith.constant 0 : i32
      %swap3A_925 = arith.index_cast %swap3A_924 : i32 to index
      %swap3A_926 = arith.constant 64 : index
      %swap3A_927 = tpu.vector_load %arg6[%swap3A_925, %swap3A_926] {strides = array<i32>} : memref<2x128xi32, #tpu.memory_space<vmem>>, vector<1x16xi32>,
      %swap3A_928 = vector.shape_cast %swap3A_927 : vector<1x16xi32> to vector<16xi32>
      %swap3A_929 = vector.shape_cast %shift_right_logical3A_923 : vector<16xi32> to vector<1x16xi32>
      tpu.vector_store %arg6[%swap3A_925, %swap3A_926], %swap3A_929 {strides = array<i32>} : memref<2x128xi32, #tpu.memory_space<vmem>>, vector<1x16xi32>,
      %and3A_930 = arith.constant 16383 : i32
      %and3A_931 = vector.broadcast %and3A_930 : i32 to vector<16xi32>
      %and3A_932 = arith.andi %get3A_920, %and3A_931 : vector<16xi32>
      %swap3A_933 = arith.constant 1 : i32
      %swap3A_934 = arith.index_cast %swap3A_933 : i32 to index
      %swap3A_935 = arith.constant 64 : index
      %swap3A_936 = tpu.vector_load %arg6[%swap3A_934, %swap3A_935] {strides = array<i32>} : memref<2x128xi32, #tpu.memory_space<vmem>>, vector<1x16xi32>,
      %swap3A_937 = vector.shape_cast %swap3A_936 : vector<1x16xi32> to vector<16xi32>
      %swap3A_938 = vector.shape_cast %and3A_932 : vector<16xi32> to vector<1x16xi32>
      tpu.vector_store %arg6[%swap3A_934, %swap3A_935], %swap3A_938 {strides = array<i32>} : memref<2x128xi32, #tpu.memory_space<vmem>>, vector<1x16xi32>,
      %get3A_939 = arith.index_cast %min3A_828 : i32 to index
      %get3A_940 = arith.constant 80 : index
      %get3A_941 = tpu.vector_load %arg5[%get3A_939, %get3A_940] {strides = array<i32>} : memref<80x128xi32, #tpu.memory_space<vmem>>, vector<1x16xi32>,
      %get3A_942 = vector.shape_cast %get3A_941 : vector<1x16xi32> to vector<16xi32>
      %shift_right_logical3A_943 = arith.constant 14 : i32
      %shift_right_logical3A_944 = vector.broadcast %shift_right_logical3A_943 : i32 to vector<16xi32>
      %shift_right_logical3A_945 = arith.shrui %get3A_942, %shift_right_logical3A_944 : vector<16xi32>
      %swap3A_946 = arith.constant 0 : i32
      %swap3A_947 = arith.index_cast %swap3A_946 : i32 to index
      %swap3A_948 = arith.constant 80 : index
      %swap3A_949 = tpu.vector_load %arg6[%swap3A_947, %swap3A_948] {strides = array<i32>} : memref<2x128xi32, #tpu.memory_space<vmem>>, vector<1x16xi32>,
      %swap3A_950 = vector.shape_cast %swap3A_949 : vector<1x16xi32> to vector<16xi32>
      %swap3A_951 = vector.shape_cast %shift_right_logical3A_945 : vector<16xi32> to vector<1x16xi32>
      tpu.vector_store %arg6[%swap3A_947, %swap3A_948], %swap3A_951 {strides = array<i32>} : memref<2x128xi32, #tpu.memory_space<vmem>>, vector<1x16xi32>,
      %and3A_952 = arith.constant 16383 : i32
      %and3A_953 = vector.broadcast %and3A_952 : i32 to vector<16xi32>
      %and3A_954 = arith.andi %get3A_942, %and3A_953 : vector<16xi32>
      %swap3A_955 = arith.constant 1 : i32
      %swap3A_956 = arith.index_cast %swap3A_955 : i32 to index
      %swap3A_957 = arith.constant 80 : index
      %swap3A_958 = tpu.vector_load %arg6[%swap3A_956, %swap3A_957] {strides = array<i32>} : memref<2x128xi32, #tpu.memory_space<vmem>>, vector<1x16xi32>,
      %swap3A_959 = vector.shape_cast %swap3A_958 : vector<1x16xi32> to vector<16xi32>
      %swap3A_960 = vector.shape_cast %and3A_954 : vector<16xi32> to vector<1x16xi32>
      tpu.vector_store %arg6[%swap3A_956, %swap3A_957], %swap3A_960 {strides = array<i32>} : memref<2x128xi32, #tpu.memory_space<vmem>>, vector<1x16xi32>,
      %get3A_961 = arith.index_cast %min3A_828 : i32 to index
      %get3A_962 = arith.constant 96 : index
      %get3A_963 = tpu.vector_load %arg5[%get3A_961, %get3A_962] {strides = array<i32>} : memref<80x128xi32, #tpu.memory_space<vmem>>, vector<1x16xi32>,
      %get3A_964 = vector.shape_cast %get3A_963 : vector<1x16xi32> to vector<16xi32>
      %shift_right_logical3A_965 = arith.constant 14 : i32
      %shift_right_logical3A_966 = vector.broadcast %shift_right_logical3A_965 : i32 to vector<16xi32>
      %shift_right_logical3A_967 = arith.shrui %get3A_964, %shift_right_logical3A_966 : vector<16xi32>
      %swap3A_968 = arith.constant 0 : i32
      %swap3A_969 = arith.index_cast %swap3A_968 : i32 to index
      %swap3A_970 = arith.constant 96 : index
      %swap3A_971 = tpu.vector_load %arg6[%swap3A_969, %swap3A_970] {strides = array<i32>} : memref<2x128xi32, #tpu.memory_space<vmem>>, vector<1x16xi32>,
      %swap3A_972 = vector.shape_cast %swap3A_971 : vector<1x16xi32> to vector<16xi32>
      %swap3A_973 = vector.shape_cast %shift_right_logical3A_967 : vector<16xi32> to vector<1x16xi32>
      tpu.vector_store %arg6[%swap3A_969, %swap3A_970], %swap3A_973 {strides = array<i32>} : memref<2x128xi32, #tpu.memory_space<vmem>>, vector<1x16xi32>,
      %and3A_974 = arith.constant 16383 : i32
      %and3A_975 = vector.broadcast %and3A_974 : i32 to vector<16xi32>
      %and3A_976 = arith.andi %get3A_964, %and3A_975 : vector<16xi32>
      %swap3A_977 = arith.constant 1 : i32
      %swap3A_978 = arith.index_cast %swap3A_977 : i32 to index
      %swap3A_979 = arith.constant 96 : index
      %swap3A_980 = tpu.vector_load %arg6[%swap3A_978, %swap3A_979] {strides = array<i32>} : memref<2x128xi32, #tpu.memory_space<vmem>>, vector<1x16xi32>,
      %swap3A_981 = vector.shape_cast %swap3A_980 : vector<1x16xi32> to vector<16xi32>
      %swap3A_982 = vector.shape_cast %and3A_976 : vector<16xi32> to vector<1x16xi32>
      tpu.vector_store %arg6[%swap3A_978, %swap3A_979], %swap3A_982 {strides = array<i32>} : memref<2x128xi32, #tpu.memory_space<vmem>>, vector<1x16xi32>,
      %get3A_983 = arith.index_cast %min3A_828 : i32 to index
      %get3A_984 = arith.constant 112 : index
      %get3A_985 = tpu.vector_load %arg5[%get3A_983, %get3A_984] {strides = array<i32>} : memref<80x128xi32, #tpu.memory_space<vmem>>, vector<1x16xi32>,
      %get3A_986 = vector.shape_cast %get3A_985 : vector<1x16xi32> to vector<16xi32>
      %shift_right_logical3A_987 = arith.constant 14 : i32
      %shift_right_logical3A_988 = vector.broadcast %shift_right_logical3A_987 : i32 to vector<16xi32>
      %shift_right_logical3A_989 = arith.shrui %get3A_986, %shift_right_logical3A_988 : vector<16xi32>
      %swap3A_990 = arith.constant 0 : i32
      %swap3A_991 = arith.index_cast %swap3A_990 : i32 to index
      %swap3A_992 = arith.constant 112 : index
      %swap3A_993 = tpu.vector_load %arg6[%swap3A_991, %swap3A_992] {strides = array<i32>} : memref<2x128xi32, #tpu.memory_space<vmem>>, vector<1x16xi32>,
      %swap3A_994 = vector.shape_cast %swap3A_993 : vector<1x16xi32> to vector<16xi32>
      %swap3A_995 = vector.shape_cast %shift_right_logical3A_989 : vector<16xi32> to vector<1x16xi32>
      tpu.vector_store %arg6[%swap3A_991, %swap3A_992], %swap3A_995 {strides = array<i32>} : memref<2x128xi32, #tpu.memory_space<vmem>>, vector<1x16xi32>,
      %and3A_996 = arith.constant 16383 : i32
      %and3A_997 = vector.broadcast %and3A_996 : i32 to vector<16xi32>
      %and3A_998 = arith.andi %get3A_986, %and3A_997 : vector<16xi32>
      %swap3A_999 = arith.constant 1 : i32
      %swap3A_1000 = arith.index_cast %swap3A_999 : i32 to index
      %swap3A_1001 = arith.constant 112 : index
      %swap3A_1002 = tpu.vector_load %arg6[%swap3A_1000, %swap3A_1001] {strides = array<i32>} : memref<2x128xi32, #tpu.memory_space<vmem>>, vector<1x16xi32>,
      %swap3A_1003 = vector.shape_cast %swap3A_1002 : vector<1x16xi32> to vector<16xi32>
      %swap3A_1004 = vector.shape_cast %and3A_998 : vector<16xi32> to vector<1x16xi32>
      tpu.vector_store %arg6[%swap3A_1000, %swap3A_1001], %swap3A_1004 {strides = array<i32>} : memref<2x128xi32, #tpu.memory_space<vmem>>, vector<1x16xi32>,
      %dma_start3A_1005 = arith.constant 1 : i32
      %dma_start3A_1006 = arith.constant 0 : i32
      %dma_start3A_1007 = tpu.memref_slice %arg6[%dma_start3A_1005, %dma_start3A_1006] : memref<2x128xi32, #tpu.memory_space<vmem>> -> memref<1x128xi32, #tpu.memory_space<vmem>>
      %dma_start3A_1008 = tpu.memref_squeeze %dma_start3A_1007 : memref<1x128xi32, #tpu.memory_space<vmem>> -> memref<128xi32, #tpu.memory_space<vmem>>
      %dma_start3A_1009 = arith.constant 0 : i32
      %dma_start3A_1010 = arith.constant 0 : i32
      %dma_start3A_1011 = tpu.memref_slice %arg2[%dma_start3A_1009, %dma_start3A_1010] : memref<10000x64xf32, #tpu.memory_space<hbm>> -> memref<10000x64xf32, #tpu.memory_space<hbm>>
      tpu.enqueue_indirect_dma source(%dma_start3A_1011 : memref<10000x64xf32, #tpu.memory_space<hbm>>) target(%arg10 : memref<128x64xf32, #tpu.memory_space<vmem>>) offsets(%dma_start3A_1008 : memref<128xi32, #tpu.memory_space<vmem>>) semaphore(%arg15 : memref<!tpu.dma_semaphore, #tpu.memory_space<semaphore_mem>>)
      %dma_wait3A_1012 = arith.constant 0 : i32
      %dma_wait3A_1013 = arith.constant 0 : i32
      %dma_wait3A_1014 = tpu.memref_slice %arg2[%dma_wait3A_1012, %dma_wait3A_1013] : memref<10000x64xf32, #tpu.memory_space<hbm>> -> memref<128x64xf32, #tpu.memory_space<hbm>>
      %dma_wait3A_1015 = arith.constant 0 : i32
      %dma_wait3A_1016 = arith.constant 0 : i32
      %dma_wait3A_1017 = tpu.memref_slice %arg2[%dma_wait3A_1015, %dma_wait3A_1016] : memref<10000x64xf32, #tpu.memory_space<hbm>> -> memref<128x64xf32, #tpu.memory_space<hbm>>
      tpu.wait_dma2 semaphore(%arg16 : memref<!tpu.dma_semaphore, #tpu.memory_space<semaphore_mem>>) src(%dma_wait3A_1017 : memref<128x64xf32, #tpu.memory_space<hbm>>) dst(%arg11 : memref<128x64xf32, #tpu.memory_space<vmem>>)
      %run_scoped3A_1018 = arith.constant 0 : i32
      "tpu.region"() ({
        %run_scoped3A_1415 = tpu.sem_alloc : memref<!tpu.dma_semaphore, #tpu.memory_space<semaphore_mem>>
        %dma_start3A_1416 = arith.constant 0 : i32
        %dma_start3A_1417 = tpu.memref_slice %arg7[%run_scoped3A_1018, %dma_start3A_1416] : memref<2x128xi32, #tpu.memory_space<vmem>> -> memref<1x128xi32, #tpu.memory_space<vmem>>
        %dma_start3A_1418 = tpu.memref_squeeze %dma_start3A_1417 : memref<1x128xi32, #tpu.memory_space<vmem>> -> memref<128xi32, #tpu.memory_space<vmem>>
        %dma_start3A_1419 = arith.constant 0 : i32
        %dma_start3A_1420 = arith.constant 0 : i32
        %dma_start3A_1421 = tpu.memref_slice %arg14[%dma_start3A_1419, %dma_start3A_1420] : memref<10240x64xf32, #tpu.memory_space<vmem_shared>> -> memref<10240x64xf32, #tpu.memory_space<vmem_shared>>
        tpu.enqueue_indirect_dma source(%arg11 : memref<128x64xf32, #tpu.memory_space<vmem>>) target(%dma_start3A_1421 : memref<10240x64xf32, #tpu.memory_space<vmem_shared>>) offsets(%dma_start3A_1418 : memref<128xi32, #tpu.memory_space<vmem>>) semaphore(%run_scoped3A_1415 : memref<!tpu.dma_semaphore, #tpu.memory_space<semaphore_mem>>) {add = true}
        %dma_wait3A_1422 = arith.constant 0 : i32
        %dma_wait3A_1423 = tpu.memref_slice %arg7[%run_scoped3A_1018, %dma_wait3A_1422] : memref<2x128xi32, #tpu.memory_space<vmem>> -> memref<1x128xi32, #tpu.memory_space<vmem>>
        %dma_wait3A_1424 = tpu.memref_squeeze %dma_wait3A_1423 : memref<1x128xi32, #tpu.memory_space<vmem>> -> memref<128xi32, #tpu.memory_space<vmem>>
        %dma_wait3A_1425 = arith.constant 0 : i32
        %dma_wait3A_1426 = arith.constant 0 : i32
        %dma_wait3A_1427 = tpu.memref_slice %arg14[%dma_wait3A_1425, %dma_wait3A_1426] : memref<10240x64xf32, #tpu.memory_space<vmem_shared>> -> memref<10240x64xf32, #tpu.memory_space<vmem_shared>>
        tpu.wait_indirect_dma semaphore(%run_scoped3A_1415 : memref<!tpu.dma_semaphore, #tpu.memory_space<semaphore_mem>>) src(%arg11 : memref<128x64xf32, #tpu.memory_space<vmem>>) dst(%dma_wait3A_1427 : memref<10240x64xf32, #tpu.memory_space<vmem_shared>>)
        tpu.yield
      }) : () -> ()
      %add3A_1019 = arith.constant 2 : i32
      %add3A_1020 = arith.addi %mul3A_625, %add3A_1019 : i32
      %add3A_1021 = arith.constant 4 : i32
      %add3A_1022 = arith.addi %add3A_1020, %add3A_1021 : i32
      %sub3A_1023 = arith.constant 1 : i32
      %sub3A_1024 = arith.subi %add3A_1022, %sub3A_1023 : i32
      %min3A_1025 = arith.constant 79 : i32
      %min3A_1026 = arith.minsi %sub3A_1024, %min3A_1025 : i32
      %get3A_1027 = arith.index_cast %min3A_1026 : i32 to index
      %get3A_1028 = arith.constant 0 : index
      %get3A_1029 = tpu.vector_load %arg5[%get3A_1027, %get3A_1028] {strides = array<i32>} : memref<80x128xi32, #tpu.memory_space<vmem>>, vector<1x16xi32>,
      %get3A_1030 = vector.shape_cast %get3A_1029 : vector<1x16xi32> to vector<16xi32>
      %shift_right_logical3A_1031 = arith.constant 14 : i32
      %shift_right_logical3A_1032 = vector.broadcast %shift_right_logical3A_1031 : i32 to vector<16xi32>
      %shift_right_logical3A_1033 = arith.shrui %get3A_1030, %shift_right_logical3A_1032 : vector<16xi32>
      %swap3A_1034 = arith.constant 0 : i32
      %swap3A_1035 = arith.index_cast %swap3A_1034 : i32 to index
      %swap3A_1036 = arith.constant 0 : index
      %swap3A_1037 = tpu.vector_load %arg7[%swap3A_1035, %swap3A_1036] {strides = array<i32>} : memref<2x128xi32, #tpu.memory_space<vmem>>, vector<1x16xi32>,
      %swap3A_1038 = vector.shape_cast %swap3A_1037 : vector<1x16xi32> to vector<16xi32>
      %swap3A_1039 = vector.shape_cast %shift_right_logical3A_1033 : vector<16xi32> to vector<1x16xi32>
      tpu.vector_store %arg7[%swap3A_1035, %swap3A_1036], %swap3A_1039 {strides = array<i32>} : memref<2x128xi32, #tpu.memory_space<vmem>>, vector<1x16xi32>,
      %and3A_1040 = arith.constant 16383 : i32
      %and3A_1041 = vector.broadcast %and3A_1040 : i32 to vector<16xi32>
      %and3A_1042 = arith.andi %get3A_1030, %and3A_1041 : vector<16xi32>
      %swap3A_1043 = arith.constant 1 : i32
      %swap3A_1044 = arith.index_cast %swap3A_1043 : i32 to index
      %swap3A_1045 = arith.constant 0 : index
      %swap3A_1046 = tpu.vector_load %arg7[%swap3A_1044, %swap3A_1045] {strides = array<i32>} : memref<2x128xi32, #tpu.memory_space<vmem>>, vector<1x16xi32>,
      %swap3A_1047 = vector.shape_cast %swap3A_1046 : vector<1x16xi32> to vector<16xi32>
      %swap3A_1048 = vector.shape_cast %and3A_1042 : vector<16xi32> to vector<1x16xi32>
      tpu.vector_store %arg7[%swap3A_1044, %swap3A_1045], %swap3A_1048 {strides = array<i32>} : memref<2x128xi32, #tpu.memory_space<vmem>>, vector<1x16xi32>,
      %get3A_1049 = arith.index_cast %min3A_1026 : i32 to index
      %get3A_1050 = arith.constant 16 : index
      %get3A_1051 = tpu.vector_load %arg5[%get3A_1049, %get3A_1050] {strides = array<i32>} : memref<80x128xi32, #tpu.memory_space<vmem>>, vector<1x16xi32>,
      %get3A_1052 = vector.shape_cast %get3A_1051 : vector<1x16xi32> to vector<16xi32>
      %shift_right_logical3A_1053 = arith.constant 14 : i32
      %shift_right_logical3A_1054 = vector.broadcast %shift_right_logical3A_1053 : i32 to vector<16xi32>
      %shift_right_logical3A_1055 = arith.shrui %get3A_1052, %shift_right_logical3A_1054 : vector<16xi32>
      %swap3A_1056 = arith.constant 0 : i32
      %swap3A_1057 = arith.index_cast %swap3A_1056 : i32 to index
      %swap3A_1058 = arith.constant 16 : index
      %swap3A_1059 = tpu.vector_load %arg7[%swap3A_1057, %swap3A_1058] {strides = array<i32>} : memref<2x128xi32, #tpu.memory_space<vmem>>, vector<1x16xi32>,
      %swap3A_1060 = vector.shape_cast %swap3A_1059 : vector<1x16xi32> to vector<16xi32>
      %swap3A_1061 = vector.shape_cast %shift_right_logical3A_1055 : vector<16xi32> to vector<1x16xi32>
      tpu.vector_store %arg7[%swap3A_1057, %swap3A_1058], %swap3A_1061 {strides = array<i32>} : memref<2x128xi32, #tpu.memory_space<vmem>>, vector<1x16xi32>,
      %and3A_1062 = arith.constant 16383 : i32
      %and3A_1063 = vector.broadcast %and3A_1062 : i32 to vector<16xi32>
      %and3A_1064 = arith.andi %get3A_1052, %and3A_1063 : vector<16xi32>
      %swap3A_1065 = arith.constant 1 : i32
      %swap3A_1066 = arith.index_cast %swap3A_1065 : i32 to index
      %swap3A_1067 = arith.constant 16 : index
      %swap3A_1068 = tpu.vector_load %arg7[%swap3A_1066, %swap3A_1067] {strides = array<i32>} : memref<2x128xi32, #tpu.memory_space<vmem>>, vector<1x16xi32>,
      %swap3A_1069 = vector.shape_cast %swap3A_1068 : vector<1x16xi32> to vector<16xi32>
      %swap3A_1070 = vector.shape_cast %and3A_1064 : vector<16xi32> to vector<1x16xi32>
      tpu.vector_store %arg7[%swap3A_1066, %swap3A_1067], %swap3A_1070 {strides = array<i32>} : memref<2x128xi32, #tpu.memory_space<vmem>>, vector<1x16xi32>,
      %get3A_1071 = arith.index_cast %min3A_1026 : i32 to index
      %get3A_1072 = arith.constant 32 : index
      %get3A_1073 = tpu.vector_load %arg5[%get3A_1071, %get3A_1072] {strides = array<i32>} : memref<80x128xi32, #tpu.memory_space<vmem>>, vector<1x16xi32>,
      %get3A_1074 = vector.shape_cast %get3A_1073 : vector<1x16xi32> to vector<16xi32>
      %shift_right_logical3A_1075 = arith.constant 14 : i32
      %shift_right_logical3A_1076 = vector.broadcast %shift_right_logical3A_1075 : i32 to vector<16xi32>
      %shift_right_logical3A_1077 = arith.shrui %get3A_1074, %shift_right_logical3A_1076 : vector<16xi32>
      %swap3A_1078 = arith.constant 0 : i32
      %swap3A_1079 = arith.index_cast %swap3A_1078 : i32 to index
      %swap3A_1080 = arith.constant 32 : index
      %swap3A_1081 = tpu.vector_load %arg7[%swap3A_1079, %swap3A_1080] {strides = array<i32>} : memref<2x128xi32, #tpu.memory_space<vmem>>, vector<1x16xi32>,
      %swap3A_1082 = vector.shape_cast %swap3A_1081 : vector<1x16xi32> to vector<16xi32>
      %swap3A_1083 = vector.shape_cast %shift_right_logical3A_1077 : vector<16xi32> to vector<1x16xi32>
      tpu.vector_store %arg7[%swap3A_1079, %swap3A_1080], %swap3A_1083 {strides = array<i32>} : memref<2x128xi32, #tpu.memory_space<vmem>>, vector<1x16xi32>,
      %and3A_1084 = arith.constant 16383 : i32
      %and3A_1085 = vector.broadcast %and3A_1084 : i32 to vector<16xi32>
      %and3A_1086 = arith.andi %get3A_1074, %and3A_1085 : vector<16xi32>
      %swap3A_1087 = arith.constant 1 : i32
      %swap3A_1088 = arith.index_cast %swap3A_1087 : i32 to index
      %swap3A_1089 = arith.constant 32 : index
      %swap3A_1090 = tpu.vector_load %arg7[%swap3A_1088, %swap3A_1089] {strides = array<i32>} : memref<2x128xi32, #tpu.memory_space<vmem>>, vector<1x16xi32>,
      %swap3A_1091 = vector.shape_cast %swap3A_1090 : vector<1x16xi32> to vector<16xi32>
      %swap3A_1092 = vector.shape_cast %and3A_1086 : vector<16xi32> to vector<1x16xi32>
      tpu.vector_store %arg7[%swap3A_1088, %swap3A_1089], %swap3A_1092 {strides = array<i32>} : memref<2x128xi32, #tpu.memory_space<vmem>>, vector<1x16xi32>,
      %get3A_1093 = arith.index_cast %min3A_1026 : i32 to index
      %get3A_1094 = arith.constant 48 : index
      %get3A_1095 = tpu.vector_load %arg5[%get3A_1093, %get3A_1094] {strides = array<i32>} : memref<80x128xi32, #tpu.memory_space<vmem>>, vector<1x16xi32>,
      %get3A_1096 = vector.shape_cast %get3A_1095 : vector<1x16xi32> to vector<16xi32>
      %shift_right_logical3A_1097 = arith.constant 14 : i32
      %shift_right_logical3A_1098 = vector.broadcast %shift_right_logical3A_1097 : i32 to vector<16xi32>
      %shift_right_logical3A_1099 = arith.shrui %get3A_1096, %shift_right_logical3A_1098 : vector<16xi32>
      %swap3A_1100 = arith.constant 0 : i32
      %swap3A_1101 = arith.index_cast %swap3A_1100 : i32 to index
      %swap3A_1102 = arith.constant 48 : index
      %swap3A_1103 = tpu.vector_load %arg7[%swap3A_1101, %swap3A_1102] {strides = array<i32>} : memref<2x128xi32, #tpu.memory_space<vmem>>, vector<1x16xi32>,
      %swap3A_1104 = vector.shape_cast %swap3A_1103 : vector<1x16xi32> to vector<16xi32>
      %swap3A_1105 = vector.shape_cast %shift_right_logical3A_1099 : vector<16xi32> to vector<1x16xi32>
      tpu.vector_store %arg7[%swap3A_1101, %swap3A_1102], %swap3A_1105 {strides = array<i32>} : memref<2x128xi32, #tpu.memory_space<vmem>>, vector<1x16xi32>,
      %and3A_1106 = arith.constant 16383 : i32
      %and3A_1107 = vector.broadcast %and3A_1106 : i32 to vector<16xi32>
      %and3A_1108 = arith.andi %get3A_1096, %and3A_1107 : vector<16xi32>
      %swap3A_1109 = arith.constant 1 : i32
      %swap3A_1110 = arith.index_cast %swap3A_1109 : i32 to index
      %swap3A_1111 = arith.constant 48 : index
      %swap3A_1112 = tpu.vector_load %arg7[%swap3A_1110, %swap3A_1111] {strides = array<i32>} : memref<2x128xi32, #tpu.memory_space<vmem>>, vector<1x16xi32>,
      %swap3A_1113 = vector.shape_cast %swap3A_1112 : vector<1x16xi32> to vector<16xi32>
      %swap3A_1114 = vector.shape_cast %and3A_1108 : vector<16xi32> to vector<1x16xi32>
      tpu.vector_store %arg7[%swap3A_1110, %swap3A_1111], %swap3A_1114 {strides = array<i32>} : memref<2x128xi32, #tpu.memory_space<vmem>>, vector<1x16xi32>,
      %get3A_1115 = arith.index_cast %min3A_1026 : i32 to index
      %get3A_1116 = arith.constant 64 : index
      %get3A_1117 = tpu.vector_load %arg5[%get3A_1115, %get3A_1116] {strides = array<i32>} : memref<80x128xi32, #tpu.memory_space<vmem>>, vector<1x16xi32>,
      %get3A_1118 = vector.shape_cast %get3A_1117 : vector<1x16xi32> to vector<16xi32>
      %shift_right_logical3A_1119 = arith.constant 14 : i32
      %shift_right_logical3A_1120 = vector.broadcast %shift_right_logical3A_1119 : i32 to vector<16xi32>
      %shift_right_logical3A_1121 = arith.shrui %get3A_1118, %shift_right_logical3A_1120 : vector<16xi32>
      %swap3A_1122 = arith.constant 0 : i32
      %swap3A_1123 = arith.index_cast %swap3A_1122 : i32 to index
      %swap3A_1124 = arith.constant 64 : index
      %swap3A_1125 = tpu.vector_load %arg7[%swap3A_1123, %swap3A_1124] {strides = array<i32>} : memref<2x128xi32, #tpu.memory_space<vmem>>, vector<1x16xi32>,
      %swap3A_1126 = vector.shape_cast %swap3A_1125 : vector<1x16xi32> to vector<16xi32>
      %swap3A_1127 = vector.shape_cast %shift_right_logical3A_1121 : vector<16xi32> to vector<1x16xi32>
      tpu.vector_store %arg7[%swap3A_1123, %swap3A_1124], %swap3A_1127 {strides = array<i32>} : memref<2x128xi32, #tpu.memory_space<vmem>>, vector<1x16xi32>,
      %and3A_1128 = arith.constant 16383 : i32
      %and3A_1129 = vector.broadcast %and3A_1128 : i32 to vector<16xi32>
      %and3A_1130 = arith.andi %get3A_1118, %and3A_1129 : vector<16xi32>
      %swap3A_1131 = arith.constant 1 : i32
      %swap3A_1132 = arith.index_cast %swap3A_1131 : i32 to index
      %swap3A_1133 = arith.constant 64 : index
      %swap3A_1134 = tpu.vector_load %arg7[%swap3A_1132, %swap3A_1133] {strides = array<i32>} : memref<2x128xi32, #tpu.memory_space<vmem>>, vector<1x16xi32>,
      %swap3A_1135 = vector.shape_cast %swap3A_1134 : vector<1x16xi32> to vector<16xi32>
      %swap3A_1136 = vector.shape_cast %and3A_1130 : vector<16xi32> to vector<1x16xi32>
      tpu.vector_store %arg7[%swap3A_1132, %swap3A_1133], %swap3A_1136 {strides = array<i32>} : memref<2x128xi32, #tpu.memory_space<vmem>>, vector<1x16xi32>,
      %get3A_1137 = arith.index_cast %min3A_1026 : i32 to index
      %get3A_1138 = arith.constant 80 : index
      %get3A_1139 = tpu.vector_load %arg5[%get3A_1137, %get3A_1138] {strides = array<i32>} : memref<80x128xi32, #tpu.memory_space<vmem>>, vector<1x16xi32>,
      %get3A_1140 = vector.shape_cast %get3A_1139 : vector<1x16xi32> to vector<16xi32>
      %shift_right_logical3A_1141 = arith.constant 14 : i32
      %shift_right_logical3A_1142 = vector.broadcast %shift_right_logical3A_1141 : i32 to vector<16xi32>
      %shift_right_logical3A_1143 = arith.shrui %get3A_1140, %shift_right_logical3A_1142 : vector<16xi32>
      %swap3A_1144 = arith.constant 0 : i32
      %swap3A_1145 = arith.index_cast %swap3A_1144 : i32 to index
      %swap3A_1146 = arith.constant 80 : index
      %swap3A_1147 = tpu.vector_load %arg7[%swap3A_1145, %swap3A_1146] {strides = array<i32>} : memref<2x128xi32, #tpu.memory_space<vmem>>, vector<1x16xi32>,
      %swap3A_1148 = vector.shape_cast %swap3A_1147 : vector<1x16xi32> to vector<16xi32>
      %swap3A_1149 = vector.shape_cast %shift_right_logical3A_1143 : vector<16xi32> to vector<1x16xi32>
      tpu.vector_store %arg7[%swap3A_1145, %swap3A_1146], %swap3A_1149 {strides = array<i32>} : memref<2x128xi32, #tpu.memory_space<vmem>>, vector<1x16xi32>,
      %and3A_1150 = arith.constant 16383 : i32
      %and3A_1151 = vector.broadcast %and3A_1150 : i32 to vector<16xi32>
      %and3A_1152 = arith.andi %get3A_1140, %and3A_1151 : vector<16xi32>
      %swap3A_1153 = arith.constant 1 : i32
      %swap3A_1154 = arith.index_cast %swap3A_1153 : i32 to index
      %swap3A_1155 = arith.constant 80 : index
      %swap3A_1156 = tpu.vector_load %arg7[%swap3A_1154, %swap3A_1155] {strides = array<i32>} : memref<2x128xi32, #tpu.memory_space<vmem>>, vector<1x16xi32>,
      %swap3A_1157 = vector.shape_cast %swap3A_1156 : vector<1x16xi32> to vector<16xi32>
      %swap3A_1158 = vector.shape_cast %and3A_1152 : vector<16xi32> to vector<1x16xi32>
      tpu.vector_store %arg7[%swap3A_1154, %swap3A_1155], %swap3A_1158 {strides = array<i32>} : memref<2x128xi32, #tpu.memory_space<vmem>>, vector<1x16xi32>,
      %get3A_1159 = arith.index_cast %min3A_1026 : i32 to index
      %get3A_1160 = arith.constant 96 : index
      %get3A_1161 = tpu.vector_load %arg5[%get3A_1159, %get3A_1160] {strides = array<i32>} : memref<80x128xi32, #tpu.memory_space<vmem>>, vector<1x16xi32>,
      %get3A_1162 = vector.shape_cast %get3A_1161 : vector<1x16xi32> to vector<16xi32>
      %shift_right_logical3A_1163 = arith.constant 14 : i32
      %shift_right_logical3A_1164 = vector.broadcast %shift_right_logical3A_1163 : i32 to vector<16xi32>
      %shift_right_logical3A_1165 = arith.shrui %get3A_1162, %shift_right_logical3A_1164 : vector<16xi32>
      %swap3A_1166 = arith.constant 0 : i32
      %swap3A_1167 = arith.index_cast %swap3A_1166 : i32 to index
      %swap3A_1168 = arith.constant 96 : index
      %swap3A_1169 = tpu.vector_load %arg7[%swap3A_1167, %swap3A_1168] {strides = array<i32>} : memref<2x128xi32, #tpu.memory_space<vmem>>, vector<1x16xi32>,
      %swap3A_1170 = vector.shape_cast %swap3A_1169 : vector<1x16xi32> to vector<16xi32>
      %swap3A_1171 = vector.shape_cast %shift_right_logical3A_1165 : vector<16xi32> to vector<1x16xi32>
      tpu.vector_store %arg7[%swap3A_1167, %swap3A_1168], %swap3A_1171 {strides = array<i32>} : memref<2x128xi32, #tpu.memory_space<vmem>>, vector<1x16xi32>,
      %and3A_1172 = arith.constant 16383 : i32
      %and3A_1173 = vector.broadcast %and3A_1172 : i32 to vector<16xi32>
      %and3A_1174 = arith.andi %get3A_1162, %and3A_1173 : vector<16xi32>
      %swap3A_1175 = arith.constant 1 : i32
      %swap3A_1176 = arith.index_cast %swap3A_1175 : i32 to index
      %swap3A_1177 = arith.constant 96 : index
      %swap3A_1178 = tpu.vector_load %arg7[%swap3A_1176, %swap3A_1177] {strides = array<i32>} : memref<2x128xi32, #tpu.memory_space<vmem>>, vector<1x16xi32>,
      %swap3A_1179 = vector.shape_cast %swap3A_1178 : vector<1x16xi32> to vector<16xi32>
      %swap3A_1180 = vector.shape_cast %and3A_1174 : vector<16xi32> to vector<1x16xi32>
      tpu.vector_store %arg7[%swap3A_1176, %swap3A_1177], %swap3A_1180 {strides = array<i32>} : memref<2x128xi32, #tpu.memory_space<vmem>>, vector<1x16xi32>,
      %get3A_1181 = arith.index_cast %min3A_1026 : i32 to index
      %get3A_1182 = arith.constant 112 : index
      %get3A_1183 = tpu.vector_load %arg5[%get3A_1181, %get3A_1182] {strides = array<i32>} : memref<80x128xi32, #tpu.memory_space<vmem>>, vector<1x16xi32>,
      %get3A_1184 = vector.shape_cast %get3A_1183 : vector<1x16xi32> to vector<16xi32>
      %shift_right_logical3A_1185 = arith.constant 14 : i32
      %shift_right_logical3A_1186 = vector.broadcast %shift_right_logical3A_1185 : i32 to vector<16xi32>
      %shift_right_logical3A_1187 = arith.shrui %get3A_1184, %shift_right_logical3A_1186 : vector<16xi32>
      %swap3A_1188 = arith.constant 0 : i32
      %swap3A_1189 = arith.index_cast %swap3A_1188 : i32 to index
      %swap3A_1190 = arith.constant 112 : index
      %swap3A_1191 = tpu.vector_load %arg7[%swap3A_1189, %swap3A_1190] {strides = array<i32>} : memref<2x128xi32, #tpu.memory_space<vmem>>, vector<1x16xi32>,
      %swap3A_1192 = vector.shape_cast %swap3A_1191 : vector<1x16xi32> to vector<16xi32>
      %swap3A_1193 = vector.shape_cast %shift_right_logical3A_1187 : vector<16xi32> to vector<1x16xi32>
      tpu.vector_store %arg7[%swap3A_1189, %swap3A_1190], %swap3A_1193 {strides = array<i32>} : memref<2x128xi32, #tpu.memory_space<vmem>>, vector<1x16xi32>,
      %and3A_1194 = arith.constant 16383 : i32
      %and3A_1195 = vector.broadcast %and3A_1194 : i32 to vector<16xi32>
      %and3A_1196 = arith.andi %get3A_1184, %and3A_1195 : vector<16xi32>
      %swap3A_1197 = arith.constant 1 : i32
      %swap3A_1198 = arith.index_cast %swap3A_1197 : i32 to index
      %swap3A_1199 = arith.constant 112 : index
      %swap3A_1200 = tpu.vector_load %arg7[%swap3A_1198, %swap3A_1199] {strides = array<i32>} : memref<2x128xi32, #tpu.memory_space<vmem>>, vector<1x16xi32>,
      %swap3A_1201 = vector.shape_cast %swap3A_1200 : vector<1x16xi32> to vector<16xi32>
      %swap3A_1202 = vector.shape_cast %and3A_1196 : vector<16xi32> to vector<1x16xi32>
      tpu.vector_store %arg7[%swap3A_1198, %swap3A_1199], %swap3A_1202 {strides = array<i32>} : memref<2x128xi32, #tpu.memory_space<vmem>>, vector<1x16xi32>,
      %dma_start3A_1203 = arith.constant 1 : i32
      %dma_start3A_1204 = arith.constant 0 : i32
      %dma_start3A_1205 = tpu.memref_slice %arg7[%dma_start3A_1203, %dma_start3A_1204] : memref<2x128xi32, #tpu.memory_space<vmem>> -> memref<1x128xi32, #tpu.memory_space<vmem>>
      %dma_start3A_1206 = tpu.memref_squeeze %dma_start3A_1205 : memref<1x128xi32, #tpu.memory_space<vmem>> -> memref<128xi32, #tpu.memory_space<vmem>>
      %dma_start3A_1207 = arith.constant 0 : i32
      %dma_start3A_1208 = arith.constant 0 : i32
      %dma_start3A_1209 = tpu.memref_slice %arg2[%dma_start3A_1207, %dma_start3A_1208] : memref<10000x64xf32, #tpu.memory_space<hbm>> -> memref<10000x64xf32, #tpu.memory_space<hbm>>
      tpu.enqueue_indirect_dma source(%dma_start3A_1209 : memref<10000x64xf32, #tpu.memory_space<hbm>>) target(%arg11 : memref<128x64xf32, #tpu.memory_space<vmem>>) offsets(%dma_start3A_1206 : memref<128xi32, #tpu.memory_space<vmem>>) semaphore(%arg16 : memref<!tpu.dma_semaphore, #tpu.memory_space<semaphore_mem>>)
      %dma_wait3A_1210 = arith.constant 0 : i32
      %dma_wait3A_1211 = arith.constant 0 : i32
      %dma_wait3A_1212 = tpu.memref_slice %arg2[%dma_wait3A_1210, %dma_wait3A_1211] : memref<10000x64xf32, #tpu.memory_space<hbm>> -> memref<128x64xf32, #tpu.memory_space<hbm>>
      %dma_wait3A_1213 = arith.constant 0 : i32
      %dma_wait3A_1214 = arith.constant 0 : i32
      %dma_wait3A_1215 = tpu.memref_slice %arg2[%dma_wait3A_1213, %dma_wait3A_1214] : memref<10000x64xf32, #tpu.memory_space<hbm>> -> memref<128x64xf32, #tpu.memory_space<hbm>>
      tpu.wait_dma2 semaphore(%arg17 : memref<!tpu.dma_semaphore, #tpu.memory_space<semaphore_mem>>) src(%dma_wait3A_1215 : memref<128x64xf32, #tpu.memory_space<hbm>>) dst(%arg12 : memref<128x64xf32, #tpu.memory_space<vmem>>)
      %run_scoped3A_1216 = arith.constant 0 : i32
      "tpu.region"() ({
        %run_scoped3A_1415 = tpu.sem_alloc : memref<!tpu.dma_semaphore, #tpu.memory_space<semaphore_mem>>
        %dma_start3A_1416 = arith.constant 0 : i32
        %dma_start3A_1417 = tpu.memref_slice %arg8[%run_scoped3A_1216, %dma_start3A_1416] : memref<2x128xi32, #tpu.memory_space<vmem>> -> memref<1x128xi32, #tpu.memory_space<vmem>>
        %dma_start3A_1418 = tpu.memref_squeeze %dma_start3A_1417 : memref<1x128xi32, #tpu.memory_space<vmem>> -> memref<128xi32, #tpu.memory_space<vmem>>
        %dma_start3A_1419 = arith.constant 0 : i32
        %dma_start3A_1420 = arith.constant 0 : i32
        %dma_start3A_1421 = tpu.memref_slice %arg14[%dma_start3A_1419, %dma_start3A_1420] : memref<10240x64xf32, #tpu.memory_space<vmem_shared>> -> memref<10240x64xf32, #tpu.memory_space<vmem_shared>>
        tpu.enqueue_indirect_dma source(%arg12 : memref<128x64xf32, #tpu.memory_space<vmem>>) target(%dma_start3A_1421 : memref<10240x64xf32, #tpu.memory_space<vmem_shared>>) offsets(%dma_start3A_1418 : memref<128xi32, #tpu.memory_space<vmem>>) semaphore(%run_scoped3A_1415 : memref<!tpu.dma_semaphore, #tpu.memory_space<semaphore_mem>>) {add = true}
        %dma_wait3A_1422 = arith.constant 0 : i32
        %dma_wait3A_1423 = tpu.memref_slice %arg8[%run_scoped3A_1216, %dma_wait3A_1422] : memref<2x128xi32, #tpu.memory_space<vmem>> -> memref<1x128xi32, #tpu.memory_space<vmem>>
        %dma_wait3A_1424 = tpu.memref_squeeze %dma_wait3A_1423 : memref<1x128xi32, #tpu.memory_space<vmem>> -> memref<128xi32, #tpu.memory_space<vmem>>
        %dma_wait3A_1425 = arith.constant 0 : i32
        %dma_wait3A_1426 = arith.constant 0 : i32
        %dma_wait3A_1427 = tpu.memref_slice %arg14[%dma_wait3A_1425, %dma_wait3A_1426] : memref<10240x64xf32, #tpu.memory_space<vmem_shared>> -> memref<10240x64xf32, #tpu.memory_space<vmem_shared>>
        tpu.wait_indirect_dma semaphore(%run_scoped3A_1415 : memref<!tpu.dma_semaphore, #tpu.memory_space<semaphore_mem>>) src(%arg12 : memref<128x64xf32, #tpu.memory_space<vmem>>) dst(%dma_wait3A_1427 : memref<10240x64xf32, #tpu.memory_space<vmem_shared>>)
        tpu.yield
      }) : () -> ()
      %add3A_1217 = arith.constant 3 : i32
      %add3A_1218 = arith.addi %mul3A_625, %add3A_1217 : i32
      %add3A_1219 = arith.constant 4 : i32
      %add3A_1220 = arith.addi %add3A_1218, %add3A_1219 : i32
      %sub3A_1221 = arith.constant 1 : i32
      %sub3A_1222 = arith.subi %add3A_1220, %sub3A_1221 : i32
      %min3A_1223 = arith.constant 79 : i32
      %min3A_1224 = arith.minsi %sub3A_1222, %min3A_1223 : i32
      %get3A_1225 = arith.index_cast %min3A_1224 : i32 to index
      %get3A_1226 = arith.constant 0 : index
      %get3A_1227 = tpu.vector_load %arg5[%get3A_1225, %get3A_1226] {strides = array<i32>} : memref<80x128xi32, #tpu.memory_space<vmem>>, vector<1x16xi32>,
      %get3A_1228 = vector.shape_cast %get3A_1227 : vector<1x16xi32> to vector<16xi32>
      %shift_right_logical3A_1229 = arith.constant 14 : i32
      %shift_right_logical3A_1230 = vector.broadcast %shift_right_logical3A_1229 : i32 to vector<16xi32>
      %shift_right_logical3A_1231 = arith.shrui %get3A_1228, %shift_right_logical3A_1230 : vector<16xi32>
      %swap3A_1232 = arith.constant 0 : i32
      %swap3A_1233 = arith.index_cast %swap3A_1232 : i32 to index
      %swap3A_1234 = arith.constant 0 : index
      %swap3A_1235 = tpu.vector_load %arg8[%swap3A_1233, %swap3A_1234] {strides = array<i32>} : memref<2x128xi32, #tpu.memory_space<vmem>>, vector<1x16xi32>,
      %swap3A_1236 = vector.shape_cast %swap3A_1235 : vector<1x16xi32> to vector<16xi32>
      %swap3A_1237 = vector.shape_cast %shift_right_logical3A_1231 : vector<16xi32> to vector<1x16xi32>
      tpu.vector_store %arg8[%swap3A_1233, %swap3A_1234], %swap3A_1237 {strides = array<i32>} : memref<2x128xi32, #tpu.memory_space<vmem>>, vector<1x16xi32>,
      %and3A_1238 = arith.constant 16383 : i32
      %and3A_1239 = vector.broadcast %and3A_1238 : i32 to vector<16xi32>
      %and3A_1240 = arith.andi %get3A_1228, %and3A_1239 : vector<16xi32>
      %swap3A_1241 = arith.constant 1 : i32
      %swap3A_1242 = arith.index_cast %swap3A_1241 : i32 to index
      %swap3A_1243 = arith.constant 0 : index
      %swap3A_1244 = tpu.vector_load %arg8[%swap3A_1242, %swap3A_1243] {strides = array<i32>} : memref<2x128xi32, #tpu.memory_space<vmem>>, vector<1x16xi32>,
      %swap3A_1245 = vector.shape_cast %swap3A_1244 : vector<1x16xi32> to vector<16xi32>
      %swap3A_1246 = vector.shape_cast %and3A_1240 : vector<16xi32> to vector<1x16xi32>
      tpu.vector_store %arg8[%swap3A_1242, %swap3A_1243], %swap3A_1246 {strides = array<i32>} : memref<2x128xi32, #tpu.memory_space<vmem>>, vector<1x16xi32>,
      %get3A_1247 = arith.index_cast %min3A_1224 : i32 to index
      %get3A_1248 = arith.constant 16 : index
      %get3A_1249 = tpu.vector_load %arg5[%get3A_1247, %get3A_1248] {strides = array<i32>} : memref<80x128xi32, #tpu.memory_space<vmem>>, vector<1x16xi32>,
      %get3A_1250 = vector.shape_cast %get3A_1249 : vector<1x16xi32> to vector<16xi32>
      %shift_right_logical3A_1251 = arith.constant 14 : i32
      %shift_right_logical3A_1252 = vector.broadcast %shift_right_logical3A_1251 : i32 to vector<16xi32>
      %shift_right_logical3A_1253 = arith.shrui %get3A_1250, %shift_right_logical3A_1252 : vector<16xi32>
      %swap3A_1254 = arith.constant 0 : i32
      %swap3A_1255 = arith.index_cast %swap3A_1254 : i32 to index
      %swap3A_1256 = arith.constant 16 : index
      %swap3A_1257 = tpu.vector_load %arg8[%swap3A_1255, %swap3A_1256] {strides = array<i32>} : memref<2x128xi32, #tpu.memory_space<vmem>>, vector<1x16xi32>,
      %swap3A_1258 = vector.shape_cast %swap3A_1257 : vector<1x16xi32> to vector<16xi32>
      %swap3A_1259 = vector.shape_cast %shift_right_logical3A_1253 : vector<16xi32> to vector<1x16xi32>
      tpu.vector_store %arg8[%swap3A_1255, %swap3A_1256], %swap3A_1259 {strides = array<i32>} : memref<2x128xi32, #tpu.memory_space<vmem>>, vector<1x16xi32>,
      %and3A_1260 = arith.constant 16383 : i32
      %and3A_1261 = vector.broadcast %and3A_1260 : i32 to vector<16xi32>
      %and3A_1262 = arith.andi %get3A_1250, %and3A_1261 : vector<16xi32>
      %swap3A_1263 = arith.constant 1 : i32
      %swap3A_1264 = arith.index_cast %swap3A_1263 : i32 to index
      %swap3A_1265 = arith.constant 16 : index
      %swap3A_1266 = tpu.vector_load %arg8[%swap3A_1264, %swap3A_1265] {strides = array<i32>} : memref<2x128xi32, #tpu.memory_space<vmem>>, vector<1x16xi32>,
      %swap3A_1267 = vector.shape_cast %swap3A_1266 : vector<1x16xi32> to vector<16xi32>
      %swap3A_1268 = vector.shape_cast %and3A_1262 : vector<16xi32> to vector<1x16xi32>
      tpu.vector_store %arg8[%swap3A_1264, %swap3A_1265], %swap3A_1268 {strides = array<i32>} : memref<2x128xi32, #tpu.memory_space<vmem>>, vector<1x16xi32>,
      %get3A_1269 = arith.index_cast %min3A_1224 : i32 to index
      %get3A_1270 = arith.constant 32 : index
      %get3A_1271 = tpu.vector_load %arg5[%get3A_1269, %get3A_1270] {strides = array<i32>} : memref<80x128xi32, #tpu.memory_space<vmem>>, vector<1x16xi32>,
      %get3A_1272 = vector.shape_cast %get3A_1271 : vector<1x16xi32> to vector<16xi32>
      %shift_right_logical3A_1273 = arith.constant 14 : i32
      %shift_right_logical3A_1274 = vector.broadcast %shift_right_logical3A_1273 : i32 to vector<16xi32>
      %shift_right_logical3A_1275 = arith.shrui %get3A_1272, %shift_right_logical3A_1274 : vector<16xi32>
      %swap3A_1276 = arith.constant 0 : i32
      %swap3A_1277 = arith.index_cast %swap3A_1276 : i32 to index
      %swap3A_1278 = arith.constant 32 : index
      %swap3A_1279 = tpu.vector_load %arg8[%swap3A_1277, %swap3A_1278] {strides = array<i32>} : memref<2x128xi32, #tpu.memory_space<vmem>>, vector<1x16xi32>,
      %swap3A_1280 = vector.shape_cast %swap3A_1279 : vector<1x16xi32> to vector<16xi32>
      %swap3A_1281 = vector.shape_cast %shift_right_logical3A_1275 : vector<16xi32> to vector<1x16xi32>
      tpu.vector_store %arg8[%swap3A_1277, %swap3A_1278], %swap3A_1281 {strides = array<i32>} : memref<2x128xi32, #tpu.memory_space<vmem>>, vector<1x16xi32>,
      %and3A_1282 = arith.constant 16383 : i32
      %and3A_1283 = vector.broadcast %and3A_1282 : i32 to vector<16xi32>
      %and3A_1284 = arith.andi %get3A_1272, %and3A_1283 : vector<16xi32>
      %swap3A_1285 = arith.constant 1 : i32
      %swap3A_1286 = arith.index_cast %swap3A_1285 : i32 to index
      %swap3A_1287 = arith.constant 32 : index
      %swap3A_1288 = tpu.vector_load %arg8[%swap3A_1286, %swap3A_1287] {strides = array<i32>} : memref<2x128xi32, #tpu.memory_space<vmem>>, vector<1x16xi32>,
      %swap3A_1289 = vector.shape_cast %swap3A_1288 : vector<1x16xi32> to vector<16xi32>
      %swap3A_1290 = vector.shape_cast %and3A_1284 : vector<16xi32> to vector<1x16xi32>
      tpu.vector_store %arg8[%swap3A_1286, %swap3A_1287], %swap3A_1290 {strides = array<i32>} : memref<2x128xi32, #tpu.memory_space<vmem>>, vector<1x16xi32>,
      %get3A_1291 = arith.index_cast %min3A_1224 : i32 to index
      %get3A_1292 = arith.constant 48 : index
      %get3A_1293 = tpu.vector_load %arg5[%get3A_1291, %get3A_1292] {strides = array<i32>} : memref<80x128xi32, #tpu.memory_space<vmem>>, vector<1x16xi32>,
      %get3A_1294 = vector.shape_cast %get3A_1293 : vector<1x16xi32> to vector<16xi32>
      %shift_right_logical3A_1295 = arith.constant 14 : i32
      %shift_right_logical3A_1296 = vector.broadcast %shift_right_logical3A_1295 : i32 to vector<16xi32>
      %shift_right_logical3A_1297 = arith.shrui %get3A_1294, %shift_right_logical3A_1296 : vector<16xi32>
      %swap3A_1298 = arith.constant 0 : i32
      %swap3A_1299 = arith.index_cast %swap3A_1298 : i32 to index
      %swap3A_1300 = arith.constant 48 : index
      %swap3A_1301 = tpu.vector_load %arg8[%swap3A_1299, %swap3A_1300] {strides = array<i32>} : memref<2x128xi32, #tpu.memory_space<vmem>>, vector<1x16xi32>,
      %swap3A_1302 = vector.shape_cast %swap3A_1301 : vector<1x16xi32> to vector<16xi32>
      %swap3A_1303 = vector.shape_cast %shift_right_logical3A_1297 : vector<16xi32> to vector<1x16xi32>
      tpu.vector_store %arg8[%swap3A_1299, %swap3A_1300], %swap3A_1303 {strides = array<i32>} : memref<2x128xi32, #tpu.memory_space<vmem>>, vector<1x16xi32>,
      %and3A_1304 = arith.constant 16383 : i32
      %and3A_1305 = vector.broadcast %and3A_1304 : i32 to vector<16xi32>
      %and3A_1306 = arith.andi %get3A_1294, %and3A_1305 : vector<16xi32>
      %swap3A_1307 = arith.constant 1 : i32
      %swap3A_1308 = arith.index_cast %swap3A_1307 : i32 to index
      %swap3A_1309 = arith.constant 48 : index
      %swap3A_1310 = tpu.vector_load %arg8[%swap3A_1308, %swap3A_1309] {strides = array<i32>} : memref<2x128xi32, #tpu.memory_space<vmem>>, vector<1x16xi32>,
      %swap3A_1311 = vector.shape_cast %swap3A_1310 : vector<1x16xi32> to vector<16xi32>
      %swap3A_1312 = vector.shape_cast %and3A_1306 : vector<16xi32> to vector<1x16xi32>
      tpu.vector_store %arg8[%swap3A_1308, %swap3A_1309], %swap3A_1312 {strides = array<i32>} : memref<2x128xi32, #tpu.memory_space<vmem>>, vector<1x16xi32>,
      %get3A_1313 = arith.index_cast %min3A_1224 : i32 to index
      %get3A_1314 = arith.constant 64 : index
      %get3A_1315 = tpu.vector_load %arg5[%get3A_1313, %get3A_1314] {strides = array<i32>} : memref<80x128xi32, #tpu.memory_space<vmem>>, vector<1x16xi32>,
      %get3A_1316 = vector.shape_cast %get3A_1315 : vector<1x16xi32> to vector<16xi32>
      %shift_right_logical3A_1317 = arith.constant 14 : i32
      %shift_right_logical3A_1318 = vector.broadcast %shift_right_logical3A_1317 : i32 to vector<16xi32>
      %shift_right_logical3A_1319 = arith.shrui %get3A_1316, %shift_right_logical3A_1318 : vector<16xi32>
      %swap3A_1320 = arith.constant 0 : i32
      %swap3A_1321 = arith.index_cast %swap3A_1320 : i32 to index
      %swap3A_1322 = arith.constant 64 : index
      %swap3A_1323 = tpu.vector_load %arg8[%swap3A_1321, %swap3A_1322] {strides = array<i32>} : memref<2x128xi32, #tpu.memory_space<vmem>>, vector<1x16xi32>,
      %swap3A_1324 = vector.shape_cast %swap3A_1323 : vector<1x16xi32> to vector<16xi32>
      %swap3A_1325 = vector.shape_cast %shift_right_logical3A_1319 : vector<16xi32> to vector<1x16xi32>
      tpu.vector_store %arg8[%swap3A_1321, %swap3A_1322], %swap3A_1325 {strides = array<i32>} : memref<2x128xi32, #tpu.memory_space<vmem>>, vector<1x16xi32>,
      %and3A_1326 = arith.constant 16383 : i32
      %and3A_1327 = vector.broadcast %and3A_1326 : i32 to vector<16xi32>
      %and3A_1328 = arith.andi %get3A_1316, %and3A_1327 : vector<16xi32>
      %swap3A_1329 = arith.constant 1 : i32
      %swap3A_1330 = arith.index_cast %swap3A_1329 : i32 to index
      %swap3A_1331 = arith.constant 64 : index
      %swap3A_1332 = tpu.vector_load %arg8[%swap3A_1330, %swap3A_1331] {strides = array<i32>} : memref<2x128xi32, #tpu.memory_space<vmem>>, vector<1x16xi32>,
      %swap3A_1333 = vector.shape_cast %swap3A_1332 : vector<1x16xi32> to vector<16xi32>
      %swap3A_1334 = vector.shape_cast %and3A_1328 : vector<16xi32> to vector<1x16xi32>
      tpu.vector_store %arg8[%swap3A_1330, %swap3A_1331], %swap3A_1334 {strides = array<i32>} : memref<2x128xi32, #tpu.memory_space<vmem>>, vector<1x16xi32>,
      %get3A_1335 = arith.index_cast %min3A_1224 : i32 to index
      %get3A_1336 = arith.constant 80 : index
      %get3A_1337 = tpu.vector_load %arg5[%get3A_1335, %get3A_1336] {strides = array<i32>} : memref<80x128xi32, #tpu.memory_space<vmem>>, vector<1x16xi32>,
      %get3A_1338 = vector.shape_cast %get3A_1337 : vector<1x16xi32> to vector<16xi32>
      %shift_right_logical3A_1339 = arith.constant 14 : i32
      %shift_right_logical3A_1340 = vector.broadcast %shift_right_logical3A_1339 : i32 to vector<16xi32>
      %shift_right_logical3A_1341 = arith.shrui %get3A_1338, %shift_right_logical3A_1340 : vector<16xi32>
      %swap3A_1342 = arith.constant 0 : i32
      %swap3A_1343 = arith.index_cast %swap3A_1342 : i32 to index
      %swap3A_1344 = arith.constant 80 : index
      %swap3A_1345 = tpu.vector_load %arg8[%swap3A_1343, %swap3A_1344] {strides = array<i32>} : memref<2x128xi32, #tpu.memory_space<vmem>>, vector<1x16xi32>,
      %swap3A_1346 = vector.shape_cast %swap3A_1345 : vector<1x16xi32> to vector<16xi32>
      %swap3A_1347 = vector.shape_cast %shift_right_logical3A_1341 : vector<16xi32> to vector<1x16xi32>
      tpu.vector_store %arg8[%swap3A_1343, %swap3A_1344], %swap3A_1347 {strides = array<i32>} : memref<2x128xi32, #tpu.memory_space<vmem>>, vector<1x16xi32>,
      %and3A_1348 = arith.constant 16383 : i32
      %and3A_1349 = vector.broadcast %and3A_1348 : i32 to vector<16xi32>
      %and3A_1350 = arith.andi %get3A_1338, %and3A_1349 : vector<16xi32>
      %swap3A_1351 = arith.constant 1 : i32
      %swap3A_1352 = arith.index_cast %swap3A_1351 : i32 to index
      %swap3A_1353 = arith.constant 80 : index
      %swap3A_1354 = tpu.vector_load %arg8[%swap3A_1352, %swap3A_1353] {strides = array<i32>} : memref<2x128xi32, #tpu.memory_space<vmem>>, vector<1x16xi32>,
      %swap3A_1355 = vector.shape_cast %swap3A_1354 : vector<1x16xi32> to vector<16xi32>
      %swap3A_1356 = vector.shape_cast %and3A_1350 : vector<16xi32> to vector<1x16xi32>
      tpu.vector_store %arg8[%swap3A_1352, %swap3A_1353], %swap3A_1356 {strides = array<i32>} : memref<2x128xi32, #tpu.memory_space<vmem>>, vector<1x16xi32>,
      %get3A_1357 = arith.index_cast %min3A_1224 : i32 to index
      %get3A_1358 = arith.constant 96 : index
      %get3A_1359 = tpu.vector_load %arg5[%get3A_1357, %get3A_1358] {strides = array<i32>} : memref<80x128xi32, #tpu.memory_space<vmem>>, vector<1x16xi32>,
      %get3A_1360 = vector.shape_cast %get3A_1359 : vector<1x16xi32> to vector<16xi32>
      %shift_right_logical3A_1361 = arith.constant 14 : i32
      %shift_right_logical3A_1362 = vector.broadcast %shift_right_logical3A_1361 : i32 to vector<16xi32>
      %shift_right_logical3A_1363 = arith.shrui %get3A_1360, %shift_right_logical3A_1362 : vector<16xi32>
      %swap3A_1364 = arith.constant 0 : i32
      %swap3A_1365 = arith.index_cast %swap3A_1364 : i32 to index
      %swap3A_1366 = arith.constant 96 : index
      %swap3A_1367 = tpu.vector_load %arg8[%swap3A_1365, %swap3A_1366] {strides = array<i32>} : memref<2x128xi32, #tpu.memory_space<vmem>>, vector<1x16xi32>,
      %swap3A_1368 = vector.shape_cast %swap3A_1367 : vector<1x16xi32> to vector<16xi32>
      %swap3A_1369 = vector.shape_cast %shift_right_logical3A_1363 : vector<16xi32> to vector<1x16xi32>
      tpu.vector_store %arg8[%swap3A_1365, %swap3A_1366], %swap3A_1369 {strides = array<i32>} : memref<2x128xi32, #tpu.memory_space<vmem>>, vector<1x16xi32>,
      %and3A_1370 = arith.constant 16383 : i32
      %and3A_1371 = vector.broadcast %and3A_1370 : i32 to vector<16xi32>
      %and3A_1372 = arith.andi %get3A_1360, %and3A_1371 : vector<16xi32>
      %swap3A_1373 = arith.constant 1 : i32
      %swap3A_1374 = arith.index_cast %swap3A_1373 : i32 to index
      %swap3A_1375 = arith.constant 96 : index
      %swap3A_1376 = tpu.vector_load %arg8[%swap3A_1374, %swap3A_1375] {strides = array<i32>} : memref<2x128xi32, #tpu.memory_space<vmem>>, vector<1x16xi32>,
      %swap3A_1377 = vector.shape_cast %swap3A_1376 : vector<1x16xi32> to vector<16xi32>
      %swap3A_1378 = vector.shape_cast %and3A_1372 : vector<16xi32> to vector<1x16xi32>
      tpu.vector_store %arg8[%swap3A_1374, %swap3A_1375], %swap3A_1378 {strides = array<i32>} : memref<2x128xi32, #tpu.memory_space<vmem>>, vector<1x16xi32>,
      %get3A_1379 = arith.index_cast %min3A_1224 : i32 to index
      %get3A_1380 = arith.constant 112 : index
      %get3A_1381 = tpu.vector_load %arg5[%get3A_1379, %get3A_1380] {strides = array<i32>} : memref<80x128xi32, #tpu.memory_space<vmem>>, vector<1x16xi32>,
      %get3A_1382 = vector.shape_cast %get3A_1381 : vector<1x16xi32> to vector<16xi32>
      %shift_right_logical3A_1383 = arith.constant 14 : i32
      %shift_right_logical3A_1384 = vector.broadcast %shift_right_logical3A_1383 : i32 to vector<16xi32>
      %shift_right_logical3A_1385 = arith.shrui %get3A_1382, %shift_right_logical3A_1384 : vector<16xi32>
      %swap3A_1386 = arith.constant 0 : i32
      %swap3A_1387 = arith.index_cast %swap3A_1386 : i32 to index
      %swap3A_1388 = arith.constant 112 : index
      %swap3A_1389 = tpu.vector_load %arg8[%swap3A_1387, %swap3A_1388] {strides = array<i32>} : memref<2x128xi32, #tpu.memory_space<vmem>>, vector<1x16xi32>,
      %swap3A_1390 = vector.shape_cast %swap3A_1389 : vector<1x16xi32> to vector<16xi32>
      %swap3A_1391 = vector.shape_cast %shift_right_logical3A_1385 : vector<16xi32> to vector<1x16xi32>
      tpu.vector_store %arg8[%swap3A_1387, %swap3A_1388], %swap3A_1391 {strides = array<i32>} : memref<2x128xi32, #tpu.memory_space<vmem>>, vector<1x16xi32>,
      %and3A_1392 = arith.constant 16383 : i32
      %and3A_1393 = vector.broadcast %and3A_1392 : i32 to vector<16xi32>
      %and3A_1394 = arith.andi %get3A_1382, %and3A_1393 : vector<16xi32>
      %swap3A_1395 = arith.constant 1 : i32
      %swap3A_1396 = arith.index_cast %swap3A_1395 : i32 to index
      %swap3A_1397 = arith.constant 112 : index
      %swap3A_1398 = tpu.vector_load %arg8[%swap3A_1396, %swap3A_1397] {strides = array<i32>} : memref<2x128xi32, #tpu.memory_space<vmem>>, vector<1x16xi32>,
      %swap3A_1399 = vector.shape_cast %swap3A_1398 : vector<1x16xi32> to vector<16xi32>
      %swap3A_1400 = vector.shape_cast %and3A_1394 : vector<16xi32> to vector<1x16xi32>
      tpu.vector_store %arg8[%swap3A_1396, %swap3A_1397], %swap3A_1400 {strides = array<i32>} : memref<2x128xi32, #tpu.memory_space<vmem>>, vector<1x16xi32>,
      %dma_start3A_1401 = arith.constant 1 : i32
      %dma_start3A_1402 = arith.constant 0 : i32
      %dma_start3A_1403 = tpu.memref_slice %arg8[%dma_start3A_1401, %dma_start3A_1402] : memref<2x128xi32, #tpu.memory_space<vmem>> -> memref<1x128xi32, #tpu.memory_space<vmem>>
      %dma_start3A_1404 = tpu.memref_squeeze %dma_start3A_1403 : memref<1x128xi32, #tpu.memory_space<vmem>> -> memref<128xi32, #tpu.memory_space<vmem>>
      %dma_start3A_1405 = arith.constant 0 : i32
      %dma_start3A_1406 = arith.constant 0 : i32
      %dma_start3A_1407 = tpu.memref_slice %arg2[%dma_start3A_1405, %dma_start3A_1406] : memref<10000x64xf32, #tpu.memory_space<hbm>> -> memref<10000x64xf32, #tpu.memory_space<hbm>>
      tpu.enqueue_indirect_dma source(%dma_start3A_1407 : memref<10000x64xf32, #tpu.memory_space<hbm>>) target(%arg12 : memref<128x64xf32, #tpu.memory_space<vmem>>) offsets(%dma_start3A_1404 : memref<128xi32, #tpu.memory_space<vmem>>) semaphore(%arg17 : memref<!tpu.dma_semaphore, #tpu.memory_space<semaphore_mem>>)
      %dma_wait3A_1408 = arith.constant 0 : i32
      %dma_wait3A_1409 = arith.constant 0 : i32
      %dma_wait3A_1410 = tpu.memref_slice %arg2[%dma_wait3A_1408, %dma_wait3A_1409] : memref<10000x64xf32, #tpu.memory_space<hbm>> -> memref<128x64xf32, #tpu.memory_space<hbm>>
      %dma_wait3A_1411 = arith.constant 0 : i32
      %dma_wait3A_1412 = arith.constant 0 : i32
      %dma_wait3A_1413 = tpu.memref_slice %arg2[%dma_wait3A_1411, %dma_wait3A_1412] : memref<10000x64xf32, #tpu.memory_space<hbm>> -> memref<128x64xf32, #tpu.memory_space<hbm>>
      tpu.wait_dma2 semaphore(%arg18 : memref<!tpu.dma_semaphore, #tpu.memory_space<semaphore_mem>>) src(%dma_wait3A_1413 : memref<128x64xf32, #tpu.memory_space<hbm>>) dst(%arg13 : memref<128x64xf32, #tpu.memory_space<vmem>>)
      %run_scoped3A_1414 = arith.constant 0 : i32
      "tpu.region"() ({
        %run_scoped3A_1415 = tpu.sem_alloc : memref<!tpu.dma_semaphore, #tpu.memory_space<semaphore_mem>>
        %dma_start3A_1416 = arith.constant 0 : i32
        %dma_start3A_1417 = tpu.memref_slice %arg9[%run_scoped3A_1414, %dma_start3A_1416] : memref<2x128xi32, #tpu.memory_space<vmem>> -> memref<1x128xi32, #tpu.memory_space<vmem>>
        %dma_start3A_1418 = tpu.memref_squeeze %dma_start3A_1417 : memref<1x128xi32, #tpu.memory_space<vmem>> -> memref<128xi32, #tpu.memory_space<vmem>>
        %dma_start3A_1419 = arith.constant 0 : i32
        %dma_start3A_1420 = arith.constant 0 : i32
        %dma_start3A_1421 = tpu.memref_slice %arg14[%dma_start3A_1419, %dma_start3A_1420] : memref<10240x64xf32, #tpu.memory_space<vmem_shared>> -> memref<10240x64xf32, #tpu.memory_space<vmem_shared>>
        tpu.enqueue_indirect_dma source(%arg13 : memref<128x64xf32, #tpu.memory_space<vmem>>) target(%dma_start3A_1421 : memref<10240x64xf32, #tpu.memory_space<vmem_shared>>) offsets(%dma_start3A_1418 : memref<128xi32, #tpu.memory_space<vmem>>) semaphore(%run_scoped3A_1415 : memref<!tpu.dma_semaphore, #tpu.memory_space<semaphore_mem>>) {add = true}
        %dma_wait3A_1422 = arith.constant 0 : i32
        %dma_wait3A_1423 = tpu.memref_slice %arg9[%run_scoped3A_1414, %dma_wait3A_1422] : memref<2x128xi32, #tpu.memory_space<vmem>> -> memref<1x128xi32, #tpu.memory_space<vmem>>
        %dma_wait3A_1424 = tpu.memref_squeeze %dma_wait3A_1423 : memref<1x128xi32, #tpu.memory_space<vmem>> -> memref<128xi32, #tpu.memory_space<vmem>>
        %dma_wait3A_1425 = arith.constant 0 : i32
        %dma_wait3A_1426 = arith.constant 0 : i32
        %dma_wait3A_1427 = tpu.memref_slice %arg14[%dma_wait3A_1425, %dma_wait3A_1426] : memref<10240x64xf32, #tpu.memory_space<vmem_shared>> -> memref<10240x64xf32, #tpu.memory_space<vmem_shared>>
        tpu.wait_indirect_dma semaphore(%run_scoped3A_1415 : memref<!tpu.dma_semaphore, #tpu.memory_space<semaphore_mem>>) src(%arg13 : memref<128x64xf32, #tpu.memory_space<vmem>>) dst(%dma_wait3A_1427 : memref<10240x64xf32, #tpu.memory_space<vmem_shared>>)
        tpu.yield
      }) : () -> ()
    }
    %scan3A_600 = arith.constant 20 : i32
    %dma_wait3A = arith.constant 0 : i32
    %dma_wait3A_601 = arith.constant 0 : i32
    %dma_wait3A_602 = tpu.memref_slice %arg2[%dma_wait3A, %dma_wait3A_601] : memref<10000x64xf32, #tpu.memory_space<hbm>> -> memref<128x64xf32, #tpu.memory_space<hbm>>
    %dma_wait3A_603 = arith.constant 0 : i32
    %dma_wait3A_604 = arith.constant 0 : i32
    %dma_wait3A_605 = tpu.memref_slice %arg2[%dma_wait3A_603, %dma_wait3A_604] : memref<10000x64xf32, #tpu.memory_space<hbm>> -> memref<128x64xf32, #tpu.memory_space<hbm>>
    tpu.wait_dma2 semaphore(%arg15 : memref<!tpu.dma_semaphore, #tpu.memory_space<semaphore_mem>>) src(%dma_wait3A_605 : memref<128x64xf32, #tpu.memory_space<hbm>>) dst(%arg10 : memref<128x64xf32, #tpu.memory_space<vmem>>)
    %dma_wait3A_606 = arith.constant 0 : i32
    %dma_wait3A_607 = arith.constant 0 : i32
    %dma_wait3A_608 = tpu.memref_slice %arg2[%dma_wait3A_606, %dma_wait3A_607] : memref<10000x64xf32, #tpu.memory_space<hbm>> -> memref<128x64xf32, #tpu.memory_space<hbm>>
    %dma_wait3A_609 = arith.constant 0 : i32
    %dma_wait3A_610 = arith.constant 0 : i32
    %dma_wait3A_611 = tpu.memref_slice %arg2[%dma_wait3A_609, %dma_wait3A_610] : memref<10000x64xf32, #tpu.memory_space<hbm>> -> memref<128x64xf32, #tpu.memory_space<hbm>>
    tpu.wait_dma2 semaphore(%arg16 : memref<!tpu.dma_semaphore, #tpu.memory_space<semaphore_mem>>) src(%dma_wait3A_611 : memref<128x64xf32, #tpu.memory_space<hbm>>) dst(%arg11 : memref<128x64xf32, #tpu.memory_space<vmem>>)
    %dma_wait3A_612 = arith.constant 0 : i32
    %dma_wait3A_613 = arith.constant 0 : i32
    %dma_wait3A_614 = tpu.memref_slice %arg2[%dma_wait3A_612, %dma_wait3A_613] : memref<10000x64xf32, #tpu.memory_space<hbm>> -> memref<128x64xf32, #tpu.memory_space<hbm>>
    %dma_wait3A_615 = arith.constant 0 : i32
    %dma_wait3A_616 = arith.constant 0 : i32
    %dma_wait3A_617 = tpu.memref_slice %arg2[%dma_wait3A_615, %dma_wait3A_616] : memref<10000x64xf32, #tpu.memory_space<hbm>> -> memref<128x64xf32, #tpu.memory_space<hbm>>
    tpu.wait_dma2 semaphore(%arg17 : memref<!tpu.dma_semaphore, #tpu.memory_space<semaphore_mem>>) src(%dma_wait3A_617 : memref<128x64xf32, #tpu.memory_space<hbm>>) dst(%arg12 : memref<128x64xf32, #tpu.memory_space<vmem>>)
    %barrier3A_618 = arith.constant 0 : index
    tpu.barrier barrier_id(%barrier3A_618)
    %mul3A_619 = arith.constant 640 : i32
    %mul3A_620 = arith.muli %arg1, %mul3A_619 : i32
    %mul3A_621 = arith.constant 640 : i32
    %mul3A_622 = arith.muli %arg1, %mul3A_621 : i32
    "tpu.region"() ({
      %run_scoped3A = tpu.sem_alloc : memref<!tpu.dma_semaphore, #tpu.memory_space<semaphore_mem>>
      %dma_start3A_623 = arith.constant 0 : i32
      %dma_start3A_624 = tpu.memref_slice %arg4[%arg0, %mul3A_622, %dma_start3A_623] : memref<2x10240x64xf32, #tpu.memory_space<hbm>> -> memref<1x640x64xf32, #tpu.memory_space<hbm>>
      %dma_start3A_625 = tpu.memref_squeeze %dma_start3A_624 : memref<1x640x64xf32, #tpu.memory_space<hbm>> -> memref<640x64xf32, #tpu.memory_space<hbm>>
      %dma_start3A_626 = arith.constant 0 : i32
      %dma_start3A_627 = tpu.memref_slice %arg14[%mul3A_620, %dma_start3A_626] : memref<10240x64xf32, #tpu.memory_space<vmem_shared>> -> memref<640x64xf32, #tpu.memory_space<vmem_shared>>
      tpu.enqueue_dma source(%dma_start3A_627 : memref<640x64xf32, #tpu.memory_space<vmem_shared>>) target(%dma_start3A_625 : memref<640x64xf32, #tpu.memory_space<hbm>>) target_semaphore(%run_scoped3A : memref<!tpu.dma_semaphore, #tpu.memory_space<semaphore_mem>>)
      %dma_wait3A_628 = arith.constant 0 : i32
      %dma_wait3A_629 = tpu.memref_slice %arg4[%arg0, %mul3A_622, %dma_wait3A_628] : memref<2x10240x64xf32, #tpu.memory_space<hbm>> -> memref<1x640x64xf32, #tpu.memory_space<hbm>>
      %dma_wait3A_630 = tpu.memref_squeeze %dma_wait3A_629 : memref<1x640x64xf32, #tpu.memory_space<hbm>> -> memref<640x64xf32, #tpu.memory_space<hbm>>
      %dma_wait3A_631 = arith.constant 0 : i32
      %dma_wait3A_632 = tpu.memref_slice %arg14[%mul3A_620, %dma_wait3A_631] : memref<10240x64xf32, #tpu.memory_space<vmem_shared>> -> memref<640x64xf32, #tpu.memory_space<vmem_shared>>
      tpu.wait_dma2 semaphore(%run_scoped3A : memref<!tpu.dma_semaphore, #tpu.memory_space<semaphore_mem>>) src(%dma_wait3A_632 : memref<640x64xf32, #tpu.memory_space<vmem_shared>>) dst(%dma_wait3A_630 : memref<640x64xf32, #tpu.memory_space<hbm>>)
      tpu.yield
    }) : () -> ()
    return
  }
}

#map = affine_map<(d0, d1) -> (0, 0, 0)>
#map1 = affine_map<(d0, d1) -> (0, 0)>
module attributes {stable_mosaic.version = 14 : i64} {
  func.func @hist(%arg0: i32, %arg1: i32, %arg2: memref<32x80x128xi32, #tpu.memory_space<hbm>>, %arg3: memref<2x10240xf32, #tpu.memory_space<hbm>>, %arg4: memref<80x128xi32, #tpu.memory_space<vmem>>, %arg5: memref<128xi32, #tpu.memory_space<vmem>>, %arg6: memref<128xf32, #tpu.memory_space<vmem>>, %arg7: memref<640xf32, #tpu.memory_space<vmem>>, %arg8: memref<10240xf32, #tpu.memory_space<vmem_shared>>) attributes {dimension_semantics = [#tpu.dimension_semantics<core_parallel>, #tpu.dimension_semantics<subcore_parallel>], iteration_bounds = array<i64: 2, 16>, scalar_prefetch = 0 : i64, scratch_operands = 5 : i64, tpu.core_type = #tpu.core_type<sc_vector_subcore>, window_params = [{transform_indices = #map}, {transform_indices = #map1}]} {
    %mul3A = arith.constant 16 : i32
    %mul3A_0 = arith.muli %arg0, %mul3A : i32
    %add3A = arith.addi %mul3A_0, %arg1 : i32
    "tpu.region"() ({
      %run_scoped3A = tpu.sem_alloc : memref<!tpu.dma_semaphore, #tpu.memory_space<semaphore_mem>>
      %dma_start3A = arith.constant 0 : i32
      %dma_start3A_207 = arith.constant 0 : i32
      %dma_start3A_208 = tpu.memref_slice %arg2[%add3A, %dma_start3A, %dma_start3A_207] : memref<32x80x128xi32, #tpu.memory_space<hbm>> -> memref<1x80x128xi32, #tpu.memory_space<hbm>>
      %dma_start3A_209 = tpu.memref_squeeze %dma_start3A_208 : memref<1x80x128xi32, #tpu.memory_space<hbm>> -> memref<80x128xi32, #tpu.memory_space<hbm>>
      %dma_start3A_210 = arith.constant 0 : i32
      %dma_start3A_211 = arith.constant 0 : i32
      %dma_start3A_212 = tpu.memref_slice %arg2[%add3A, %dma_start3A_210, %dma_start3A_211] : memref<32x80x128xi32, #tpu.memory_space<hbm>> -> memref<1x80x128xi32, #tpu.memory_space<hbm>>
      %dma_start3A_213 = tpu.memref_squeeze %dma_start3A_212 : memref<1x80x128xi32, #tpu.memory_space<hbm>> -> memref<80x128xi32, #tpu.memory_space<hbm>>
      tpu.enqueue_dma source(%dma_start3A_213 : memref<80x128xi32, #tpu.memory_space<hbm>>) target(%arg4 : memref<80x128xi32, #tpu.memory_space<vmem>>) target_semaphore(%run_scoped3A : memref<!tpu.dma_semaphore, #tpu.memory_space<semaphore_mem>>)
      %dma_wait3A = arith.constant 0 : i32
      %dma_wait3A_214 = arith.constant 0 : i32
      %dma_wait3A_215 = tpu.memref_slice %arg2[%add3A, %dma_wait3A, %dma_wait3A_214] : memref<32x80x128xi32, #tpu.memory_space<hbm>> -> memref<1x80x128xi32, #tpu.memory_space<hbm>>
      %dma_wait3A_216 = tpu.memref_squeeze %dma_wait3A_215 : memref<1x80x128xi32, #tpu.memory_space<hbm>> -> memref<80x128xi32, #tpu.memory_space<hbm>>
      %dma_wait3A_217 = arith.constant 0 : i32
      %dma_wait3A_218 = arith.constant 0 : i32
      %dma_wait3A_219 = tpu.memref_slice %arg2[%add3A, %dma_wait3A_217, %dma_wait3A_218] : memref<32x80x128xi32, #tpu.memory_space<hbm>> -> memref<1x80x128xi32, #tpu.memory_space<hbm>>
      %dma_wait3A_220 = tpu.memref_squeeze %dma_wait3A_219 : memref<1x80x128xi32, #tpu.memory_space<hbm>> -> memref<80x128xi32, #tpu.memory_space<hbm>>
      tpu.wait_dma2 semaphore(%run_scoped3A : memref<!tpu.dma_semaphore, #tpu.memory_space<semaphore_mem>>) src(%dma_wait3A_220 : memref<80x128xi32, #tpu.memory_space<hbm>>) dst(%arg4 : memref<80x128xi32, #tpu.memory_space<vmem>>)
      tpu.yield
    }) : () -> ()
    %broadcast_in_dim3A = arith.constant 1.000000e+00 : f32
    %broadcast_in_dim3A_1 = vector.broadcast %broadcast_in_dim3A : f32 to vector<16xf32>
    %broadcast_in_dim3A_2 = arith.constant 0.000000e+00 : f32
    %broadcast_in_dim3A_3 = vector.broadcast %broadcast_in_dim3A_2 : f32 to vector<16xf32>
    %swap3A = arith.constant 0 : index
    %swap3A_4 = tpu.vector_load %arg6[%swap3A] {strides = array<i32>} : memref<128xf32, #tpu.memory_space<vmem>>, vector<16xf32>,
    %swap3A_5 = vector.shape_cast %swap3A_4 : vector<16xf32> to vector<16xf32>
    %swap3A_6 = vector.shape_cast %broadcast_in_dim3A_1 : vector<16xf32> to vector<16xf32>
    tpu.vector_store %arg6[%swap3A], %swap3A_6 {strides = array<i32>} : memref<128xf32, #tpu.memory_space<vmem>>, vector<16xf32>,
    %swap3A_7 = arith.constant 16 : index
    %swap3A_8 = tpu.vector_load %arg6[%swap3A_7] {strides = array<i32>} : memref<128xf32, #tpu.memory_space<vmem>>, vector<16xf32>,
    %swap3A_9 = vector.shape_cast %swap3A_8 : vector<16xf32> to vector<16xf32>
    %swap3A_10 = vector.shape_cast %broadcast_in_dim3A_1 : vector<16xf32> to vector<16xf32>
    tpu.vector_store %arg6[%swap3A_7], %swap3A_10 {strides = array<i32>} : memref<128xf32, #tpu.memory_space<vmem>>, vector<16xf32>,
    %swap3A_11 = arith.constant 32 : index
    %swap3A_12 = tpu.vector_load %arg6[%swap3A_11] {strides = array<i32>} : memref<128xf32, #tpu.memory_space<vmem>>, vector<16xf32>,
    %swap3A_13 = vector.shape_cast %swap3A_12 : vector<16xf32> to vector<16xf32>
    %swap3A_14 = vector.shape_cast %broadcast_in_dim3A_1 : vector<16xf32> to vector<16xf32>
    tpu.vector_store %arg6[%swap3A_11], %swap3A_14 {strides = array<i32>} : memref<128xf32, #tpu.memory_space<vmem>>, vector<16xf32>,
    %swap3A_15 = arith.constant 48 : index
    %swap3A_16 = tpu.vector_load %arg6[%swap3A_15] {strides = array<i32>} : memref<128xf32, #tpu.memory_space<vmem>>, vector<16xf32>,
    %swap3A_17 = vector.shape_cast %swap3A_16 : vector<16xf32> to vector<16xf32>
    %swap3A_18 = vector.shape_cast %broadcast_in_dim3A_1 : vector<16xf32> to vector<16xf32>
    tpu.vector_store %arg6[%swap3A_15], %swap3A_18 {strides = array<i32>} : memref<128xf32, #tpu.memory_space<vmem>>, vector<16xf32>,
    %swap3A_19 = arith.constant 64 : index
    %swap3A_20 = tpu.vector_load %arg6[%swap3A_19] {strides = array<i32>} : memref<128xf32, #tpu.memory_space<vmem>>, vector<16xf32>,
    %swap3A_21 = vector.shape_cast %swap3A_20 : vector<16xf32> to vector<16xf32>
    %swap3A_22 = vector.shape_cast %broadcast_in_dim3A_1 : vector<16xf32> to vector<16xf32>
    tpu.vector_store %arg6[%swap3A_19], %swap3A_22 {strides = array<i32>} : memref<128xf32, #tpu.memory_space<vmem>>, vector<16xf32>,
    %swap3A_23 = arith.constant 80 : index
    %swap3A_24 = tpu.vector_load %arg6[%swap3A_23] {strides = array<i32>} : memref<128xf32, #tpu.memory_space<vmem>>, vector<16xf32>,
    %swap3A_25 = vector.shape_cast %swap3A_24 : vector<16xf32> to vector<16xf32>
    %swap3A_26 = vector.shape_cast %broadcast_in_dim3A_1 : vector<16xf32> to vector<16xf32>
    tpu.vector_store %arg6[%swap3A_23], %swap3A_26 {strides = array<i32>} : memref<128xf32, #tpu.memory_space<vmem>>, vector<16xf32>,
    %swap3A_27 = arith.constant 96 : index
    %swap3A_28 = tpu.vector_load %arg6[%swap3A_27] {strides = array<i32>} : memref<128xf32, #tpu.memory_space<vmem>>, vector<16xf32>,
    %swap3A_29 = vector.shape_cast %swap3A_28 : vector<16xf32> to vector<16xf32>
    %swap3A_30 = vector.shape_cast %broadcast_in_dim3A_1 : vector<16xf32> to vector<16xf32>
    tpu.vector_store %arg6[%swap3A_27], %swap3A_30 {strides = array<i32>} : memref<128xf32, #tpu.memory_space<vmem>>, vector<16xf32>,
    %swap3A_31 = arith.constant 112 : index
    %swap3A_32 = tpu.vector_load %arg6[%swap3A_31] {strides = array<i32>} : memref<128xf32, #tpu.memory_space<vmem>>, vector<16xf32>,
    %swap3A_33 = vector.shape_cast %swap3A_32 : vector<16xf32> to vector<16xf32>
    %swap3A_34 = vector.shape_cast %broadcast_in_dim3A_1 : vector<16xf32> to vector<16xf32>
    tpu.vector_store %arg6[%swap3A_31], %swap3A_34 {strides = array<i32>} : memref<128xf32, #tpu.memory_space<vmem>>, vector<16xf32>,
    %swap3A_35 = arith.constant 0 : index
    %swap3A_36 = tpu.vector_load %arg7[%swap3A_35] {strides = array<i32>} : memref<640xf32, #tpu.memory_space<vmem>>, vector<16xf32>,
    %swap3A_37 = vector.shape_cast %swap3A_36 : vector<16xf32> to vector<16xf32>
    %swap3A_38 = vector.shape_cast %broadcast_in_dim3A_3 : vector<16xf32> to vector<16xf32>
    tpu.vector_store %arg7[%swap3A_35], %swap3A_38 {strides = array<i32>} : memref<640xf32, #tpu.memory_space<vmem>>, vector<16xf32>,
    %swap3A_39 = arith.constant 16 : index
    %swap3A_40 = tpu.vector_load %arg7[%swap3A_39] {strides = array<i32>} : memref<640xf32, #tpu.memory_space<vmem>>, vector<16xf32>,
    %swap3A_41 = vector.shape_cast %swap3A_40 : vector<16xf32> to vector<16xf32>
    %swap3A_42 = vector.shape_cast %broadcast_in_dim3A_3 : vector<16xf32> to vector<16xf32>
    tpu.vector_store %arg7[%swap3A_39], %swap3A_42 {strides = array<i32>} : memref<640xf32, #tpu.memory_space<vmem>>, vector<16xf32>,
    %swap3A_43 = arith.constant 32 : index
    %swap3A_44 = tpu.vector_load %arg7[%swap3A_43] {strides = array<i32>} : memref<640xf32, #tpu.memory_space<vmem>>, vector<16xf32>,
    %swap3A_45 = vector.shape_cast %swap3A_44 : vector<16xf32> to vector<16xf32>
    %swap3A_46 = vector.shape_cast %broadcast_in_dim3A_3 : vector<16xf32> to vector<16xf32>
    tpu.vector_store %arg7[%swap3A_43], %swap3A_46 {strides = array<i32>} : memref<640xf32, #tpu.memory_space<vmem>>, vector<16xf32>,
    %swap3A_47 = arith.constant 48 : index
    %swap3A_48 = tpu.vector_load %arg7[%swap3A_47] {strides = array<i32>} : memref<640xf32, #tpu.memory_space<vmem>>, vector<16xf32>,
    %swap3A_49 = vector.shape_cast %swap3A_48 : vector<16xf32> to vector<16xf32>
    %swap3A_50 = vector.shape_cast %broadcast_in_dim3A_3 : vector<16xf32> to vector<16xf32>
    tpu.vector_store %arg7[%swap3A_47], %swap3A_50 {strides = array<i32>} : memref<640xf32, #tpu.memory_space<vmem>>, vector<16xf32>,
    %swap3A_51 = arith.constant 64 : index
    %swap3A_52 = tpu.vector_load %arg7[%swap3A_51] {strides = array<i32>} : memref<640xf32, #tpu.memory_space<vmem>>, vector<16xf32>,
    %swap3A_53 = vector.shape_cast %swap3A_52 : vector<16xf32> to vector<16xf32>
    %swap3A_54 = vector.shape_cast %broadcast_in_dim3A_3 : vector<16xf32> to vector<16xf32>
    tpu.vector_store %arg7[%swap3A_51], %swap3A_54 {strides = array<i32>} : memref<640xf32, #tpu.memory_space<vmem>>, vector<16xf32>,
    %swap3A_55 = arith.constant 80 : index
    %swap3A_56 = tpu.vector_load %arg7[%swap3A_55] {strides = array<i32>} : memref<640xf32, #tpu.memory_space<vmem>>, vector<16xf32>,
    %swap3A_57 = vector.shape_cast %swap3A_56 : vector<16xf32> to vector<16xf32>
    %swap3A_58 = vector.shape_cast %broadcast_in_dim3A_3 : vector<16xf32> to vector<16xf32>
    tpu.vector_store %arg7[%swap3A_55], %swap3A_58 {strides = array<i32>} : memref<640xf32, #tpu.memory_space<vmem>>, vector<16xf32>,
    %swap3A_59 = arith.constant 96 : index
    %swap3A_60 = tpu.vector_load %arg7[%swap3A_59] {strides = array<i32>} : memref<640xf32, #tpu.memory_space<vmem>>, vector<16xf32>,
    %swap3A_61 = vector.shape_cast %swap3A_60 : vector<16xf32> to vector<16xf32>
    %swap3A_62 = vector.shape_cast %broadcast_in_dim3A_3 : vector<16xf32> to vector<16xf32>
    tpu.vector_store %arg7[%swap3A_59], %swap3A_62 {strides = array<i32>} : memref<640xf32, #tpu.memory_space<vmem>>, vector<16xf32>,
    %swap3A_63 = arith.constant 112 : index
    %swap3A_64 = tpu.vector_load %arg7[%swap3A_63] {strides = array<i32>} : memref<640xf32, #tpu.memory_space<vmem>>, vector<16xf32>,
    %swap3A_65 = vector.shape_cast %swap3A_64 : vector<16xf32> to vector<16xf32>
    %swap3A_66 = vector.shape_cast %broadcast_in_dim3A_3 : vector<16xf32> to vector<16xf32>
    tpu.vector_store %arg7[%swap3A_63], %swap3A_66 {strides = array<i32>} : memref<640xf32, #tpu.memory_space<vmem>>, vector<16xf32>,
    %swap3A_67 = arith.constant 128 : index
    %swap3A_68 = tpu.vector_load %arg7[%swap3A_67] {strides = array<i32>} : memref<640xf32, #tpu.memory_space<vmem>>, vector<16xf32>,
    %swap3A_69 = vector.shape_cast %swap3A_68 : vector<16xf32> to vector<16xf32>
    %swap3A_70 = vector.shape_cast %broadcast_in_dim3A_3 : vector<16xf32> to vector<16xf32>
    tpu.vector_store %arg7[%swap3A_67], %swap3A_70 {strides = array<i32>} : memref<640xf32, #tpu.memory_space<vmem>>, vector<16xf32>,
    %swap3A_71 = arith.constant 144 : index
    %swap3A_72 = tpu.vector_load %arg7[%swap3A_71] {strides = array<i32>} : memref<640xf32, #tpu.memory_space<vmem>>, vector<16xf32>,
    %swap3A_73 = vector.shape_cast %swap3A_72 : vector<16xf32> to vector<16xf32>
    %swap3A_74 = vector.shape_cast %broadcast_in_dim3A_3 : vector<16xf32> to vector<16xf32>
    tpu.vector_store %arg7[%swap3A_71], %swap3A_74 {strides = array<i32>} : memref<640xf32, #tpu.memory_space<vmem>>, vector<16xf32>,
    %swap3A_75 = arith.constant 160 : index
    %swap3A_76 = tpu.vector_load %arg7[%swap3A_75] {strides = array<i32>} : memref<640xf32, #tpu.memory_space<vmem>>, vector<16xf32>,
    %swap3A_77 = vector.shape_cast %swap3A_76 : vector<16xf32> to vector<16xf32>
    %swap3A_78 = vector.shape_cast %broadcast_in_dim3A_3 : vector<16xf32> to vector<16xf32>
    tpu.vector_store %arg7[%swap3A_75], %swap3A_78 {strides = array<i32>} : memref<640xf32, #tpu.memory_space<vmem>>, vector<16xf32>,
    %swap3A_79 = arith.constant 176 : index
    %swap3A_80 = tpu.vector_load %arg7[%swap3A_79] {strides = array<i32>} : memref<640xf32, #tpu.memory_space<vmem>>, vector<16xf32>,
    %swap3A_81 = vector.shape_cast %swap3A_80 : vector<16xf32> to vector<16xf32>
    %swap3A_82 = vector.shape_cast %broadcast_in_dim3A_3 : vector<16xf32> to vector<16xf32>
    tpu.vector_store %arg7[%swap3A_79], %swap3A_82 {strides = array<i32>} : memref<640xf32, #tpu.memory_space<vmem>>, vector<16xf32>,
    %swap3A_83 = arith.constant 192 : index
    %swap3A_84 = tpu.vector_load %arg7[%swap3A_83] {strides = array<i32>} : memref<640xf32, #tpu.memory_space<vmem>>, vector<16xf32>,
    %swap3A_85 = vector.shape_cast %swap3A_84 : vector<16xf32> to vector<16xf32>
    %swap3A_86 = vector.shape_cast %broadcast_in_dim3A_3 : vector<16xf32> to vector<16xf32>
    tpu.vector_store %arg7[%swap3A_83], %swap3A_86 {strides = array<i32>} : memref<640xf32, #tpu.memory_space<vmem>>, vector<16xf32>,
    %swap3A_87 = arith.constant 208 : index
    %swap3A_88 = tpu.vector_load %arg7[%swap3A_87] {strides = array<i32>} : memref<640xf32, #tpu.memory_space<vmem>>, vector<16xf32>,
    %swap3A_89 = vector.shape_cast %swap3A_88 : vector<16xf32> to vector<16xf32>
    %swap3A_90 = vector.shape_cast %broadcast_in_dim3A_3 : vector<16xf32> to vector<16xf32>
    tpu.vector_store %arg7[%swap3A_87], %swap3A_90 {strides = array<i32>} : memref<640xf32, #tpu.memory_space<vmem>>, vector<16xf32>,
    %swap3A_91 = arith.constant 224 : index
    %swap3A_92 = tpu.vector_load %arg7[%swap3A_91] {strides = array<i32>} : memref<640xf32, #tpu.memory_space<vmem>>, vector<16xf32>,
    %swap3A_93 = vector.shape_cast %swap3A_92 : vector<16xf32> to vector<16xf32>
    %swap3A_94 = vector.shape_cast %broadcast_in_dim3A_3 : vector<16xf32> to vector<16xf32>
    tpu.vector_store %arg7[%swap3A_91], %swap3A_94 {strides = array<i32>} : memref<640xf32, #tpu.memory_space<vmem>>, vector<16xf32>,
    %swap3A_95 = arith.constant 240 : index
    %swap3A_96 = tpu.vector_load %arg7[%swap3A_95] {strides = array<i32>} : memref<640xf32, #tpu.memory_space<vmem>>, vector<16xf32>,
    %swap3A_97 = vector.shape_cast %swap3A_96 : vector<16xf32> to vector<16xf32>
    %swap3A_98 = vector.shape_cast %broadcast_in_dim3A_3 : vector<16xf32> to vector<16xf32>
    tpu.vector_store %arg7[%swap3A_95], %swap3A_98 {strides = array<i32>} : memref<640xf32, #tpu.memory_space<vmem>>, vector<16xf32>,
    %swap3A_99 = arith.constant 256 : index
    %swap3A_100 = tpu.vector_load %arg7[%swap3A_99] {strides = array<i32>} : memref<640xf32, #tpu.memory_space<vmem>>, vector<16xf32>,
    %swap3A_101 = vector.shape_cast %swap3A_100 : vector<16xf32> to vector<16xf32>
    %swap3A_102 = vector.shape_cast %broadcast_in_dim3A_3 : vector<16xf32> to vector<16xf32>
    tpu.vector_store %arg7[%swap3A_99], %swap3A_102 {strides = array<i32>} : memref<640xf32, #tpu.memory_space<vmem>>, vector<16xf32>,
    %swap3A_103 = arith.constant 272 : index
    %swap3A_104 = tpu.vector_load %arg7[%swap3A_103] {strides = array<i32>} : memref<640xf32, #tpu.memory_space<vmem>>, vector<16xf32>,
    %swap3A_105 = vector.shape_cast %swap3A_104 : vector<16xf32> to vector<16xf32>
    %swap3A_106 = vector.shape_cast %broadcast_in_dim3A_3 : vector<16xf32> to vector<16xf32>
    tpu.vector_store %arg7[%swap3A_103], %swap3A_106 {strides = array<i32>} : memref<640xf32, #tpu.memory_space<vmem>>, vector<16xf32>,
    %swap3A_107 = arith.constant 288 : index
    %swap3A_108 = tpu.vector_load %arg7[%swap3A_107] {strides = array<i32>} : memref<640xf32, #tpu.memory_space<vmem>>, vector<16xf32>,
    %swap3A_109 = vector.shape_cast %swap3A_108 : vector<16xf32> to vector<16xf32>
    %swap3A_110 = vector.shape_cast %broadcast_in_dim3A_3 : vector<16xf32> to vector<16xf32>
    tpu.vector_store %arg7[%swap3A_107], %swap3A_110 {strides = array<i32>} : memref<640xf32, #tpu.memory_space<vmem>>, vector<16xf32>,
    %swap3A_111 = arith.constant 304 : index
    %swap3A_112 = tpu.vector_load %arg7[%swap3A_111] {strides = array<i32>} : memref<640xf32, #tpu.memory_space<vmem>>, vector<16xf32>,
    %swap3A_113 = vector.shape_cast %swap3A_112 : vector<16xf32> to vector<16xf32>
    %swap3A_114 = vector.shape_cast %broadcast_in_dim3A_3 : vector<16xf32> to vector<16xf32>
    tpu.vector_store %arg7[%swap3A_111], %swap3A_114 {strides = array<i32>} : memref<640xf32, #tpu.memory_space<vmem>>, vector<16xf32>,
    %swap3A_115 = arith.constant 320 : index
    %swap3A_116 = tpu.vector_load %arg7[%swap3A_115] {strides = array<i32>} : memref<640xf32, #tpu.memory_space<vmem>>, vector<16xf32>,
    %swap3A_117 = vector.shape_cast %swap3A_116 : vector<16xf32> to vector<16xf32>
    %swap3A_118 = vector.shape_cast %broadcast_in_dim3A_3 : vector<16xf32> to vector<16xf32>
    tpu.vector_store %arg7[%swap3A_115], %swap3A_118 {strides = array<i32>} : memref<640xf32, #tpu.memory_space<vmem>>, vector<16xf32>,
    %swap3A_119 = arith.constant 336 : index
    %swap3A_120 = tpu.vector_load %arg7[%swap3A_119] {strides = array<i32>} : memref<640xf32, #tpu.memory_space<vmem>>, vector<16xf32>,
    %swap3A_121 = vector.shape_cast %swap3A_120 : vector<16xf32> to vector<16xf32>
    %swap3A_122 = vector.shape_cast %broadcast_in_dim3A_3 : vector<16xf32> to vector<16xf32>
    tpu.vector_store %arg7[%swap3A_119], %swap3A_122 {strides = array<i32>} : memref<640xf32, #tpu.memory_space<vmem>>, vector<16xf32>,
    %swap3A_123 = arith.constant 352 : index
    %swap3A_124 = tpu.vector_load %arg7[%swap3A_123] {strides = array<i32>} : memref<640xf32, #tpu.memory_space<vmem>>, vector<16xf32>,
    %swap3A_125 = vector.shape_cast %swap3A_124 : vector<16xf32> to vector<16xf32>
    %swap3A_126 = vector.shape_cast %broadcast_in_dim3A_3 : vector<16xf32> to vector<16xf32>
    tpu.vector_store %arg7[%swap3A_123], %swap3A_126 {strides = array<i32>} : memref<640xf32, #tpu.memory_space<vmem>>, vector<16xf32>,
    %swap3A_127 = arith.constant 368 : index
    %swap3A_128 = tpu.vector_load %arg7[%swap3A_127] {strides = array<i32>} : memref<640xf32, #tpu.memory_space<vmem>>, vector<16xf32>,
    %swap3A_129 = vector.shape_cast %swap3A_128 : vector<16xf32> to vector<16xf32>
    %swap3A_130 = vector.shape_cast %broadcast_in_dim3A_3 : vector<16xf32> to vector<16xf32>
    tpu.vector_store %arg7[%swap3A_127], %swap3A_130 {strides = array<i32>} : memref<640xf32, #tpu.memory_space<vmem>>, vector<16xf32>,
    %swap3A_131 = arith.constant 384 : index
    %swap3A_132 = tpu.vector_load %arg7[%swap3A_131] {strides = array<i32>} : memref<640xf32, #tpu.memory_space<vmem>>, vector<16xf32>,
    %swap3A_133 = vector.shape_cast %swap3A_132 : vector<16xf32> to vector<16xf32>
    %swap3A_134 = vector.shape_cast %broadcast_in_dim3A_3 : vector<16xf32> to vector<16xf32>
    tpu.vector_store %arg7[%swap3A_131], %swap3A_134 {strides = array<i32>} : memref<640xf32, #tpu.memory_space<vmem>>, vector<16xf32>,
    %swap3A_135 = arith.constant 400 : index
    %swap3A_136 = tpu.vector_load %arg7[%swap3A_135] {strides = array<i32>} : memref<640xf32, #tpu.memory_space<vmem>>, vector<16xf32>,
    %swap3A_137 = vector.shape_cast %swap3A_136 : vector<16xf32> to vector<16xf32>
    %swap3A_138 = vector.shape_cast %broadcast_in_dim3A_3 : vector<16xf32> to vector<16xf32>
    tpu.vector_store %arg7[%swap3A_135], %swap3A_138 {strides = array<i32>} : memref<640xf32, #tpu.memory_space<vmem>>, vector<16xf32>,
    %swap3A_139 = arith.constant 416 : index
    %swap3A_140 = tpu.vector_load %arg7[%swap3A_139] {strides = array<i32>} : memref<640xf32, #tpu.memory_space<vmem>>, vector<16xf32>,
    %swap3A_141 = vector.shape_cast %swap3A_140 : vector<16xf32> to vector<16xf32>
    %swap3A_142 = vector.shape_cast %broadcast_in_dim3A_3 : vector<16xf32> to vector<16xf32>
    tpu.vector_store %arg7[%swap3A_139], %swap3A_142 {strides = array<i32>} : memref<640xf32, #tpu.memory_space<vmem>>, vector<16xf32>,
    %swap3A_143 = arith.constant 432 : index
    %swap3A_144 = tpu.vector_load %arg7[%swap3A_143] {strides = array<i32>} : memref<640xf32, #tpu.memory_space<vmem>>, vector<16xf32>,
    %swap3A_145 = vector.shape_cast %swap3A_144 : vector<16xf32> to vector<16xf32>
    %swap3A_146 = vector.shape_cast %broadcast_in_dim3A_3 : vector<16xf32> to vector<16xf32>
    tpu.vector_store %arg7[%swap3A_143], %swap3A_146 {strides = array<i32>} : memref<640xf32, #tpu.memory_space<vmem>>, vector<16xf32>,
    %swap3A_147 = arith.constant 448 : index
    %swap3A_148 = tpu.vector_load %arg7[%swap3A_147] {strides = array<i32>} : memref<640xf32, #tpu.memory_space<vmem>>, vector<16xf32>,
    %swap3A_149 = vector.shape_cast %swap3A_148 : vector<16xf32> to vector<16xf32>
    %swap3A_150 = vector.shape_cast %broadcast_in_dim3A_3 : vector<16xf32> to vector<16xf32>
    tpu.vector_store %arg7[%swap3A_147], %swap3A_150 {strides = array<i32>} : memref<640xf32, #tpu.memory_space<vmem>>, vector<16xf32>,
    %swap3A_151 = arith.constant 464 : index
    %swap3A_152 = tpu.vector_load %arg7[%swap3A_151] {strides = array<i32>} : memref<640xf32, #tpu.memory_space<vmem>>, vector<16xf32>,
    %swap3A_153 = vector.shape_cast %swap3A_152 : vector<16xf32> to vector<16xf32>
    %swap3A_154 = vector.shape_cast %broadcast_in_dim3A_3 : vector<16xf32> to vector<16xf32>
    tpu.vector_store %arg7[%swap3A_151], %swap3A_154 {strides = array<i32>} : memref<640xf32, #tpu.memory_space<vmem>>, vector<16xf32>,
    %swap3A_155 = arith.constant 480 : index
    %swap3A_156 = tpu.vector_load %arg7[%swap3A_155] {strides = array<i32>} : memref<640xf32, #tpu.memory_space<vmem>>, vector<16xf32>,
    %swap3A_157 = vector.shape_cast %swap3A_156 : vector<16xf32> to vector<16xf32>
    %swap3A_158 = vector.shape_cast %broadcast_in_dim3A_3 : vector<16xf32> to vector<16xf32>
    tpu.vector_store %arg7[%swap3A_155], %swap3A_158 {strides = array<i32>} : memref<640xf32, #tpu.memory_space<vmem>>, vector<16xf32>,
    %swap3A_159 = arith.constant 496 : index
    %swap3A_160 = tpu.vector_load %arg7[%swap3A_159] {strides = array<i32>} : memref<640xf32, #tpu.memory_space<vmem>>, vector<16xf32>,
    %swap3A_161 = vector.shape_cast %swap3A_160 : vector<16xf32> to vector<16xf32>
    %swap3A_162 = vector.shape_cast %broadcast_in_dim3A_3 : vector<16xf32> to vector<16xf32>
    tpu.vector_store %arg7[%swap3A_159], %swap3A_162 {strides = array<i32>} : memref<640xf32, #tpu.memory_space<vmem>>, vector<16xf32>,
    %swap3A_163 = arith.constant 512 : index
    %swap3A_164 = tpu.vector_load %arg7[%swap3A_163] {strides = array<i32>} : memref<640xf32, #tpu.memory_space<vmem>>, vector<16xf32>,
    %swap3A_165 = vector.shape_cast %swap3A_164 : vector<16xf32> to vector<16xf32>
    %swap3A_166 = vector.shape_cast %broadcast_in_dim3A_3 : vector<16xf32> to vector<16xf32>
    tpu.vector_store %arg7[%swap3A_163], %swap3A_166 {strides = array<i32>} : memref<640xf32, #tpu.memory_space<vmem>>, vector<16xf32>,
    %swap3A_167 = arith.constant 528 : index
    %swap3A_168 = tpu.vector_load %arg7[%swap3A_167] {strides = array<i32>} : memref<640xf32, #tpu.memory_space<vmem>>, vector<16xf32>,
    %swap3A_169 = vector.shape_cast %swap3A_168 : vector<16xf32> to vector<16xf32>
    %swap3A_170 = vector.shape_cast %broadcast_in_dim3A_3 : vector<16xf32> to vector<16xf32>
    tpu.vector_store %arg7[%swap3A_167], %swap3A_170 {strides = array<i32>} : memref<640xf32, #tpu.memory_space<vmem>>, vector<16xf32>,
    %swap3A_171 = arith.constant 544 : index
    %swap3A_172 = tpu.vector_load %arg7[%swap3A_171] {strides = array<i32>} : memref<640xf32, #tpu.memory_space<vmem>>, vector<16xf32>,
    %swap3A_173 = vector.shape_cast %swap3A_172 : vector<16xf32> to vector<16xf32>
    %swap3A_174 = vector.shape_cast %broadcast_in_dim3A_3 : vector<16xf32> to vector<16xf32>
    tpu.vector_store %arg7[%swap3A_171], %swap3A_174 {strides = array<i32>} : memref<640xf32, #tpu.memory_space<vmem>>, vector<16xf32>,
    %swap3A_175 = arith.constant 560 : index
    %swap3A_176 = tpu.vector_load %arg7[%swap3A_175] {strides = array<i32>} : memref<640xf32, #tpu.memory_space<vmem>>, vector<16xf32>,
    %swap3A_177 = vector.shape_cast %swap3A_176 : vector<16xf32> to vector<16xf32>
    %swap3A_178 = vector.shape_cast %broadcast_in_dim3A_3 : vector<16xf32> to vector<16xf32>
    tpu.vector_store %arg7[%swap3A_175], %swap3A_178 {strides = array<i32>} : memref<640xf32, #tpu.memory_space<vmem>>, vector<16xf32>,
    %swap3A_179 = arith.constant 576 : index
    %swap3A_180 = tpu.vector_load %arg7[%swap3A_179] {strides = array<i32>} : memref<640xf32, #tpu.memory_space<vmem>>, vector<16xf32>,
    %swap3A_181 = vector.shape_cast %swap3A_180 : vector<16xf32> to vector<16xf32>
    %swap3A_182 = vector.shape_cast %broadcast_in_dim3A_3 : vector<16xf32> to vector<16xf32>
    tpu.vector_store %arg7[%swap3A_179], %swap3A_182 {strides = array<i32>} : memref<640xf32, #tpu.memory_space<vmem>>, vector<16xf32>,
    %swap3A_183 = arith.constant 592 : index
    %swap3A_184 = tpu.vector_load %arg7[%swap3A_183] {strides = array<i32>} : memref<640xf32, #tpu.memory_space<vmem>>, vector<16xf32>,
    %swap3A_185 = vector.shape_cast %swap3A_184 : vector<16xf32> to vector<16xf32>
    %swap3A_186 = vector.shape_cast %broadcast_in_dim3A_3 : vector<16xf32> to vector<16xf32>
    tpu.vector_store %arg7[%swap3A_183], %swap3A_186 {strides = array<i32>} : memref<640xf32, #tpu.memory_space<vmem>>, vector<16xf32>,
    %swap3A_187 = arith.constant 608 : index
    %swap3A_188 = tpu.vector_load %arg7[%swap3A_187] {strides = array<i32>} : memref<640xf32, #tpu.memory_space<vmem>>, vector<16xf32>,
    %swap3A_189 = vector.shape_cast %swap3A_188 : vector<16xf32> to vector<16xf32>
    %swap3A_190 = vector.shape_cast %broadcast_in_dim3A_3 : vector<16xf32> to vector<16xf32>
    tpu.vector_store %arg7[%swap3A_187], %swap3A_190 {strides = array<i32>} : memref<640xf32, #tpu.memory_space<vmem>>, vector<16xf32>,
    %swap3A_191 = arith.constant 624 : index
    %swap3A_192 = tpu.vector_load %arg7[%swap3A_191] {strides = array<i32>} : memref<640xf32, #tpu.memory_space<vmem>>, vector<16xf32>,
    %swap3A_193 = vector.shape_cast %swap3A_192 : vector<16xf32> to vector<16xf32>
    %swap3A_194 = vector.shape_cast %broadcast_in_dim3A_3 : vector<16xf32> to vector<16xf32>
    tpu.vector_store %arg7[%swap3A_191], %swap3A_194 {strides = array<i32>} : memref<640xf32, #tpu.memory_space<vmem>>, vector<16xf32>,
    %mul3A_195 = arith.constant 640 : i32
    %mul3A_196 = arith.muli %arg1, %mul3A_195 : i32
    "tpu.region"() ({
      %run_scoped3A = tpu.sem_alloc : memref<!tpu.dma_semaphore, #tpu.memory_space<semaphore_mem>>
      %dma_start3A = tpu.memref_slice %arg8[%mul3A_196] : memref<10240xf32, #tpu.memory_space<vmem_shared>> -> memref<640xf32, #tpu.memory_space<vmem_shared>>
      %dma_start3A_207 = tpu.memref_slice %arg8[%mul3A_196] : memref<10240xf32, #tpu.memory_space<vmem_shared>> -> memref<640xf32, #tpu.memory_space<vmem_shared>>
      tpu.enqueue_dma source(%arg7 : memref<640xf32, #tpu.memory_space<vmem>>) target(%dma_start3A_207 : memref<640xf32, #tpu.memory_space<vmem_shared>>) target_semaphore(%run_scoped3A : memref<!tpu.dma_semaphore, #tpu.memory_space<semaphore_mem>>)
      %dma_wait3A = tpu.memref_slice %arg8[%mul3A_196] : memref<10240xf32, #tpu.memory_space<vmem_shared>> -> memref<640xf32, #tpu.memory_space<vmem_shared>>
      %dma_wait3A_208 = tpu.memref_slice %arg8[%mul3A_196] : memref<10240xf32, #tpu.memory_space<vmem_shared>> -> memref<640xf32, #tpu.memory_space<vmem_shared>>
      tpu.wait_dma2 semaphore(%run_scoped3A : memref<!tpu.dma_semaphore, #tpu.memory_space<semaphore_mem>>) src(%arg7 : memref<640xf32, #tpu.memory_space<vmem>>) dst(%dma_wait3A_208 : memref<640xf32, #tpu.memory_space<vmem_shared>>)
      tpu.yield
    }) : () -> ()
    %barrier3A = arith.constant 0 : index
    tpu.barrier barrier_id(%barrier3A)
    %scan3A = arith.constant 0 : i32
    %scan3A_197 = arith.constant 0 : i32
    %scan3A_198 = arith.constant 80 : i32
    %scan3A_199 = arith.addi %scan3A_197, %scan3A_198 : i32
    %scan3A_200 = arith.constant 1 : i32
    scf.for %scan3A_207 = %scan3A_197 to %scan3A_199 step %scan3A_200  : i32 {
      %get3A = arith.index_cast %scan3A_207 : i32 to index
      %get3A_208 = arith.constant 0 : index
      %get3A_209 = tpu.vector_load %arg4[%get3A, %get3A_208] {strides = array<i32>} : memref<80x128xi32, #tpu.memory_space<vmem>>, vector<1x16xi32>,
      %get3A_210 = vector.shape_cast %get3A_209 : vector<1x16xi32> to vector<16xi32>
      %shift_right_logical3A = arith.constant 14 : i32
      %shift_right_logical3A_211 = vector.broadcast %shift_right_logical3A : i32 to vector<16xi32>
      %shift_right_logical3A_212 = arith.shrui %get3A_210, %shift_right_logical3A_211 : vector<16xi32>
      %swap3A_213 = arith.constant 0 : index
      %swap3A_214 = tpu.vector_load %arg5[%swap3A_213] {strides = array<i32>} : memref<128xi32, #tpu.memory_space<vmem>>, vector<16xi32>,
      %swap3A_215 = vector.shape_cast %swap3A_214 : vector<16xi32> to vector<16xi32>
      %swap3A_216 = vector.shape_cast %shift_right_logical3A_212 : vector<16xi32> to vector<16xi32>
      tpu.vector_store %arg5[%swap3A_213], %swap3A_216 {strides = array<i32>} : memref<128xi32, #tpu.memory_space<vmem>>, vector<16xi32>,
      %get3A_217 = arith.index_cast %scan3A_207 : i32 to index
      %get3A_218 = arith.constant 16 : index
      %get3A_219 = tpu.vector_load %arg4[%get3A_217, %get3A_218] {strides = array<i32>} : memref<80x128xi32, #tpu.memory_space<vmem>>, vector<1x16xi32>,
      %get3A_220 = vector.shape_cast %get3A_219 : vector<1x16xi32> to vector<16xi32>
      %shift_right_logical3A_221 = arith.constant 14 : i32
      %shift_right_logical3A_222 = vector.broadcast %shift_right_logical3A_221 : i32 to vector<16xi32>
      %shift_right_logical3A_223 = arith.shrui %get3A_220, %shift_right_logical3A_222 : vector<16xi32>
      %swap3A_224 = arith.constant 16 : index
      %swap3A_225 = tpu.vector_load %arg5[%swap3A_224] {strides = array<i32>} : memref<128xi32, #tpu.memory_space<vmem>>, vector<16xi32>,
      %swap3A_226 = vector.shape_cast %swap3A_225 : vector<16xi32> to vector<16xi32>
      %swap3A_227 = vector.shape_cast %shift_right_logical3A_223 : vector<16xi32> to vector<16xi32>
      tpu.vector_store %arg5[%swap3A_224], %swap3A_227 {strides = array<i32>} : memref<128xi32, #tpu.memory_space<vmem>>, vector<16xi32>,
      %get3A_228 = arith.index_cast %scan3A_207 : i32 to index
      %get3A_229 = arith.constant 32 : index
      %get3A_230 = tpu.vector_load %arg4[%get3A_228, %get3A_229] {strides = array<i32>} : memref<80x128xi32, #tpu.memory_space<vmem>>, vector<1x16xi32>,
      %get3A_231 = vector.shape_cast %get3A_230 : vector<1x16xi32> to vector<16xi32>
      %shift_right_logical3A_232 = arith.constant 14 : i32
      %shift_right_logical3A_233 = vector.broadcast %shift_right_logical3A_232 : i32 to vector<16xi32>
      %shift_right_logical3A_234 = arith.shrui %get3A_231, %shift_right_logical3A_233 : vector<16xi32>
      %swap3A_235 = arith.constant 32 : index
      %swap3A_236 = tpu.vector_load %arg5[%swap3A_235] {strides = array<i32>} : memref<128xi32, #tpu.memory_space<vmem>>, vector<16xi32>,
      %swap3A_237 = vector.shape_cast %swap3A_236 : vector<16xi32> to vector<16xi32>
      %swap3A_238 = vector.shape_cast %shift_right_logical3A_234 : vector<16xi32> to vector<16xi32>
      tpu.vector_store %arg5[%swap3A_235], %swap3A_238 {strides = array<i32>} : memref<128xi32, #tpu.memory_space<vmem>>, vector<16xi32>,
      %get3A_239 = arith.index_cast %scan3A_207 : i32 to index
      %get3A_240 = arith.constant 48 : index
      %get3A_241 = tpu.vector_load %arg4[%get3A_239, %get3A_240] {strides = array<i32>} : memref<80x128xi32, #tpu.memory_space<vmem>>, vector<1x16xi32>,
      %get3A_242 = vector.shape_cast %get3A_241 : vector<1x16xi32> to vector<16xi32>
      %shift_right_logical3A_243 = arith.constant 14 : i32
      %shift_right_logical3A_244 = vector.broadcast %shift_right_logical3A_243 : i32 to vector<16xi32>
      %shift_right_logical3A_245 = arith.shrui %get3A_242, %shift_right_logical3A_244 : vector<16xi32>
      %swap3A_246 = arith.constant 48 : index
      %swap3A_247 = tpu.vector_load %arg5[%swap3A_246] {strides = array<i32>} : memref<128xi32, #tpu.memory_space<vmem>>, vector<16xi32>,
      %swap3A_248 = vector.shape_cast %swap3A_247 : vector<16xi32> to vector<16xi32>
      %swap3A_249 = vector.shape_cast %shift_right_logical3A_245 : vector<16xi32> to vector<16xi32>
      tpu.vector_store %arg5[%swap3A_246], %swap3A_249 {strides = array<i32>} : memref<128xi32, #tpu.memory_space<vmem>>, vector<16xi32>,
      %get3A_250 = arith.index_cast %scan3A_207 : i32 to index
      %get3A_251 = arith.constant 64 : index
      %get3A_252 = tpu.vector_load %arg4[%get3A_250, %get3A_251] {strides = array<i32>} : memref<80x128xi32, #tpu.memory_space<vmem>>, vector<1x16xi32>,
      %get3A_253 = vector.shape_cast %get3A_252 : vector<1x16xi32> to vector<16xi32>
      %shift_right_logical3A_254 = arith.constant 14 : i32
      %shift_right_logical3A_255 = vector.broadcast %shift_right_logical3A_254 : i32 to vector<16xi32>
      %shift_right_logical3A_256 = arith.shrui %get3A_253, %shift_right_logical3A_255 : vector<16xi32>
      %swap3A_257 = arith.constant 64 : index
      %swap3A_258 = tpu.vector_load %arg5[%swap3A_257] {strides = array<i32>} : memref<128xi32, #tpu.memory_space<vmem>>, vector<16xi32>,
      %swap3A_259 = vector.shape_cast %swap3A_258 : vector<16xi32> to vector<16xi32>
      %swap3A_260 = vector.shape_cast %shift_right_logical3A_256 : vector<16xi32> to vector<16xi32>
      tpu.vector_store %arg5[%swap3A_257], %swap3A_260 {strides = array<i32>} : memref<128xi32, #tpu.memory_space<vmem>>, vector<16xi32>,
      %get3A_261 = arith.index_cast %scan3A_207 : i32 to index
      %get3A_262 = arith.constant 80 : index
      %get3A_263 = tpu.vector_load %arg4[%get3A_261, %get3A_262] {strides = array<i32>} : memref<80x128xi32, #tpu.memory_space<vmem>>, vector<1x16xi32>,
      %get3A_264 = vector.shape_cast %get3A_263 : vector<1x16xi32> to vector<16xi32>
      %shift_right_logical3A_265 = arith.constant 14 : i32
      %shift_right_logical3A_266 = vector.broadcast %shift_right_logical3A_265 : i32 to vector<16xi32>
      %shift_right_logical3A_267 = arith.shrui %get3A_264, %shift_right_logical3A_266 : vector<16xi32>
      %swap3A_268 = arith.constant 80 : index
      %swap3A_269 = tpu.vector_load %arg5[%swap3A_268] {strides = array<i32>} : memref<128xi32, #tpu.memory_space<vmem>>, vector<16xi32>,
      %swap3A_270 = vector.shape_cast %swap3A_269 : vector<16xi32> to vector<16xi32>
      %swap3A_271 = vector.shape_cast %shift_right_logical3A_267 : vector<16xi32> to vector<16xi32>
      tpu.vector_store %arg5[%swap3A_268], %swap3A_271 {strides = array<i32>} : memref<128xi32, #tpu.memory_space<vmem>>, vector<16xi32>,
      %get3A_272 = arith.index_cast %scan3A_207 : i32 to index
      %get3A_273 = arith.constant 96 : index
      %get3A_274 = tpu.vector_load %arg4[%get3A_272, %get3A_273] {strides = array<i32>} : memref<80x128xi32, #tpu.memory_space<vmem>>, vector<1x16xi32>,
      %get3A_275 = vector.shape_cast %get3A_274 : vector<1x16xi32> to vector<16xi32>
      %shift_right_logical3A_276 = arith.constant 14 : i32
      %shift_right_logical3A_277 = vector.broadcast %shift_right_logical3A_276 : i32 to vector<16xi32>
      %shift_right_logical3A_278 = arith.shrui %get3A_275, %shift_right_logical3A_277 : vector<16xi32>
      %swap3A_279 = arith.constant 96 : index
      %swap3A_280 = tpu.vector_load %arg5[%swap3A_279] {strides = array<i32>} : memref<128xi32, #tpu.memory_space<vmem>>, vector<16xi32>,
      %swap3A_281 = vector.shape_cast %swap3A_280 : vector<16xi32> to vector<16xi32>
      %swap3A_282 = vector.shape_cast %shift_right_logical3A_278 : vector<16xi32> to vector<16xi32>
      tpu.vector_store %arg5[%swap3A_279], %swap3A_282 {strides = array<i32>} : memref<128xi32, #tpu.memory_space<vmem>>, vector<16xi32>,
      %get3A_283 = arith.index_cast %scan3A_207 : i32 to index
      %get3A_284 = arith.constant 112 : index
      %get3A_285 = tpu.vector_load %arg4[%get3A_283, %get3A_284] {strides = array<i32>} : memref<80x128xi32, #tpu.memory_space<vmem>>, vector<1x16xi32>,
      %get3A_286 = vector.shape_cast %get3A_285 : vector<1x16xi32> to vector<16xi32>
      %shift_right_logical3A_287 = arith.constant 14 : i32
      %shift_right_logical3A_288 = vector.broadcast %shift_right_logical3A_287 : i32 to vector<16xi32>
      %shift_right_logical3A_289 = arith.shrui %get3A_286, %shift_right_logical3A_288 : vector<16xi32>
      %swap3A_290 = arith.constant 112 : index
      %swap3A_291 = tpu.vector_load %arg5[%swap3A_290] {strides = array<i32>} : memref<128xi32, #tpu.memory_space<vmem>>, vector<16xi32>,
      %swap3A_292 = vector.shape_cast %swap3A_291 : vector<16xi32> to vector<16xi32>
      %swap3A_293 = vector.shape_cast %shift_right_logical3A_289 : vector<16xi32> to vector<16xi32>
      tpu.vector_store %arg5[%swap3A_290], %swap3A_293 {strides = array<i32>} : memref<128xi32, #tpu.memory_space<vmem>>, vector<16xi32>,
      "tpu.region"() ({
        %run_scoped3A = tpu.sem_alloc : memref<!tpu.dma_semaphore, #tpu.memory_space<semaphore_mem>>
        %dma_start3A = arith.constant 0 : i32
        %dma_start3A_294 = tpu.memref_slice %arg8[%dma_start3A] : memref<10240xf32, #tpu.memory_space<vmem_shared>> -> memref<10240xf32, #tpu.memory_space<vmem_shared>>
        tpu.enqueue_indirect_dma source(%arg6 : memref<128xf32, #tpu.memory_space<vmem>>) target(%dma_start3A_294 : memref<10240xf32, #tpu.memory_space<vmem_shared>>) offsets(%arg5 : memref<128xi32, #tpu.memory_space<vmem>>) semaphore(%run_scoped3A : memref<!tpu.dma_semaphore, #tpu.memory_space<semaphore_mem>>) {add = true}
        %dma_wait3A = arith.constant 0 : i32
        %dma_wait3A_295 = tpu.memref_slice %arg8[%dma_wait3A] : memref<10240xf32, #tpu.memory_space<vmem_shared>> -> memref<10240xf32, #tpu.memory_space<vmem_shared>>
        tpu.wait_indirect_dma semaphore(%run_scoped3A : memref<!tpu.dma_semaphore, #tpu.memory_space<semaphore_mem>>) src(%arg6 : memref<128xf32, #tpu.memory_space<vmem>>) dst(%dma_wait3A_295 : memref<10240xf32, #tpu.memory_space<vmem_shared>>)
        tpu.yield
      }) : () -> ()
    }
    %scan3A_201 = arith.constant 80 : i32
    %barrier3A_202 = arith.constant 0 : index
    tpu.barrier barrier_id(%barrier3A_202)
    %mul3A_203 = arith.constant 640 : i32
    %mul3A_204 = arith.muli %arg1, %mul3A_203 : i32
    %mul3A_205 = arith.constant 640 : i32
    %mul3A_206 = arith.muli %arg1, %mul3A_205 : i32
    "tpu.region"() ({
      %run_scoped3A = tpu.sem_alloc : memref<!tpu.dma_semaphore, #tpu.memory_space<semaphore_mem>>
      %dma_start3A = tpu.memref_slice %arg3[%arg0, %mul3A_206] : memref<2x10240xf32, #tpu.memory_space<hbm>> -> memref<1x640xf32, #tpu.memory_space<hbm>>
      %dma_start3A_207 = tpu.memref_squeeze %dma_start3A : memref<1x640xf32, #tpu.memory_space<hbm>> -> memref<640xf32, #tpu.memory_space<hbm>>
      %dma_start3A_208 = tpu.memref_slice %arg8[%mul3A_204] : memref<10240xf32, #tpu.memory_space<vmem_shared>> -> memref<640xf32, #tpu.memory_space<vmem_shared>>
      tpu.enqueue_dma source(%dma_start3A_208 : memref<640xf32, #tpu.memory_space<vmem_shared>>) target(%dma_start3A_207 : memref<640xf32, #tpu.memory_space<hbm>>) target_semaphore(%run_scoped3A : memref<!tpu.dma_semaphore, #tpu.memory_space<semaphore_mem>>)
      %dma_wait3A = tpu.memref_slice %arg3[%arg0, %mul3A_206] : memref<2x10240xf32, #tpu.memory_space<hbm>> -> memref<1x640xf32, #tpu.memory_space<hbm>>
      %dma_wait3A_209 = tpu.memref_squeeze %dma_wait3A : memref<1x640xf32, #tpu.memory_space<hbm>> -> memref<640xf32, #tpu.memory_space<hbm>>
      %dma_wait3A_210 = tpu.memref_slice %arg8[%mul3A_204] : memref<10240xf32, #tpu.memory_space<vmem_shared>> -> memref<640xf32, #tpu.memory_space<vmem_shared>>
      tpu.wait_dma2 semaphore(%run_scoped3A : memref<!tpu.dma_semaphore, #tpu.memory_space<semaphore_mem>>) src(%dma_wait3A_210 : memref<640xf32, #tpu.memory_space<vmem_shared>>) dst(%dma_wait3A_209 : memref<640xf32, #tpu.memory_space<hbm>>)
      tpu.yield
    }) : () -> ()
    return
  }
}

#map = affine_map<(d0, d1) -> (0, 0)>
#map1 = affine_map<(d0, d1) -> (0, 0, 0)>
module attributes {stable_mosaic.version = 14 : i64} {
  func.func @spmm(%arg0: i32, %arg1: i32, %arg2: memref<10000x128xf32, #tpu.memory_space<hbm>>, %arg3: memref<32x80x128xi32, #tpu.memory_space<hbm>>, %arg4: memref<2x10240x128xf32, #tpu.memory_space<hbm>>, %arg5: memref<80x128xi32, #tpu.memory_space<vmem>>, %arg6: memref<2x128xi32, #tpu.memory_space<vmem>>, %arg7: memref<2x128xi32, #tpu.memory_space<vmem>>, %arg8: memref<128x128xf32, #tpu.memory_space<vmem>>, %arg9: memref<128x128xf32, #tpu.memory_space<vmem>>, %arg10: memref<10240x128xf32, #tpu.memory_space<vmem_shared>>, %arg11: memref<!tpu.dma_semaphore, #tpu.memory_space<semaphore_mem>>, %arg12: memref<!tpu.dma_semaphore, #tpu.memory_space<semaphore_mem>>) attributes {dimension_semantics = [#tpu.dimension_semantics<core_parallel>, #tpu.dimension_semantics<subcore_parallel>], iteration_bounds = array<i64: 2, 16>, scalar_prefetch = 0 : i64, scratch_operands = 8 : i64, tpu.core_type = #tpu.core_type<sc_vector_subcore>, window_params = [{transform_indices = #map}, {transform_indices = #map1}, {transform_indices = #map1}]} {
    %mul3A = arith.constant 16 : i32
    %mul3A_0 = arith.muli %arg0, %mul3A : i32
    %add3A = arith.addi %mul3A_0, %arg1 : i32
    "tpu.region"() ({
      %run_scoped3A = tpu.sem_alloc : memref<!tpu.dma_semaphore, #tpu.memory_space<semaphore_mem>>
      %dma_start3A_229 = arith.constant 0 : i32
      %dma_start3A_230 = arith.constant 0 : i32
      %dma_start3A_231 = tpu.memref_slice %arg3[%add3A, %dma_start3A_229, %dma_start3A_230] : memref<32x80x128xi32, #tpu.memory_space<hbm>> -> memref<1x80x128xi32, #tpu.memory_space<hbm>>
      %dma_start3A_232 = tpu.memref_squeeze %dma_start3A_231 : memref<1x80x128xi32, #tpu.memory_space<hbm>> -> memref<80x128xi32, #tpu.memory_space<hbm>>
      %dma_start3A_233 = arith.constant 0 : i32
      %dma_start3A_234 = arith.constant 0 : i32
      %dma_start3A_235 = tpu.memref_slice %arg3[%add3A, %dma_start3A_233, %dma_start3A_234] : memref<32x80x128xi32, #tpu.memory_space<hbm>> -> memref<1x80x128xi32, #tpu.memory_space<hbm>>
      %dma_start3A_236 = tpu.memref_squeeze %dma_start3A_235 : memref<1x80x128xi32, #tpu.memory_space<hbm>> -> memref<80x128xi32, #tpu.memory_space<hbm>>
      tpu.enqueue_dma source(%dma_start3A_236 : memref<80x128xi32, #tpu.memory_space<hbm>>) target(%arg5 : memref<80x128xi32, #tpu.memory_space<vmem>>) target_semaphore(%run_scoped3A : memref<!tpu.dma_semaphore, #tpu.memory_space<semaphore_mem>>)
      %dma_wait3A_237 = arith.constant 0 : i32
      %dma_wait3A_238 = arith.constant 0 : i32
      %dma_wait3A_239 = tpu.memref_slice %arg3[%add3A, %dma_wait3A_237, %dma_wait3A_238] : memref<32x80x128xi32, #tpu.memory_space<hbm>> -> memref<1x80x128xi32, #tpu.memory_space<hbm>>
      %dma_wait3A_240 = tpu.memref_squeeze %dma_wait3A_239 : memref<1x80x128xi32, #tpu.memory_space<hbm>> -> memref<80x128xi32, #tpu.memory_space<hbm>>
      %dma_wait3A_241 = arith.constant 0 : i32
      %dma_wait3A_242 = arith.constant 0 : i32
      %dma_wait3A_243 = tpu.memref_slice %arg3[%add3A, %dma_wait3A_241, %dma_wait3A_242] : memref<32x80x128xi32, #tpu.memory_space<hbm>> -> memref<1x80x128xi32, #tpu.memory_space<hbm>>
      %dma_wait3A_244 = tpu.memref_squeeze %dma_wait3A_243 : memref<1x80x128xi32, #tpu.memory_space<hbm>> -> memref<80x128xi32, #tpu.memory_space<hbm>>
      tpu.wait_dma2 semaphore(%run_scoped3A : memref<!tpu.dma_semaphore, #tpu.memory_space<semaphore_mem>>) src(%dma_wait3A_244 : memref<80x128xi32, #tpu.memory_space<hbm>>) dst(%arg5 : memref<80x128xi32, #tpu.memory_space<vmem>>)
      tpu.yield
    }) : () -> ()
    %broadcast_in_dim3A = arith.constant 0.000000e+00 : f32
    %broadcast_in_dim3A_1 = vector.broadcast %broadcast_in_dim3A : f32 to vector<16xf32>
    %scan3A = arith.constant 0 : i32
    %scan3A_2 = arith.constant 0 : i32
    %scan3A_3 = arith.constant 128 : i32
    %scan3A_4 = arith.addi %scan3A_2, %scan3A_3 : i32
    %scan3A_5 = arith.constant 1 : i32
    scf.for %scan3A_229 = %scan3A_2 to %scan3A_4 step %scan3A_5  : i32 {
      %swap3A_230 = arith.index_cast %scan3A_229 : i32 to index
      %swap3A_231 = arith.constant 0 : index
      %swap3A_232 = tpu.vector_load %arg8[%swap3A_230, %swap3A_231] {strides = array<i32>} : memref<128x128xf32, #tpu.memory_space<vmem>>, vector<1x16xf32>,
      %swap3A_233 = vector.shape_cast %swap3A_232 : vector<1x16xf32> to vector<16xf32>
      %swap3A_234 = vector.shape_cast %broadcast_in_dim3A_1 : vector<16xf32> to vector<1x16xf32>
      tpu.vector_store %arg8[%swap3A_230, %swap3A_231], %swap3A_234 {strides = array<i32>} : memref<128x128xf32, #tpu.memory_space<vmem>>, vector<1x16xf32>,
      %swap3A_235 = arith.index_cast %scan3A_229 : i32 to index
      %swap3A_236 = arith.constant 16 : index
      %swap3A_237 = tpu.vector_load %arg8[%swap3A_235, %swap3A_236] {strides = array<i32>} : memref<128x128xf32, #tpu.memory_space<vmem>>, vector<1x16xf32>,
      %swap3A_238 = vector.shape_cast %swap3A_237 : vector<1x16xf32> to vector<16xf32>
      %swap3A_239 = vector.shape_cast %broadcast_in_dim3A_1 : vector<16xf32> to vector<1x16xf32>
      tpu.vector_store %arg8[%swap3A_235, %swap3A_236], %swap3A_239 {strides = array<i32>} : memref<128x128xf32, #tpu.memory_space<vmem>>, vector<1x16xf32>,
      %swap3A_240 = arith.index_cast %scan3A_229 : i32 to index
      %swap3A_241 = arith.constant 32 : index
      %swap3A_242 = tpu.vector_load %arg8[%swap3A_240, %swap3A_241] {strides = array<i32>} : memref<128x128xf32, #tpu.memory_space<vmem>>, vector<1x16xf32>,
      %swap3A_243 = vector.shape_cast %swap3A_242 : vector<1x16xf32> to vector<16xf32>
      %swap3A_244 = vector.shape_cast %broadcast_in_dim3A_1 : vector<16xf32> to vector<1x16xf32>
      tpu.vector_store %arg8[%swap3A_240, %swap3A_241], %swap3A_244 {strides = array<i32>} : memref<128x128xf32, #tpu.memory_space<vmem>>, vector<1x16xf32>,
      %swap3A_245 = arith.index_cast %scan3A_229 : i32 to index
      %swap3A_246 = arith.constant 48 : index
      %swap3A_247 = tpu.vector_load %arg8[%swap3A_245, %swap3A_246] {strides = array<i32>} : memref<128x128xf32, #tpu.memory_space<vmem>>, vector<1x16xf32>,
      %swap3A_248 = vector.shape_cast %swap3A_247 : vector<1x16xf32> to vector<16xf32>
      %swap3A_249 = vector.shape_cast %broadcast_in_dim3A_1 : vector<16xf32> to vector<1x16xf32>
      tpu.vector_store %arg8[%swap3A_245, %swap3A_246], %swap3A_249 {strides = array<i32>} : memref<128x128xf32, #tpu.memory_space<vmem>>, vector<1x16xf32>,
      %swap3A_250 = arith.index_cast %scan3A_229 : i32 to index
      %swap3A_251 = arith.constant 64 : index
      %swap3A_252 = tpu.vector_load %arg8[%swap3A_250, %swap3A_251] {strides = array<i32>} : memref<128x128xf32, #tpu.memory_space<vmem>>, vector<1x16xf32>,
      %swap3A_253 = vector.shape_cast %swap3A_252 : vector<1x16xf32> to vector<16xf32>
      %swap3A_254 = vector.shape_cast %broadcast_in_dim3A_1 : vector<16xf32> to vector<1x16xf32>
      tpu.vector_store %arg8[%swap3A_250, %swap3A_251], %swap3A_254 {strides = array<i32>} : memref<128x128xf32, #tpu.memory_space<vmem>>, vector<1x16xf32>,
      %swap3A_255 = arith.index_cast %scan3A_229 : i32 to index
      %swap3A_256 = arith.constant 80 : index
      %swap3A_257 = tpu.vector_load %arg8[%swap3A_255, %swap3A_256] {strides = array<i32>} : memref<128x128xf32, #tpu.memory_space<vmem>>, vector<1x16xf32>,
      %swap3A_258 = vector.shape_cast %swap3A_257 : vector<1x16xf32> to vector<16xf32>
      %swap3A_259 = vector.shape_cast %broadcast_in_dim3A_1 : vector<16xf32> to vector<1x16xf32>
      tpu.vector_store %arg8[%swap3A_255, %swap3A_256], %swap3A_259 {strides = array<i32>} : memref<128x128xf32, #tpu.memory_space<vmem>>, vector<1x16xf32>,
      %swap3A_260 = arith.index_cast %scan3A_229 : i32 to index
      %swap3A_261 = arith.constant 96 : index
      %swap3A_262 = tpu.vector_load %arg8[%swap3A_260, %swap3A_261] {strides = array<i32>} : memref<128x128xf32, #tpu.memory_space<vmem>>, vector<1x16xf32>,
      %swap3A_263 = vector.shape_cast %swap3A_262 : vector<1x16xf32> to vector<16xf32>
      %swap3A_264 = vector.shape_cast %broadcast_in_dim3A_1 : vector<16xf32> to vector<1x16xf32>
      tpu.vector_store %arg8[%swap3A_260, %swap3A_261], %swap3A_264 {strides = array<i32>} : memref<128x128xf32, #tpu.memory_space<vmem>>, vector<1x16xf32>,
      %swap3A_265 = arith.index_cast %scan3A_229 : i32 to index
      %swap3A_266 = arith.constant 112 : index
      %swap3A_267 = tpu.vector_load %arg8[%swap3A_265, %swap3A_266] {strides = array<i32>} : memref<128x128xf32, #tpu.memory_space<vmem>>, vector<1x16xf32>,
      %swap3A_268 = vector.shape_cast %swap3A_267 : vector<1x16xf32> to vector<16xf32>
      %swap3A_269 = vector.shape_cast %broadcast_in_dim3A_1 : vector<16xf32> to vector<1x16xf32>
      tpu.vector_store %arg8[%swap3A_265, %swap3A_266], %swap3A_269 {strides = array<i32>} : memref<128x128xf32, #tpu.memory_space<vmem>>, vector<1x16xf32>,
    }
    %scan3A_6 = arith.constant 128 : i32
    %mul3A_7 = arith.constant 640 : i32
    %mul3A_8 = arith.muli %arg1, %mul3A_7 : i32
    %add3A_9 = arith.constant 0 : i32
    %add3A_10 = arith.addi %mul3A_8, %add3A_9 : i32
    "tpu.region"() ({
      %run_scoped3A = tpu.sem_alloc : memref<!tpu.dma_semaphore, #tpu.memory_space<semaphore_mem>>
      %dma_start3A_229 = arith.constant 0 : i32
      %dma_start3A_230 = tpu.memref_slice %arg10[%add3A_10, %dma_start3A_229] : memref<10240x128xf32, #tpu.memory_space<vmem_shared>> -> memref<128x128xf32, #tpu.memory_space<vmem_shared>>
      %dma_start3A_231 = arith.constant 0 : i32
      %dma_start3A_232 = tpu.memref_slice %arg10[%add3A_10, %dma_start3A_231] : memref<10240x128xf32, #tpu.memory_space<vmem_shared>> -> memref<128x128xf32, #tpu.memory_space<vmem_shared>>
      tpu.enqueue_dma source(%arg8 : memref<128x128xf32, #tpu.memory_space<vmem>>) target(%dma_start3A_232 : memref<128x128xf32, #tpu.memory_space<vmem_shared>>) target_semaphore(%run_scoped3A : memref<!tpu.dma_semaphore, #tpu.memory_space<semaphore_mem>>)
      %dma_wait3A_233 = arith.constant 0 : i32
      %dma_wait3A_234 = tpu.memref_slice %arg10[%add3A_10, %dma_wait3A_233] : memref<10240x128xf32, #tpu.memory_space<vmem_shared>> -> memref<128x128xf32, #tpu.memory_space<vmem_shared>>
      %dma_wait3A_235 = arith.constant 0 : i32
      %dma_wait3A_236 = tpu.memref_slice %arg10[%add3A_10, %dma_wait3A_235] : memref<10240x128xf32, #tpu.memory_space<vmem_shared>> -> memref<128x128xf32, #tpu.memory_space<vmem_shared>>
      tpu.wait_dma2 semaphore(%run_scoped3A : memref<!tpu.dma_semaphore, #tpu.memory_space<semaphore_mem>>) src(%arg8 : memref<128x128xf32, #tpu.memory_space<vmem>>) dst(%dma_wait3A_236 : memref<128x128xf32, #tpu.memory_space<vmem_shared>>)
      tpu.yield
    }) : () -> ()
    %mul3A_11 = arith.constant 640 : i32
    %mul3A_12 = arith.muli %arg1, %mul3A_11 : i32
    %add3A_13 = arith.constant 128 : i32
    %add3A_14 = arith.addi %mul3A_12, %add3A_13 : i32
    "tpu.region"() ({
      %run_scoped3A = tpu.sem_alloc : memref<!tpu.dma_semaphore, #tpu.memory_space<semaphore_mem>>
      %dma_start3A_229 = arith.constant 0 : i32
      %dma_start3A_230 = tpu.memref_slice %arg10[%add3A_14, %dma_start3A_229] : memref<10240x128xf32, #tpu.memory_space<vmem_shared>> -> memref<128x128xf32, #tpu.memory_space<vmem_shared>>
      %dma_start3A_231 = arith.constant 0 : i32
      %dma_start3A_232 = tpu.memref_slice %arg10[%add3A_14, %dma_start3A_231] : memref<10240x128xf32, #tpu.memory_space<vmem_shared>> -> memref<128x128xf32, #tpu.memory_space<vmem_shared>>
      tpu.enqueue_dma source(%arg8 : memref<128x128xf32, #tpu.memory_space<vmem>>) target(%dma_start3A_232 : memref<128x128xf32, #tpu.memory_space<vmem_shared>>) target_semaphore(%run_scoped3A : memref<!tpu.dma_semaphore, #tpu.memory_space<semaphore_mem>>)
      %dma_wait3A_233 = arith.constant 0 : i32
      %dma_wait3A_234 = tpu.memref_slice %arg10[%add3A_14, %dma_wait3A_233] : memref<10240x128xf32, #tpu.memory_space<vmem_shared>> -> memref<128x128xf32, #tpu.memory_space<vmem_shared>>
      %dma_wait3A_235 = arith.constant 0 : i32
      %dma_wait3A_236 = tpu.memref_slice %arg10[%add3A_14, %dma_wait3A_235] : memref<10240x128xf32, #tpu.memory_space<vmem_shared>> -> memref<128x128xf32, #tpu.memory_space<vmem_shared>>
      tpu.wait_dma2 semaphore(%run_scoped3A : memref<!tpu.dma_semaphore, #tpu.memory_space<semaphore_mem>>) src(%arg8 : memref<128x128xf32, #tpu.memory_space<vmem>>) dst(%dma_wait3A_236 : memref<128x128xf32, #tpu.memory_space<vmem_shared>>)
      tpu.yield
    }) : () -> ()
    %mul3A_15 = arith.constant 640 : i32
    %mul3A_16 = arith.muli %arg1, %mul3A_15 : i32
    %add3A_17 = arith.constant 256 : i32
    %add3A_18 = arith.addi %mul3A_16, %add3A_17 : i32
    "tpu.region"() ({
      %run_scoped3A = tpu.sem_alloc : memref<!tpu.dma_semaphore, #tpu.memory_space<semaphore_mem>>
      %dma_start3A_229 = arith.constant 0 : i32
      %dma_start3A_230 = tpu.memref_slice %arg10[%add3A_18, %dma_start3A_229] : memref<10240x128xf32, #tpu.memory_space<vmem_shared>> -> memref<128x128xf32, #tpu.memory_space<vmem_shared>>
      %dma_start3A_231 = arith.constant 0 : i32
      %dma_start3A_232 = tpu.memref_slice %arg10[%add3A_18, %dma_start3A_231] : memref<10240x128xf32, #tpu.memory_space<vmem_shared>> -> memref<128x128xf32, #tpu.memory_space<vmem_shared>>
      tpu.enqueue_dma source(%arg8 : memref<128x128xf32, #tpu.memory_space<vmem>>) target(%dma_start3A_232 : memref<128x128xf32, #tpu.memory_space<vmem_shared>>) target_semaphore(%run_scoped3A : memref<!tpu.dma_semaphore, #tpu.memory_space<semaphore_mem>>)
      %dma_wait3A_233 = arith.constant 0 : i32
      %dma_wait3A_234 = tpu.memref_slice %arg10[%add3A_18, %dma_wait3A_233] : memref<10240x128xf32, #tpu.memory_space<vmem_shared>> -> memref<128x128xf32, #tpu.memory_space<vmem_shared>>
      %dma_wait3A_235 = arith.constant 0 : i32
      %dma_wait3A_236 = tpu.memref_slice %arg10[%add3A_18, %dma_wait3A_235] : memref<10240x128xf32, #tpu.memory_space<vmem_shared>> -> memref<128x128xf32, #tpu.memory_space<vmem_shared>>
      tpu.wait_dma2 semaphore(%run_scoped3A : memref<!tpu.dma_semaphore, #tpu.memory_space<semaphore_mem>>) src(%arg8 : memref<128x128xf32, #tpu.memory_space<vmem>>) dst(%dma_wait3A_236 : memref<128x128xf32, #tpu.memory_space<vmem_shared>>)
      tpu.yield
    }) : () -> ()
    %mul3A_19 = arith.constant 640 : i32
    %mul3A_20 = arith.muli %arg1, %mul3A_19 : i32
    %add3A_21 = arith.constant 384 : i32
    %add3A_22 = arith.addi %mul3A_20, %add3A_21 : i32
    "tpu.region"() ({
      %run_scoped3A = tpu.sem_alloc : memref<!tpu.dma_semaphore, #tpu.memory_space<semaphore_mem>>
      %dma_start3A_229 = arith.constant 0 : i32
      %dma_start3A_230 = tpu.memref_slice %arg10[%add3A_22, %dma_start3A_229] : memref<10240x128xf32, #tpu.memory_space<vmem_shared>> -> memref<128x128xf32, #tpu.memory_space<vmem_shared>>
      %dma_start3A_231 = arith.constant 0 : i32
      %dma_start3A_232 = tpu.memref_slice %arg10[%add3A_22, %dma_start3A_231] : memref<10240x128xf32, #tpu.memory_space<vmem_shared>> -> memref<128x128xf32, #tpu.memory_space<vmem_shared>>
      tpu.enqueue_dma source(%arg8 : memref<128x128xf32, #tpu.memory_space<vmem>>) target(%dma_start3A_232 : memref<128x128xf32, #tpu.memory_space<vmem_shared>>) target_semaphore(%run_scoped3A : memref<!tpu.dma_semaphore, #tpu.memory_space<semaphore_mem>>)
      %dma_wait3A_233 = arith.constant 0 : i32
      %dma_wait3A_234 = tpu.memref_slice %arg10[%add3A_22, %dma_wait3A_233] : memref<10240x128xf32, #tpu.memory_space<vmem_shared>> -> memref<128x128xf32, #tpu.memory_space<vmem_shared>>
      %dma_wait3A_235 = arith.constant 0 : i32
      %dma_wait3A_236 = tpu.memref_slice %arg10[%add3A_22, %dma_wait3A_235] : memref<10240x128xf32, #tpu.memory_space<vmem_shared>> -> memref<128x128xf32, #tpu.memory_space<vmem_shared>>
      tpu.wait_dma2 semaphore(%run_scoped3A : memref<!tpu.dma_semaphore, #tpu.memory_space<semaphore_mem>>) src(%arg8 : memref<128x128xf32, #tpu.memory_space<vmem>>) dst(%dma_wait3A_236 : memref<128x128xf32, #tpu.memory_space<vmem_shared>>)
      tpu.yield
    }) : () -> ()
    %mul3A_23 = arith.constant 640 : i32
    %mul3A_24 = arith.muli %arg1, %mul3A_23 : i32
    %add3A_25 = arith.constant 512 : i32
    %add3A_26 = arith.addi %mul3A_24, %add3A_25 : i32
    "tpu.region"() ({
      %run_scoped3A = tpu.sem_alloc : memref<!tpu.dma_semaphore, #tpu.memory_space<semaphore_mem>>
      %dma_start3A_229 = arith.constant 0 : i32
      %dma_start3A_230 = tpu.memref_slice %arg10[%add3A_26, %dma_start3A_229] : memref<10240x128xf32, #tpu.memory_space<vmem_shared>> -> memref<128x128xf32, #tpu.memory_space<vmem_shared>>
      %dma_start3A_231 = arith.constant 0 : i32
      %dma_start3A_232 = tpu.memref_slice %arg10[%add3A_26, %dma_start3A_231] : memref<10240x128xf32, #tpu.memory_space<vmem_shared>> -> memref<128x128xf32, #tpu.memory_space<vmem_shared>>
      tpu.enqueue_dma source(%arg8 : memref<128x128xf32, #tpu.memory_space<vmem>>) target(%dma_start3A_232 : memref<128x128xf32, #tpu.memory_space<vmem_shared>>) target_semaphore(%run_scoped3A : memref<!tpu.dma_semaphore, #tpu.memory_space<semaphore_mem>>)
      %dma_wait3A_233 = arith.constant 0 : i32
      %dma_wait3A_234 = tpu.memref_slice %arg10[%add3A_26, %dma_wait3A_233] : memref<10240x128xf32, #tpu.memory_space<vmem_shared>> -> memref<128x128xf32, #tpu.memory_space<vmem_shared>>
      %dma_wait3A_235 = arith.constant 0 : i32
      %dma_wait3A_236 = tpu.memref_slice %arg10[%add3A_26, %dma_wait3A_235] : memref<10240x128xf32, #tpu.memory_space<vmem_shared>> -> memref<128x128xf32, #tpu.memory_space<vmem_shared>>
      tpu.wait_dma2 semaphore(%run_scoped3A : memref<!tpu.dma_semaphore, #tpu.memory_space<semaphore_mem>>) src(%arg8 : memref<128x128xf32, #tpu.memory_space<vmem>>) dst(%dma_wait3A_236 : memref<128x128xf32, #tpu.memory_space<vmem_shared>>)
      tpu.yield
    }) : () -> ()
    %barrier3A = arith.constant 0 : index
    tpu.barrier barrier_id(%barrier3A)
    %get3A = arith.constant 0 : i32
    %get3A_27 = arith.index_cast %get3A : i32 to index
    %get3A_28 = arith.constant 0 : index
    %get3A_29 = tpu.vector_load %arg5[%get3A_27, %get3A_28] {strides = array<i32>} : memref<80x128xi32, #tpu.memory_space<vmem>>, vector<1x16xi32>,
    %get3A_30 = vector.shape_cast %get3A_29 : vector<1x16xi32> to vector<16xi32>
    %shift_right_logical3A = arith.constant 14 : i32
    %shift_right_logical3A_31 = vector.broadcast %shift_right_logical3A : i32 to vector<16xi32>
    %shift_right_logical3A_32 = arith.shrui %get3A_30, %shift_right_logical3A_31 : vector<16xi32>
    %swap3A = arith.constant 0 : i32
    %swap3A_33 = arith.index_cast %swap3A : i32 to index
    %swap3A_34 = arith.constant 0 : index
    %swap3A_35 = tpu.vector_load %arg6[%swap3A_33, %swap3A_34] {strides = array<i32>} : memref<2x128xi32, #tpu.memory_space<vmem>>, vector<1x16xi32>,
    %swap3A_36 = vector.shape_cast %swap3A_35 : vector<1x16xi32> to vector<16xi32>
    %swap3A_37 = vector.shape_cast %shift_right_logical3A_32 : vector<16xi32> to vector<1x16xi32>
    tpu.vector_store %arg6[%swap3A_33, %swap3A_34], %swap3A_37 {strides = array<i32>} : memref<2x128xi32, #tpu.memory_space<vmem>>, vector<1x16xi32>,
    %and3A = arith.constant 16383 : i32
    %and3A_38 = vector.broadcast %and3A : i32 to vector<16xi32>
    %and3A_39 = arith.andi %get3A_30, %and3A_38 : vector<16xi32>
    %swap3A_40 = arith.constant 1 : i32
    %swap3A_41 = arith.index_cast %swap3A_40 : i32 to index
    %swap3A_42 = arith.constant 0 : index
    %swap3A_43 = tpu.vector_load %arg6[%swap3A_41, %swap3A_42] {strides = array<i32>} : memref<2x128xi32, #tpu.memory_space<vmem>>, vector<1x16xi32>,
    %swap3A_44 = vector.shape_cast %swap3A_43 : vector<1x16xi32> to vector<16xi32>
    %swap3A_45 = vector.shape_cast %and3A_39 : vector<16xi32> to vector<1x16xi32>
    tpu.vector_store %arg6[%swap3A_41, %swap3A_42], %swap3A_45 {strides = array<i32>} : memref<2x128xi32, #tpu.memory_space<vmem>>, vector<1x16xi32>,
    %get3A_46 = arith.constant 0 : i32
    %get3A_47 = arith.index_cast %get3A_46 : i32 to index
    %get3A_48 = arith.constant 16 : index
    %get3A_49 = tpu.vector_load %arg5[%get3A_47, %get3A_48] {strides = array<i32>} : memref<80x128xi32, #tpu.memory_space<vmem>>, vector<1x16xi32>,
    %get3A_50 = vector.shape_cast %get3A_49 : vector<1x16xi32> to vector<16xi32>
    %shift_right_logical3A_51 = arith.constant 14 : i32
    %shift_right_logical3A_52 = vector.broadcast %shift_right_logical3A_51 : i32 to vector<16xi32>
    %shift_right_logical3A_53 = arith.shrui %get3A_50, %shift_right_logical3A_52 : vector<16xi32>
    %swap3A_54 = arith.constant 0 : i32
    %swap3A_55 = arith.index_cast %swap3A_54 : i32 to index
    %swap3A_56 = arith.constant 16 : index
    %swap3A_57 = tpu.vector_load %arg6[%swap3A_55, %swap3A_56] {strides = array<i32>} : memref<2x128xi32, #tpu.memory_space<vmem>>, vector<1x16xi32>,
    %swap3A_58 = vector.shape_cast %swap3A_57 : vector<1x16xi32> to vector<16xi32>
    %swap3A_59 = vector.shape_cast %shift_right_logical3A_53 : vector<16xi32> to vector<1x16xi32>
    tpu.vector_store %arg6[%swap3A_55, %swap3A_56], %swap3A_59 {strides = array<i32>} : memref<2x128xi32, #tpu.memory_space<vmem>>, vector<1x16xi32>,
    %and3A_60 = arith.constant 16383 : i32
    %and3A_61 = vector.broadcast %and3A_60 : i32 to vector<16xi32>
    %and3A_62 = arith.andi %get3A_50, %and3A_61 : vector<16xi32>
    %swap3A_63 = arith.constant 1 : i32
    %swap3A_64 = arith.index_cast %swap3A_63 : i32 to index
    %swap3A_65 = arith.constant 16 : index
    %swap3A_66 = tpu.vector_load %arg6[%swap3A_64, %swap3A_65] {strides = array<i32>} : memref<2x128xi32, #tpu.memory_space<vmem>>, vector<1x16xi32>,
    %swap3A_67 = vector.shape_cast %swap3A_66 : vector<1x16xi32> to vector<16xi32>
    %swap3A_68 = vector.shape_cast %and3A_62 : vector<16xi32> to vector<1x16xi32>
    tpu.vector_store %arg6[%swap3A_64, %swap3A_65], %swap3A_68 {strides = array<i32>} : memref<2x128xi32, #tpu.memory_space<vmem>>, vector<1x16xi32>,
    %get3A_69 = arith.constant 0 : i32
    %get3A_70 = arith.index_cast %get3A_69 : i32 to index
    %get3A_71 = arith.constant 32 : index
    %get3A_72 = tpu.vector_load %arg5[%get3A_70, %get3A_71] {strides = array<i32>} : memref<80x128xi32, #tpu.memory_space<vmem>>, vector<1x16xi32>,
    %get3A_73 = vector.shape_cast %get3A_72 : vector<1x16xi32> to vector<16xi32>
    %shift_right_logical3A_74 = arith.constant 14 : i32
    %shift_right_logical3A_75 = vector.broadcast %shift_right_logical3A_74 : i32 to vector<16xi32>
    %shift_right_logical3A_76 = arith.shrui %get3A_73, %shift_right_logical3A_75 : vector<16xi32>
    %swap3A_77 = arith.constant 0 : i32
    %swap3A_78 = arith.index_cast %swap3A_77 : i32 to index
    %swap3A_79 = arith.constant 32 : index
    %swap3A_80 = tpu.vector_load %arg6[%swap3A_78, %swap3A_79] {strides = array<i32>} : memref<2x128xi32, #tpu.memory_space<vmem>>, vector<1x16xi32>,
    %swap3A_81 = vector.shape_cast %swap3A_80 : vector<1x16xi32> to vector<16xi32>
    %swap3A_82 = vector.shape_cast %shift_right_logical3A_76 : vector<16xi32> to vector<1x16xi32>
    tpu.vector_store %arg6[%swap3A_78, %swap3A_79], %swap3A_82 {strides = array<i32>} : memref<2x128xi32, #tpu.memory_space<vmem>>, vector<1x16xi32>,
    %and3A_83 = arith.constant 16383 : i32
    %and3A_84 = vector.broadcast %and3A_83 : i32 to vector<16xi32>
    %and3A_85 = arith.andi %get3A_73, %and3A_84 : vector<16xi32>
    %swap3A_86 = arith.constant 1 : i32
    %swap3A_87 = arith.index_cast %swap3A_86 : i32 to index
    %swap3A_88 = arith.constant 32 : index
    %swap3A_89 = tpu.vector_load %arg6[%swap3A_87, %swap3A_88] {strides = array<i32>} : memref<2x128xi32, #tpu.memory_space<vmem>>, vector<1x16xi32>,
    %swap3A_90 = vector.shape_cast %swap3A_89 : vector<1x16xi32> to vector<16xi32>
    %swap3A_91 = vector.shape_cast %and3A_85 : vector<16xi32> to vector<1x16xi32>
    tpu.vector_store %arg6[%swap3A_87, %swap3A_88], %swap3A_91 {strides = array<i32>} : memref<2x128xi32, #tpu.memory_space<vmem>>, vector<1x16xi32>,
    %get3A_92 = arith.constant 0 : i32
    %get3A_93 = arith.index_cast %get3A_92 : i32 to index
    %get3A_94 = arith.constant 48 : index
    %get3A_95 = tpu.vector_load %arg5[%get3A_93, %get3A_94] {strides = array<i32>} : memref<80x128xi32, #tpu.memory_space<vmem>>, vector<1x16xi32>,
    %get3A_96 = vector.shape_cast %get3A_95 : vector<1x16xi32> to vector<16xi32>
    %shift_right_logical3A_97 = arith.constant 14 : i32
    %shift_right_logical3A_98 = vector.broadcast %shift_right_logical3A_97 : i32 to vector<16xi32>
    %shift_right_logical3A_99 = arith.shrui %get3A_96, %shift_right_logical3A_98 : vector<16xi32>
    %swap3A_100 = arith.constant 0 : i32
    %swap3A_101 = arith.index_cast %swap3A_100 : i32 to index
    %swap3A_102 = arith.constant 48 : index
    %swap3A_103 = tpu.vector_load %arg6[%swap3A_101, %swap3A_102] {strides = array<i32>} : memref<2x128xi32, #tpu.memory_space<vmem>>, vector<1x16xi32>,
    %swap3A_104 = vector.shape_cast %swap3A_103 : vector<1x16xi32> to vector<16xi32>
    %swap3A_105 = vector.shape_cast %shift_right_logical3A_99 : vector<16xi32> to vector<1x16xi32>
    tpu.vector_store %arg6[%swap3A_101, %swap3A_102], %swap3A_105 {strides = array<i32>} : memref<2x128xi32, #tpu.memory_space<vmem>>, vector<1x16xi32>,
    %and3A_106 = arith.constant 16383 : i32
    %and3A_107 = vector.broadcast %and3A_106 : i32 to vector<16xi32>
    %and3A_108 = arith.andi %get3A_96, %and3A_107 : vector<16xi32>
    %swap3A_109 = arith.constant 1 : i32
    %swap3A_110 = arith.index_cast %swap3A_109 : i32 to index
    %swap3A_111 = arith.constant 48 : index
    %swap3A_112 = tpu.vector_load %arg6[%swap3A_110, %swap3A_111] {strides = array<i32>} : memref<2x128xi32, #tpu.memory_space<vmem>>, vector<1x16xi32>,
    %swap3A_113 = vector.shape_cast %swap3A_112 : vector<1x16xi32> to vector<16xi32>
    %swap3A_114 = vector.shape_cast %and3A_108 : vector<16xi32> to vector<1x16xi32>
    tpu.vector_store %arg6[%swap3A_110, %swap3A_111], %swap3A_114 {strides = array<i32>} : memref<2x128xi32, #tpu.memory_space<vmem>>, vector<1x16xi32>,
    %get3A_115 = arith.constant 0 : i32
    %get3A_116 = arith.index_cast %get3A_115 : i32 to index
    %get3A_117 = arith.constant 64 : index
    %get3A_118 = tpu.vector_load %arg5[%get3A_116, %get3A_117] {strides = array<i32>} : memref<80x128xi32, #tpu.memory_space<vmem>>, vector<1x16xi32>,
    %get3A_119 = vector.shape_cast %get3A_118 : vector<1x16xi32> to vector<16xi32>
    %shift_right_logical3A_120 = arith.constant 14 : i32
    %shift_right_logical3A_121 = vector.broadcast %shift_right_logical3A_120 : i32 to vector<16xi32>
    %shift_right_logical3A_122 = arith.shrui %get3A_119, %shift_right_logical3A_121 : vector<16xi32>
    %swap3A_123 = arith.constant 0 : i32
    %swap3A_124 = arith.index_cast %swap3A_123 : i32 to index
    %swap3A_125 = arith.constant 64 : index
    %swap3A_126 = tpu.vector_load %arg6[%swap3A_124, %swap3A_125] {strides = array<i32>} : memref<2x128xi32, #tpu.memory_space<vmem>>, vector<1x16xi32>,
    %swap3A_127 = vector.shape_cast %swap3A_126 : vector<1x16xi32> to vector<16xi32>
    %swap3A_128 = vector.shape_cast %shift_right_logical3A_122 : vector<16xi32> to vector<1x16xi32>
    tpu.vector_store %arg6[%swap3A_124, %swap3A_125], %swap3A_128 {strides = array<i32>} : memref<2x128xi32, #tpu.memory_space<vmem>>, vector<1x16xi32>,
    %and3A_129 = arith.constant 16383 : i32
    %and3A_130 = vector.broadcast %and3A_129 : i32 to vector<16xi32>
    %and3A_131 = arith.andi %get3A_119, %and3A_130 : vector<16xi32>
    %swap3A_132 = arith.constant 1 : i32
    %swap3A_133 = arith.index_cast %swap3A_132 : i32 to index
    %swap3A_134 = arith.constant 64 : index
    %swap3A_135 = tpu.vector_load %arg6[%swap3A_133, %swap3A_134] {strides = array<i32>} : memref<2x128xi32, #tpu.memory_space<vmem>>, vector<1x16xi32>,
    %swap3A_136 = vector.shape_cast %swap3A_135 : vector<1x16xi32> to vector<16xi32>
    %swap3A_137 = vector.shape_cast %and3A_131 : vector<16xi32> to vector<1x16xi32>
    tpu.vector_store %arg6[%swap3A_133, %swap3A_134], %swap3A_137 {strides = array<i32>} : memref<2x128xi32, #tpu.memory_space<vmem>>, vector<1x16xi32>,
    %get3A_138 = arith.constant 0 : i32
    %get3A_139 = arith.index_cast %get3A_138 : i32 to index
    %get3A_140 = arith.constant 80 : index
    %get3A_141 = tpu.vector_load %arg5[%get3A_139, %get3A_140] {strides = array<i32>} : memref<80x128xi32, #tpu.memory_space<vmem>>, vector<1x16xi32>,
    %get3A_142 = vector.shape_cast %get3A_141 : vector<1x16xi32> to vector<16xi32>
    %shift_right_logical3A_143 = arith.constant 14 : i32
    %shift_right_logical3A_144 = vector.broadcast %shift_right_logical3A_143 : i32 to vector<16xi32>
    %shift_right_logical3A_145 = arith.shrui %get3A_142, %shift_right_logical3A_144 : vector<16xi32>
    %swap3A_146 = arith.constant 0 : i32
    %swap3A_147 = arith.index_cast %swap3A_146 : i32 to index
    %swap3A_148 = arith.constant 80 : index
    %swap3A_149 = tpu.vector_load %arg6[%swap3A_147, %swap3A_148] {strides = array<i32>} : memref<2x128xi32, #tpu.memory_space<vmem>>, vector<1x16xi32>,
    %swap3A_150 = vector.shape_cast %swap3A_149 : vector<1x16xi32> to vector<16xi32>
    %swap3A_151 = vector.shape_cast %shift_right_logical3A_145 : vector<16xi32> to vector<1x16xi32>
    tpu.vector_store %arg6[%swap3A_147, %swap3A_148], %swap3A_151 {strides = array<i32>} : memref<2x128xi32, #tpu.memory_space<vmem>>, vector<1x16xi32>,
    %and3A_152 = arith.constant 16383 : i32
    %and3A_153 = vector.broadcast %and3A_152 : i32 to vector<16xi32>
    %and3A_154 = arith.andi %get3A_142, %and3A_153 : vector<16xi32>
    %swap3A_155 = arith.constant 1 : i32
    %swap3A_156 = arith.index_cast %swap3A_155 : i32 to index
    %swap3A_157 = arith.constant 80 : index
    %swap3A_158 = tpu.vector_load %arg6[%swap3A_156, %swap3A_157] {strides = array<i32>} : memref<2x128xi32, #tpu.memory_space<vmem>>, vector<1x16xi32>,
    %swap3A_159 = vector.shape_cast %swap3A_158 : vector<1x16xi32> to vector<16xi32>
    %swap3A_160 = vector.shape_cast %and3A_154 : vector<16xi32> to vector<1x16xi32>
    tpu.vector_store %arg6[%swap3A_156, %swap3A_157], %swap3A_160 {strides = array<i32>} : memref<2x128xi32, #tpu.memory_space<vmem>>, vector<1x16xi32>,
    %get3A_161 = arith.constant 0 : i32
    %get3A_162 = arith.index_cast %get3A_161 : i32 to index
    %get3A_163 = arith.constant 96 : index
    %get3A_164 = tpu.vector_load %arg5[%get3A_162, %get3A_163] {strides = array<i32>} : memref<80x128xi32, #tpu.memory_space<vmem>>, vector<1x16xi32>,
    %get3A_165 = vector.shape_cast %get3A_164 : vector<1x16xi32> to vector<16xi32>
    %shift_right_logical3A_166 = arith.constant 14 : i32
    %shift_right_logical3A_167 = vector.broadcast %shift_right_logical3A_166 : i32 to vector<16xi32>
    %shift_right_logical3A_168 = arith.shrui %get3A_165, %shift_right_logical3A_167 : vector<16xi32>
    %swap3A_169 = arith.constant 0 : i32
    %swap3A_170 = arith.index_cast %swap3A_169 : i32 to index
    %swap3A_171 = arith.constant 96 : index
    %swap3A_172 = tpu.vector_load %arg6[%swap3A_170, %swap3A_171] {strides = array<i32>} : memref<2x128xi32, #tpu.memory_space<vmem>>, vector<1x16xi32>,
    %swap3A_173 = vector.shape_cast %swap3A_172 : vector<1x16xi32> to vector<16xi32>
    %swap3A_174 = vector.shape_cast %shift_right_logical3A_168 : vector<16xi32> to vector<1x16xi32>
    tpu.vector_store %arg6[%swap3A_170, %swap3A_171], %swap3A_174 {strides = array<i32>} : memref<2x128xi32, #tpu.memory_space<vmem>>, vector<1x16xi32>,
    %and3A_175 = arith.constant 16383 : i32
    %and3A_176 = vector.broadcast %and3A_175 : i32 to vector<16xi32>
    %and3A_177 = arith.andi %get3A_165, %and3A_176 : vector<16xi32>
    %swap3A_178 = arith.constant 1 : i32
    %swap3A_179 = arith.index_cast %swap3A_178 : i32 to index
    %swap3A_180 = arith.constant 96 : index
    %swap3A_181 = tpu.vector_load %arg6[%swap3A_179, %swap3A_180] {strides = array<i32>} : memref<2x128xi32, #tpu.memory_space<vmem>>, vector<1x16xi32>,
    %swap3A_182 = vector.shape_cast %swap3A_181 : vector<1x16xi32> to vector<16xi32>
    %swap3A_183 = vector.shape_cast %and3A_177 : vector<16xi32> to vector<1x16xi32>
    tpu.vector_store %arg6[%swap3A_179, %swap3A_180], %swap3A_183 {strides = array<i32>} : memref<2x128xi32, #tpu.memory_space<vmem>>, vector<1x16xi32>,
    %get3A_184 = arith.constant 0 : i32
    %get3A_185 = arith.index_cast %get3A_184 : i32 to index
    %get3A_186 = arith.constant 112 : index
    %get3A_187 = tpu.vector_load %arg5[%get3A_185, %get3A_186] {strides = array<i32>} : memref<80x128xi32, #tpu.memory_space<vmem>>, vector<1x16xi32>,
    %get3A_188 = vector.shape_cast %get3A_187 : vector<1x16xi32> to vector<16xi32>
    %shift_right_logical3A_189 = arith.constant 14 : i32
    %shift_right_logical3A_190 = vector.broadcast %shift_right_logical3A_189 : i32 to vector<16xi32>
    %shift_right_logical3A_191 = arith.shrui %get3A_188, %shift_right_logical3A_190 : vector<16xi32>
    %swap3A_192 = arith.constant 0 : i32
    %swap3A_193 = arith.index_cast %swap3A_192 : i32 to index
    %swap3A_194 = arith.constant 112 : index
    %swap3A_195 = tpu.vector_load %arg6[%swap3A_193, %swap3A_194] {strides = array<i32>} : memref<2x128xi32, #tpu.memory_space<vmem>>, vector<1x16xi32>,
    %swap3A_196 = vector.shape_cast %swap3A_195 : vector<1x16xi32> to vector<16xi32>
    %swap3A_197 = vector.shape_cast %shift_right_logical3A_191 : vector<16xi32> to vector<1x16xi32>
    tpu.vector_store %arg6[%swap3A_193, %swap3A_194], %swap3A_197 {strides = array<i32>} : memref<2x128xi32, #tpu.memory_space<vmem>>, vector<1x16xi32>,
    %and3A_198 = arith.constant 16383 : i32
    %and3A_199 = vector.broadcast %and3A_198 : i32 to vector<16xi32>
    %and3A_200 = arith.andi %get3A_188, %and3A_199 : vector<16xi32>
    %swap3A_201 = arith.constant 1 : i32
    %swap3A_202 = arith.index_cast %swap3A_201 : i32 to index
    %swap3A_203 = arith.constant 112 : index
    %swap3A_204 = tpu.vector_load %arg6[%swap3A_202, %swap3A_203] {strides = array<i32>} : memref<2x128xi32, #tpu.memory_space<vmem>>, vector<1x16xi32>,
    %swap3A_205 = vector.shape_cast %swap3A_204 : vector<1x16xi32> to vector<16xi32>
    %swap3A_206 = vector.shape_cast %and3A_200 : vector<16xi32> to vector<1x16xi32>
    tpu.vector_store %arg6[%swap3A_202, %swap3A_203], %swap3A_206 {strides = array<i32>} : memref<2x128xi32, #tpu.memory_space<vmem>>, vector<1x16xi32>,
    %dma_start3A = arith.constant 1 : i32
    %dma_start3A_207 = arith.constant 0 : i32
    %dma_start3A_208 = tpu.memref_slice %arg6[%dma_start3A, %dma_start3A_207] : memref<2x128xi32, #tpu.memory_space<vmem>> -> memref<1x128xi32, #tpu.memory_space<vmem>>
    %dma_start3A_209 = tpu.memref_squeeze %dma_start3A_208 : memref<1x128xi32, #tpu.memory_space<vmem>> -> memref<128xi32, #tpu.memory_space<vmem>>
    %dma_start3A_210 = arith.constant 0 : i32
    %dma_start3A_211 = arith.constant 0 : i32
    %dma_start3A_212 = tpu.memref_slice %arg2[%dma_start3A_210, %dma_start3A_211] : memref<10000x128xf32, #tpu.memory_space<hbm>> -> memref<10000x128xf32, #tpu.memory_space<hbm>>
    tpu.enqueue_indirect_dma source(%dma_start3A_212 : memref<10000x128xf32, #tpu.memory_space<hbm>>) target(%arg8 : memref<128x128xf32, #tpu.memory_space<vmem>>) offsets(%dma_start3A_209 : memref<128xi32, #tpu.memory_space<vmem>>) semaphore(%arg11 : memref<!tpu.dma_semaphore, #tpu.memory_space<semaphore_mem>>)
    %scan3A_213 = arith.constant 0 : i32
    %scan3A_214 = arith.constant 0 : i32
    %scan3A_215 = arith.constant 40 : i32
    %scan3A_216 = arith.addi %scan3A_214, %scan3A_215 : i32
    %scan3A_217 = arith.constant 1 : i32
    scf.for %scan3A_229 = %scan3A_214 to %scan3A_216 step %scan3A_217  : i32 {
      %mul3A_230 = arith.constant 2 : i32
      %mul3A_231 = arith.muli %scan3A_229, %mul3A_230 : i32
      %add3A_232 = arith.constant 0 : i32
      %add3A_233 = arith.addi %mul3A_231, %add3A_232 : i32
      %add3A_234 = arith.constant 2 : i32
      %add3A_235 = arith.addi %add3A_233, %add3A_234 : i32
      %sub3A = arith.constant 1 : i32
      %sub3A_236 = arith.subi %add3A_235, %sub3A : i32
      %min3A = arith.constant 79 : i32
      %min3A_237 = arith.minsi %sub3A_236, %min3A : i32
      %get3A_238 = arith.index_cast %min3A_237 : i32 to index
      %get3A_239 = arith.constant 0 : index
      %get3A_240 = tpu.vector_load %arg5[%get3A_238, %get3A_239] {strides = array<i32>} : memref<80x128xi32, #tpu.memory_space<vmem>>, vector<1x16xi32>,
      %get3A_241 = vector.shape_cast %get3A_240 : vector<1x16xi32> to vector<16xi32>
      %shift_right_logical3A_242 = arith.constant 14 : i32
      %shift_right_logical3A_243 = vector.broadcast %shift_right_logical3A_242 : i32 to vector<16xi32>
      %shift_right_logical3A_244 = arith.shrui %get3A_241, %shift_right_logical3A_243 : vector<16xi32>
      %swap3A_245 = arith.constant 0 : i32
      %swap3A_246 = arith.index_cast %swap3A_245 : i32 to index
      %swap3A_247 = arith.constant 0 : index
      %swap3A_248 = tpu.vector_load %arg7[%swap3A_246, %swap3A_247] {strides = array<i32>} : memref<2x128xi32, #tpu.memory_space<vmem>>, vector<1x16xi32>,
      %swap3A_249 = vector.shape_cast %swap3A_248 : vector<1x16xi32> to vector<16xi32>
      %swap3A_250 = vector.shape_cast %shift_right_logical3A_244 : vector<16xi32> to vector<1x16xi32>
      tpu.vector_store %arg7[%swap3A_246, %swap3A_247], %swap3A_250 {strides = array<i32>} : memref<2x128xi32, #tpu.memory_space<vmem>>, vector<1x16xi32>,
      %and3A_251 = arith.constant 16383 : i32
      %and3A_252 = vector.broadcast %and3A_251 : i32 to vector<16xi32>
      %and3A_253 = arith.andi %get3A_241, %and3A_252 : vector<16xi32>
      %swap3A_254 = arith.constant 1 : i32
      %swap3A_255 = arith.index_cast %swap3A_254 : i32 to index
      %swap3A_256 = arith.constant 0 : index
      %swap3A_257 = tpu.vector_load %arg7[%swap3A_255, %swap3A_256] {strides = array<i32>} : memref<2x128xi32, #tpu.memory_space<vmem>>, vector<1x16xi32>,
      %swap3A_258 = vector.shape_cast %swap3A_257 : vector<1x16xi32> to vector<16xi32>
      %swap3A_259 = vector.shape_cast %and3A_253 : vector<16xi32> to vector<1x16xi32>
      tpu.vector_store %arg7[%swap3A_255, %swap3A_256], %swap3A_259 {strides = array<i32>} : memref<2x128xi32, #tpu.memory_space<vmem>>, vector<1x16xi32>,
      %get3A_260 = arith.index_cast %min3A_237 : i32 to index
      %get3A_261 = arith.constant 16 : index
      %get3A_262 = tpu.vector_load %arg5[%get3A_260, %get3A_261] {strides = array<i32>} : memref<80x128xi32, #tpu.memory_space<vmem>>, vector<1x16xi32>,
      %get3A_263 = vector.shape_cast %get3A_262 : vector<1x16xi32> to vector<16xi32>
      %shift_right_logical3A_264 = arith.constant 14 : i32
      %shift_right_logical3A_265 = vector.broadcast %shift_right_logical3A_264 : i32 to vector<16xi32>
      %shift_right_logical3A_266 = arith.shrui %get3A_263, %shift_right_logical3A_265 : vector<16xi32>
      %swap3A_267 = arith.constant 0 : i32
      %swap3A_268 = arith.index_cast %swap3A_267 : i32 to index
      %swap3A_269 = arith.constant 16 : index
      %swap3A_270 = tpu.vector_load %arg7[%swap3A_268, %swap3A_269] {strides = array<i32>} : memref<2x128xi32, #tpu.memory_space<vmem>>, vector<1x16xi32>,
      %swap3A_271 = vector.shape_cast %swap3A_270 : vector<1x16xi32> to vector<16xi32>
      %swap3A_272 = vector.shape_cast %shift_right_logical3A_266 : vector<16xi32> to vector<1x16xi32>
      tpu.vector_store %arg7[%swap3A_268, %swap3A_269], %swap3A_272 {strides = array<i32>} : memref<2x128xi32, #tpu.memory_space<vmem>>, vector<1x16xi32>,
      %and3A_273 = arith.constant 16383 : i32
      %and3A_274 = vector.broadcast %and3A_273 : i32 to vector<16xi32>
      %and3A_275 = arith.andi %get3A_263, %and3A_274 : vector<16xi32>
      %swap3A_276 = arith.constant 1 : i32
      %swap3A_277 = arith.index_cast %swap3A_276 : i32 to index
      %swap3A_278 = arith.constant 16 : index
      %swap3A_279 = tpu.vector_load %arg7[%swap3A_277, %swap3A_278] {strides = array<i32>} : memref<2x128xi32, #tpu.memory_space<vmem>>, vector<1x16xi32>,
      %swap3A_280 = vector.shape_cast %swap3A_279 : vector<1x16xi32> to vector<16xi32>
      %swap3A_281 = vector.shape_cast %and3A_275 : vector<16xi32> to vector<1x16xi32>
      tpu.vector_store %arg7[%swap3A_277, %swap3A_278], %swap3A_281 {strides = array<i32>} : memref<2x128xi32, #tpu.memory_space<vmem>>, vector<1x16xi32>,
      %get3A_282 = arith.index_cast %min3A_237 : i32 to index
      %get3A_283 = arith.constant 32 : index
      %get3A_284 = tpu.vector_load %arg5[%get3A_282, %get3A_283] {strides = array<i32>} : memref<80x128xi32, #tpu.memory_space<vmem>>, vector<1x16xi32>,
      %get3A_285 = vector.shape_cast %get3A_284 : vector<1x16xi32> to vector<16xi32>
      %shift_right_logical3A_286 = arith.constant 14 : i32
      %shift_right_logical3A_287 = vector.broadcast %shift_right_logical3A_286 : i32 to vector<16xi32>
      %shift_right_logical3A_288 = arith.shrui %get3A_285, %shift_right_logical3A_287 : vector<16xi32>
      %swap3A_289 = arith.constant 0 : i32
      %swap3A_290 = arith.index_cast %swap3A_289 : i32 to index
      %swap3A_291 = arith.constant 32 : index
      %swap3A_292 = tpu.vector_load %arg7[%swap3A_290, %swap3A_291] {strides = array<i32>} : memref<2x128xi32, #tpu.memory_space<vmem>>, vector<1x16xi32>,
      %swap3A_293 = vector.shape_cast %swap3A_292 : vector<1x16xi32> to vector<16xi32>
      %swap3A_294 = vector.shape_cast %shift_right_logical3A_288 : vector<16xi32> to vector<1x16xi32>
      tpu.vector_store %arg7[%swap3A_290, %swap3A_291], %swap3A_294 {strides = array<i32>} : memref<2x128xi32, #tpu.memory_space<vmem>>, vector<1x16xi32>,
      %and3A_295 = arith.constant 16383 : i32
      %and3A_296 = vector.broadcast %and3A_295 : i32 to vector<16xi32>
      %and3A_297 = arith.andi %get3A_285, %and3A_296 : vector<16xi32>
      %swap3A_298 = arith.constant 1 : i32
      %swap3A_299 = arith.index_cast %swap3A_298 : i32 to index
      %swap3A_300 = arith.constant 32 : index
      %swap3A_301 = tpu.vector_load %arg7[%swap3A_299, %swap3A_300] {strides = array<i32>} : memref<2x128xi32, #tpu.memory_space<vmem>>, vector<1x16xi32>,
      %swap3A_302 = vector.shape_cast %swap3A_301 : vector<1x16xi32> to vector<16xi32>
      %swap3A_303 = vector.shape_cast %and3A_297 : vector<16xi32> to vector<1x16xi32>
      tpu.vector_store %arg7[%swap3A_299, %swap3A_300], %swap3A_303 {strides = array<i32>} : memref<2x128xi32, #tpu.memory_space<vmem>>, vector<1x16xi32>,
      %get3A_304 = arith.index_cast %min3A_237 : i32 to index
      %get3A_305 = arith.constant 48 : index
      %get3A_306 = tpu.vector_load %arg5[%get3A_304, %get3A_305] {strides = array<i32>} : memref<80x128xi32, #tpu.memory_space<vmem>>, vector<1x16xi32>,
      %get3A_307 = vector.shape_cast %get3A_306 : vector<1x16xi32> to vector<16xi32>
      %shift_right_logical3A_308 = arith.constant 14 : i32
      %shift_right_logical3A_309 = vector.broadcast %shift_right_logical3A_308 : i32 to vector<16xi32>
      %shift_right_logical3A_310 = arith.shrui %get3A_307, %shift_right_logical3A_309 : vector<16xi32>
      %swap3A_311 = arith.constant 0 : i32
      %swap3A_312 = arith.index_cast %swap3A_311 : i32 to index
      %swap3A_313 = arith.constant 48 : index
      %swap3A_314 = tpu.vector_load %arg7[%swap3A_312, %swap3A_313] {strides = array<i32>} : memref<2x128xi32, #tpu.memory_space<vmem>>, vector<1x16xi32>,
      %swap3A_315 = vector.shape_cast %swap3A_314 : vector<1x16xi32> to vector<16xi32>
      %swap3A_316 = vector.shape_cast %shift_right_logical3A_310 : vector<16xi32> to vector<1x16xi32>
      tpu.vector_store %arg7[%swap3A_312, %swap3A_313], %swap3A_316 {strides = array<i32>} : memref<2x128xi32, #tpu.memory_space<vmem>>, vector<1x16xi32>,
      %and3A_317 = arith.constant 16383 : i32
      %and3A_318 = vector.broadcast %and3A_317 : i32 to vector<16xi32>
      %and3A_319 = arith.andi %get3A_307, %and3A_318 : vector<16xi32>
      %swap3A_320 = arith.constant 1 : i32
      %swap3A_321 = arith.index_cast %swap3A_320 : i32 to index
      %swap3A_322 = arith.constant 48 : index
      %swap3A_323 = tpu.vector_load %arg7[%swap3A_321, %swap3A_322] {strides = array<i32>} : memref<2x128xi32, #tpu.memory_space<vmem>>, vector<1x16xi32>,
      %swap3A_324 = vector.shape_cast %swap3A_323 : vector<1x16xi32> to vector<16xi32>
      %swap3A_325 = vector.shape_cast %and3A_319 : vector<16xi32> to vector<1x16xi32>
      tpu.vector_store %arg7[%swap3A_321, %swap3A_322], %swap3A_325 {strides = array<i32>} : memref<2x128xi32, #tpu.memory_space<vmem>>, vector<1x16xi32>,
      %get3A_326 = arith.index_cast %min3A_237 : i32 to index
      %get3A_327 = arith.constant 64 : index
      %get3A_328 = tpu.vector_load %arg5[%get3A_326, %get3A_327] {strides = array<i32>} : memref<80x128xi32, #tpu.memory_space<vmem>>, vector<1x16xi32>,
      %get3A_329 = vector.shape_cast %get3A_328 : vector<1x16xi32> to vector<16xi32>
      %shift_right_logical3A_330 = arith.constant 14 : i32
      %shift_right_logical3A_331 = vector.broadcast %shift_right_logical3A_330 : i32 to vector<16xi32>
      %shift_right_logical3A_332 = arith.shrui %get3A_329, %shift_right_logical3A_331 : vector<16xi32>
      %swap3A_333 = arith.constant 0 : i32
      %swap3A_334 = arith.index_cast %swap3A_333 : i32 to index
      %swap3A_335 = arith.constant 64 : index
      %swap3A_336 = tpu.vector_load %arg7[%swap3A_334, %swap3A_335] {strides = array<i32>} : memref<2x128xi32, #tpu.memory_space<vmem>>, vector<1x16xi32>,
      %swap3A_337 = vector.shape_cast %swap3A_336 : vector<1x16xi32> to vector<16xi32>
      %swap3A_338 = vector.shape_cast %shift_right_logical3A_332 : vector<16xi32> to vector<1x16xi32>
      tpu.vector_store %arg7[%swap3A_334, %swap3A_335], %swap3A_338 {strides = array<i32>} : memref<2x128xi32, #tpu.memory_space<vmem>>, vector<1x16xi32>,
      %and3A_339 = arith.constant 16383 : i32
      %and3A_340 = vector.broadcast %and3A_339 : i32 to vector<16xi32>
      %and3A_341 = arith.andi %get3A_329, %and3A_340 : vector<16xi32>
      %swap3A_342 = arith.constant 1 : i32
      %swap3A_343 = arith.index_cast %swap3A_342 : i32 to index
      %swap3A_344 = arith.constant 64 : index
      %swap3A_345 = tpu.vector_load %arg7[%swap3A_343, %swap3A_344] {strides = array<i32>} : memref<2x128xi32, #tpu.memory_space<vmem>>, vector<1x16xi32>,
      %swap3A_346 = vector.shape_cast %swap3A_345 : vector<1x16xi32> to vector<16xi32>
      %swap3A_347 = vector.shape_cast %and3A_341 : vector<16xi32> to vector<1x16xi32>
      tpu.vector_store %arg7[%swap3A_343, %swap3A_344], %swap3A_347 {strides = array<i32>} : memref<2x128xi32, #tpu.memory_space<vmem>>, vector<1x16xi32>,
      %get3A_348 = arith.index_cast %min3A_237 : i32 to index
      %get3A_349 = arith.constant 80 : index
      %get3A_350 = tpu.vector_load %arg5[%get3A_348, %get3A_349] {strides = array<i32>} : memref<80x128xi32, #tpu.memory_space<vmem>>, vector<1x16xi32>,
      %get3A_351 = vector.shape_cast %get3A_350 : vector<1x16xi32> to vector<16xi32>
      %shift_right_logical3A_352 = arith.constant 14 : i32
      %shift_right_logical3A_353 = vector.broadcast %shift_right_logical3A_352 : i32 to vector<16xi32>
      %shift_right_logical3A_354 = arith.shrui %get3A_351, %shift_right_logical3A_353 : vector<16xi32>
      %swap3A_355 = arith.constant 0 : i32
      %swap3A_356 = arith.index_cast %swap3A_355 : i32 to index
      %swap3A_357 = arith.constant 80 : index
      %swap3A_358 = tpu.vector_load %arg7[%swap3A_356, %swap3A_357] {strides = array<i32>} : memref<2x128xi32, #tpu.memory_space<vmem>>, vector<1x16xi32>,
      %swap3A_359 = vector.shape_cast %swap3A_358 : vector<1x16xi32> to vector<16xi32>
      %swap3A_360 = vector.shape_cast %shift_right_logical3A_354 : vector<16xi32> to vector<1x16xi32>
      tpu.vector_store %arg7[%swap3A_356, %swap3A_357], %swap3A_360 {strides = array<i32>} : memref<2x128xi32, #tpu.memory_space<vmem>>, vector<1x16xi32>,
      %and3A_361 = arith.constant 16383 : i32
      %and3A_362 = vector.broadcast %and3A_361 : i32 to vector<16xi32>
      %and3A_363 = arith.andi %get3A_351, %and3A_362 : vector<16xi32>
      %swap3A_364 = arith.constant 1 : i32
      %swap3A_365 = arith.index_cast %swap3A_364 : i32 to index
      %swap3A_366 = arith.constant 80 : index
      %swap3A_367 = tpu.vector_load %arg7[%swap3A_365, %swap3A_366] {strides = array<i32>} : memref<2x128xi32, #tpu.memory_space<vmem>>, vector<1x16xi32>,
      %swap3A_368 = vector.shape_cast %swap3A_367 : vector<1x16xi32> to vector<16xi32>
      %swap3A_369 = vector.shape_cast %and3A_363 : vector<16xi32> to vector<1x16xi32>
      tpu.vector_store %arg7[%swap3A_365, %swap3A_366], %swap3A_369 {strides = array<i32>} : memref<2x128xi32, #tpu.memory_space<vmem>>, vector<1x16xi32>,
      %get3A_370 = arith.index_cast %min3A_237 : i32 to index
      %get3A_371 = arith.constant 96 : index
      %get3A_372 = tpu.vector_load %arg5[%get3A_370, %get3A_371] {strides = array<i32>} : memref<80x128xi32, #tpu.memory_space<vmem>>, vector<1x16xi32>,
      %get3A_373 = vector.shape_cast %get3A_372 : vector<1x16xi32> to vector<16xi32>
      %shift_right_logical3A_374 = arith.constant 14 : i32
      %shift_right_logical3A_375 = vector.broadcast %shift_right_logical3A_374 : i32 to vector<16xi32>
      %shift_right_logical3A_376 = arith.shrui %get3A_373, %shift_right_logical3A_375 : vector<16xi32>
      %swap3A_377 = arith.constant 0 : i32
      %swap3A_378 = arith.index_cast %swap3A_377 : i32 to index
      %swap3A_379 = arith.constant 96 : index
      %swap3A_380 = tpu.vector_load %arg7[%swap3A_378, %swap3A_379] {strides = array<i32>} : memref<2x128xi32, #tpu.memory_space<vmem>>, vector<1x16xi32>,
      %swap3A_381 = vector.shape_cast %swap3A_380 : vector<1x16xi32> to vector<16xi32>
      %swap3A_382 = vector.shape_cast %shift_right_logical3A_376 : vector<16xi32> to vector<1x16xi32>
      tpu.vector_store %arg7[%swap3A_378, %swap3A_379], %swap3A_382 {strides = array<i32>} : memref<2x128xi32, #tpu.memory_space<vmem>>, vector<1x16xi32>,
      %and3A_383 = arith.constant 16383 : i32
      %and3A_384 = vector.broadcast %and3A_383 : i32 to vector<16xi32>
      %and3A_385 = arith.andi %get3A_373, %and3A_384 : vector<16xi32>
      %swap3A_386 = arith.constant 1 : i32
      %swap3A_387 = arith.index_cast %swap3A_386 : i32 to index
      %swap3A_388 = arith.constant 96 : index
      %swap3A_389 = tpu.vector_load %arg7[%swap3A_387, %swap3A_388] {strides = array<i32>} : memref<2x128xi32, #tpu.memory_space<vmem>>, vector<1x16xi32>,
      %swap3A_390 = vector.shape_cast %swap3A_389 : vector<1x16xi32> to vector<16xi32>
      %swap3A_391 = vector.shape_cast %and3A_385 : vector<16xi32> to vector<1x16xi32>
      tpu.vector_store %arg7[%swap3A_387, %swap3A_388], %swap3A_391 {strides = array<i32>} : memref<2x128xi32, #tpu.memory_space<vmem>>, vector<1x16xi32>,
      %get3A_392 = arith.index_cast %min3A_237 : i32 to index
      %get3A_393 = arith.constant 112 : index
      %get3A_394 = tpu.vector_load %arg5[%get3A_392, %get3A_393] {strides = array<i32>} : memref<80x128xi32, #tpu.memory_space<vmem>>, vector<1x16xi32>,
      %get3A_395 = vector.shape_cast %get3A_394 : vector<1x16xi32> to vector<16xi32>
      %shift_right_logical3A_396 = arith.constant 14 : i32
      %shift_right_logical3A_397 = vector.broadcast %shift_right_logical3A_396 : i32 to vector<16xi32>
      %shift_right_logical3A_398 = arith.shrui %get3A_395, %shift_right_logical3A_397 : vector<16xi32>
      %swap3A_399 = arith.constant 0 : i32
      %swap3A_400 = arith.index_cast %swap3A_399 : i32 to index
      %swap3A_401 = arith.constant 112 : index
      %swap3A_402 = tpu.vector_load %arg7[%swap3A_400, %swap3A_401] {strides = array<i32>} : memref<2x128xi32, #tpu.memory_space<vmem>>, vector<1x16xi32>,
      %swap3A_403 = vector.shape_cast %swap3A_402 : vector<1x16xi32> to vector<16xi32>
      %swap3A_404 = vector.shape_cast %shift_right_logical3A_398 : vector<16xi32> to vector<1x16xi32>
      tpu.vector_store %arg7[%swap3A_400, %swap3A_401], %swap3A_404 {strides = array<i32>} : memref<2x128xi32, #tpu.memory_space<vmem>>, vector<1x16xi32>,
      %and3A_405 = arith.constant 16383 : i32
      %and3A_406 = vector.broadcast %and3A_405 : i32 to vector<16xi32>
      %and3A_407 = arith.andi %get3A_395, %and3A_406 : vector<16xi32>
      %swap3A_408 = arith.constant 1 : i32
      %swap3A_409 = arith.index_cast %swap3A_408 : i32 to index
      %swap3A_410 = arith.constant 112 : index
      %swap3A_411 = tpu.vector_load %arg7[%swap3A_409, %swap3A_410] {strides = array<i32>} : memref<2x128xi32, #tpu.memory_space<vmem>>, vector<1x16xi32>,
      %swap3A_412 = vector.shape_cast %swap3A_411 : vector<1x16xi32> to vector<16xi32>
      %swap3A_413 = vector.shape_cast %and3A_407 : vector<16xi32> to vector<1x16xi32>
      tpu.vector_store %arg7[%swap3A_409, %swap3A_410], %swap3A_413 {strides = array<i32>} : memref<2x128xi32, #tpu.memory_space<vmem>>, vector<1x16xi32>,
      %dma_start3A_414 = arith.constant 1 : i32
      %dma_start3A_415 = arith.constant 0 : i32
      %dma_start3A_416 = tpu.memref_slice %arg7[%dma_start3A_414, %dma_start3A_415] : memref<2x128xi32, #tpu.memory_space<vmem>> -> memref<1x128xi32, #tpu.memory_space<vmem>>
      %dma_start3A_417 = tpu.memref_squeeze %dma_start3A_416 : memref<1x128xi32, #tpu.memory_space<vmem>> -> memref<128xi32, #tpu.memory_space<vmem>>
      %dma_start3A_418 = arith.constant 0 : i32
      %dma_start3A_419 = arith.constant 0 : i32
      %dma_start3A_420 = tpu.memref_slice %arg2[%dma_start3A_418, %dma_start3A_419] : memref<10000x128xf32, #tpu.memory_space<hbm>> -> memref<10000x128xf32, #tpu.memory_space<hbm>>
      tpu.enqueue_indirect_dma source(%dma_start3A_420 : memref<10000x128xf32, #tpu.memory_space<hbm>>) target(%arg9 : memref<128x128xf32, #tpu.memory_space<vmem>>) offsets(%dma_start3A_417 : memref<128xi32, #tpu.memory_space<vmem>>) semaphore(%arg12 : memref<!tpu.dma_semaphore, #tpu.memory_space<semaphore_mem>>)
      %dma_wait3A_421 = arith.constant 0 : i32
      %dma_wait3A_422 = arith.constant 0 : i32
      %dma_wait3A_423 = tpu.memref_slice %arg2[%dma_wait3A_421, %dma_wait3A_422] : memref<10000x128xf32, #tpu.memory_space<hbm>> -> memref<128x128xf32, #tpu.memory_space<hbm>>
      %dma_wait3A_424 = arith.constant 0 : i32
      %dma_wait3A_425 = arith.constant 0 : i32
      %dma_wait3A_426 = tpu.memref_slice %arg2[%dma_wait3A_424, %dma_wait3A_425] : memref<10000x128xf32, #tpu.memory_space<hbm>> -> memref<128x128xf32, #tpu.memory_space<hbm>>
      tpu.wait_dma2 semaphore(%arg11 : memref<!tpu.dma_semaphore, #tpu.memory_space<semaphore_mem>>) src(%dma_wait3A_426 : memref<128x128xf32, #tpu.memory_space<hbm>>) dst(%arg8 : memref<128x128xf32, #tpu.memory_space<vmem>>)
      %run_scoped3A = arith.constant 0 : i32
      "tpu.region"() ({
        %run_scoped3A_625 = tpu.sem_alloc : memref<!tpu.dma_semaphore, #tpu.memory_space<semaphore_mem>>
        %dma_start3A_626 = arith.constant 0 : i32
        %dma_start3A_627 = tpu.memref_slice %arg6[%run_scoped3A, %dma_start3A_626] : memref<2x128xi32, #tpu.memory_space<vmem>> -> memref<1x128xi32, #tpu.memory_space<vmem>>
        %dma_start3A_628 = tpu.memref_squeeze %dma_start3A_627 : memref<1x128xi32, #tpu.memory_space<vmem>> -> memref<128xi32, #tpu.memory_space<vmem>>
        %dma_start3A_629 = arith.constant 0 : i32
        %dma_start3A_630 = arith.constant 0 : i32
        %dma_start3A_631 = tpu.memref_slice %arg10[%dma_start3A_629, %dma_start3A_630] : memref<10240x128xf32, #tpu.memory_space<vmem_shared>> -> memref<10240x128xf32, #tpu.memory_space<vmem_shared>>
        tpu.enqueue_indirect_dma source(%arg8 : memref<128x128xf32, #tpu.memory_space<vmem>>) target(%dma_start3A_631 : memref<10240x128xf32, #tpu.memory_space<vmem_shared>>) offsets(%dma_start3A_628 : memref<128xi32, #tpu.memory_space<vmem>>) semaphore(%run_scoped3A_625 : memref<!tpu.dma_semaphore, #tpu.memory_space<semaphore_mem>>) {add = true}
        %dma_wait3A_632 = arith.constant 0 : i32
        %dma_wait3A_633 = tpu.memref_slice %arg6[%run_scoped3A, %dma_wait3A_632] : memref<2x128xi32, #tpu.memory_space<vmem>> -> memref<1x128xi32, #tpu.memory_space<vmem>>
        %dma_wait3A_634 = tpu.memref_squeeze %dma_wait3A_633 : memref<1x128xi32, #tpu.memory_space<vmem>> -> memref<128xi32, #tpu.memory_space<vmem>>
        %dma_wait3A_635 = arith.constant 0 : i32
        %dma_wait3A_636 = arith.constant 0 : i32
        %dma_wait3A_637 = tpu.memref_slice %arg10[%dma_wait3A_635, %dma_wait3A_636] : memref<10240x128xf32, #tpu.memory_space<vmem_shared>> -> memref<10240x128xf32, #tpu.memory_space<vmem_shared>>
        tpu.wait_indirect_dma semaphore(%run_scoped3A_625 : memref<!tpu.dma_semaphore, #tpu.memory_space<semaphore_mem>>) src(%arg8 : memref<128x128xf32, #tpu.memory_space<vmem>>) dst(%dma_wait3A_637 : memref<10240x128xf32, #tpu.memory_space<vmem_shared>>)
        tpu.yield
      }) : () -> ()
      %add3A_427 = arith.constant 1 : i32
      %add3A_428 = arith.addi %mul3A_231, %add3A_427 : i32
      %add3A_429 = arith.constant 2 : i32
      %add3A_430 = arith.addi %add3A_428, %add3A_429 : i32
      %sub3A_431 = arith.constant 1 : i32
      %sub3A_432 = arith.subi %add3A_430, %sub3A_431 : i32
      %min3A_433 = arith.constant 79 : i32
      %min3A_434 = arith.minsi %sub3A_432, %min3A_433 : i32
      %get3A_435 = arith.index_cast %min3A_434 : i32 to index
      %get3A_436 = arith.constant 0 : index
      %get3A_437 = tpu.vector_load %arg5[%get3A_435, %get3A_436] {strides = array<i32>} : memref<80x128xi32, #tpu.memory_space<vmem>>, vector<1x16xi32>,
      %get3A_438 = vector.shape_cast %get3A_437 : vector<1x16xi32> to vector<16xi32>
      %shift_right_logical3A_439 = arith.constant 14 : i32
      %shift_right_logical3A_440 = vector.broadcast %shift_right_logical3A_439 : i32 to vector<16xi32>
      %shift_right_logical3A_441 = arith.shrui %get3A_438, %shift_right_logical3A_440 : vector<16xi32>
      %swap3A_442 = arith.constant 0 : i32
      %swap3A_443 = arith.index_cast %swap3A_442 : i32 to index
      %swap3A_444 = arith.constant 0 : index
      %swap3A_445 = tpu.vector_load %arg6[%swap3A_443, %swap3A_444] {strides = array<i32>} : memref<2x128xi32, #tpu.memory_space<vmem>>, vector<1x16xi32>,
      %swap3A_446 = vector.shape_cast %swap3A_445 : vector<1x16xi32> to vector<16xi32>
      %swap3A_447 = vector.shape_cast %shift_right_logical3A_441 : vector<16xi32> to vector<1x16xi32>
      tpu.vector_store %arg6[%swap3A_443, %swap3A_444], %swap3A_447 {strides = array<i32>} : memref<2x128xi32, #tpu.memory_space<vmem>>, vector<1x16xi32>,
      %and3A_448 = arith.constant 16383 : i32
      %and3A_449 = vector.broadcast %and3A_448 : i32 to vector<16xi32>
      %and3A_450 = arith.andi %get3A_438, %and3A_449 : vector<16xi32>
      %swap3A_451 = arith.constant 1 : i32
      %swap3A_452 = arith.index_cast %swap3A_451 : i32 to index
      %swap3A_453 = arith.constant 0 : index
      %swap3A_454 = tpu.vector_load %arg6[%swap3A_452, %swap3A_453] {strides = array<i32>} : memref<2x128xi32, #tpu.memory_space<vmem>>, vector<1x16xi32>,
      %swap3A_455 = vector.shape_cast %swap3A_454 : vector<1x16xi32> to vector<16xi32>
      %swap3A_456 = vector.shape_cast %and3A_450 : vector<16xi32> to vector<1x16xi32>
      tpu.vector_store %arg6[%swap3A_452, %swap3A_453], %swap3A_456 {strides = array<i32>} : memref<2x128xi32, #tpu.memory_space<vmem>>, vector<1x16xi32>,
      %get3A_457 = arith.index_cast %min3A_434 : i32 to index
      %get3A_458 = arith.constant 16 : index
      %get3A_459 = tpu.vector_load %arg5[%get3A_457, %get3A_458] {strides = array<i32>} : memref<80x128xi32, #tpu.memory_space<vmem>>, vector<1x16xi32>,
      %get3A_460 = vector.shape_cast %get3A_459 : vector<1x16xi32> to vector<16xi32>
      %shift_right_logical3A_461 = arith.constant 14 : i32
      %shift_right_logical3A_462 = vector.broadcast %shift_right_logical3A_461 : i32 to vector<16xi32>
      %shift_right_logical3A_463 = arith.shrui %get3A_460, %shift_right_logical3A_462 : vector<16xi32>
      %swap3A_464 = arith.constant 0 : i32
      %swap3A_465 = arith.index_cast %swap3A_464 : i32 to index
      %swap3A_466 = arith.constant 16 : index
      %swap3A_467 = tpu.vector_load %arg6[%swap3A_465, %swap3A_466] {strides = array<i32>} : memref<2x128xi32, #tpu.memory_space<vmem>>, vector<1x16xi32>,
      %swap3A_468 = vector.shape_cast %swap3A_467 : vector<1x16xi32> to vector<16xi32>
      %swap3A_469 = vector.shape_cast %shift_right_logical3A_463 : vector<16xi32> to vector<1x16xi32>
      tpu.vector_store %arg6[%swap3A_465, %swap3A_466], %swap3A_469 {strides = array<i32>} : memref<2x128xi32, #tpu.memory_space<vmem>>, vector<1x16xi32>,
      %and3A_470 = arith.constant 16383 : i32
      %and3A_471 = vector.broadcast %and3A_470 : i32 to vector<16xi32>
      %and3A_472 = arith.andi %get3A_460, %and3A_471 : vector<16xi32>
      %swap3A_473 = arith.constant 1 : i32
      %swap3A_474 = arith.index_cast %swap3A_473 : i32 to index
      %swap3A_475 = arith.constant 16 : index
      %swap3A_476 = tpu.vector_load %arg6[%swap3A_474, %swap3A_475] {strides = array<i32>} : memref<2x128xi32, #tpu.memory_space<vmem>>, vector<1x16xi32>,
      %swap3A_477 = vector.shape_cast %swap3A_476 : vector<1x16xi32> to vector<16xi32>
      %swap3A_478 = vector.shape_cast %and3A_472 : vector<16xi32> to vector<1x16xi32>
      tpu.vector_store %arg6[%swap3A_474, %swap3A_475], %swap3A_478 {strides = array<i32>} : memref<2x128xi32, #tpu.memory_space<vmem>>, vector<1x16xi32>,
      %get3A_479 = arith.index_cast %min3A_434 : i32 to index
      %get3A_480 = arith.constant 32 : index
      %get3A_481 = tpu.vector_load %arg5[%get3A_479, %get3A_480] {strides = array<i32>} : memref<80x128xi32, #tpu.memory_space<vmem>>, vector<1x16xi32>,
      %get3A_482 = vector.shape_cast %get3A_481 : vector<1x16xi32> to vector<16xi32>
      %shift_right_logical3A_483 = arith.constant 14 : i32
      %shift_right_logical3A_484 = vector.broadcast %shift_right_logical3A_483 : i32 to vector<16xi32>
      %shift_right_logical3A_485 = arith.shrui %get3A_482, %shift_right_logical3A_484 : vector<16xi32>
      %swap3A_486 = arith.constant 0 : i32
      %swap3A_487 = arith.index_cast %swap3A_486 : i32 to index
      %swap3A_488 = arith.constant 32 : index
      %swap3A_489 = tpu.vector_load %arg6[%swap3A_487, %swap3A_488] {strides = array<i32>} : memref<2x128xi32, #tpu.memory_space<vmem>>, vector<1x16xi32>,
      %swap3A_490 = vector.shape_cast %swap3A_489 : vector<1x16xi32> to vector<16xi32>
      %swap3A_491 = vector.shape_cast %shift_right_logical3A_485 : vector<16xi32> to vector<1x16xi32>
      tpu.vector_store %arg6[%swap3A_487, %swap3A_488], %swap3A_491 {strides = array<i32>} : memref<2x128xi32, #tpu.memory_space<vmem>>, vector<1x16xi32>,
      %and3A_492 = arith.constant 16383 : i32
      %and3A_493 = vector.broadcast %and3A_492 : i32 to vector<16xi32>
      %and3A_494 = arith.andi %get3A_482, %and3A_493 : vector<16xi32>
      %swap3A_495 = arith.constant 1 : i32
      %swap3A_496 = arith.index_cast %swap3A_495 : i32 to index
      %swap3A_497 = arith.constant 32 : index
      %swap3A_498 = tpu.vector_load %arg6[%swap3A_496, %swap3A_497] {strides = array<i32>} : memref<2x128xi32, #tpu.memory_space<vmem>>, vector<1x16xi32>,
      %swap3A_499 = vector.shape_cast %swap3A_498 : vector<1x16xi32> to vector<16xi32>
      %swap3A_500 = vector.shape_cast %and3A_494 : vector<16xi32> to vector<1x16xi32>
      tpu.vector_store %arg6[%swap3A_496, %swap3A_497], %swap3A_500 {strides = array<i32>} : memref<2x128xi32, #tpu.memory_space<vmem>>, vector<1x16xi32>,
      %get3A_501 = arith.index_cast %min3A_434 : i32 to index
      %get3A_502 = arith.constant 48 : index
      %get3A_503 = tpu.vector_load %arg5[%get3A_501, %get3A_502] {strides = array<i32>} : memref<80x128xi32, #tpu.memory_space<vmem>>, vector<1x16xi32>,
      %get3A_504 = vector.shape_cast %get3A_503 : vector<1x16xi32> to vector<16xi32>
      %shift_right_logical3A_505 = arith.constant 14 : i32
      %shift_right_logical3A_506 = vector.broadcast %shift_right_logical3A_505 : i32 to vector<16xi32>
      %shift_right_logical3A_507 = arith.shrui %get3A_504, %shift_right_logical3A_506 : vector<16xi32>
      %swap3A_508 = arith.constant 0 : i32
      %swap3A_509 = arith.index_cast %swap3A_508 : i32 to index
      %swap3A_510 = arith.constant 48 : index
      %swap3A_511 = tpu.vector_load %arg6[%swap3A_509, %swap3A_510] {strides = array<i32>} : memref<2x128xi32, #tpu.memory_space<vmem>>, vector<1x16xi32>,
      %swap3A_512 = vector.shape_cast %swap3A_511 : vector<1x16xi32> to vector<16xi32>
      %swap3A_513 = vector.shape_cast %shift_right_logical3A_507 : vector<16xi32> to vector<1x16xi32>
      tpu.vector_store %arg6[%swap3A_509, %swap3A_510], %swap3A_513 {strides = array<i32>} : memref<2x128xi32, #tpu.memory_space<vmem>>, vector<1x16xi32>,
      %and3A_514 = arith.constant 16383 : i32
      %and3A_515 = vector.broadcast %and3A_514 : i32 to vector<16xi32>
      %and3A_516 = arith.andi %get3A_504, %and3A_515 : vector<16xi32>
      %swap3A_517 = arith.constant 1 : i32
      %swap3A_518 = arith.index_cast %swap3A_517 : i32 to index
      %swap3A_519 = arith.constant 48 : index
      %swap3A_520 = tpu.vector_load %arg6[%swap3A_518, %swap3A_519] {strides = array<i32>} : memref<2x128xi32, #tpu.memory_space<vmem>>, vector<1x16xi32>,
      %swap3A_521 = vector.shape_cast %swap3A_520 : vector<1x16xi32> to vector<16xi32>
      %swap3A_522 = vector.shape_cast %and3A_516 : vector<16xi32> to vector<1x16xi32>
      tpu.vector_store %arg6[%swap3A_518, %swap3A_519], %swap3A_522 {strides = array<i32>} : memref<2x128xi32, #tpu.memory_space<vmem>>, vector<1x16xi32>,
      %get3A_523 = arith.index_cast %min3A_434 : i32 to index
      %get3A_524 = arith.constant 64 : index
      %get3A_525 = tpu.vector_load %arg5[%get3A_523, %get3A_524] {strides = array<i32>} : memref<80x128xi32, #tpu.memory_space<vmem>>, vector<1x16xi32>,
      %get3A_526 = vector.shape_cast %get3A_525 : vector<1x16xi32> to vector<16xi32>
      %shift_right_logical3A_527 = arith.constant 14 : i32
      %shift_right_logical3A_528 = vector.broadcast %shift_right_logical3A_527 : i32 to vector<16xi32>
      %shift_right_logical3A_529 = arith.shrui %get3A_526, %shift_right_logical3A_528 : vector<16xi32>
      %swap3A_530 = arith.constant 0 : i32
      %swap3A_531 = arith.index_cast %swap3A_530 : i32 to index
      %swap3A_532 = arith.constant 64 : index
      %swap3A_533 = tpu.vector_load %arg6[%swap3A_531, %swap3A_532] {strides = array<i32>} : memref<2x128xi32, #tpu.memory_space<vmem>>, vector<1x16xi32>,
      %swap3A_534 = vector.shape_cast %swap3A_533 : vector<1x16xi32> to vector<16xi32>
      %swap3A_535 = vector.shape_cast %shift_right_logical3A_529 : vector<16xi32> to vector<1x16xi32>
      tpu.vector_store %arg6[%swap3A_531, %swap3A_532], %swap3A_535 {strides = array<i32>} : memref<2x128xi32, #tpu.memory_space<vmem>>, vector<1x16xi32>,
      %and3A_536 = arith.constant 16383 : i32
      %and3A_537 = vector.broadcast %and3A_536 : i32 to vector<16xi32>
      %and3A_538 = arith.andi %get3A_526, %and3A_537 : vector<16xi32>
      %swap3A_539 = arith.constant 1 : i32
      %swap3A_540 = arith.index_cast %swap3A_539 : i32 to index
      %swap3A_541 = arith.constant 64 : index
      %swap3A_542 = tpu.vector_load %arg6[%swap3A_540, %swap3A_541] {strides = array<i32>} : memref<2x128xi32, #tpu.memory_space<vmem>>, vector<1x16xi32>,
      %swap3A_543 = vector.shape_cast %swap3A_542 : vector<1x16xi32> to vector<16xi32>
      %swap3A_544 = vector.shape_cast %and3A_538 : vector<16xi32> to vector<1x16xi32>
      tpu.vector_store %arg6[%swap3A_540, %swap3A_541], %swap3A_544 {strides = array<i32>} : memref<2x128xi32, #tpu.memory_space<vmem>>, vector<1x16xi32>,
      %get3A_545 = arith.index_cast %min3A_434 : i32 to index
      %get3A_546 = arith.constant 80 : index
      %get3A_547 = tpu.vector_load %arg5[%get3A_545, %get3A_546] {strides = array<i32>} : memref<80x128xi32, #tpu.memory_space<vmem>>, vector<1x16xi32>,
      %get3A_548 = vector.shape_cast %get3A_547 : vector<1x16xi32> to vector<16xi32>
      %shift_right_logical3A_549 = arith.constant 14 : i32
      %shift_right_logical3A_550 = vector.broadcast %shift_right_logical3A_549 : i32 to vector<16xi32>
      %shift_right_logical3A_551 = arith.shrui %get3A_548, %shift_right_logical3A_550 : vector<16xi32>
      %swap3A_552 = arith.constant 0 : i32
      %swap3A_553 = arith.index_cast %swap3A_552 : i32 to index
      %swap3A_554 = arith.constant 80 : index
      %swap3A_555 = tpu.vector_load %arg6[%swap3A_553, %swap3A_554] {strides = array<i32>} : memref<2x128xi32, #tpu.memory_space<vmem>>, vector<1x16xi32>,
      %swap3A_556 = vector.shape_cast %swap3A_555 : vector<1x16xi32> to vector<16xi32>
      %swap3A_557 = vector.shape_cast %shift_right_logical3A_551 : vector<16xi32> to vector<1x16xi32>
      tpu.vector_store %arg6[%swap3A_553, %swap3A_554], %swap3A_557 {strides = array<i32>} : memref<2x128xi32, #tpu.memory_space<vmem>>, vector<1x16xi32>,
      %and3A_558 = arith.constant 16383 : i32
      %and3A_559 = vector.broadcast %and3A_558 : i32 to vector<16xi32>
      %and3A_560 = arith.andi %get3A_548, %and3A_559 : vector<16xi32>
      %swap3A_561 = arith.constant 1 : i32
      %swap3A_562 = arith.index_cast %swap3A_561 : i32 to index
      %swap3A_563 = arith.constant 80 : index
      %swap3A_564 = tpu.vector_load %arg6[%swap3A_562, %swap3A_563] {strides = array<i32>} : memref<2x128xi32, #tpu.memory_space<vmem>>, vector<1x16xi32>,
      %swap3A_565 = vector.shape_cast %swap3A_564 : vector<1x16xi32> to vector<16xi32>
      %swap3A_566 = vector.shape_cast %and3A_560 : vector<16xi32> to vector<1x16xi32>
      tpu.vector_store %arg6[%swap3A_562, %swap3A_563], %swap3A_566 {strides = array<i32>} : memref<2x128xi32, #tpu.memory_space<vmem>>, vector<1x16xi32>,
      %get3A_567 = arith.index_cast %min3A_434 : i32 to index
      %get3A_568 = arith.constant 96 : index
      %get3A_569 = tpu.vector_load %arg5[%get3A_567, %get3A_568] {strides = array<i32>} : memref<80x128xi32, #tpu.memory_space<vmem>>, vector<1x16xi32>,
      %get3A_570 = vector.shape_cast %get3A_569 : vector<1x16xi32> to vector<16xi32>
      %shift_right_logical3A_571 = arith.constant 14 : i32
      %shift_right_logical3A_572 = vector.broadcast %shift_right_logical3A_571 : i32 to vector<16xi32>
      %shift_right_logical3A_573 = arith.shrui %get3A_570, %shift_right_logical3A_572 : vector<16xi32>
      %swap3A_574 = arith.constant 0 : i32
      %swap3A_575 = arith.index_cast %swap3A_574 : i32 to index
      %swap3A_576 = arith.constant 96 : index
      %swap3A_577 = tpu.vector_load %arg6[%swap3A_575, %swap3A_576] {strides = array<i32>} : memref<2x128xi32, #tpu.memory_space<vmem>>, vector<1x16xi32>,
      %swap3A_578 = vector.shape_cast %swap3A_577 : vector<1x16xi32> to vector<16xi32>
      %swap3A_579 = vector.shape_cast %shift_right_logical3A_573 : vector<16xi32> to vector<1x16xi32>
      tpu.vector_store %arg6[%swap3A_575, %swap3A_576], %swap3A_579 {strides = array<i32>} : memref<2x128xi32, #tpu.memory_space<vmem>>, vector<1x16xi32>,
      %and3A_580 = arith.constant 16383 : i32
      %and3A_581 = vector.broadcast %and3A_580 : i32 to vector<16xi32>
      %and3A_582 = arith.andi %get3A_570, %and3A_581 : vector<16xi32>
      %swap3A_583 = arith.constant 1 : i32
      %swap3A_584 = arith.index_cast %swap3A_583 : i32 to index
      %swap3A_585 = arith.constant 96 : index
      %swap3A_586 = tpu.vector_load %arg6[%swap3A_584, %swap3A_585] {strides = array<i32>} : memref<2x128xi32, #tpu.memory_space<vmem>>, vector<1x16xi32>,
      %swap3A_587 = vector.shape_cast %swap3A_586 : vector<1x16xi32> to vector<16xi32>
      %swap3A_588 = vector.shape_cast %and3A_582 : vector<16xi32> to vector<1x16xi32>
      tpu.vector_store %arg6[%swap3A_584, %swap3A_585], %swap3A_588 {strides = array<i32>} : memref<2x128xi32, #tpu.memory_space<vmem>>, vector<1x16xi32>,
      %get3A_589 = arith.index_cast %min3A_434 : i32 to index
      %get3A_590 = arith.constant 112 : index
      %get3A_591 = tpu.vector_load %arg5[%get3A_589, %get3A_590] {strides = array<i32>} : memref<80x128xi32, #tpu.memory_space<vmem>>, vector<1x16xi32>,
      %get3A_592 = vector.shape_cast %get3A_591 : vector<1x16xi32> to vector<16xi32>
      %shift_right_logical3A_593 = arith.constant 14 : i32
      %shift_right_logical3A_594 = vector.broadcast %shift_right_logical3A_593 : i32 to vector<16xi32>
      %shift_right_logical3A_595 = arith.shrui %get3A_592, %shift_right_logical3A_594 : vector<16xi32>
      %swap3A_596 = arith.constant 0 : i32
      %swap3A_597 = arith.index_cast %swap3A_596 : i32 to index
      %swap3A_598 = arith.constant 112 : index
      %swap3A_599 = tpu.vector_load %arg6[%swap3A_597, %swap3A_598] {strides = array<i32>} : memref<2x128xi32, #tpu.memory_space<vmem>>, vector<1x16xi32>,
      %swap3A_600 = vector.shape_cast %swap3A_599 : vector<1x16xi32> to vector<16xi32>
      %swap3A_601 = vector.shape_cast %shift_right_logical3A_595 : vector<16xi32> to vector<1x16xi32>
      tpu.vector_store %arg6[%swap3A_597, %swap3A_598], %swap3A_601 {strides = array<i32>} : memref<2x128xi32, #tpu.memory_space<vmem>>, vector<1x16xi32>,
      %and3A_602 = arith.constant 16383 : i32
      %and3A_603 = vector.broadcast %and3A_602 : i32 to vector<16xi32>
      %and3A_604 = arith.andi %get3A_592, %and3A_603 : vector<16xi32>
      %swap3A_605 = arith.constant 1 : i32
      %swap3A_606 = arith.index_cast %swap3A_605 : i32 to index
      %swap3A_607 = arith.constant 112 : index
      %swap3A_608 = tpu.vector_load %arg6[%swap3A_606, %swap3A_607] {strides = array<i32>} : memref<2x128xi32, #tpu.memory_space<vmem>>, vector<1x16xi32>,
      %swap3A_609 = vector.shape_cast %swap3A_608 : vector<1x16xi32> to vector<16xi32>
      %swap3A_610 = vector.shape_cast %and3A_604 : vector<16xi32> to vector<1x16xi32>
      tpu.vector_store %arg6[%swap3A_606, %swap3A_607], %swap3A_610 {strides = array<i32>} : memref<2x128xi32, #tpu.memory_space<vmem>>, vector<1x16xi32>,
      %dma_start3A_611 = arith.constant 1 : i32
      %dma_start3A_612 = arith.constant 0 : i32
      %dma_start3A_613 = tpu.memref_slice %arg6[%dma_start3A_611, %dma_start3A_612] : memref<2x128xi32, #tpu.memory_space<vmem>> -> memref<1x128xi32, #tpu.memory_space<vmem>>
      %dma_start3A_614 = tpu.memref_squeeze %dma_start3A_613 : memref<1x128xi32, #tpu.memory_space<vmem>> -> memref<128xi32, #tpu.memory_space<vmem>>
      %dma_start3A_615 = arith.constant 0 : i32
      %dma_start3A_616 = arith.constant 0 : i32
      %dma_start3A_617 = tpu.memref_slice %arg2[%dma_start3A_615, %dma_start3A_616] : memref<10000x128xf32, #tpu.memory_space<hbm>> -> memref<10000x128xf32, #tpu.memory_space<hbm>>
      tpu.enqueue_indirect_dma source(%dma_start3A_617 : memref<10000x128xf32, #tpu.memory_space<hbm>>) target(%arg8 : memref<128x128xf32, #tpu.memory_space<vmem>>) offsets(%dma_start3A_614 : memref<128xi32, #tpu.memory_space<vmem>>) semaphore(%arg11 : memref<!tpu.dma_semaphore, #tpu.memory_space<semaphore_mem>>)
      %dma_wait3A_618 = arith.constant 0 : i32
      %dma_wait3A_619 = arith.constant 0 : i32
      %dma_wait3A_620 = tpu.memref_slice %arg2[%dma_wait3A_618, %dma_wait3A_619] : memref<10000x128xf32, #tpu.memory_space<hbm>> -> memref<128x128xf32, #tpu.memory_space<hbm>>
      %dma_wait3A_621 = arith.constant 0 : i32
      %dma_wait3A_622 = arith.constant 0 : i32
      %dma_wait3A_623 = tpu.memref_slice %arg2[%dma_wait3A_621, %dma_wait3A_622] : memref<10000x128xf32, #tpu.memory_space<hbm>> -> memref<128x128xf32, #tpu.memory_space<hbm>>
      tpu.wait_dma2 semaphore(%arg12 : memref<!tpu.dma_semaphore, #tpu.memory_space<semaphore_mem>>) src(%dma_wait3A_623 : memref<128x128xf32, #tpu.memory_space<hbm>>) dst(%arg9 : memref<128x128xf32, #tpu.memory_space<vmem>>)
      %run_scoped3A_624 = arith.constant 0 : i32
      "tpu.region"() ({
        %run_scoped3A_625 = tpu.sem_alloc : memref<!tpu.dma_semaphore, #tpu.memory_space<semaphore_mem>>
        %dma_start3A_626 = arith.constant 0 : i32
        %dma_start3A_627 = tpu.memref_slice %arg7[%run_scoped3A_624, %dma_start3A_626] : memref<2x128xi32, #tpu.memory_space<vmem>> -> memref<1x128xi32, #tpu.memory_space<vmem>>
        %dma_start3A_628 = tpu.memref_squeeze %dma_start3A_627 : memref<1x128xi32, #tpu.memory_space<vmem>> -> memref<128xi32, #tpu.memory_space<vmem>>
        %dma_start3A_629 = arith.constant 0 : i32
        %dma_start3A_630 = arith.constant 0 : i32
        %dma_start3A_631 = tpu.memref_slice %arg10[%dma_start3A_629, %dma_start3A_630] : memref<10240x128xf32, #tpu.memory_space<vmem_shared>> -> memref<10240x128xf32, #tpu.memory_space<vmem_shared>>
        tpu.enqueue_indirect_dma source(%arg9 : memref<128x128xf32, #tpu.memory_space<vmem>>) target(%dma_start3A_631 : memref<10240x128xf32, #tpu.memory_space<vmem_shared>>) offsets(%dma_start3A_628 : memref<128xi32, #tpu.memory_space<vmem>>) semaphore(%run_scoped3A_625 : memref<!tpu.dma_semaphore, #tpu.memory_space<semaphore_mem>>) {add = true}
        %dma_wait3A_632 = arith.constant 0 : i32
        %dma_wait3A_633 = tpu.memref_slice %arg7[%run_scoped3A_624, %dma_wait3A_632] : memref<2x128xi32, #tpu.memory_space<vmem>> -> memref<1x128xi32, #tpu.memory_space<vmem>>
        %dma_wait3A_634 = tpu.memref_squeeze %dma_wait3A_633 : memref<1x128xi32, #tpu.memory_space<vmem>> -> memref<128xi32, #tpu.memory_space<vmem>>
        %dma_wait3A_635 = arith.constant 0 : i32
        %dma_wait3A_636 = arith.constant 0 : i32
        %dma_wait3A_637 = tpu.memref_slice %arg10[%dma_wait3A_635, %dma_wait3A_636] : memref<10240x128xf32, #tpu.memory_space<vmem_shared>> -> memref<10240x128xf32, #tpu.memory_space<vmem_shared>>
        tpu.wait_indirect_dma semaphore(%run_scoped3A_625 : memref<!tpu.dma_semaphore, #tpu.memory_space<semaphore_mem>>) src(%arg9 : memref<128x128xf32, #tpu.memory_space<vmem>>) dst(%dma_wait3A_637 : memref<10240x128xf32, #tpu.memory_space<vmem_shared>>)
        tpu.yield
      }) : () -> ()
    }
    %scan3A_218 = arith.constant 40 : i32
    %dma_wait3A = arith.constant 0 : i32
    %dma_wait3A_219 = arith.constant 0 : i32
    %dma_wait3A_220 = tpu.memref_slice %arg2[%dma_wait3A, %dma_wait3A_219] : memref<10000x128xf32, #tpu.memory_space<hbm>> -> memref<128x128xf32, #tpu.memory_space<hbm>>
    %dma_wait3A_221 = arith.constant 0 : i32
    %dma_wait3A_222 = arith.constant 0 : i32
    %dma_wait3A_223 = tpu.memref_slice %arg2[%dma_wait3A_221, %dma_wait3A_222] : memref<10000x128xf32, #tpu.memory_space<hbm>> -> memref<128x128xf32, #tpu.memory_space<hbm>>
    tpu.wait_dma2 semaphore(%arg11 : memref<!tpu.dma_semaphore, #tpu.memory_space<semaphore_mem>>) src(%dma_wait3A_223 : memref<128x128xf32, #tpu.memory_space<hbm>>) dst(%arg8 : memref<128x128xf32, #tpu.memory_space<vmem>>)
    %barrier3A_224 = arith.constant 0 : index
    tpu.barrier barrier_id(%barrier3A_224)
    %mul3A_225 = arith.constant 640 : i32
    %mul3A_226 = arith.muli %arg1, %mul3A_225 : i32
    %mul3A_227 = arith.constant 640 : i32
    %mul3A_228 = arith.muli %arg1, %mul3A_227 : i32
    "tpu.region"() ({
      %run_scoped3A = tpu.sem_alloc : memref<!tpu.dma_semaphore, #tpu.memory_space<semaphore_mem>>
      %dma_start3A_229 = arith.constant 0 : i32
      %dma_start3A_230 = tpu.memref_slice %arg4[%arg0, %mul3A_228, %dma_start3A_229] : memref<2x10240x128xf32, #tpu.memory_space<hbm>> -> memref<1x640x128xf32, #tpu.memory_space<hbm>>
      %dma_start3A_231 = tpu.memref_squeeze %dma_start3A_230 : memref<1x640x128xf32, #tpu.memory_space<hbm>> -> memref<640x128xf32, #tpu.memory_space<hbm>>
      %dma_start3A_232 = arith.constant 0 : i32
      %dma_start3A_233 = tpu.memref_slice %arg10[%mul3A_226, %dma_start3A_232] : memref<10240x128xf32, #tpu.memory_space<vmem_shared>> -> memref<640x128xf32, #tpu.memory_space<vmem_shared>>
      tpu.enqueue_dma source(%dma_start3A_233 : memref<640x128xf32, #tpu.memory_space<vmem_shared>>) target(%dma_start3A_231 : memref<640x128xf32, #tpu.memory_space<hbm>>) target_semaphore(%run_scoped3A : memref<!tpu.dma_semaphore, #tpu.memory_space<semaphore_mem>>)
      %dma_wait3A_234 = arith.constant 0 : i32
      %dma_wait3A_235 = tpu.memref_slice %arg4[%arg0, %mul3A_228, %dma_wait3A_234] : memref<2x10240x128xf32, #tpu.memory_space<hbm>> -> memref<1x640x128xf32, #tpu.memory_space<hbm>>
      %dma_wait3A_236 = tpu.memref_squeeze %dma_wait3A_235 : memref<1x640x128xf32, #tpu.memory_space<hbm>> -> memref<640x128xf32, #tpu.memory_space<hbm>>
      %dma_wait3A_237 = arith.constant 0 : i32
      %dma_wait3A_238 = tpu.memref_slice %arg10[%mul3A_226, %dma_wait3A_237] : memref<10240x128xf32, #tpu.memory_space<vmem_shared>> -> memref<640x128xf32, #tpu.memory_space<vmem_shared>>
      tpu.wait_dma2 semaphore(%run_scoped3A : memref<!tpu.dma_semaphore, #tpu.memory_space<semaphore_mem>>) src(%dma_wait3A_238 : memref<640x128xf32, #tpu.memory_space<vmem_shared>>) dst(%dma_wait3A_236 : memref<640x128xf32, #tpu.memory_space<hbm>>)
      tpu.yield
    }) : () -> ()
    return
  }
}

module attributes {stable_mosaic.version = 14 : i64} {
  func.func @_mm1_body(%arg0: i32, %arg1: memref<1000x128xf32, #tpu.memory_space<vmem>>, %arg2: memref<128x128xf32, #tpu.memory_space<vmem>>, %arg3: memref<1000x128xf32, #tpu.memory_space<vmem>>) attributes {dimension_semantics = [#tpu.dimension_semantics<arbitrary>], iteration_bounds = array<i64: 10>, scalar_prefetch = 0 : i64, scratch_operands = 0 : i64, tpu.core_type = #tpu.core_type<tc>, window_params = [{transform_indices = @transform_0, window_bounds = array<i64: 1000, 128>}, {pipeline_mode = #tpu.pipeline_mode<synchronous>, transform_indices = @transform_1, window_bounds = array<i64: 128, 128>}, {transform_indices = @transform_2, window_bounds = array<i64: 1000, 128>}]} {
    %get3A = arith.constant 0 : index
    %get3A_0 = arith.constant 0 : index
    %get3A_1 = vector.load %arg1[%get3A, %get3A_0] : memref<1000x128xf32, #tpu.memory_space<vmem>>, vector<1000x128xf32>
    %get3A_2 = arith.constant 0 : index
    %get3A_3 = arith.constant 0 : index
    %get3A_4 = vector.load %arg2[%get3A_2, %get3A_3] : memref<128x128xf32, #tpu.memory_space<vmem>>, vector<128x128xf32>
    %dot_general3A = arith.constant dense<0.000000e+00> : vector<1000x128xf32>
    %dot_general3A_5 = tpu.matmul %get3A_1, %get3A_4, %dot_general3A {dimension_numbers = #tpu.dot_dimension_numbers<[1], [1], [0], [0], [0, 0, 1, 0], [], []>, transpose_lhs_hint = false} : vector<1000x128xf32>, vector<128x128xf32>, vector<1000x128xf32> -> vector<1000x128xf32>
    %swap3A = arith.constant 0 : index
    %swap3A_6 = arith.constant 0 : index
    %swap3A_7 = vector.load %arg3[%swap3A, %swap3A_6] : memref<1000x128xf32, #tpu.memory_space<vmem>>, vector<1000x128xf32>
    tpu.vector_store %arg3[%swap3A, %swap3A_6], %dot_general3A_5 {strides = array<i32>} : memref<1000x128xf32, #tpu.memory_space<vmem>>, vector<1000x128xf32>,
    return
  }
  func.func @transform_0(%arg0: i32) -> (i32, i32) {
    %c0_i32 = arith.constant 0 : i32
    %c0_i32_0 = arith.constant 0 : i32
    return %arg0, %c0_i32 : i32, i32
  }
  func.func @transform_1(%arg0: i32) -> (i32, i32) {
    %c0_i32 = arith.constant 0 : i32
    %c0_i32_0 = arith.constant 0 : i32
    %c0_i32_1 = arith.constant 0 : i32
    return %c0_i32, %c0_i32_0 : i32, i32
  }
  func.func @transform_2(%arg0: i32) -> (i32, i32) {
    %c0_i32 = arith.constant 0 : i32
    %c0_i32_0 = arith.constant 0 : i32
    return %arg0, %c0_i32 : i32, i32
  }
}

module attributes {stable_mosaic.version = 14 : i64} {
  func.func @_mid_body(%arg0: i32, %arg1: memref<2x1000x128xf32, #tpu.memory_space<vmem>>, %arg2: memref<1000x128xf32, #tpu.memory_space<vmem>>, %arg3: memref<1000x1xf32, #tpu.memory_space<vmem>>, %arg4: memref<1000x1xf32, #tpu.memory_space<vmem>>, %arg5: memref<64x128xf32, #tpu.memory_space<vmem>>, %arg6: memref<1000x64xf32, #tpu.memory_space<vmem>>) attributes {dimension_semantics = [#tpu.dimension_semantics<arbitrary>], iteration_bounds = array<i64: 10>, scalar_prefetch = 0 : i64, scratch_operands = 0 : i64, tpu.core_type = #tpu.core_type<tc>, window_params = [{transform_indices = @transform_0, window_bounds = array<i64: 2, 1000, 128>}, {transform_indices = @transform_1, window_bounds = array<i64: 1000, 128>}, {transform_indices = @transform_2, window_bounds = array<i64: 1000, 1>}, {transform_indices = @transform_3, window_bounds = array<i64: 1000, 1>}, {pipeline_mode = #tpu.pipeline_mode<synchronous>, transform_indices = @transform_4, window_bounds = array<i64: 64, 128>}, {transform_indices = @transform_5, window_bounds = array<i64: 1000, 64>}]} {
    %get3A = arith.constant 0 : index
    %get3A_0 = arith.constant 0 : index
    %get3A_1 = vector.load %arg3[%get3A, %get3A_0] : memref<1000x1xf32, #tpu.memory_space<vmem>>, vector<1000x1xf32>
    %add3A = arith.constant 1.000000e+00 : f32
    %add3A_2 = vector.broadcast %add3A : f32 to vector<1000x1xf32>
    %add3A_3 = arith.addf %add3A_2, %get3A_1 : vector<1000x1xf32>
    %get3A_4 = arith.constant 0 : index
    %get3A_5 = arith.constant 0 : index
    %get3A_6 = vector.load %arg4[%get3A_4, %get3A_5] : memref<1000x1xf32, #tpu.memory_space<vmem>>, vector<1000x1xf32>
    %add3A_7 = arith.addf %add3A_3, %get3A_6 : vector<1000x1xf32>
    %div3A = arith.constant 1.000000e+00 : f32
    %div3A_8 = vector.broadcast %div3A : f32 to vector<1000x1xf32>
    %div3A_9 = arith.divf %div3A_8, %add3A_7 : vector<1000x1xf32>
    %get3A_10 = arith.constant 0 : index
    %get3A_11 = arith.constant 0 : index
    %get3A_12 = arith.constant 0 : index
    %get3A_13 = vector.load %arg1[%get3A_10, %get3A_11, %get3A_12] : memref<2x1000x128xf32, #tpu.memory_space<vmem>>, vector<1x1000x128xf32>
    %get3A_14 = vector.shape_cast %get3A_13 : vector<1x1000x128xf32> to vector<1000x128xf32>
    %get3A_15 = arith.constant 1 : index
    %get3A_16 = arith.constant 0 : index
    %get3A_17 = arith.constant 0 : index
    %get3A_18 = vector.load %arg1[%get3A_15, %get3A_16, %get3A_17] : memref<2x1000x128xf32, #tpu.memory_space<vmem>>, vector<1x1000x128xf32>
    %get3A_19 = vector.shape_cast %get3A_18 : vector<1x1000x128xf32> to vector<1000x128xf32>
    %add3A_20 = arith.addf %get3A_14, %get3A_19 : vector<1000x128xf32>
    %get3A_21 = arith.constant 0 : index
    %get3A_22 = arith.constant 0 : index
    %get3A_23 = vector.load %arg2[%get3A_21, %get3A_22] : memref<1000x128xf32, #tpu.memory_space<vmem>>, vector<1000x128xf32>
    %add3A_24 = arith.addf %add3A_20, %get3A_23 : vector<1000x128xf32>
    %mul3A = vector.broadcast %div3A_9 : vector<1000x1xf32> to vector<1000x128xf32>
    %mul3A_25 = arith.mulf %add3A_24, %mul3A : vector<1000x128xf32>
    %max3A = arith.constant 0.000000e+00 : f32
    %max3A_26 = vector.broadcast %max3A : f32 to vector<1000x128xf32>
    %max3A_27 = arith.maximumf %mul3A_25, %max3A_26 : vector<1000x128xf32>
    %get3A_28 = arith.constant 0 : index
    %get3A_29 = arith.constant 0 : index
    %get3A_30 = vector.load %arg5[%get3A_28, %get3A_29] : memref<64x128xf32, #tpu.memory_space<vmem>>, vector<64x128xf32>
    %dot_general3A = arith.constant dense<0.000000e+00> : vector<1000x64xf32>
    %dot_general3A_31 = tpu.matmul %max3A_27, %get3A_30, %dot_general3A {dimension_numbers = #tpu.dot_dimension_numbers<[1], [1], [0], [0], [0, 0, 1, 0], [], []>, transpose_lhs_hint = false} : vector<1000x128xf32>, vector<64x128xf32>, vector<1000x64xf32> -> vector<1000x64xf32>
    %swap3A = arith.constant 0 : index
    %swap3A_32 = arith.constant 0 : index
    %swap3A_33 = vector.load %arg6[%swap3A, %swap3A_32] : memref<1000x64xf32, #tpu.memory_space<vmem>>, vector<1000x64xf32>
    tpu.vector_store %arg6[%swap3A, %swap3A_32], %dot_general3A_31 {strides = array<i32>} : memref<1000x64xf32, #tpu.memory_space<vmem>>, vector<1000x64xf32>,
    return
  }
  func.func @transform_0(%arg0: i32) -> (i32, i32, i32) {
    %c0_i32 = arith.constant 0 : i32
    %c0_i32_0 = arith.constant 0 : i32
    %c0_i32_1 = arith.constant 0 : i32
    return %c0_i32, %arg0, %c0_i32_0 : i32, i32, i32
  }
  func.func @transform_1(%arg0: i32) -> (i32, i32) {
    %c0_i32 = arith.constant 0 : i32
    %c0_i32_0 = arith.constant 0 : i32
    return %arg0, %c0_i32 : i32, i32
  }
  func.func @transform_2(%arg0: i32) -> (i32, i32) {
    %c0_i32 = arith.constant 0 : i32
    %c0_i32_0 = arith.constant 0 : i32
    return %arg0, %c0_i32 : i32, i32
  }
  func.func @transform_3(%arg0: i32) -> (i32, i32) {
    %c0_i32 = arith.constant 0 : i32
    %c0_i32_0 = arith.constant 0 : i32
    return %arg0, %c0_i32 : i32, i32
  }
  func.func @transform_4(%arg0: i32) -> (i32, i32) {
    %c0_i32 = arith.constant 0 : i32
    %c0_i32_0 = arith.constant 0 : i32
    %c0_i32_1 = arith.constant 0 : i32
    return %c0_i32, %c0_i32_0 : i32, i32
  }
  func.func @transform_5(%arg0: i32) -> (i32, i32) {
    %c0_i32 = arith.constant 0 : i32
    %c0_i32_0 = arith.constant 0 : i32
    return %arg0, %c0_i32 : i32, i32
  }
}

module attributes {stable_mosaic.version = 14 : i64} {
  func.func @_fin_body(%arg0: i32, %arg1: memref<2x1000x128xf32, #tpu.memory_space<vmem>>, %arg2: memref<1000x128xf32, #tpu.memory_space<vmem>>, %arg3: memref<1000x128xf32, #tpu.memory_space<vmem>>, %arg4: memref<1000x128xf32, #tpu.memory_space<vmem>>) attributes {dimension_semantics = [#tpu.dimension_semantics<arbitrary>], iteration_bounds = array<i64: 5>, scalar_prefetch = 0 : i64, scratch_operands = 0 : i64, tpu.core_type = #tpu.core_type<tc>, window_params = [{transform_indices = @transform_0, window_bounds = array<i64: 2, 1000, 128>}, {transform_indices = @transform_1, window_bounds = array<i64: 1000, 128>}, {transform_indices = @transform_2, window_bounds = array<i64: 1000, 128>}, {transform_indices = @transform_3, window_bounds = array<i64: 1000, 128>}]} {
    %get3A = arith.constant 0 : index
    %get3A_0 = arith.constant 0 : index
    %get3A_1 = arith.constant 0 : index
    %get3A_2 = vector.load %arg1[%get3A, %get3A_0, %get3A_1] : memref<2x1000x128xf32, #tpu.memory_space<vmem>>, vector<1x1000x128xf32>
    %get3A_3 = vector.shape_cast %get3A_2 : vector<1x1000x128xf32> to vector<1000x128xf32>
    %get3A_4 = arith.constant 1 : index
    %get3A_5 = arith.constant 0 : index
    %get3A_6 = arith.constant 0 : index
    %get3A_7 = vector.load %arg1[%get3A_4, %get3A_5, %get3A_6] : memref<2x1000x128xf32, #tpu.memory_space<vmem>>, vector<1x1000x128xf32>
    %get3A_8 = vector.shape_cast %get3A_7 : vector<1x1000x128xf32> to vector<1000x128xf32>
    %add3A = arith.addf %get3A_3, %get3A_8 : vector<1000x128xf32>
    %get3A_9 = arith.constant 0 : index
    %get3A_10 = arith.constant 0 : index
    %get3A_11 = vector.load %arg2[%get3A_9, %get3A_10] : memref<1000x128xf32, #tpu.memory_space<vmem>>, vector<1000x128xf32>
    %add3A_12 = arith.addf %add3A, %get3A_11 : vector<1000x128xf32>
    %get3A_13 = arith.constant 0 : index
    %get3A_14 = arith.constant 0 : index
    %get3A_15 = vector.load %arg3[%get3A_13, %get3A_14] : memref<1000x128xf32, #tpu.memory_space<vmem>>, vector<1000x128xf32>
    %mul3A = arith.mulf %add3A_12, %get3A_15 : vector<1000x128xf32>
    %swap3A = arith.constant 0 : index
    %swap3A_16 = arith.constant 0 : index
    %swap3A_17 = vector.load %arg4[%swap3A, %swap3A_16] : memref<1000x128xf32, #tpu.memory_space<vmem>>, vector<1000x128xf32>
    tpu.vector_store %arg4[%swap3A, %swap3A_16], %mul3A {strides = array<i32>} : memref<1000x128xf32, #tpu.memory_space<vmem>>, vector<1000x128xf32>,
    return
  }
  func.func @transform_0(%arg0: i32) -> (i32, i32, i32) {
    %c0_i32 = arith.constant 0 : i32
    %c0_i32_0 = arith.constant 0 : i32
    %c0_i32_1 = arith.constant 0 : i32
    return %c0_i32, %arg0, %c0_i32_0 : i32, i32, i32
  }
  func.func @transform_1(%arg0: i32) -> (i32, i32) {
    %c0_i32 = arith.constant 0 : i32
    %c0_i32_0 = arith.constant 0 : i32
    return %arg0, %c0_i32 : i32, i32
  }
  func.func @transform_2(%arg0: i32) -> (i32, i32) {
    %c0_i32 = arith.constant 0 : i32
    %c0_i32_0 = arith.constant 0 : i32
    return %arg0, %c0_i32 : i32, i32
  }
  func.func @transform_3(%arg0: i32) -> (i32, i32) {
    %c0_i32 = arith.constant 0 : i32
    %c0_i32_0 = arith.constant 0 : i32
    return %arg0, %c0_i32 : i32, i32
  }
}

</mosaic_0001>

<sc_bundles>
// kernel: kernel.11.cloned.1.call-start
scs
__scs_entry_jumppad:
0x0: {  	(pc) =	sbr.rel $0x88, $3  }
0x1: {  	(tag) =	ssettag $0x0;
	lr =	simm.s32 $0x1  }
0x2: {  	[smem:$0x3F9D] =	sst lr;
	_ =	strace $0xD0000000  }
0x3: {  	_ = 	snop  }
0x4: {  	_ = 	snop  }
0x5: {  	_ = 	snop  }
0x6: {  	_ = 	snop  }
0x7: {  	_ = 	snop  }
__scs_overlays_trampoline_lowered:
0x8: {  	[smem:$0x3FAC] =	sst s0  }
0x9: {  	[smem:$0x3FAD] =	sst s1  }
0xa: {  	[smem:$0x3FAE] =	sst s2  }
0xb: {  	[smem:$0x3FAF] =	sst s3  }
0xc: {  	[smem:$0x3FB0] =	sst s4  }
0xd: {  	[smem:$0x3FB1] =	sst s5  }
0xe: {  	[smem:$0x3FB2] =	sst s6  }
0xf: {  	[smem:$0x3FB3] =	sst s7  }
0x10: {  	[smem:$0x3FB4] =	sst s8  }
0x11: {  	[smem:$0x3FB5] =	sst s9;
	s0 =	simm.s32 @!p0 $0x0  }
0x12: {  	s1 =	sld [smem:$0x3F9B];
	s0 =	simm.s32 @p0 $0x1  }
0x13: {  	[smem:$0x3FB6] =	sst s0;
	s0 =	simm.s32 @!p1 $0x0  }
0x14: {  	s2 =	sld [smem:$0x3F9A];
	s0 =	simm.s32 @p1 $0x1  }
0x15: {  	[smem:$0x3FB7] =	sst s0;
	s0 =	simm.s32 @!p2 $0x0  }
0x16: {  	s3 =	sld [smem:$0x3FDB];
	s0 =	simm.s32 @p2 $0x1  }
0x17: {  	s4 =	simm.s32 $0x1BF5;
	[smem:$0x3FB9] =	sst s0  }
0x18: {  	s0 =	sld [smem:$0x3F9C];
	_ =	swait.ge [sflag:s4], $0x0  }
0x19: {  	s7 =	sld [smem:$0x3F9D]  }
0x1a: {  	s8 =	sadd.s32 $0xFFFFE003, lr  }
0x1b: {  	s9 =	sadd.s32 $0xFFFFFEF7, lr;
	s5 =	simm.s32 $0xFFFFFFFF;
	p2 =	slt.u32 s8, $0xFFFFF086  }
0x1c: {  	p1 =	slt.u32 s9, $0xF7A;
	s5 =	simm.s32 @!p2 $0x0  }
0x1d: {  	s5 =	simm.s32 @p1 $0x1;
	p0 =	seq.s32 s7, s2  }
0x1e: {  	s7 =	smul.u32 @!p0 $0xF7A, s2;
	p2 =	seq.s32 @!p0 s5, $0x0  }
0x1f: {  	s9 =	smul.u32 $0xF7A, s1;
	s8 =	simm.s32 @!p0 $0x1BF5;
	p2 =	por !p2, p0  }
0x20: {  	[sflag:s8] =	ssyncset.s32 @!p0 $0xFFFFF086;
	s6 =	sadd.s32 @!p0 s3, s7;
	s7 =	simm.s32 @!p0 $0x108  }
0x21: {  	s3 =	sadd.s32 s3, s9;
	s6 =	sadd.s32 @!p0 $0x88, s6;
	s7 =	simm.s32 @p2 $0x1082  }
0x22: {  	[simem:s7], [sflag:s8] =	dma.local @!p0 [hbm:s6], $0xF7A  }
0x23: {  	s9 =	sor.u32 $0xD0000000, s2;
	s6 =	simm.s32 $0x108;
	_ =	swait.ge @!p0 [sflag:s8], $0x0  }
0x24: {  	s3 =	sadd.s32 $0x88, s3;
	s6 =	simm.s32 @!p1 $0x1082;
	[sflag:s4] =	ssyncset.s32 $0xFFFFF086  }
0x25: {  	[simem:s6], [sflag:s4] =	dma.local [hbm:s3], $0xF7A  }
0x26: {  	[smem:$0x3F9D] =	sst s1;
	(tag) =	ssettag s2;
	_ =	strace s9  }
0x27: {  	s1 =	sld [smem:$0x3FAD]  }
0x28: {  	s2 =	sld [smem:$0x3FAE]  }
0x29: {  	s4 =	sld [smem:$0x3FB0]  }
0x2a: {  	p0 =	seq.s32 s5, $0x0;
	s5 =	sld [smem:$0x3FB1]  }
0x2b: {  	s6 =	sld [smem:$0x3FB2]  }
0x2c: {  	s7 =	sld [smem:$0x3FB3]  }
0x2d: {  	s3 =	simm.s32 $0x108;
	s8 =	sld [smem:$0x3FB4]  }
0x2e: {  	s3 =	simm.s32 @!p0 $0x1082;
	s9 =	sld [smem:$0x3FB5]  }
0x2f: {  	lr =	sadd.s32 s0, s3;
	s0 =	sld [smem:$0x3FAC]  }
0x30: {  	s3 =	sld [smem:$0x3FAF]  }
0x31: {  	[smem:$0x3FB8] =	sst s10  }
0x32: {  	s10 =	sld [smem:$0x3FB6];
	_ =	sdelay $0x3  }
0x33: {  	p0 =	seq.s32 s10, $0x1;
	s10 =	sld [smem:$0x3FB8];
	_ =	sdelay $0x3  }
0x34: {  	[smem:$0x3FB8] =	sst s10  }
0x35: {  	s10 =	sld [smem:$0x3FB7];
	_ =	sdelay $0x3  }
0x36: {  	p1 =	seq.s32 s10, $0x1;
	s10 =	sld [smem:$0x3FB8];
	_ =	sdelay $0x3  }
0x37: {  	[smem:$0x3FB8] =	sst s10  }
0x38: {  	s10 =	sld [smem:$0x3FB9]  }
0x39: {  	_ = 	snop;
	(pc) =	sbr.ind lr, $3  }
0x3a: {  	_ = 	snop  }
0x3b: {  	_ = 	snop  }
0x3c: {  	p2 =	seq.s32 s10, $0x1;
	s10 =	sld [smem:$0x3FB8]  }
0x3d: {  	_ =	shalt  }
0x3e: {  	_ =	shalt  }
0x3f: {  	_ =	shalt  }
0x40: {  	_ =	shalt  }
0x41: {  	_ =	shalt  }
0x42: {  	_ =	shalt  }
0x43: {  	_ =	shalt  }
0x44: {  	_ =	shalt  }
0x45: {  	_ =	shalt  }
0x46: {  	_ =	shalt  }
0x47: {  	_ =	shalt  }
0x48: {  	_ =	shalt  }
0x49: {  	_ =	shalt  }
0x4a: {  	_ =	shalt  }
0x4b: {  	_ =	shalt  }
0x4c: {  	_ =	shalt  }
0x4d: {  	_ =	shalt  }
0x4e: {  	_ =	shalt  }
0x4f: {  	_ =	shalt  }
0x50: {  	_ =	shalt  }
0x51: {  	_ =	shalt  }
0x52: {  	_ =	shalt  }
0x53: {  	_ =	shalt  }
0x54: {  	_ =	shalt  }
0x55: {  	_ =	shalt  }
0x56: {  	_ =	shalt  }
0x57: {  	_ =	shalt  }
0x58: {  	_ =	shalt  }
0x59: {  	_ =	shalt  }
0x5a: {  	_ =	shalt  }
0x5b: {  	_ =	shalt  }
0x5c: {  	_ =	shalt  }
0x5d: {  	_ =	shalt  }
0x5e: {  	_ =	shalt  }
0x5f: {  	_ =	shalt  }
0x60: {  	_ =	shalt  }
0x61: {  	_ =	shalt  }
0x62: {  	_ =	shalt  }
0x63: {  	_ =	shalt  }
0x64: {  	_ =	shalt  }
0x65: {  	_ =	shalt  }
0x66: {  	_ =	shalt  }
0x67: {  	_ =	shalt  }
0x68: {  	_ =	shalt  }
0x69: {  	_ =	shalt  }
0x6a: {  	_ =	shalt  }
0x6b: {  	_ =	shalt  }
0x6c: {  	_ =	shalt  }
0x6d: {  	_ =	shalt  }
0x6e: {  	_ =	shalt  }
0x6f: {  	_ =	shalt  }
0x70: {  	_ =	shalt  }
0x71: {  	_ =	shalt  }
0x72: {  	_ =	shalt  }
0x73: {  	_ =	shalt  }
0x74: {  	_ =	shalt  }
0x75: {  	_ =	shalt  }
0x76: {  	_ =	shalt  }
0x77: {  	_ =	shalt  }
0x78: {  	_ =	shalt  }
0x79: {  	_ =	shalt  }
0x7a: {  	_ =	shalt  }
0x7b: {  	_ =	shalt  }
0x7c: {  	_ =	shalt  }
0x7d: {  	_ =	shalt  }
0x7e: {  	_ =	shalt  }
0x7f: {  	_ =	shalt  }
0x80: {  	_ =	shalt  }
0x81: {  	_ =	shalt  }
0x82: {  	_ =	shalt  }
0x83: {  	_ =	shalt  }
0x84: {  	_ =	shalt  }
0x85: {  	_ =	shalt  }
0x86: {  	_ =	shalt  }
0x87: {  	_ =	shalt  }
.Lfunc_end0:
.L_simem_size_0:
called_computation.1_lowered:
.L_overlay_start_0:
0x88: {  	s2 =	sld [smem:$0x3FD9]  }
0x89: {  	s3 =	sld [smem:$0x3FFE];
	_ =	sdelay $0x1  }
0x8a: {  	s1 =	srdreg.scid  }
0x8b: {  	s0 =	sand.u32 $0x1, s1  }
0x8c: {  	s17 =	sshll.u32 s0, $0xA;
	s2 =	sadd.s32 s3, s2  }
0x8d: {  	s2 =	sadd.s32 s2, s17  }
0x8e: {  	[smem:$0x3FC4] =	sst s2  }
0x8f: {  	_ = 	snop  }
0x90: {  	(tm) =	ssettm $0x1  }
0x91: {  	s18 =	sld [smem:$0x3FFB];
	_ =	sdelay $0x3  }
0x92: {  	_ =	strace s18  }
0x93: {  	s2 =	sld [smem:$0x3FFC];
	_ =	sdelay $0x3  }
0x94: {  	_ =	strace s2  }
0x95: {  	s2 =	sld [smem:$0x3FFD];
	_ =	sdelay $0x3  }
0x96: {  	_ =	strace s2  }
0x97: {  	_ =	strace $0x8FFFFFFF  }
0x98: {  	s19 =	sld [smem:$0x3FDB];
	_ =	sdelay $0x1  }
0x99: {  	s20 =	simm.s32 $_scs_section_size  }
0x9a: {  	s4 =	simm.s32 $_size__tile_overlayer_lowered;
	s5 =	simm.s32 $_tile_overlayer_lowered  }
0x9b: {  	s6 =	simm.s32 $0x1BFF;
	s21 =	sshll.u32 s5, $0x1;
	s3 =	sadd.s32 s20, s19  }
0x9c: {  	s22 =	simm.s32 $0x0;
	s4 =	sshll.u32 s4, $0x1;
	s5 =	sadd.s32 s21, s3  }
0x9d: {  	[timem:s22], [sflag:s6] =	dma.local [hbm:s5], s4  }
0x9e: {  	_ =	swait.ge [sflag:s6], s4  }
0x9f: {  	s4 =	ssub.s32 $0x0, s4;
	[sflag:s6] =	ssyncset.done $0x0  }
0xa0: {  	[sflag:s6] =	ssyncadd.s32 s4;
	_ =	sdelay $0x1  }
0xa1: {  	s23 =	simm.s32 $0x1B8B  }
0xa2: {  	_ =	swait.ge [sflag:s23], $0x1  }
0xa3: {  	[sflag:s23] =	ssyncset.done $0x0  }
0xa4: {  	[sflag:s23] =	ssyncadd.s32 $0xFFFFFFFF  }
0xa5: {  	s4 =	sld [smem:$0x0]  }
0xa6: {  	s5 =	sand.u32 $0xFFFFFFFE, s1  }
0xa7: {  	p0 =	sne.s32 s1, s5  }
0xa8: {  	s5 =	sshll.u32 @p0 s5, $0xE  }
0xa9: {  	s5 =	sadd.s32 @p0 $0x11B8D, s5;
	s6 =	sshll.u32 @p0 s4, $0x11  }
0xaa: {  	s5 =	sor.u32 @p0 s6, s5  }
0xab: {  	[sflag:s5] =	ssyncadd.remote.s32 @p0 $0x1;
	_ =	sdelay $0x1  }
0xac: {  	s5 =	simm.s32 @p0 $0x1B8D  }
0xad: {  	_ =	swait.eq @p0 [sflag:s5], $0x1  }
0xae: {  	[sflag:s5] =	ssyncadd.s32 @p0 $0xFFFFFFFF  }
0xaf: {  	s6 =	sshll.u32 @!p0 s1, $0xE  }
0xb0: {  	s6 =	sor.u32 @!p0 $0x4000, s6;
	s5 =	simm.s32 @!p0 $0x1B8D  }
0xb1: {  	s4 =	sshll.u32 @!p0 s4, $0x11;
	s6 =	sadd.s32 @!p0 $0x11B8D, s6;
	_ =	swait.eq @!p0 [sflag:s5], $0x1  }
0xb2: {  	s4 =	sor.u32 @!p0 s4, s6;
	[sflag:s5] =	ssyncadd.s32 @!p0 $0xFFFFFFFF  }
0xb3: {  	s25 =	simm.s32 $0x1B8E;
	s24 =	sld [smem:$0x3FFE];
	[sflag:s4] =	ssyncadd.remote.s32 @!p0 $0x1  }
0xb4: {  	s26 =	simm.s32 $execute0_lowered;
	[smem:$0x3FD2] =	sst s25  }
0xb5: {  	s5 =	sshll.u32 s26, $0x1;
	_ =	strace $0x80000049;
	[dreg:$0x1] =	wrdreg $0xFFFFFFFF  }
0xb6: {  	s28 =	simm.s32 $_size_execute0_lowered;
	s3 =	sadd.s32 s3, s5;
	[dreg:$0x0] =	wrdreg $0x0  }
0xb7: {  	s5 =	sshll.u32 s28, $0x1;
	[dreg:$0x2] =	wrdreg s3  }
0xb8: {  	[dreg:$0x3] =	wrdreg s5  }
0xb9: {  	[dreg:$0x4] =	wrdreg $0xC0  }
0xba: {  	_ =	task [dreg:s22], $0x5FFFF  }
0xbb: {  	[dreg:$0x1] =	wrdreg $0xFFFFFFFF  }
0xbc: {  	[dreg:$0x0] =	wrdreg $0x60  }
0xbd: {  	[dreg:$0x2] =	wrdreg s24  }
0xbe: {  	[dreg:$0x3] =	wrdreg $0xAA000  }
0xbf: {  	[dreg:$0x4] =	wrdreg $0xA  }
0xc0: {  	_ =	task.clear_ibuf [dreg:s22], $0x5FFFF;
	_ =	strace $0x90000049  }
0xc1: {  	s29 =	simm.s32 $0xA;
	_ =	strace $0x8000004B  }
0xc2: {  	_ =	swait.ge [sflag:s29], $0x1  }
0xc3: {  	[sflag:s29] =	ssyncadd.s32 $0xFFFFFFFF  }
0xc4: {  	_ =	strace $0x9000004B  }
0xc5: {  	_ =	sfence  }
0xc6: {  	s30 =	sld [smem:$0x0];
	_ =	sdelay $0x2  }
0xc7: {  	s31 =	sshll.u32 s1, $0xD;
	s1 =	sshrl.u32 s1, $0x2  }
0xc8: {  	s4 =	sand.u32 $0x4000, s31;
	s1 =	sadd.s32 s1, s30  }
0xc9: {  	s0 =	sor.u32 s4, s0;
	s1 =	sshll.u32 s1, $0x11  }
0xca: {  	s0 =	sor.u32 s1, s0  }
0xcb: {  	s0 =	sadd.s32 $0x8F2B, s0  }
0xcc: {  	[sflag:s0] =	ssyncadd.remote.s32 $0x1  }
0xcd: {  	_ =	sfence.sel $0xFFFF  }
0xce: {  	[dreg:$0x0] =	wrdreg $0xFFFFFFFF;
	(pc) =	sbr.abs _section_cstart, $3  }
0xcf: {  	[dreg:$0x1] =	wrdreg $0xFFFFFFFF  }
0xd0: {  	_ =	task.clear_ibuf [dreg:s22], $0x2FFFF;
	_ =	strace $0x9FFFFFFF  }
0xd1: {  	(tm) =	ssettm $0x7FFFFFFF  }
tec
execute0_lowered:
.L_overlay_start_1:
0x0: {  	(tag) =	ssettag $0x1  }
0x1: {  	s6 =	rddreg [dreg:$0x0]  }
0x2: {  	s0 =	srdreg.scid;
	s2 =	rddreg [dreg:$0x1]  }
0x3: {  	s3 =	simm.s32 $0x0;
	s13 =	simm.s32 $0x3;
	s14 =	simm.s32 $0x2A00  }
0x4: {  	s15 =	simm.s32 $0x80;
	s16 =	simm.s32 $0x2880;
	s17 =	simm.s32 $0x2980  }
0x5: {  	s18 =	simm.s32 $0x6A00;
	s19 =	simm.s32 $0x1;
	s20 =	simm.s32 $0x2800  }
0x6: {  	s21 =	simm.s32 $0x2;
	s22 =	simm.s32 $0x2900;
	s5 =	sand.u32 $0x1, s0  }
0x7: {  	s24 =	simm.s32 $0x0;
	s0 =	stileid.u32;
	s8 =	smul.u32 $0x140000, s5  }
0x8: {  	[smem:$0x7FF] =	sst s3;
	s4 =	sadd.s32 $0xB000, s6;
	s9 =	smul.u32 $0x14000, s0  }
0x9: {  	s1 =	sshll.u32 s5, $0x4;
	s10 =	smul.u32 $0x50000, s0;
	s29 =	ssub.s32 $0x2, s5  }
0xa: {  	s23 =	sshll.u32 s0, $0x6;
	s1 =	sor.u32 s0, s1;
	s31 =	sshrl.u32 s29, $0x1  }
0xb: {  	s23 =	sor.u32 $0x1C03, s23;
	s7 =	smul.u32 $0x500, s1;
	s1 =	rddreg [dreg:$0x2]  }
0xc: {  	_ =	strace $0x8000004A;
	s8 =	sadd.s32 s9, s8;
	s30 =	sshrl.u32 s10, $0x2  }
0xd: {  	s12 =	ssub.s32 s29, s31;
	s8 =	sshrl.u32 s8, $0x3;
	s5 =	sadd.s32 s30, s2  }
0xe: {  	s12 =	smax.u32 s12, $0x1;
	s7 =	sadd.s32 s7, s6;
	s11 =	sadd.s32 s8, s6  }
0xf: {  	s8 =	sadd.s32 $0x8000, s5;
	s9 =	sadd.s32 $0xC000, s5;
	s10 =	sadd.s32 $0x10000, s5  }
0x10: {  	v0 =	vimm.f32 $0.0e+00;
	s6 =	sadd.s32 $0x1000, s7;
	s7 =	sadd.s32 $0x4000, s5;
	s11 =	sadd.s32 $0x32200, s11  }
.LBB2_1:
0x11: {  	[tilespmem:s3], [sflag:$0x3] =	stream.linear.gather [hbm4b:s6+s3], $0x2800, $0x38;
	[tilespmem:$0x1EA00] =	vst v63  }
0x12: {  	_ =	swait.ge [sflag:s13], $0x2800  }
0x13: {  	[sflag:s13] =	ssyncset.done $0x0  }
0x14: {  	s25 =	simm.s32 $0x0;
	s26 =	simm.s32 $0x200;
	[sflag:s13] =	ssyncadd.s32 $0xFFFFD800  }
.LBB2_2:
0x15: {  	p0 =	sne.s32 s26, $0xFE00;
	[tilespmem:s25+$0x2A70] =	vst v0  }
0x16: {  	[tilespmem:s25+$0x2A00] =	vst v0  }
0x17: {  	[tilespmem:s25+$0x2A10] =	vst v0  }
.Ltmp0:
0x18: {  	[tilespmem:s25+$0x2A20] =	vst v0;
	(pc) =	sbr.rel @p0 .LBB2_2-.Ltmp0, $4  }
0x19: {  	[tilespmem:s25+$0x2A30] =	vst v0  }
0x1a: {  	[tilespmem:s25+$0x2A40] =	vst v0  }
0x1b: {  	[tilespmem:s25+$0x2A50] =	vst v0  }
0x1c: {  	[tilespmem:s25+$0x2A60] =	vst v0;
	s25 =	sshra.s32 s26, $0x2;
	s26 =	sadd.s32 $0x200, s26  }
0x1d: {  	[tilespmem:s25+$0x2A70] =	vst v0  }
0x1e: {  	[tilespmem:s25+$0x2A00] =	vst v0  }
0x1f: {  	[tilespmem:s25+$0x2A10] =	vst v0  }
0x20: {  	[tilespmem:s25+$0x2A20] =	vst v0  }
0x21: {  	[tilespmem:s25+$0x2A30] =	vst v0  }
0x22: {  	[tilespmem:s25+$0x2A40] =	vst v0  }
0x23: {  	[tilespmem:s25+$0x2A50] =	vst v0  }
0x24: {  	[tilespmem:s25+$0x2A60] =	vst v0  }
0x25: {  	[spmem:s5] =	stream.linear.scatter [tilespmem:s14], [sflag:$0x3], $0x4000, $0x38;
	[tilespmem:$0x1EA00] =	vst v63  }
0x26: {  	_ =	swait.ge [sflag:s13], $0x4000  }
0x27: {  	[sflag:s13] =	ssyncset.done $0x0  }
0x28: {  	[sflag:s13] =	ssyncadd.s32 $0xFFFFC000  }
0x29: {  	[spmem:s7] =	stream.linear.scatter [tilespmem:s14], [sflag:$0x3], $0x4000, $0x38;
	[tilespmem:$0x1EA00] =	vst v63  }
0x2a: {  	_ =	swait.ge [sflag:s13], $0x4000  }
0x2b: {  	[sflag:s13] =	ssyncset.done $0x0  }
0x2c: {  	[sflag:s13] =	ssyncadd.s32 $0xFFFFC000  }
0x2d: {  	[spmem:s8] =	stream.linear.scatter [tilespmem:s14], [sflag:$0x3], $0x4000, $0x38;
	[tilespmem:$0x1EA00] =	vst v63  }
0x2e: {  	_ =	swait.ge [sflag:s13], $0x4000  }
0x2f: {  	[sflag:s13] =	ssyncset.done $0x0  }
0x30: {  	[sflag:s13] =	ssyncadd.s32 $0xFFFFC000  }
0x31: {  	[spmem:s9] =	stream.linear.scatter [tilespmem:s14], [sflag:$0x3], $0x4000, $0x38;
	[tilespmem:$0x1EA00] =	vst v63  }
0x32: {  	_ =	swait.ge [sflag:s13], $0x4000  }
0x33: {  	[sflag:s13] =	ssyncset.done $0x0  }
0x34: {  	[sflag:s13] =	ssyncadd.s32 $0xFFFFC000  }
0x35: {  	[spmem:s10] =	stream.linear.scatter [tilespmem:s14], [sflag:$0x3], $0x4000, $0x38;
	[tilespmem:$0x1EA00] =	vst v63  }
0x36: {  	_ =	swait.ge [sflag:s13], $0x4000  }
0x37: {  	[sflag:s13] =	ssyncset.done $0x0  }
0x38: {  	[sflag:s13] =	ssyncadd.s32 $0xFFFFC000  }
0x39: {  	[bflag:$0x0] =	sbarrier.arrive $0xFFFF  }
0x3a: {  	v1 =	vld [tilespmem:$0x0];
	_ =	sdelay $0x1  }
0x3b: {  	v2 =	vld [tilespmem:$0x10];
	_ =	sdelay $0x1  }
0x3c: {  	v3 =	vld [tilespmem:$0x20]  }
0x3d: {  	v4 =	vshrl.u32 v1, $0xE  }
0x3e: {  	v62 =	vld [tilespmem:$0x30];
	v1 =	vand.u32 $0x3FFF, v1;
	[tilespmem:$0x2800] =	vst v4  }
0x3f: {  	[tilespmem:$0x2880] =	vst v1;
	v1 =	vshrl.u32 v2, $0xE  }
0x40: {  	[tilespmem:$0x2810] =	vst v1;
	v1 =	vand.u32 $0x3FFF, v2;
	v2 =	vld [tilespmem:$0x40]  }
0x41: {  	[tilespmem:$0x2890] =	vst v1;
	v1 =	vshrl.u32 v3, $0xE  }
0x42: {  	[tilespmem:$0x2820] =	vst v1;
	v1 =	vand.u32 $0x3FFF, v3;
	v3 =	vld [tilespmem:$0x50]  }
0x43: {  	[tilespmem:$0x28A0] =	vst v1;
	v1 =	vshrl.u32 v62, $0xE  }
0x44: {  	v63 =	vld [tilespmem:$0x60];
	[tilespmem:$0x2830] =	vst v1;
	v1 =	vand.u32 $0x3FFF, v62  }
0x45: {  	[tilespmem:$0x28B0] =	vst v1;
	v1 =	vshrl.u32 v2, $0xE  }
0x46: {  	[tilespmem:$0x2840] =	vst v1;
	v1 =	vand.u32 $0x3FFF, v2;
	v2 =	vld [tilespmem:$0x70]  }
0x47: {  	[tilespmem:$0x28C0] =	vst v1;
	v1 =	vshrl.u32 v3, $0xE  }
0x48: {  	[tilespmem:$0x2850] =	vst v1;
	v1 =	vand.u32 $0x3FFF, v3  }
0x49: {  	[tilespmem:$0x28D0] =	vst v1;
	v1 =	vshrl.u32 v63, $0xE  }
0x4a: {  	[tilespmem:$0x2860] =	vst v1;
	v1 =	vand.u32 $0x3FFF, v63  }
0x4b: {  	[tilespmem:$0x28E0] =	vst v1;
	v1 =	vshrl.u32 v2, $0xE  }
0x4c: {  	[tilespmem:$0x2870] =	vst v1;
	v1 =	vand.u32 $0x3FFF, v2  }
0x4d: {  	s25 =	simm.s32 $0xF0;
	[tilespmem:$0x28F0] =	vst v1  }
0x4e: {  	[tilespmem:s14], [sflag:$0x1] =	stream.indirect.gather [hbm4b:s4+s15], $0x80, s16, s15, $0xb8;
	[tilespmem:$0x1EA00] =	vst v63  }
0x4f: {  	v1 =	vld [tilespmem:s25+$0xFFFFFF90];
	_ =	sdelay $0x4  }
0x50: {  	v2 =	vshrl.u32 v1, $0xE  }
0x51: {  	v1 =	vand.u32 $0x3FFF, v1;
	[tilespmem:$0x2900] =	vst v2  }
0x52: {  	[tilespmem:$0x2980] =	vst v1  }
0x53: {  	v1 =	vld [tilespmem:s25+$0xFFFFFFA0];
	_ =	sdelay $0x4  }
0x54: {  	v2 =	vshrl.u32 v1, $0xE  }
0x55: {  	v1 =	vand.u32 $0x3FFF, v1;
	[tilespmem:$0x2910] =	vst v2  }
0x56: {  	[tilespmem:$0x2990] =	vst v1  }
0x57: {  	v1 =	vld [tilespmem:s25+$0xFFFFFFB0];
	_ =	sdelay $0x4  }
0x58: {  	v2 =	vshrl.u32 v1, $0xE  }
0x59: {  	v1 =	vand.u32 $0x3FFF, v1;
	[tilespmem:$0x2920] =	vst v2  }
0x5a: {  	[tilespmem:$0x29A0] =	vst v1  }
0x5b: {  	v1 =	vld [tilespmem:s25+$0xFFFFFFC0];
	_ =	sdelay $0x4  }
0x5c: {  	v2 =	vshrl.u32 v1, $0xE  }
0x5d: {  	v1 =	vand.u32 $0x3FFF, v1;
	[tilespmem:$0x2930] =	vst v2  }
0x5e: {  	[tilespmem:$0x29B0] =	vst v1  }
0x5f: {  	v1 =	vld [tilespmem:s25+$0xFFFFFFD0];
	_ =	sdelay $0x4  }
0x60: {  	v2 =	vshrl.u32 v1, $0xE  }
0x61: {  	v1 =	vand.u32 $0x3FFF, v1;
	[tilespmem:$0x2940] =	vst v2  }
0x62: {  	[tilespmem:$0x29C0] =	vst v1  }
0x63: {  	v1 =	vld [tilespmem:s25+$0xFFFFFFE0];
	_ =	sdelay $0x4  }
0x64: {  	v2 =	vshrl.u32 v1, $0xE  }
0x65: {  	v1 =	vand.u32 $0x3FFF, v1;
	[tilespmem:$0x2950] =	vst v2  }
0x66: {  	[tilespmem:$0x29D0] =	vst v1  }
0x67: {  	v1 =	vld [tilespmem:s25+$0xFFFFFFF0];
	_ =	sdelay $0x4  }
0x68: {  	v2 =	vshrl.u32 v1, $0xE  }
0x69: {  	v1 =	vand.u32 $0x3FFF, v1;
	[tilespmem:$0x2960] =	vst v2  }
0x6a: {  	[tilespmem:$0x29E0] =	vst v1  }
0x6b: {  	v1 =	vld [tilespmem:s25+$0x0];
	_ =	sdelay $0x4  }
0x6c: {  	v2 =	vshrl.u32 v1, $0xE  }
0x6d: {  	v1 =	vand.u32 $0x3FFF, v1;
	[tilespmem:$0x2970] =	vst v2  }
0x6e: {  	[tilespmem:$0x29F0] =	vst v1  }
0x6f: {  	[tilespmem:s18], [sflag:$0x2] =	stream.indirect.gather [hbm4b:s4+s15], $0x80, s17, s15, $0xb8;
	[tilespmem:$0x1EA00] =	vst v63  }
0x70: {  	_ =	swait.ge [sflag:s19], $0x4000  }
0x71: {  	[sflag:s19] =	ssyncset.done $0x0  }
0x72: {  	[sflag:s19] =	ssyncadd.s32 $0xFFFFC000  }
0x73: {  	[spmem:s2] =	stream.indirect.scatter.add.f32 [tilespmem:s14], [sflag:$0x3], $0x80, s20, s15, $0xb8;
	[tilespmem:$0x1EA00] =	vst v63  }
0x74: {  	s26 =	simm.s32 $0x0;
	_ =	swait.ge [sflag:s13], $0x4000  }
0x75: {  	s26 =	smin.u32 s26, $0x4D;
	[sflag:s13] =	ssyncset.done $0x0  }
0x76: {  	s28 =	sshll.u32 s26, $0x7;
	[sflag:s13] =	ssyncadd.s32 $0xFFFFC000  }
0x77: {  	v1 =	vld [tilespmem:s28+$0x100];
	_ =	sdelay $0x4  }
0x78: {  	v2 =	vshrl.u32 v1, $0xE  }
0x79: {  	v1 =	vand.u32 $0x3FFF, v1;
	[tilespmem:$0x2800] =	vst v2  }
0x7a: {  	[tilespmem:$0x2880] =	vst v1  }
0x7b: {  	v1 =	vld [tilespmem:s28+$0x110];
	_ =	sdelay $0x4  }
0x7c: {  	v2 =	vshrl.u32 v1, $0xE  }
0x7d: {  	v1 =	vand.u32 $0x3FFF, v1;
	[tilespmem:$0x2810] =	vst v2  }
0x7e: {  	[tilespmem:$0x2890] =	vst v1  }
0x7f: {  	v1 =	vld [tilespmem:s28+$0x120];
	_ =	sdelay $0x4  }
0x80: {  	v2 =	vshrl.u32 v1, $0xE  }
0x81: {  	v1 =	vand.u32 $0x3FFF, v1;
	[tilespmem:$0x2820] =	vst v2  }
0x82: {  	[tilespmem:$0x28A0] =	vst v1  }
0x83: {  	v1 =	vld [tilespmem:s28+$0x130];
	_ =	sdelay $0x4  }
0x84: {  	v2 =	vshrl.u32 v1, $0xE  }
0x85: {  	v1 =	vand.u32 $0x3FFF, v1;
	[tilespmem:$0x2830] =	vst v2  }
0x86: {  	[tilespmem:$0x28B0] =	vst v1  }
0x87: {  	v1 =	vld [tilespmem:s28+$0x140];
	_ =	sdelay $0x4  }
0x88: {  	v2 =	vshrl.u32 v1, $0xE  }
0x89: {  	v1 =	vand.u32 $0x3FFF, v1;
	[tilespmem:$0x2840] =	vst v2  }
0x8a: {  	[tilespmem:$0x28C0] =	vst v1  }
0x8b: {  	v1 =	vld [tilespmem:s28+$0x150];
	_ =	sdelay $0x4  }
0x8c: {  	v2 =	vshrl.u32 v1, $0xE  }
0x8d: {  	v1 =	vand.u32 $0x3FFF, v1;
	[tilespmem:$0x2850] =	vst v2  }
0x8e: {  	[tilespmem:$0x28D0] =	vst v1  }
0x8f: {  	v1 =	vld [tilespmem:s28+$0x160];
	_ =	sdelay $0x4  }
0x90: {  	v2 =	vshrl.u32 v1, $0xE  }
0x91: {  	s26 =	simm.s32 $0x2;
	v1 =	vand.u32 $0x3FFF, v1;
	[tilespmem:$0x2860] =	vst v2  }
.LBB2_4:
0x92: {  	p0 =	sne.s32 s26, $0x4E  }
0x93: {  	[tilespmem:$0x28E0] =	vst v1;
	s25 =	sadd.s32 $0x100, s25;
	s29 =	smov.u32 s26;
	s26 =	sadd.s32 $0x2, s26  }
0x94: {  	v1 =	vld [tilespmem:s28+$0x170];
	_ =	sdelay $0x4  }
0x95: {  	v2 =	vshrl.u32 v1, $0xE;
	v1 =	vand.u32 $0x3FFF, v1  }
0x96: {  	[tilespmem:$0x2870] =	vst v2  }
0x97: {  	[tilespmem:$0x28F0] =	vst v1  }
0x98: {  	[tilespmem:s14], [sflag:$0x1] =	stream.indirect.gather [hbm4b:s4+s15], $0x80, s16, s15, $0xb8;
	[tilespmem:$0x1EA00] =	vst v63  }
0x99: {  	_ =	swait.ge [sflag:s21], $0x4000  }
0x9a: {  	[sflag:s21] =	ssyncset.done $0x0  }
0x9b: {  	[sflag:s21] =	ssyncadd.s32 $0xFFFFC000  }
0x9c: {  	[spmem:s2] =	stream.indirect.scatter.add.f32 [tilespmem:s18], [sflag:$0x3], $0x80, s22, s15, $0xb8;
	[tilespmem:$0x1EA00] =	vst v63  }
0x9d: {  	_ =	swait.ge [sflag:s13], $0x4000  }
0x9e: {  	[sflag:s13] =	ssyncset.done $0x0  }
0x9f: {  	[sflag:s13] =	ssyncadd.s32 $0xFFFFC000  }
0xa0: {  	v1 =	vld [tilespmem:s25+$0xFFFFFF90];
	_ =	sdelay $0x4  }
0xa1: {  	v2 =	vshrl.u32 v1, $0xE;
	v1 =	vand.u32 $0x3FFF, v1  }
0xa2: {  	[tilespmem:$0x2900] =	vst v2  }
0xa3: {  	[tilespmem:$0x2980] =	vst v1  }
0xa4: {  	v1 =	vld [tilespmem:s25+$0xFFFFFFA0];
	_ =	sdelay $0x4  }
0xa5: {  	v2 =	vshrl.u32 v1, $0xE;
	v1 =	vand.u32 $0x3FFF, v1  }
0xa6: {  	[tilespmem:$0x2910] =	vst v2  }
0xa7: {  	[tilespmem:$0x2990] =	vst v1  }
0xa8: {  	v1 =	vld [tilespmem:s25+$0xFFFFFFB0];
	_ =	sdelay $0x4  }
0xa9: {  	v2 =	vshrl.u32 v1, $0xE;
	v1 =	vand.u32 $0x3FFF, v1  }
0xaa: {  	[tilespmem:$0x2920] =	vst v2  }
0xab: {  	[tilespmem:$0x29A0] =	vst v1  }
0xac: {  	v1 =	vld [tilespmem:s25+$0xFFFFFFC0];
	_ =	sdelay $0x4  }
0xad: {  	v2 =	vshrl.u32 v1, $0xE;
	v1 =	vand.u32 $0x3FFF, v1  }
0xae: {  	[tilespmem:$0x2930] =	vst v2  }
0xaf: {  	[tilespmem:$0x29B0] =	vst v1  }
0xb0: {  	v1 =	vld [tilespmem:s25+$0xFFFFFFD0];
	_ =	sdelay $0x4  }
0xb1: {  	v2 =	vshrl.u32 v1, $0xE;
	v1 =	vand.u32 $0x3FFF, v1  }
0xb2: {  	[tilespmem:$0x2940] =	vst v2  }
0xb3: {  	[tilespmem:$0x29C0] =	vst v1  }
0xb4: {  	v1 =	vld [tilespmem:s25+$0xFFFFFFE0];
	_ =	sdelay $0x4  }
0xb5: {  	v2 =	vshrl.u32 v1, $0xE;
	v1 =	vand.u32 $0x3FFF, v1  }
0xb6: {  	[tilespmem:$0x2950] =	vst v2  }
0xb7: {  	[tilespmem:$0x29D0] =	vst v1  }
0xb8: {  	v1 =	vld [tilespmem:s25+$0xFFFFFFF0];
	_ =	sdelay $0x4  }
0xb9: {  	v2 =	vshrl.u32 v1, $0xE;
	v1 =	vand.u32 $0x3FFF, v1  }
0xba: {  	[tilespmem:$0x2960] =	vst v2  }
0xbb: {  	[tilespmem:$0x29E0] =	vst v1  }
0xbc: {  	v1 =	vld [tilespmem:s25+$0x0];
	_ =	sdelay $0x4  }
0xbd: {  	v2 =	vshrl.u32 v1, $0xE;
	v1 =	vand.u32 $0x3FFF, v1  }
0xbe: {  	s28 =	smin.u32 s29, $0x4D;
	[tilespmem:$0x2970] =	vst v2  }
0xbf: {  	s28 =	sshll.u32 s28, $0x7;
	[tilespmem:$0x29F0] =	vst v1  }
0xc0: {  	[tilespmem:s18], [sflag:$0x2] =	stream.indirect.gather [hbm4b:s4+s15], $0x80, s17, s15, $0xb8;
	[tilespmem:$0x1EA00] =	vst v63  }
0xc1: {  	_ =	swait.ge [sflag:s19], $0x4000  }
0xc2: {  	[sflag:s19] =	ssyncset.done $0x0  }
0xc3: {  	[sflag:s19] =	ssyncadd.s32 $0xFFFFC000  }
0xc4: {  	[spmem:s2] =	stream.indirect.scatter.add.f32 [tilespmem:s14], [sflag:$0x3], $0x80, s20, s15, $0xb8;
	[tilespmem:$0x1EA00] =	vst v63  }
0xc5: {  	_ =	swait.ge [sflag:s13], $0x4000  }
0xc6: {  	[sflag:s13] =	ssyncset.done $0x0  }
0xc7: {  	[sflag:s13] =	ssyncadd.s32 $0xFFFFC000  }
0xc8: {  	v1 =	vld [tilespmem:s28+$0x100];
	_ =	sdelay $0x4  }
0xc9: {  	v2 =	vshrl.u32 v1, $0xE;
	v1 =	vand.u32 $0x3FFF, v1  }
0xca: {  	[tilespmem:$0x2800] =	vst v2  }
0xcb: {  	[tilespmem:$0x2880] =	vst v1  }
0xcc: {  	v1 =	vld [tilespmem:s28+$0x110];
	_ =	sdelay $0x4  }
0xcd: {  	v2 =	vshrl.u32 v1, $0xE;
	v1 =	vand.u32 $0x3FFF, v1  }
0xce: {  	[tilespmem:$0x2810] =	vst v2  }
0xcf: {  	[tilespmem:$0x2890] =	vst v1  }
0xd0: {  	v1 =	vld [tilespmem:s28+$0x120];
	_ =	sdelay $0x4  }
0xd1: {  	v2 =	vshrl.u32 v1, $0xE;
	v1 =	vand.u32 $0x3FFF, v1  }
0xd2: {  	[tilespmem:$0x2820] =	vst v2  }
0xd3: {  	[tilespmem:$0x28A0] =	vst v1  }
0xd4: {  	v1 =	vld [tilespmem:s28+$0x130];
	_ =	sdelay $0x4  }
0xd5: {  	v2 =	vshrl.u32 v1, $0xE;
	v1 =	vand.u32 $0x3FFF, v1  }
0xd6: {  	[tilespmem:$0x2830] =	vst v2  }
0xd7: {  	[tilespmem:$0x28B0] =	vst v1  }
0xd8: {  	v1 =	vld [tilespmem:s28+$0x140];
	_ =	sdelay $0x4  }
0xd9: {  	v2 =	vshrl.u32 v1, $0xE;
	v1 =	vand.u32 $0x3FFF, v1  }
0xda: {  	[tilespmem:$0x2840] =	vst v2  }
0xdb: {  	[tilespmem:$0x28C0] =	vst v1  }
0xdc: {  	v1 =	vld [tilespmem:s28+$0x150];
	_ =	sdelay $0x4  }
0xdd: {  	v2 =	vshrl.u32 v1, $0xE;
	v1 =	vand.u32 $0x3FFF, v1  }
0xde: {  	[tilespmem:$0x2850] =	vst v2  }
0xdf: {  	[tilespmem:$0x28D0] =	vst v1  }
0xe0: {  	v1 =	vld [tilespmem:s28+$0x160];
	_ =	sdelay $0x1  }
.Ltmp1:
0xe1: {  	(pc) =	sbr.rel @p0 .LBB2_4-.Ltmp1, $3  }
0xe2: {  	_ =	sdelay $0x1  }
0xe3: {  	v2 =	vshrl.u32 v1, $0xE;
	v1 =	vand.u32 $0x3FFF, v1  }
0xe4: {  	[tilespmem:$0x2860] =	vst v2  }
0xe5: {  	[tilespmem:$0x28E0] =	vst v1  }
0xe6: {  	v1 =	vld [tilespmem:s28+$0x170];
	_ =	sdelay $0x4  }
0xe7: {  	v2 =	vshrl.u32 v1, $0xE  }
0xe8: {  	v1 =	vand.u32 $0x3FFF, v1;
	[tilespmem:$0x2870] =	vst v2  }
0xe9: {  	[tilespmem:$0x28F0] =	vst v1  }
0xea: {  	[tilespmem:s14], [sflag:$0x1] =	stream.indirect.gather [hbm4b:s4+s15], $0x80, s16, s15, $0xb8;
	[tilespmem:$0x1EA00] =	vst v63  }
0xeb: {  	_ =	swait.ge [sflag:s21], $0x4000  }
0xec: {  	[sflag:s21] =	ssyncset.done $0x0  }
0xed: {  	[sflag:s21] =	ssyncadd.s32 $0xFFFFC000  }
0xee: {  	[spmem:s2] =	stream.indirect.scatter.add.f32 [tilespmem:s18], [sflag:$0x3], $0x80, s22, s15, $0xb8;
	[tilespmem:$0x1EA00] =	vst v63  }
0xef: {  	_ =	swait.ge [sflag:s13], $0x4000  }
0xf0: {  	[sflag:s13] =	ssyncset.done $0x0  }
0xf1: {  	[sflag:s13] =	ssyncadd.s32 $0xFFFFC000  }
0xf2: {  	_ =	swait.ge [sflag:s19], $0x4000  }
0xf3: {  	s24 =	sadd.s32 $0x1, s24;
	[sflag:s19] =	ssyncset.done $0x0  }
0xf4: {  	p0 =	sne.s32 s24, s12;
	[sflag:s19] =	ssyncadd.s32 $0xFFFFC000  }
.Ltmp2:
0xf5: {  	s25 =	sshrl.u32 s5, $0x3;
	[bflag:$0x0] =	sbarrier.arrive $0xFFFF;
	(pc) =	sbr.rel @p0 .LBB2_1-.Ltmp2, $4  }
0xf6: {  	[hbm:s11], [sflag:s23] =	dma.local [spmem:s25], $0x2800  }
0xf7: {  	_ =	swait.ge [sflag:s13], $0x2800  }
0xf8: {  	[sflag:s13] =	ssyncset.done $0x0  }
0xf9: {  	[sflag:s13] =	ssyncadd.s32 $0xFFFFD800  }
0xfa: {  	_ =	sfence.sel $0x180000  }
0xfb: {  	[bflag:$0x0] =	sbarrier.arrive $0xFFFF  }
0xfc: {  	p0 =	sne.s32 s0, $0x0;
	_ =	strace $0x9000004A  }
0xfd: {  	s0 =	sadd.s32 @!p0 $0x100000, s1;
	[bflag:$0x2] =	sbarrier.arrive $0xFFFF  }
0xfe: {  	[sflag:s0] =	ssyncadd.tile.s32 @!p0 $0x1;
	_ =	shalt  }
.Lfunc_end2:
_tile_overlayer_lowered:
.L_overlay_start_2:
0xff: {  	(tag) =	ssettag $0x2  }
0x100: {  	s0 =	rddreg [dreg:$0x0];
	s2 =	stileid.u32  }
0x101: {  	s1 =	rddreg [dreg:$0x1];
	p0 =	sne.s32 s2, $0x0  }
0x102: {  	s3 =	rddreg [dreg:$0x2];
	[bflag:$0x3] =	sbarrier.arrive $0xFFFF;
	s2 =	simm.s32 @!p0 $0x1C03  }
0x103: {  	[timem:s3], [sflag:s2] =	dma.local @!p0 [hbm:s0], s1  }
0x104: {  	s0 =	simm.s32 @!p0 $0x3  }
0x105: {  	_ =	swait.ge @!p0 [sflag:s0], s1  }
0x106: {  	s1 =	ssub.s32 @!p0 $0x0, s1;
	[sflag:s0] =	ssyncset.done @!p0 $0x0  }
0x107: {  	[sflag:s0] =	ssyncadd.s32 @!p0 s1  }
0x108: {  	[bflag:$0x3] =	sbarrier.arrive $0xFFFF  }
0x109: {  	_ =	shalt  }

// kernel: kernel.14.cloned.1.call-start
scs
__scs_entry_jumppad:
0x0: {  	(pc) =	sbr.rel $0x88, $3  }
0x1: {  	(tag) =	ssettag $0x0;
	lr =	simm.s32 $0x1  }
0x2: {  	[smem:$0x3F9D] =	sst lr;
	_ =	strace $0xD0000000  }
0x3: {  	_ = 	snop  }
0x4: {  	_ = 	snop  }
0x5: {  	_ = 	snop  }
0x6: {  	_ = 	snop  }
0x7: {  	_ = 	snop  }
__scs_overlays_trampoline_lowered:
0x8: {  	[smem:$0x3FAC] =	sst s0  }
0x9: {  	[smem:$0x3FAD] =	sst s1  }
0xa: {  	[smem:$0x3FAE] =	sst s2  }
0xb: {  	[smem:$0x3FAF] =	sst s3  }
0xc: {  	[smem:$0x3FB0] =	sst s4  }
0xd: {  	[smem:$0x3FB1] =	sst s5  }
0xe: {  	[smem:$0x3FB2] =	sst s6  }
0xf: {  	[smem:$0x3FB3] =	sst s7  }
0x10: {  	[smem:$0x3FB4] =	sst s8  }
0x11: {  	[smem:$0x3FB5] =	sst s9;
	s0 =	simm.s32 @!p0 $0x0  }
0x12: {  	s1 =	sld [smem:$0x3F9B];
	s0 =	simm.s32 @p0 $0x1  }
0x13: {  	[smem:$0x3FB6] =	sst s0;
	s0 =	simm.s32 @!p1 $0x0  }
0x14: {  	s2 =	sld [smem:$0x3F9A];
	s0 =	simm.s32 @p1 $0x1  }
0x15: {  	[smem:$0x3FB7] =	sst s0;
	s0 =	simm.s32 @!p2 $0x0  }
0x16: {  	s3 =	sld [smem:$0x3FDB];
	s0 =	simm.s32 @p2 $0x1  }
0x17: {  	s4 =	simm.s32 $0x1BF5;
	[smem:$0x3FB9] =	sst s0  }
0x18: {  	s0 =	sld [smem:$0x3F9C];
	_ =	swait.ge [sflag:s4], $0x0  }
0x19: {  	s7 =	sld [smem:$0x3F9D]  }
0x1a: {  	s8 =	sadd.s32 $0xFFFFE003, lr  }
0x1b: {  	s9 =	sadd.s32 $0xFFFFFEF7, lr;
	s5 =	simm.s32 $0xFFFFFFFF;
	p2 =	slt.u32 s8, $0xFFFFF086  }
0x1c: {  	p1 =	slt.u32 s9, $0xF7A;
	s5 =	simm.s32 @!p2 $0x0  }
0x1d: {  	s5 =	simm.s32 @p1 $0x1;
	p0 =	seq.s32 s7, s2  }
0x1e: {  	s7 =	smul.u32 @!p0 $0xF7A, s2;
	p2 =	seq.s32 @!p0 s5, $0x0  }
0x1f: {  	s9 =	smul.u32 $0xF7A, s1;
	s8 =	simm.s32 @!p0 $0x1BF5;
	p2 =	por !p2, p0  }
0x20: {  	[sflag:s8] =	ssyncset.s32 @!p0 $0xFFFFF086;
	s6 =	sadd.s32 @!p0 s3, s7;
	s7 =	simm.s32 @!p0 $0x108  }
0x21: {  	s3 =	sadd.s32 s3, s9;
	s6 =	sadd.s32 @!p0 $0x88, s6;
	s7 =	simm.s32 @p2 $0x1082  }
0x22: {  	[simem:s7], [sflag:s8] =	dma.local @!p0 [hbm:s6], $0xF7A  }
0x23: {  	s9 =	sor.u32 $0xD0000000, s2;
	s6 =	simm.s32 $0x108;
	_ =	swait.ge @!p0 [sflag:s8], $0x0  }
0x24: {  	s3 =	sadd.s32 $0x88, s3;
	s6 =	simm.s32 @!p1 $0x1082;
	[sflag:s4] =	ssyncset.s32 $0xFFFFF086  }
0x25: {  	[simem:s6], [sflag:s4] =	dma.local [hbm:s3], $0xF7A  }
0x26: {  	[smem:$0x3F9D] =	sst s1;
	(tag) =	ssettag s2;
	_ =	strace s9  }
0x27: {  	s1 =	sld [smem:$0x3FAD]  }
0x28: {  	s2 =	sld [smem:$0x3FAE]  }
0x29: {  	s4 =	sld [smem:$0x3FB0]  }
0x2a: {  	p0 =	seq.s32 s5, $0x0;
	s5 =	sld [smem:$0x3FB1]  }
0x2b: {  	s6 =	sld [smem:$0x3FB2]  }
0x2c: {  	s7 =	sld [smem:$0x3FB3]  }
0x2d: {  	s3 =	simm.s32 $0x108;
	s8 =	sld [smem:$0x3FB4]  }
0x2e: {  	s3 =	simm.s32 @!p0 $0x1082;
	s9 =	sld [smem:$0x3FB5]  }
0x2f: {  	lr =	sadd.s32 s0, s3;
	s0 =	sld [smem:$0x3FAC]  }
0x30: {  	s3 =	sld [smem:$0x3FAF]  }
0x31: {  	[smem:$0x3FB8] =	sst s10  }
0x32: {  	s10 =	sld [smem:$0x3FB6];
	_ =	sdelay $0x3  }
0x33: {  	p0 =	seq.s32 s10, $0x1;
	s10 =	sld [smem:$0x3FB8];
	_ =	sdelay $0x3  }
0x34: {  	[smem:$0x3FB8] =	sst s10  }
0x35: {  	s10 =	sld [smem:$0x3FB7];
	_ =	sdelay $0x3  }
0x36: {  	p1 =	seq.s32 s10, $0x1;
	s10 =	sld [smem:$0x3FB8];
	_ =	sdelay $0x3  }
0x37: {  	[smem:$0x3FB8] =	sst s10  }
0x38: {  	s10 =	sld [smem:$0x3FB9]  }
0x39: {  	_ = 	snop;
	(pc) =	sbr.ind lr, $3  }
0x3a: {  	_ = 	snop  }
0x3b: {  	_ = 	snop  }
0x3c: {  	p2 =	seq.s32 s10, $0x1;
	s10 =	sld [smem:$0x3FB8]  }
0x3d: {  	_ =	shalt  }
0x3e: {  	_ =	shalt  }
0x3f: {  	_ =	shalt  }
0x40: {  	_ =	shalt  }
0x41: {  	_ =	shalt  }
0x42: {  	_ =	shalt  }
0x43: {  	_ =	shalt  }
0x44: {  	_ =	shalt  }
0x45: {  	_ =	shalt  }
0x46: {  	_ =	shalt  }
0x47: {  	_ =	shalt  }
0x48: {  	_ =	shalt  }
0x49: {  	_ =	shalt  }
0x4a: {  	_ =	shalt  }
0x4b: {  	_ =	shalt  }
0x4c: {  	_ =	shalt  }
0x4d: {  	_ =	shalt  }
0x4e: {  	_ =	shalt  }
0x4f: {  	_ =	shalt  }
0x50: {  	_ =	shalt  }
0x51: {  	_ =	shalt  }
0x52: {  	_ =	shalt  }
0x53: {  	_ =	shalt  }
0x54: {  	_ =	shalt  }
0x55: {  	_ =	shalt  }
0x56: {  	_ =	shalt  }
0x57: {  	_ =	shalt  }
0x58: {  	_ =	shalt  }
0x59: {  	_ =	shalt  }
0x5a: {  	_ =	shalt  }
0x5b: {  	_ =	shalt  }
0x5c: {  	_ =	shalt  }
0x5d: {  	_ =	shalt  }
0x5e: {  	_ =	shalt  }
0x5f: {  	_ =	shalt  }
0x60: {  	_ =	shalt  }
0x61: {  	_ =	shalt  }
0x62: {  	_ =	shalt  }
0x63: {  	_ =	shalt  }
0x64: {  	_ =	shalt  }
0x65: {  	_ =	shalt  }
0x66: {  	_ =	shalt  }
0x67: {  	_ =	shalt  }
0x68: {  	_ =	shalt  }
0x69: {  	_ =	shalt  }
0x6a: {  	_ =	shalt  }
0x6b: {  	_ =	shalt  }
0x6c: {  	_ =	shalt  }
0x6d: {  	_ =	shalt  }
0x6e: {  	_ =	shalt  }
0x6f: {  	_ =	shalt  }
0x70: {  	_ =	shalt  }
0x71: {  	_ =	shalt  }
0x72: {  	_ =	shalt  }
0x73: {  	_ =	shalt  }
0x74: {  	_ =	shalt  }
0x75: {  	_ =	shalt  }
0x76: {  	_ =	shalt  }
0x77: {  	_ =	shalt  }
0x78: {  	_ =	shalt  }
0x79: {  	_ =	shalt  }
0x7a: {  	_ =	shalt  }
0x7b: {  	_ =	shalt  }
0x7c: {  	_ =	shalt  }
0x7d: {  	_ =	shalt  }
0x7e: {  	_ =	shalt  }
0x7f: {  	_ =	shalt  }
0x80: {  	_ =	shalt  }
0x81: {  	_ =	shalt  }
0x82: {  	_ =	shalt  }
0x83: {  	_ =	shalt  }
0x84: {  	_ =	shalt  }
0x85: {  	_ =	shalt  }
0x86: {  	_ =	shalt  }
0x87: {  	_ =	shalt  }
.Lfunc_end0:
.L_simem_size_0:
called_computation.2_lowered:
.L_overlay_start_0:
0x88: {  	s2 =	sld [smem:$0x3FD9]  }
0x89: {  	s3 =	sld [smem:$0x3FFE];
	_ =	sdelay $0x1  }
0x8a: {  	s1 =	srdreg.scid  }
0x8b: {  	s0 =	sand.u32 $0x1, s1  }
0x8c: {  	s17 =	sshll.u32 s0, $0xA;
	s2 =	sadd.s32 s3, s2  }
0x8d: {  	s2 =	sadd.s32 s2, s17  }
0x8e: {  	[smem:$0x3FC4] =	sst s2  }
0x8f: {  	_ = 	snop  }
0x90: {  	s2 =	sld [smem:$0x3FD0];
	(tm) =	ssettm $0x1  }
0x91: {  	s18 =	sld [smem:$0x3FFB];
	_ =	sdelay $0x3  }
0x92: {  	_ =	strace s18  }
0x93: {  	s3 =	sld [smem:$0x3FFC];
	_ =	sdelay $0x3  }
0x94: {  	_ =	strace s3  }
0x95: {  	s3 =	sld [smem:$0x3FFD];
	_ =	sdelay $0x3  }
0x96: {  	_ =	strace s3  }
0x97: {  	_ =	strace $0x8FFFFFFF  }
0x98: {  	s19 =	sld [smem:$0x3FDB];
	_ =	sdelay $0x1  }
0x99: {  	s4 =	simm.s32 $_scs_section_size  }
0x9a: {  	s5 =	simm.s32 $_size__tile_overlayer_lowered;
	s6 =	simm.s32 $_tile_overlayer_lowered  }
0x9b: {  	s22 =	simm.s32 $0x1BFF;
	s21 =	sshll.u32 s6, $0x1;
	s3 =	sadd.s32 s4, s19  }
0x9c: {  	s7 =	simm.s32 $0x0;
	s20 =	sshll.u32 s5, $0x1;
	s5 =	sadd.s32 s21, s3  }
0x9d: {  	[timem:s7], [sflag:s22] =	dma.local [hbm:s5], s20  }
0x9e: {  	_ =	swait.ge [sflag:s22], s20  }
0x9f: {  	s4 =	ssub.s32 $0x0, s20;
	[sflag:s22] =	ssyncset.done $0x0  }
0xa0: {  	[sflag:s22] =	ssyncadd.s32 s4;
	_ =	sdelay $0x1  }
0xa1: {  	s23 =	simm.s32 $0x1B8B  }
0xa2: {  	_ =	swait.ge [sflag:s23], $0x1  }
0xa3: {  	[sflag:s23] =	ssyncset.done $0x0  }
0xa4: {  	s25 =	simm.s32 $0x1B8E;
	s24 =	sld [smem:$0x3FFE];
	[sflag:s23] =	ssyncadd.s32 $0xFFFFFFFF  }
0xa5: {  	s26 =	simm.s32 $execute0_lowered;
	[smem:$0x3FD2] =	sst s25  }
0xa6: {  	s5 =	sshll.u32 s26, $0x1;
	_ =	strace $0x8000004C;
	[dreg:$0x1] =	wrdreg $0xFFFFFFFF  }
0xa7: {  	s28 =	simm.s32 $_size_execute0_lowered;
	s3 =	sadd.s32 s3, s5;
	[dreg:$0x0] =	wrdreg $0x0  }
0xa8: {  	s5 =	sshll.u32 s28, $0x1;
	[dreg:$0x2] =	wrdreg s3  }
0xa9: {  	[dreg:$0x3] =	wrdreg s5  }
0xaa: {  	[dreg:$0x4] =	wrdreg $0xC0  }
0xab: {  	_ =	task [dreg:s7], $0x5FFFF  }
0xac: {  	[dreg:$0x1] =	wrdreg $0xFFFFFFFF  }
0xad: {  	[dreg:$0x0] =	wrdreg $0x60  }
0xae: {  	[dreg:$0x2] =	wrdreg s2  }
0xaf: {  	[dreg:$0x3] =	wrdreg s24  }
0xb0: {  	[dreg:$0x4] =	wrdreg $0xAC000  }
0xb1: {  	[dreg:$0x5] =	wrdreg $0x9  }
0xb2: {  	_ =	task.clear_ibuf [dreg:s7], $0x6FFFF;
	_ =	strace $0x9000004C  }
0xb3: {  	s29 =	simm.s32 $0x9;
	_ =	strace $0x8000004E  }
0xb4: {  	_ =	swait.ge [sflag:s29], $0x1  }
0xb5: {  	[sflag:s29] =	ssyncadd.s32 $0xFFFFFFFF  }
0xb6: {  	_ =	strace $0x9000004E  }
0xb7: {  	_ =	sfence  }
0xb8: {  	s30 =	sld [smem:$0x0];
	_ =	sdelay $0x2  }
0xb9: {  	s31 =	sshll.u32 s1, $0xD;
	s1 =	sshrl.u32 s1, $0x2  }
0xba: {  	s3 =	sand.u32 $0x4000, s31;
	s1 =	sadd.s32 s1, s30  }
0xbb: {  	s0 =	sor.u32 s3, s0;
	s1 =	sshll.u32 s1, $0x11  }
0xbc: {  	s0 =	sor.u32 s1, s0  }
0xbd: {  	s0 =	sadd.s32 $0x8F2B, s0  }
0xbe: {  	[sflag:s0] =	ssyncadd.remote.s32 $0x1  }
0xbf: {  	_ =	sfence.sel $0xFFFF  }
0xc0: {  	[dreg:$0x0] =	wrdreg $0xFFFFFFFF;
	(pc) =	sbr.abs _section_cstart, $3  }
0xc1: {  	[dreg:$0x1] =	wrdreg $0xFFFFFFFF  }
0xc2: {  	_ =	task.clear_ibuf [dreg:s7], $0x2FFFF;
	_ =	strace $0x9FFFFFFF  }
0xc3: {  	(tm) =	ssettm $0x7FFFFFFF  }
tec
execute0_lowered:
.L_overlay_start_1:
0x0: {  	(tag) =	ssettag $0x1  }
0x1: {  	s1 =	rddreg [dreg:$0x0]  }
0x2: {  	s0 =	srdreg.scid;
	s4 =	rddreg [dreg:$0x1]  }
0x3: {  	s7 =	stileid.u32;
	s3 =	rddreg [dreg:$0x2];
	s6 =	simm.s32 $0x0  }
0x4: {  	s13 =	simm.s32 $0x5;
	s14 =	simm.s32 $0x2C00;
	s15 =	simm.s32 $0x80  }
0x5: {  	s16 =	simm.s32 $0x2880;
	s17 =	simm.s32 $0x2980;
	s18 =	simm.s32 $0x4C00  }
0x6: {  	s19 =	simm.s32 $0x2A80;
	s20 =	simm.s32 $0x6C00;
	s21 =	simm.s32 $0x2B80  }
0x7: {  	s22 =	simm.s32 $0x8C00;
	s23 =	simm.s32 $0x1;
	s28 =	simm.s32 $0x3  }
0x8: {  	s29 =	simm.s32 $0x2A00;
	s30 =	simm.s32 $0x4;
	s31 =	simm.s32 $0x2B00  }
0x9: {  	s0 =	sand.u32 $0x1, s0;
	s5 =	smul.u32 $0xA000, s7;
	[smem:$0x7FF] =	sst s6  }
0xa: {  	s2 =	sshll.u32 s0, $0x4;
	s24 =	smul.u32 $0xA0000, s0;
	_ =	strace $0x8000004D  }
0xb: {  	s0 =	ssub.s32 $0x2, s0;
	s2 =	sor.u32 s7, s2;
	s7 =	smul.u32 $0x28000, s7  }
0xc: {  	s8 =	sshrl.u32 s0, $0x1;
	s2 =	smul.u32 $0x500, s2;
	s6 =	sadd.s32 s5, s24  }
0xd: {  	s0 =	ssub.s32 s0, s8;
	s24 =	simm.s32 $0x2800;
	s6 =	sshrl.u32 s6, $0x3  }
0xe: {  	s7 =	sshrl.u32 s7, $0x2;
	s12 =	smax.u32 s0, $0x1;
	s2 =	sadd.s32 s2, s4  }
0xf: {  	s4 =	sadd.s32 s6, s4;
	s7 =	sadd.s32 s7, s3;
	s2 =	sadd.s32 $0x1000, s2  }
0x10: {  	s6 =	sadd.s32 s5, s3;
	s25 =	sadd.s32 $0x2000, s7;
	[dreg:$0x4] =	wrdreg s2  }
0x11: {  	s26 =	sadd.s32 $0x4000, s7;
	s9 =	sadd.s32 $0x6000, s7;
	[dreg:$0x5] =	wrdreg s25  }
0x12: {  	s10 =	sadd.s32 $0x8000, s7;
	s11 =	sadd.s32 $0xB000, s4;
	[dreg:$0x6] =	wrdreg s26  }
0x13: {  	v0 =	vimm.f32 $0.0e+00;
	s25 =	simm.s32 $0x2;
	s26 =	simm.s32 $0x2900;
	s2 =	simm.s32 $0x0  }
.LBB2_1:
0x14: {  	s0 =	simm.s32 $0x0;
	s4 =	rddreg [dreg:$0x4]  }
0x15: {  	[tilespmem:s0], [sflag:$0x5] =	stream.linear.gather [hbm4b:s4+s0], $0x2800, $0x38;
	[tilespmem:$0x14C00] =	vst v63  }
0x16: {  	_ =	swait.ge [sflag:s13], $0x2800  }
0x17: {  	[sflag:s13] =	ssyncset.done $0x0  }
0x18: {  	s4 =	simm.s32 $0x100;
	s0 =	simm.s32 $0x0;
	[sflag:s13] =	ssyncadd.s32 $0xFFFFD800  }
.LBB2_2:
0x19: {  	p0 =	sne.s32 s4, $0x7F00;
	[tilespmem:s0+$0x2C30] =	vst v0;
	s5 =	smov.u32 s4;
	s4 =	sadd.s32 $0x100, s4  }
.Ltmp0:
0x1a: {  	[tilespmem:s0+$0x2C20] =	vst v0;
	(pc) =	sbr.rel @p0 .LBB2_2-.Ltmp0, $3  }
0x1b: {  	[tilespmem:s0+$0x2C00] =	vst v0  }
0x1c: {  	[tilespmem:s0+$0x2C10] =	vst v0;
	_ =	sdelay $0x1  }
0x1d: {  	s0 =	sshra.s32 s5, $0x2  }
0x1e: {  	[tilespmem:s0+$0x2C30] =	vst v0  }
0x1f: {  	[tilespmem:s0+$0x2C20] =	vst v0  }
0x20: {  	[tilespmem:s0+$0x2C00] =	vst v0  }
0x21: {  	[tilespmem:s0+$0x2C10] =	vst v0  }
0x22: {  	[spmem:s6] =	stream.linear.scatter [tilespmem:s14], [sflag:$0x5], $0x2000, $0x38;
	[tilespmem:$0x14C00] =	vst v63  }
0x23: {  	_ =	swait.ge [sflag:s13], $0x2000  }
0x24: {  	[sflag:s13] =	ssyncset.done $0x0  }
0x25: {  	s4 =	rddreg [dreg:$0x5];
	[sflag:s13] =	ssyncadd.s32 $0xFFFFE000  }
0x26: {  	[spmem:s4] =	stream.linear.scatter [tilespmem:s14], [sflag:$0x5], $0x2000, $0x38;
	[tilespmem:$0x14C00] =	vst v63  }
0x27: {  	_ =	swait.ge [sflag:s13], $0x2000  }
0x28: {  	[sflag:s13] =	ssyncset.done $0x0  }
0x29: {  	s5 =	rddreg [dreg:$0x6];
	[sflag:s13] =	ssyncadd.s32 $0xFFFFE000  }
0x2a: {  	[spmem:s5] =	stream.linear.scatter [tilespmem:s14], [sflag:$0x5], $0x2000, $0x38;
	[tilespmem:$0x14C00] =	vst v63  }
0x2b: {  	_ =	swait.ge [sflag:s13], $0x2000  }
0x2c: {  	[sflag:s13] =	ssyncset.done $0x0  }
0x2d: {  	[sflag:s13] =	ssyncadd.s32 $0xFFFFE000  }
0x2e: {  	[spmem:s9] =	stream.linear.scatter [tilespmem:s14], [sflag:$0x5], $0x2000, $0x38;
	[tilespmem:$0x14C00] =	vst v63  }
0x2f: {  	_ =	swait.ge [sflag:s13], $0x2000  }
0x30: {  	[sflag:s13] =	ssyncset.done $0x0  }
0x31: {  	[sflag:s13] =	ssyncadd.s32 $0xFFFFE000  }
0x32: {  	[spmem:s10] =	stream.linear.scatter [tilespmem:s14], [sflag:$0x5], $0x2000, $0x38;
	[tilespmem:$0x14C00] =	vst v63  }
0x33: {  	_ =	swait.ge [sflag:s13], $0x2000  }
0x34: {  	[sflag:s13] =	ssyncset.done $0x0  }
0x35: {  	[sflag:s13] =	ssyncadd.s32 $0xFFFFE000  }
0x36: {  	[bflag:$0x0] =	sbarrier.arrive $0xFFFF  }
0x37: {  	v1 =	vld [tilespmem:$0x0];
	_ =	sdelay $0x1  }
0x38: {  	v2 =	vld [tilespmem:$0x10];
	_ =	sdelay $0x1  }
0x39: {  	v3 =	vld [tilespmem:$0x20]  }
0x3a: {  	v4 =	vshrl.u32 v1, $0xE  }
0x3b: {  	v56 =	vld [tilespmem:$0x30];
	v1 =	vand.u32 $0x3FFF, v1;
	[tilespmem:$0x2800] =	vst v4  }
0x3c: {  	[tilespmem:$0x2880] =	vst v1;
	v1 =	vshrl.u32 v2, $0xE  }
0x3d: {  	[tilespmem:$0x2810] =	vst v1;
	v1 =	vand.u32 $0x3FFF, v2;
	v2 =	vld [tilespmem:$0x40]  }
0x3e: {  	[tilespmem:$0x2890] =	vst v1;
	v1 =	vshrl.u32 v3, $0xE  }
0x3f: {  	[tilespmem:$0x2820] =	vst v1;
	v1 =	vand.u32 $0x3FFF, v3;
	v3 =	vld [tilespmem:$0x50]  }
0x40: {  	[tilespmem:$0x28A0] =	vst v1;
	v1 =	vshrl.u32 v56, $0xE  }
0x41: {  	v57 =	vld [tilespmem:$0x60];
	[tilespmem:$0x2830] =	vst v1;
	v1 =	vand.u32 $0x3FFF, v56  }
0x42: {  	[tilespmem:$0x28B0] =	vst v1;
	v1 =	vshrl.u32 v2, $0xE  }
0x43: {  	[tilespmem:$0x2840] =	vst v1;
	v1 =	vand.u32 $0x3FFF, v2;
	v2 =	vld [tilespmem:$0x70]  }
0x44: {  	[tilespmem:$0x28C0] =	vst v1;
	v1 =	vshrl.u32 v3, $0xE  }
0x45: {  	[tilespmem:$0x2850] =	vst v1;
	v1 =	vand.u32 $0x3FFF, v3  }
0x46: {  	[tilespmem:$0x28D0] =	vst v1;
	v1 =	vshrl.u32 v57, $0xE  }
0x47: {  	[tilespmem:$0x2860] =	vst v1;
	v1 =	vand.u32 $0x3FFF, v57  }
0x48: {  	[tilespmem:$0x28E0] =	vst v1;
	v1 =	vshrl.u32 v2, $0xE  }
0x49: {  	[tilespmem:$0x2870] =	vst v1;
	v1 =	vand.u32 $0x3FFF, v2  }
0x4a: {  	[tilespmem:$0x28F0] =	vst v1  }
0x4b: {  	[tilespmem:s14], [sflag:$0x1] =	stream.indirect.gather [hbm4b:s1+s15], $0x40, s16, s15, $0xb8;
	[tilespmem:$0x14C00] =	vst v63  }
0x4c: {  	v1 =	vld [tilespmem:$0x80];
	_ =	sdelay $0x1  }
0x4d: {  	v2 =	vld [tilespmem:$0x90];
	_ =	sdelay $0x1  }
0x4e: {  	v3 =	vld [tilespmem:$0xA0]  }
0x4f: {  	v58 =	vshrl.u32 v1, $0xE  }
0x50: {  	v59 =	vld [tilespmem:$0xB0];
	v1 =	vand.u32 $0x3FFF, v1;
	[tilespmem:$0x2900] =	vst v58  }
0x51: {  	[tilespmem:$0x2980] =	vst v1;
	v1 =	vshrl.u32 v2, $0xE  }
0x52: {  	[tilespmem:$0x2910] =	vst v1;
	v1 =	vand.u32 $0x3FFF, v2;
	v2 =	vld [tilespmem:$0xC0]  }
0x53: {  	[tilespmem:$0x2990] =	vst v1;
	v1 =	vshrl.u32 v3, $0xE  }
0x54: {  	[tilespmem:$0x2920] =	vst v1;
	v1 =	vand.u32 $0x3FFF, v3;
	v3 =	vld [tilespmem:$0xD0]  }
0x55: {  	[tilespmem:$0x29A0] =	vst v1;
	v1 =	vshrl.u32 v59, $0xE  }
0x56: {  	v60 =	vld [tilespmem:$0xE0];
	[tilespmem:$0x2930] =	vst v1;
	v1 =	vand.u32 $0x3FFF, v59  }
0x57: {  	[tilespmem:$0x29B0] =	vst v1;
	v1 =	vshrl.u32 v2, $0xE  }
0x58: {  	[tilespmem:$0x2940] =	vst v1;
	v1 =	vand.u32 $0x3FFF, v2;
	v2 =	vld [tilespmem:$0xF0]  }
0x59: {  	[tilespmem:$0x29C0] =	vst v1;
	v1 =	vshrl.u32 v3, $0xE  }
0x5a: {  	[tilespmem:$0x2950] =	vst v1;
	v1 =	vand.u32 $0x3FFF, v3  }
0x5b: {  	[tilespmem:$0x29D0] =	vst v1;
	v1 =	vshrl.u32 v60, $0xE  }
0x5c: {  	[tilespmem:$0x2960] =	vst v1;
	v1 =	vand.u32 $0x3FFF, v60  }
0x5d: {  	[tilespmem:$0x29E0] =	vst v1;
	v1 =	vshrl.u32 v2, $0xE  }
0x5e: {  	[tilespmem:$0x2970] =	vst v1;
	v1 =	vand.u32 $0x3FFF, v2  }
0x5f: {  	[tilespmem:$0x29F0] =	vst v1  }
0x60: {  	[tilespmem:s18], [sflag:$0x2] =	stream.indirect.gather [hbm4b:s1+s15], $0x40, s17, s15, $0xb8;
	[tilespmem:$0x14C00] =	vst v63  }
0x61: {  	v1 =	vld [tilespmem:$0x100];
	_ =	sdelay $0x1  }
0x62: {  	v2 =	vld [tilespmem:$0x110];
	_ =	sdelay $0x1  }
0x63: {  	v3 =	vld [tilespmem:$0x120]  }
0x64: {  	v61 =	vshrl.u32 v1, $0xE  }
0x65: {  	v62 =	vld [tilespmem:$0x130];
	v1 =	vand.u32 $0x3FFF, v1;
	[tilespmem:$0x2A00] =	vst v61  }
0x66: {  	[tilespmem:$0x2A80] =	vst v1;
	v1 =	vshrl.u32 v2, $0xE  }
0x67: {  	[tilespmem:$0x2A10] =	vst v1;
	v1 =	vand.u32 $0x3FFF, v2;
	v2 =	vld [tilespmem:$0x140]  }
0x68: {  	[tilespmem:$0x2A90] =	vst v1;
	v1 =	vshrl.u32 v3, $0xE  }
0x69: {  	[tilespmem:$0x2A20] =	vst v1;
	v1 =	vand.u32 $0x3FFF, v3;
	v3 =	vld [tilespmem:$0x150]  }
0x6a: {  	[tilespmem:$0x2AA0] =	vst v1;
	v1 =	vshrl.u32 v62, $0xE  }
0x6b: {  	v63 =	vld [tilespmem:$0x160];
	[tilespmem:$0x2A30] =	vst v1;
	v1 =	vand.u32 $0x3FFF, v62  }
0x6c: {  	[tilespmem:$0x2AB0] =	vst v1;
	v1 =	vshrl.u32 v2, $0xE  }
0x6d: {  	[tilespmem:$0x2A40] =	vst v1;
	v1 =	vand.u32 $0x3FFF, v2;
	v2 =	vld [tilespmem:$0x170]  }
0x6e: {  	[tilespmem:$0x2AC0] =	vst v1;
	v1 =	vshrl.u32 v3, $0xE  }
0x6f: {  	[tilespmem:$0x2A50] =	vst v1;
	v1 =	vand.u32 $0x3FFF, v3  }
0x70: {  	[tilespmem:$0x2AD0] =	vst v1;
	v1 =	vshrl.u32 v63, $0xE  }
0x71: {  	[tilespmem:$0x2A60] =	vst v1;
	v1 =	vand.u32 $0x3FFF, v63  }
0x72: {  	[tilespmem:$0x2AE0] =	vst v1;
	v1 =	vshrl.u32 v2, $0xE  }
0x73: {  	[tilespmem:$0x2A70] =	vst v1;
	v1 =	vand.u32 $0x3FFF, v2  }
0x74: {  	s4 =	simm.s32 $0x1F0;
	[tilespmem:$0x2AF0] =	vst v1  }
0x75: {  	[tilespmem:s20], [sflag:$0x3] =	stream.indirect.gather [hbm4b:s1+s15], $0x40, s19, s15, $0xb8;
	[tilespmem:$0x14C00] =	vst v63  }
0x76: {  	v1 =	vld [tilespmem:s4+$0xFFFFFF90];
	_ =	sdelay $0x4  }
0x77: {  	v2 =	vshrl.u32 v1, $0xE  }
0x78: {  	v1 =	vand.u32 $0x3FFF, v1;
	[tilespmem:$0x2B00] =	vst v2  }
0x79: {  	[tilespmem:$0x2B80] =	vst v1  }
0x7a: {  	v1 =	vld [tilespmem:s4+$0xFFFFFFA0];
	_ =	sdelay $0x4  }
0x7b: {  	v2 =	vshrl.u32 v1, $0xE  }
0x7c: {  	v1 =	vand.u32 $0x3FFF, v1;
	[tilespmem:$0x2B10] =	vst v2  }
0x7d: {  	[tilespmem:$0x2B90] =	vst v1  }
0x7e: {  	v1 =	vld [tilespmem:s4+$0xFFFFFFB0];
	_ =	sdelay $0x4  }
0x7f: {  	v2 =	vshrl.u32 v1, $0xE  }
0x80: {  	v1 =	vand.u32 $0x3FFF, v1;
	[tilespmem:$0x2B20] =	vst v2  }
0x81: {  	[tilespmem:$0x2BA0] =	vst v1  }
0x82: {  	v1 =	vld [tilespmem:s4+$0xFFFFFFC0];
	_ =	sdelay $0x4  }
0x83: {  	v2 =	vshrl.u32 v1, $0xE  }
0x84: {  	v1 =	vand.u32 $0x3FFF, v1;
	[tilespmem:$0x2B30] =	vst v2  }
0x85: {  	[tilespmem:$0x2BB0] =	vst v1  }
0x86: {  	v1 =	vld [tilespmem:s4+$0xFFFFFFD0];
	_ =	sdelay $0x4  }
0x87: {  	v2 =	vshrl.u32 v1, $0xE  }
0x88: {  	v1 =	vand.u32 $0x3FFF, v1;
	[tilespmem:$0x2B40] =	vst v2  }
0x89: {  	[tilespmem:$0x2BC0] =	vst v1  }
0x8a: {  	v1 =	vld [tilespmem:s4+$0xFFFFFFE0];
	_ =	sdelay $0x4  }
0x8b: {  	v2 =	vshrl.u32 v1, $0xE  }
0x8c: {  	v1 =	vand.u32 $0x3FFF, v1;
	[tilespmem:$0x2B50] =	vst v2  }
0x8d: {  	[tilespmem:$0x2BD0] =	vst v1  }
0x8e: {  	v1 =	vld [tilespmem:s4+$0xFFFFFFF0];
	_ =	sdelay $0x4  }
0x8f: {  	v2 =	vshrl.u32 v1, $0xE  }
0x90: {  	v1 =	vand.u32 $0x3FFF, v1;
	[tilespmem:$0x2B60] =	vst v2  }
0x91: {  	[tilespmem:$0x2BE0] =	vst v1  }
0x92: {  	v1 =	vld [tilespmem:s4+$0x0];
	_ =	sdelay $0x4  }
0x93: {  	v2 =	vshrl.u32 v1, $0xE  }
0x94: {  	v1 =	vand.u32 $0x3FFF, v1;
	[tilespmem:$0x2B70] =	vst v2  }
0x95: {  	[tilespmem:$0x2BF0] =	vst v1  }
0x96: {  	[tilespmem:s22], [sflag:$0x4] =	stream.indirect.gather [hbm4b:s1+s15], $0x40, s21, s15, $0xb8;
	[tilespmem:$0x14C00] =	vst v63  }
0x97: {  	_ =	swait.ge [sflag:s23], $0x2000  }
0x98: {  	[sflag:s23] =	ssyncset.done $0x0  }
0x99: {  	[sflag:s23] =	ssyncadd.s32 $0xFFFFE000  }
0x9a: {  	[spmem:s3] =	stream.indirect.scatter.add.f32 [tilespmem:s14], [sflag:$0x5], $0x40, s24, s15, $0xb8;
	[tilespmem:$0x14C00] =	vst v63  }
0x9b: {  	s7 =	simm.s32 $0x0;
	_ =	swait.ge [sflag:s13], $0x2000  }
0x9c: {  	s5 =	smin.u32 s7, $0x4B;
	[sflag:s13] =	ssyncset.done $0x0  }
0x9d: {  	s5 =	sshll.u32 s5, $0x7;
	[sflag:s13] =	ssyncadd.s32 $0xFFFFE000  }
0x9e: {  	v1 =	vld [tilespmem:s5+$0x200];
	_ =	sdelay $0x4  }
0x9f: {  	v2 =	vshrl.u32 v1, $0xE  }
0xa0: {  	v1 =	vand.u32 $0x3FFF, v1;
	[tilespmem:$0x2800] =	vst v2  }
0xa1: {  	[tilespmem:$0x2880] =	vst v1  }
0xa2: {  	v1 =	vld [tilespmem:s5+$0x210];
	_ =	sdelay $0x4  }
0xa3: {  	v2 =	vshrl.u32 v1, $0xE  }
0xa4: {  	v1 =	vand.u32 $0x3FFF, v1;
	[tilespmem:$0x2810] =	vst v2  }
0xa5: {  	[tilespmem:$0x2890] =	vst v1  }
0xa6: {  	v1 =	vld [tilespmem:s5+$0x220];
	_ =	sdelay $0x4  }
0xa7: {  	v2 =	vshrl.u32 v1, $0xE  }
0xa8: {  	v1 =	vand.u32 $0x3FFF, v1;
	[tilespmem:$0x2820] =	vst v2  }
0xa9: {  	[tilespmem:$0x28A0] =	vst v1  }
0xaa: {  	v1 =	vld [tilespmem:s5+$0x230];
	_ =	sdelay $0x4  }
0xab: {  	v2 =	vshrl.u32 v1, $0xE  }
0xac: {  	v1 =	vand.u32 $0x3FFF, v1;
	[tilespmem:$0x2830] =	vst v2  }
0xad: {  	[tilespmem:$0x28B0] =	vst v1  }
0xae: {  	v1 =	vld [tilespmem:s5+$0x240];
	_ =	sdelay $0x4  }
0xaf: {  	v2 =	vshrl.u32 v1, $0xE  }
0xb0: {  	v1 =	vand.u32 $0x3FFF, v1;
	[tilespmem:$0x2840] =	vst v2  }
0xb1: {  	[tilespmem:$0x28C0] =	vst v1  }
0xb2: {  	v1 =	vld [tilespmem:s5+$0x250];
	_ =	sdelay $0x4  }
0xb3: {  	v2 =	vshrl.u32 v1, $0xE  }
0xb4: {  	v1 =	vand.u32 $0x3FFF, v1;
	[tilespmem:$0x2850] =	vst v2  }
0xb5: {  	[tilespmem:$0x28D0] =	vst v1  }
0xb6: {  	v1 =	vld [tilespmem:s5+$0x260];
	_ =	sdelay $0x4  }
0xb7: {  	v2 =	vshrl.u32 v1, $0xE  }
0xb8: {  	v1 =	vand.u32 $0x3FFF, v1;
	[tilespmem:$0x2860] =	vst v2  }
0xb9: {  	[tilespmem:$0x28E0] =	vst v1  }
0xba: {  	v1 =	vld [tilespmem:s5+$0x270];
	_ =	sdelay $0x4  }
0xbb: {  	v2 =	vshrl.u32 v1, $0xE  }
0xbc: {  	v1 =	vand.u32 $0x3FFF, v1;
	[tilespmem:$0x2870] =	vst v2  }
0xbd: {  	[tilespmem:$0x28F0] =	vst v1  }
0xbe: {  	[tilespmem:s14], [sflag:$0x1] =	stream.indirect.gather [hbm4b:s1+s15], $0x40, s16, s15, $0xb8;
	[tilespmem:$0x14C00] =	vst v63  }
0xbf: {  	_ =	swait.ge [sflag:s25], $0x2000  }
0xc0: {  	[sflag:s25] =	ssyncset.done $0x0  }
0xc1: {  	[sflag:s25] =	ssyncadd.s32 $0xFFFFE000  }
0xc2: {  	[spmem:s3] =	stream.indirect.scatter.add.f32 [tilespmem:s18], [sflag:$0x5], $0x40, s26, s15, $0xb8;
	[tilespmem:$0x14C00] =	vst v63  }
0xc3: {  	_ =	swait.ge [sflag:s13], $0x2000  }
0xc4: {  	s8 =	smin.u32 s7, $0x4A;
	[sflag:s13] =	ssyncset.done $0x0  }
0xc5: {  	s5 =	sshll.u32 s8, $0x7;
	[sflag:s13] =	ssyncadd.s32 $0xFFFFE000  }
0xc6: {  	v1 =	vld [tilespmem:s5+$0x280];
	_ =	sdelay $0x4  }
0xc7: {  	v2 =	vshrl.u32 v1, $0xE  }
0xc8: {  	v1 =	vand.u32 $0x3FFF, v1;
	[tilespmem:$0x2900] =	vst v2  }
0xc9: {  	[tilespmem:$0x2980] =	vst v1  }
0xca: {  	v1 =	vld [tilespmem:s5+$0x290];
	_ =	sdelay $0x4  }
0xcb: {  	v2 =	vshrl.u32 v1, $0xE  }
0xcc: {  	v1 =	vand.u32 $0x3FFF, v1;
	[tilespmem:$0x2910] =	vst v2  }
0xcd: {  	[tilespmem:$0x2990] =	vst v1  }
0xce: {  	v1 =	vld [tilespmem:s5+$0x2A0];
	_ =	sdelay $0x4  }
0xcf: {  	v2 =	vshrl.u32 v1, $0xE  }
0xd0: {  	v1 =	vand.u32 $0x3FFF, v1;
	[tilespmem:$0x2920] =	vst v2  }
0xd1: {  	[tilespmem:$0x29A0] =	vst v1  }
0xd2: {  	v1 =	vld [tilespmem:s5+$0x2B0];
	_ =	sdelay $0x4  }
0xd3: {  	v2 =	vshrl.u32 v1, $0xE  }
0xd4: {  	v1 =	vand.u32 $0x3FFF, v1;
	[tilespmem:$0x2930] =	vst v2  }
0xd5: {  	[tilespmem:$0x29B0] =	vst v1  }
0xd6: {  	v1 =	vld [tilespmem:s5+$0x2C0];
	_ =	sdelay $0x4  }
0xd7: {  	v2 =	vshrl.u32 v1, $0xE  }
0xd8: {  	v1 =	vand.u32 $0x3FFF, v1;
	[tilespmem:$0x2940] =	vst v2  }
0xd9: {  	[tilespmem:$0x29C0] =	vst v1  }
0xda: {  	v1 =	vld [tilespmem:s5+$0x2D0];
	_ =	sdelay $0x4  }
0xdb: {  	v2 =	vshrl.u32 v1, $0xE  }
0xdc: {  	v1 =	vand.u32 $0x3FFF, v1;
	[tilespmem:$0x2950] =	vst v2  }
0xdd: {  	[tilespmem:$0x29D0] =	vst v1  }
0xde: {  	v1 =	vld [tilespmem:s5+$0x2E0];
	_ =	sdelay $0x4  }
0xdf: {  	v2 =	vshrl.u32 v1, $0xE  }
0xe0: {  	v1 =	vand.u32 $0x3FFF, v1;
	[tilespmem:$0x2960] =	vst v2  }
0xe1: {  	[tilespmem:$0x29E0] =	vst v1  }
0xe2: {  	v1 =	vld [tilespmem:s5+$0x2F0];
	_ =	sdelay $0x4  }
0xe3: {  	v2 =	vshrl.u32 v1, $0xE  }
0xe4: {  	v1 =	vand.u32 $0x3FFF, v1;
	[tilespmem:$0x2970] =	vst v2  }
0xe5: {  	[tilespmem:$0x29F0] =	vst v1  }
0xe6: {  	[tilespmem:s18], [sflag:$0x2] =	stream.indirect.gather [hbm4b:s1+s15], $0x40, s17, s15, $0xb8;
	[tilespmem:$0x14C00] =	vst v63  }
0xe7: {  	_ =	swait.ge [sflag:s28], $0x2000  }
0xe8: {  	[sflag:s28] =	ssyncset.done $0x0  }
0xe9: {  	[sflag:s28] =	ssyncadd.s32 $0xFFFFE000  }
0xea: {  	[spmem:s3] =	stream.indirect.scatter.add.f32 [tilespmem:s20], [sflag:$0x5], $0x40, s29, s15, $0xb8;
	[tilespmem:$0x14C00] =	vst v63  }
0xeb: {  	_ =	swait.ge [sflag:s13], $0x2000  }
0xec: {  	s0 =	smin.u32 s7, $0x49;
	[sflag:s13] =	ssyncset.done $0x0  }
0xed: {  	s7 =	sshll.u32 s0, $0x7;
	[sflag:s13] =	ssyncadd.s32 $0xFFFFE000  }
0xee: {  	v1 =	vld [tilespmem:s7+$0x300];
	_ =	sdelay $0x4  }
0xef: {  	v2 =	vshrl.u32 v1, $0xE  }
0xf0: {  	v1 =	vand.u32 $0x3FFF, v1;
	[tilespmem:$0x2A00] =	vst v2  }
0xf1: {  	[tilespmem:$0x2A80] =	vst v1  }
0xf2: {  	v1 =	vld [tilespmem:s7+$0x310];
	_ =	sdelay $0x4  }
0xf3: {  	v2 =	vshrl.u32 v1, $0xE  }
0xf4: {  	v1 =	vand.u32 $0x3FFF, v1;
	[tilespmem:$0x2A10] =	vst v2  }
0xf5: {  	[tilespmem:$0x2A90] =	vst v1  }
0xf6: {  	v1 =	vld [tilespmem:s7+$0x320];
	_ =	sdelay $0x4  }
0xf7: {  	v2 =	vshrl.u32 v1, $0xE  }
0xf8: {  	v1 =	vand.u32 $0x3FFF, v1;
	[tilespmem:$0x2A20] =	vst v2  }
0xf9: {  	[tilespmem:$0x2AA0] =	vst v1  }
0xfa: {  	v1 =	vld [tilespmem:s7+$0x330];
	_ =	sdelay $0x4  }
0xfb: {  	v2 =	vshrl.u32 v1, $0xE  }
0xfc: {  	v1 =	vand.u32 $0x3FFF, v1;
	[tilespmem:$0x2A30] =	vst v2  }
0xfd: {  	[tilespmem:$0x2AB0] =	vst v1  }
0xfe: {  	v1 =	vld [tilespmem:s7+$0x340];
	_ =	sdelay $0x4  }
0xff: {  	v2 =	vshrl.u32 v1, $0xE  }
0x100: {  	s0 =	simm.s32 $0x4;
	v1 =	vand.u32 $0x3FFF, v1;
	[tilespmem:$0x2A40] =	vst v2  }
.LBB2_4:
0x101: {  	p0 =	sne.s32 s0, $0x4C  }
0x102: {  	[tilespmem:$0x2AC0] =	vst v1;
	s4 =	sadd.s32 $0x200, s4;
	s5 =	smov.u32 s0;
	s0 =	sadd.s32 $0x4, s0  }
0x103: {  	v1 =	vld [tilespmem:s7+$0x350];
	_ =	sdelay $0x4  }
0x104: {  	v2 =	vshrl.u32 v1, $0xE;
	v1 =	vand.u32 $0x3FFF, v1  }
0x105: {  	[tilespmem:$0x2A50] =	vst v2  }
0x106: {  	[tilespmem:$0x2AD0] =	vst v1  }
0x107: {  	v1 =	vld [tilespmem:s7+$0x360];
	_ =	sdelay $0x4  }
0x108: {  	v2 =	vshrl.u32 v1, $0xE;
	v1 =	vand.u32 $0x3FFF, v1  }
0x109: {  	[tilespmem:$0x2A60] =	vst v2  }
0x10a: {  	[tilespmem:$0x2AE0] =	vst v1  }
0x10b: {  	v1 =	vld [tilespmem:s7+$0x370];
	_ =	sdelay $0x4  }
0x10c: {  	v2 =	vshrl.u32 v1, $0xE;
	v1 =	vand.u32 $0x3FFF, v1  }
0x10d: {  	[tilespmem:$0x2A70] =	vst v2  }
0x10e: {  	[tilespmem:$0x2AF0] =	vst v1  }
0x10f: {  	[tilespmem:s20], [sflag:$0x3] =	stream.indirect.gather [hbm4b:s1+s15], $0x40, s19, s15, $0xb8;
	[tilespmem:$0x14C00] =	vst v63  }
0x110: {  	_ =	swait.ge [sflag:s30], $0x2000  }
0x111: {  	[sflag:s30] =	ssyncset.done $0x0  }
0x112: {  	[sflag:s30] =	ssyncadd.s32 $0xFFFFE000  }
0x113: {  	[spmem:s3] =	stream.indirect.scatter.add.f32 [tilespmem:s22], [sflag:$0x5], $0x40, s31, s15, $0xb8;
	[tilespmem:$0x14C00] =	vst v63  }
0x114: {  	_ =	swait.ge [sflag:s13], $0x2000  }
0x115: {  	[sflag:s13] =	ssyncset.done $0x0  }
0x116: {  	[sflag:s13] =	ssyncadd.s32 $0xFFFFE000  }
0x117: {  	v1 =	vld [tilespmem:s4+$0xFFFFFF90];
	_ =	sdelay $0x4  }
0x118: {  	v2 =	vshrl.u32 v1, $0xE;
	v1 =	vand.u32 $0x3FFF, v1  }
0x119: {  	[tilespmem:$0x2B00] =	vst v2  }
0x11a: {  	[tilespmem:$0x2B80] =	vst v1  }
0x11b: {  	v1 =	vld [tilespmem:s4+$0xFFFFFFA0];
	_ =	sdelay $0x4  }
0x11c: {  	v2 =	vshrl.u32 v1, $0xE;
	v1 =	vand.u32 $0x3FFF, v1  }
0x11d: {  	[tilespmem:$0x2B10] =	vst v2  }
0x11e: {  	[tilespmem:$0x2B90] =	vst v1  }
0x11f: {  	v1 =	vld [tilespmem:s4+$0xFFFFFFB0];
	_ =	sdelay $0x4  }
0x120: {  	v2 =	vshrl.u32 v1, $0xE;
	v1 =	vand.u32 $0x3FFF, v1  }
0x121: {  	[tilespmem:$0x2B20] =	vst v2  }
0x122: {  	[tilespmem:$0x2BA0] =	vst v1  }
0x123: {  	v1 =	vld [tilespmem:s4+$0xFFFFFFC0];
	_ =	sdelay $0x4  }
0x124: {  	v2 =	vshrl.u32 v1, $0xE;
	v1 =	vand.u32 $0x3FFF, v1  }
0x125: {  	[tilespmem:$0x2B30] =	vst v2  }
0x126: {  	[tilespmem:$0x2BB0] =	vst v1  }
0x127: {  	v1 =	vld [tilespmem:s4+$0xFFFFFFD0];
	_ =	sdelay $0x4  }
0x128: {  	v2 =	vshrl.u32 v1, $0xE;
	v1 =	vand.u32 $0x3FFF, v1  }
0x129: {  	[tilespmem:$0x2B40] =	vst v2  }
0x12a: {  	[tilespmem:$0x2BC0] =	vst v1  }
0x12b: {  	v1 =	vld [tilespmem:s4+$0xFFFFFFE0];
	_ =	sdelay $0x4  }
0x12c: {  	v2 =	vshrl.u32 v1, $0xE;
	v1 =	vand.u32 $0x3FFF, v1  }
0x12d: {  	[tilespmem:$0x2B50] =	vst v2  }
0x12e: {  	[tilespmem:$0x2BD0] =	vst v1  }
0x12f: {  	v1 =	vld [tilespmem:s4+$0xFFFFFFF0];
	_ =	sdelay $0x4  }
0x130: {  	v2 =	vshrl.u32 v1, $0xE;
	v1 =	vand.u32 $0x3FFF, v1  }
0x131: {  	[tilespmem:$0x2B60] =	vst v2  }
0x132: {  	[tilespmem:$0x2BE0] =	vst v1  }
0x133: {  	v1 =	vld [tilespmem:s4+$0x0];
	_ =	sdelay $0x4  }
0x134: {  	v2 =	vshrl.u32 v1, $0xE;
	v1 =	vand.u32 $0x3FFF, v1  }
0x135: {  	s7 =	smin.u32 s5, $0x4B;
	[tilespmem:$0x2B70] =	vst v2  }
0x136: {  	s7 =	sshll.u32 s7, $0x7;
	[tilespmem:$0x2BF0] =	vst v1  }
0x137: {  	[tilespmem:s22], [sflag:$0x4] =	stream.indirect.gather [hbm4b:s1+s15], $0x40, s21, s15, $0xb8;
	[tilespmem:$0x14C00] =	vst v63  }
0x138: {  	_ =	swait.ge [sflag:s23], $0x2000  }
0x139: {  	[sflag:s23] =	ssyncset.done $0x0  }
0x13a: {  	[sflag:s23] =	ssyncadd.s32 $0xFFFFE000  }
0x13b: {  	[spmem:s3] =	stream.indirect.scatter.add.f32 [tilespmem:s14], [sflag:$0x5], $0x40, s24, s15, $0xb8;
	[tilespmem:$0x14C00] =	vst v63  }
0x13c: {  	_ =	swait.ge [sflag:s13], $0x2000  }
0x13d: {  	[sflag:s13] =	ssyncset.done $0x0  }
0x13e: {  	[sflag:s13] =	ssyncadd.s32 $0xFFFFE000  }
0x13f: {  	v1 =	vld [tilespmem:s7+$0x200];
	_ =	sdelay $0x4  }
0x140: {  	v2 =	vshrl.u32 v1, $0xE;
	v1 =	vand.u32 $0x3FFF, v1  }
0x141: {  	[tilespmem:$0x2800] =	vst v2  }
0x142: {  	[tilespmem:$0x2880] =	vst v1  }
0x143: {  	v1 =	vld [tilespmem:s7+$0x210];
	_ =	sdelay $0x4  }
0x144: {  	v2 =	vshrl.u32 v1, $0xE;
	v1 =	vand.u32 $0x3FFF, v1  }
0x145: {  	[tilespmem:$0x2810] =	vst v2  }
0x146: {  	[tilespmem:$0x2890] =	vst v1  }
0x147: {  	v1 =	vld [tilespmem:s7+$0x220];
	_ =	sdelay $0x4  }
0x148: {  	v2 =	vshrl.u32 v1, $0xE;
	v1 =	vand.u32 $0x3FFF, v1  }
0x149: {  	[tilespmem:$0x2820] =	vst v2  }
0x14a: {  	[tilespmem:$0x28A0] =	vst v1  }
0x14b: {  	v1 =	vld [tilespmem:s7+$0x230];
	_ =	sdelay $0x4  }
0x14c: {  	v2 =	vshrl.u32 v1, $0xE;
	v1 =	vand.u32 $0x3FFF, v1  }
0x14d: {  	[tilespmem:$0x2830] =	vst v2  }
0x14e: {  	[tilespmem:$0x28B0] =	vst v1  }
0x14f: {  	v1 =	vld [tilespmem:s7+$0x240];
	_ =	sdelay $0x4  }
0x150: {  	v2 =	vshrl.u32 v1, $0xE;
	v1 =	vand.u32 $0x3FFF, v1  }
0x151: {  	[tilespmem:$0x2840] =	vst v2  }
0x152: {  	[tilespmem:$0x28C0] =	vst v1  }
0x153: {  	v1 =	vld [tilespmem:s7+$0x250];
	_ =	sdelay $0x4  }
0x154: {  	v2 =	vshrl.u32 v1, $0xE;
	v1 =	vand.u32 $0x3FFF, v1  }
0x155: {  	[tilespmem:$0x2850] =	vst v2  }
0x156: {  	[tilespmem:$0x28D0] =	vst v1  }
0x157: {  	v1 =	vld [tilespmem:s7+$0x260];
	_ =	sdelay $0x4  }
0x158: {  	v2 =	vshrl.u32 v1, $0xE;
	v1 =	vand.u32 $0x3FFF, v1  }
0x159: {  	s8 =	smin.u32 s5, $0x4A;
	[tilespmem:$0x2860] =	vst v2  }
0x15a: {  	s8 =	sshll.u32 s8, $0x7;
	[tilespmem:$0x28E0] =	vst v1  }
0x15b: {  	v1 =	vld [tilespmem:s7+$0x270];
	_ =	sdelay $0x4  }
0x15c: {  	v2 =	vshrl.u32 v1, $0xE;
	v1 =	vand.u32 $0x3FFF, v1  }
0x15d: {  	[tilespmem:$0x2870] =	vst v2  }
0x15e: {  	[tilespmem:$0x28F0] =	vst v1  }
0x15f: {  	[tilespmem:s14], [sflag:$0x1] =	stream.indirect.gather [hbm4b:s1+s15], $0x40, s16, s15, $0xb8;
	[tilespmem:$0x14C00] =	vst v63  }
0x160: {  	_ =	swait.ge [sflag:s25], $0x2000  }
0x161: {  	[sflag:s25] =	ssyncset.done $0x0  }
0x162: {  	[sflag:s25] =	ssyncadd.s32 $0xFFFFE000  }
0x163: {  	[spmem:s3] =	stream.indirect.scatter.add.f32 [tilespmem:s18], [sflag:$0x5], $0x40, s26, s15, $0xb8;
	[tilespmem:$0x14C00] =	vst v63  }
0x164: {  	_ =	swait.ge [sflag:s13], $0x2000  }
0x165: {  	[sflag:s13] =	ssyncset.done $0x0  }
0x166: {  	[sflag:s13] =	ssyncadd.s32 $0xFFFFE000  }
0x167: {  	v1 =	vld [tilespmem:s8+$0x280];
	_ =	sdelay $0x4  }
0x168: {  	v2 =	vshrl.u32 v1, $0xE;
	v1 =	vand.u32 $0x3FFF, v1  }
0x169: {  	[tilespmem:$0x2900] =	vst v2  }
0x16a: {  	[tilespmem:$0x2980] =	vst v1  }
0x16b: {  	v1 =	vld [tilespmem:s8+$0x290];
	_ =	sdelay $0x4  }
0x16c: {  	v2 =	vshrl.u32 v1, $0xE;
	v1 =	vand.u32 $0x3FFF, v1  }
0x16d: {  	[tilespmem:$0x2910] =	vst v2  }
0x16e: {  	[tilespmem:$0x2990] =	vst v1  }
0x16f: {  	v1 =	vld [tilespmem:s8+$0x2A0];
	_ =	sdelay $0x4  }
0x170: {  	v2 =	vshrl.u32 v1, $0xE;
	v1 =	vand.u32 $0x3FFF, v1  }
0x171: {  	[tilespmem:$0x2920] =	vst v2  }
0x172: {  	[tilespmem:$0x29A0] =	vst v1  }
0x173: {  	v1 =	vld [tilespmem:s8+$0x2B0];
	_ =	sdelay $0x4  }
0x174: {  	v2 =	vshrl.u32 v1, $0xE;
	v1 =	vand.u32 $0x3FFF, v1  }
0x175: {  	[tilespmem:$0x2930] =	vst v2  }
0x176: {  	[tilespmem:$0x29B0] =	vst v1  }
0x177: {  	v1 =	vld [tilespmem:s8+$0x2C0];
	_ =	sdelay $0x4  }
0x178: {  	v2 =	vshrl.u32 v1, $0xE;
	v1 =	vand.u32 $0x3FFF, v1  }
0x179: {  	[tilespmem:$0x2940] =	vst v2  }
0x17a: {  	[tilespmem:$0x29C0] =	vst v1  }
0x17b: {  	v1 =	vld [tilespmem:s8+$0x2D0];
	_ =	sdelay $0x4  }
0x17c: {  	v2 =	vshrl.u32 v1, $0xE;
	v1 =	vand.u32 $0x3FFF, v1  }
0x17d: {  	s5 =	smin.u32 s5, $0x49;
	[tilespmem:$0x2950] =	vst v2  }
0x17e: {  	s7 =	sshll.u32 s5, $0x7;
	[tilespmem:$0x29D0] =	vst v1  }
0x17f: {  	v1 =	vld [tilespmem:s8+$0x2E0];
	_ =	sdelay $0x4  }
0x180: {  	v2 =	vshrl.u32 v1, $0xE;
	v1 =	vand.u32 $0x3FFF, v1  }
0x181: {  	[tilespmem:$0x2960] =	vst v2  }
0x182: {  	[tilespmem:$0x29E0] =	vst v1  }
0x183: {  	v1 =	vld [tilespmem:s8+$0x2F0];
	_ =	sdelay $0x4  }
0x184: {  	v2 =	vshrl.u32 v1, $0xE;
	v1 =	vand.u32 $0x3FFF, v1  }
0x185: {  	[tilespmem:$0x2970] =	vst v2  }
0x186: {  	[tilespmem:$0x29F0] =	vst v1  }
0x187: {  	[tilespmem:s18], [sflag:$0x2] =	stream.indirect.gather [hbm4b:s1+s15], $0x40, s17, s15, $0xb8;
	[tilespmem:$0x14C00] =	vst v63  }
0x188: {  	_ =	swait.ge [sflag:s28], $0x2000  }
0x189: {  	[sflag:s28] =	ssyncset.done $0x0  }
0x18a: {  	[sflag:s28] =	ssyncadd.s32 $0xFFFFE000  }
0x18b: {  	[spmem:s3] =	stream.indirect.scatter.add.f32 [tilespmem:s20], [sflag:$0x5], $0x40, s29, s15, $0xb8;
	[tilespmem:$0x14C00] =	vst v63  }
0x18c: {  	_ =	swait.ge [sflag:s13], $0x2000  }
0x18d: {  	[sflag:s13] =	ssyncset.done $0x0  }
0x18e: {  	[sflag:s13] =	ssyncadd.s32 $0xFFFFE000  }
0x18f: {  	v1 =	vld [tilespmem:s7+$0x300];
	_ =	sdelay $0x4  }
0x190: {  	v2 =	vshrl.u32 v1, $0xE;
	v1 =	vand.u32 $0x3FFF, v1  }
0x191: {  	[tilespmem:$0x2A00] =	vst v2  }
0x192: {  	[tilespmem:$0x2A80] =	vst v1  }
0x193: {  	v1 =	vld [tilespmem:s7+$0x310];
	_ =	sdelay $0x4  }
0x194: {  	v2 =	vshrl.u32 v1, $0xE;
	v1 =	vand.u32 $0x3FFF, v1  }
0x195: {  	[tilespmem:$0x2A10] =	vst v2  }
0x196: {  	[tilespmem:$0x2A90] =	vst v1  }
0x197: {  	v1 =	vld [tilespmem:s7+$0x320];
	_ =	sdelay $0x4  }
0x198: {  	v2 =	vshrl.u32 v1, $0xE;
	v1 =	vand.u32 $0x3FFF, v1  }
0x199: {  	[tilespmem:$0x2A20] =	vst v2  }
0x19a: {  	[tilespmem:$0x2AA0] =	vst v1  }
0x19b: {  	v1 =	vld [tilespmem:s7+$0x330];
	_ =	sdelay $0x4  }
0x19c: {  	v2 =	vshrl.u32 v1, $0xE;
	v1 =	vand.u32 $0x3FFF, v1  }
0x19d: {  	[tilespmem:$0x2A30] =	vst v2  }
0x19e: {  	[tilespmem:$0x2AB0] =	vst v1  }
0x19f: {  	v1 =	vld [tilespmem:s7+$0x340];
	_ =	sdelay $0x1  }
.Ltmp1:
0x1a0: {  	(pc) =	sbr.rel @p0 .LBB2_4-.Ltmp1, $3  }
0x1a1: {  	_ =	sdelay $0x1  }
0x1a2: {  	v2 =	vshrl.u32 v1, $0xE;
	v1 =	vand.u32 $0x3FFF, v1  }
0x1a3: {  	[tilespmem:$0x2A40] =	vst v2  }
0x1a4: {  	[tilespmem:$0x2AC0] =	vst v1  }
0x1a5: {  	v1 =	vld [tilespmem:s7+$0x350];
	_ =	sdelay $0x4  }
0x1a6: {  	v2 =	vshrl.u32 v1, $0xE  }
0x1a7: {  	v1 =	vand.u32 $0x3FFF, v1;
	[tilespmem:$0x2A50] =	vst v2  }
0x1a8: {  	[tilespmem:$0x2AD0] =	vst v1  }
0x1a9: {  	v1 =	vld [tilespmem:s7+$0x360];
	_ =	sdelay $0x4  }
0x1aa: {  	v2 =	vshrl.u32 v1, $0xE  }
0x1ab: {  	v1 =	vand.u32 $0x3FFF, v1;
	[tilespmem:$0x2A60] =	vst v2  }
0x1ac: {  	[tilespmem:$0x2AE0] =	vst v1  }
0x1ad: {  	v1 =	vld [tilespmem:s7+$0x370];
	_ =	sdelay $0x4  }
0x1ae: {  	v2 =	vshrl.u32 v1, $0xE  }
0x1af: {  	v1 =	vand.u32 $0x3FFF, v1;
	[tilespmem:$0x2A70] =	vst v2  }
0x1b0: {  	[tilespmem:$0x2AF0] =	vst v1  }
0x1b1: {  	[tilespmem:s20], [sflag:$0x3] =	stream.indirect.gather [hbm4b:s1+s15], $0x40, s19, s15, $0xb8;
	[tilespmem:$0x14C00] =	vst v63  }
0x1b2: {  	_ =	swait.ge [sflag:s30], $0x2000  }
0x1b3: {  	[sflag:s30] =	ssyncset.done $0x0  }
0x1b4: {  	[sflag:s30] =	ssyncadd.s32 $0xFFFFE000  }
0x1b5: {  	[spmem:s3] =	stream.indirect.scatter.add.f32 [tilespmem:s22], [sflag:$0x5], $0x40, s31, s15, $0xb8;
	[tilespmem:$0x14C00] =	vst v63  }
0x1b6: {  	_ =	swait.ge [sflag:s13], $0x2000  }
0x1b7: {  	[sflag:s13] =	ssyncset.done $0x0  }
0x1b8: {  	[sflag:s13] =	ssyncadd.s32 $0xFFFFE000  }
0x1b9: {  	_ =	swait.ge [sflag:s23], $0x2000  }
0x1ba: {  	[sflag:s23] =	ssyncset.done $0x0  }
0x1bb: {  	[sflag:s23] =	ssyncadd.s32 $0xFFFFE000  }
0x1bc: {  	_ =	swait.ge [sflag:s25], $0x2000  }
0x1bd: {  	[sflag:s25] =	ssyncset.done $0x0  }
0x1be: {  	[sflag:s25] =	ssyncadd.s32 $0xFFFFE000  }
0x1bf: {  	s0 =	stileid.u32;
	_ =	swait.ge [sflag:s28], $0x2000  }
0x1c0: {  	s4 =	sshrl.u32 s6, $0x3;
	s2 =	sadd.s32 $0x1, s2;
	[sflag:s28] =	ssyncset.done $0x0  }
0x1c1: {  	s0 =	sshll.u32 s0, $0x6;
	p0 =	sne.s32 s2, s12;
	[sflag:s28] =	ssyncadd.s32 $0xFFFFE000  }
.Ltmp2:
0x1c2: {  	s0 =	sor.u32 $0x1C05, s0;
	[bflag:$0x0] =	sbarrier.arrive $0xFFFF;
	(pc) =	sbr.rel @p0 .LBB2_1-.Ltmp2, $4  }
0x1c3: {  	[hbm:s11], [sflag:s0] =	dma.local [spmem:s4], $0x1400  }
0x1c4: {  	_ =	swait.ge [sflag:s13], $0x1400  }
0x1c5: {  	[sflag:s13] =	ssyncset.done $0x0  }
0x1c6: {  	[sflag:s13] =	ssyncadd.s32 $0xFFFFEC00  }
0x1c7: {  	_ =	sfence.sel $0x180000  }
0x1c8: {  	[bflag:$0x0] =	sbarrier.arrive $0xFFFF  }
0x1c9: {  	_ =	strace $0x9000004D  }
0x1ca: {  	s0 =	stileid.u32;
	[bflag:$0x2] =	sbarrier.arrive $0xFFFF  }
0x1cb: {  	p0 =	sne.s32 s0, $0x0;
	s0 =	rddreg [dreg:$0x3]  }
0x1cc: {  	s0 =	sadd.s32 @!p0 $0x100000, s0  }
0x1cd: {  	[sflag:s0] =	ssyncadd.tile.s32 @!p0 $0x1;
	_ =	shalt  }
.Lfunc_end2:
_tile_overlayer_lowered:
.L_overlay_start_2:
0x1ce: {  	(tag) =	ssettag $0x2  }
0x1cf: {  	s0 =	rddreg [dreg:$0x0];
	s2 =	stileid.u32  }
0x1d0: {  	s1 =	rddreg [dreg:$0x1];
	p0 =	sne.s32 s2, $0x0  }
0x1d1: {  	s3 =	rddreg [dreg:$0x2];
	[bflag:$0x3] =	sbarrier.arrive $0xFFFF;
	s2 =	simm.s32 @!p0 $0x1C05  }
0x1d2: {  	[timem:s3], [sflag:s2] =	dma.local @!p0 [hbm:s0], s1  }
0x1d3: {  	s0 =	simm.s32 @!p0 $0x5  }
0x1d4: {  	_ =	swait.ge @!p0 [sflag:s0], s1  }
0x1d5: {  	s1 =	ssub.s32 @!p0 $0x0, s1;
	[sflag:s0] =	ssyncset.done @!p0 $0x0  }
0x1d6: {  	[sflag:s0] =	ssyncadd.s32 @!p0 s1  }
0x1d7: {  	[bflag:$0x3] =	sbarrier.arrive $0xFFFF  }
0x1d8: {  	_ =	shalt  }

// kernel: kernel.8.cloned.1.call-start
scs
__scs_entry_jumppad:
0x0: {  	(pc) =	sbr.rel $0x88, $3  }
0x1: {  	(tag) =	ssettag $0x0;
	lr =	simm.s32 $0x1  }
0x2: {  	[smem:$0x3F9D] =	sst lr;
	_ =	strace $0xD0000000  }
0x3: {  	_ = 	snop  }
0x4: {  	_ = 	snop  }
0x5: {  	_ = 	snop  }
0x6: {  	_ = 	snop  }
0x7: {  	_ = 	snop  }
__scs_overlays_trampoline_lowered:
0x8: {  	[smem:$0x3FAC] =	sst s0  }
0x9: {  	[smem:$0x3FAD] =	sst s1  }
0xa: {  	[smem:$0x3FAE] =	sst s2  }
0xb: {  	[smem:$0x3FAF] =	sst s3  }
0xc: {  	[smem:$0x3FB0] =	sst s4  }
0xd: {  	[smem:$0x3FB1] =	sst s5  }
0xe: {  	[smem:$0x3FB2] =	sst s6  }
0xf: {  	[smem:$0x3FB3] =	sst s7  }
0x10: {  	[smem:$0x3FB4] =	sst s8  }
0x11: {  	[smem:$0x3FB5] =	sst s9;
	s0 =	simm.s32 @!p0 $0x0  }
0x12: {  	s1 =	sld [smem:$0x3F9B];
	s0 =	simm.s32 @p0 $0x1  }
0x13: {  	[smem:$0x3FB6] =	sst s0;
	s0 =	simm.s32 @!p1 $0x0  }
0x14: {  	s2 =	sld [smem:$0x3F9A];
	s0 =	simm.s32 @p1 $0x1  }
0x15: {  	[smem:$0x3FB7] =	sst s0;
	s0 =	simm.s32 @!p2 $0x0  }
0x16: {  	s3 =	sld [smem:$0x3FDB];
	s0 =	simm.s32 @p2 $0x1  }
0x17: {  	s4 =	simm.s32 $0x1BF5;
	[smem:$0x3FB9] =	sst s0  }
0x18: {  	s0 =	sld [smem:$0x3F9C];
	_ =	swait.ge [sflag:s4], $0x0  }
0x19: {  	s7 =	sld [smem:$0x3F9D]  }
0x1a: {  	s8 =	sadd.s32 $0xFFFFE003, lr  }
0x1b: {  	s9 =	sadd.s32 $0xFFFFFEF7, lr;
	s5 =	simm.s32 $0xFFFFFFFF;
	p2 =	slt.u32 s8, $0xFFFFF086  }
0x1c: {  	p1 =	slt.u32 s9, $0xF7A;
	s5 =	simm.s32 @!p2 $0x0  }
0x1d: {  	s5 =	simm.s32 @p1 $0x1;
	p0 =	seq.s32 s7, s2  }
0x1e: {  	s7 =	smul.u32 @!p0 $0xF7A, s2;
	p2 =	seq.s32 @!p0 s5, $0x0  }
0x1f: {  	s9 =	smul.u32 $0xF7A, s1;
	s8 =	simm.s32 @!p0 $0x1BF5;
	p2 =	por !p2, p0  }
0x20: {  	[sflag:s8] =	ssyncset.s32 @!p0 $0xFFFFF086;
	s6 =	sadd.s32 @!p0 s3, s7;
	s7 =	simm.s32 @!p0 $0x108  }
0x21: {  	s3 =	sadd.s32 s3, s9;
	s6 =	sadd.s32 @!p0 $0x88, s6;
	s7 =	simm.s32 @p2 $0x1082  }
0x22: {  	[simem:s7], [sflag:s8] =	dma.local @!p0 [hbm:s6], $0xF7A  }
0x23: {  	s9 =	sor.u32 $0xD0000000, s2;
	s6 =	simm.s32 $0x108;
	_ =	swait.ge @!p0 [sflag:s8], $0x0  }
0x24: {  	s3 =	sadd.s32 $0x88, s3;
	s6 =	simm.s32 @!p1 $0x1082;
	[sflag:s4] =	ssyncset.s32 $0xFFFFF086  }
0x25: {  	[simem:s6], [sflag:s4] =	dma.local [hbm:s3], $0xF7A  }
0x26: {  	[smem:$0x3F9D] =	sst s1;
	(tag) =	ssettag s2;
	_ =	strace s9  }
0x27: {  	s1 =	sld [smem:$0x3FAD]  }
0x28: {  	s2 =	sld [smem:$0x3FAE]  }
0x29: {  	s4 =	sld [smem:$0x3FB0]  }
0x2a: {  	p0 =	seq.s32 s5, $0x0;
	s5 =	sld [smem:$0x3FB1]  }
0x2b: {  	s6 =	sld [smem:$0x3FB2]  }
0x2c: {  	s7 =	sld [smem:$0x3FB3]  }
0x2d: {  	s3 =	simm.s32 $0x108;
	s8 =	sld [smem:$0x3FB4]  }
0x2e: {  	s3 =	simm.s32 @!p0 $0x1082;
	s9 =	sld [smem:$0x3FB5]  }
0x2f: {  	lr =	sadd.s32 s0, s3;
	s0 =	sld [smem:$0x3FAC]  }
0x30: {  	s3 =	sld [smem:$0x3FAF]  }
0x31: {  	[smem:$0x3FB8] =	sst s10  }
0x32: {  	s10 =	sld [smem:$0x3FB6];
	_ =	sdelay $0x3  }
0x33: {  	p0 =	seq.s32 s10, $0x1;
	s10 =	sld [smem:$0x3FB8];
	_ =	sdelay $0x3  }
0x34: {  	[smem:$0x3FB8] =	sst s10  }
0x35: {  	s10 =	sld [smem:$0x3FB7];
	_ =	sdelay $0x3  }
0x36: {  	p1 =	seq.s32 s10, $0x1;
	s10 =	sld [smem:$0x3FB8];
	_ =	sdelay $0x3  }
0x37: {  	[smem:$0x3FB8] =	sst s10  }
0x38: {  	s10 =	sld [smem:$0x3FB9]  }
0x39: {  	_ = 	snop;
	(pc) =	sbr.ind lr, $3  }
0x3a: {  	_ = 	snop  }
0x3b: {  	_ = 	snop  }
0x3c: {  	p2 =	seq.s32 s10, $0x1;
	s10 =	sld [smem:$0x3FB8]  }
0x3d: {  	_ =	shalt  }
0x3e: {  	_ =	shalt  }
0x3f: {  	_ =	shalt  }
0x40: {  	_ =	shalt  }
0x41: {  	_ =	shalt  }
0x42: {  	_ =	shalt  }
0x43: {  	_ =	shalt  }
0x44: {  	_ =	shalt  }
0x45: {  	_ =	shalt  }
0x46: {  	_ =	shalt  }
0x47: {  	_ =	shalt  }
0x48: {  	_ =	shalt  }
0x49: {  	_ =	shalt  }
0x4a: {  	_ =	shalt  }
0x4b: {  	_ =	shalt  }
0x4c: {  	_ =	shalt  }
0x4d: {  	_ =	shalt  }
0x4e: {  	_ =	shalt  }
0x4f: {  	_ =	shalt  }
0x50: {  	_ =	shalt  }
0x51: {  	_ =	shalt  }
0x52: {  	_ =	shalt  }
0x53: {  	_ =	shalt  }
0x54: {  	_ =	shalt  }
0x55: {  	_ =	shalt  }
0x56: {  	_ =	shalt  }
0x57: {  	_ =	shalt  }
0x58: {  	_ =	shalt  }
0x59: {  	_ =	shalt  }
0x5a: {  	_ =	shalt  }
0x5b: {  	_ =	shalt  }
0x5c: {  	_ =	shalt  }
0x5d: {  	_ =	shalt  }
0x5e: {  	_ =	shalt  }
0x5f: {  	_ =	shalt  }
0x60: {  	_ =	shalt  }
0x61: {  	_ =	shalt  }
0x62: {  	_ =	shalt  }
0x63: {  	_ =	shalt  }
0x64: {  	_ =	shalt  }
0x65: {  	_ =	shalt  }
0x66: {  	_ =	shalt  }
0x67: {  	_ =	shalt  }
0x68: {  	_ =	shalt  }
0x69: {  	_ =	shalt  }
0x6a: {  	_ =	shalt  }
0x6b: {  	_ =	shalt  }
0x6c: {  	_ =	shalt  }
0x6d: {  	_ =	shalt  }
0x6e: {  	_ =	shalt  }
0x6f: {  	_ =	shalt  }
0x70: {  	_ =	shalt  }
0x71: {  	_ =	shalt  }
0x72: {  	_ =	shalt  }
0x73: {  	_ =	shalt  }
0x74: {  	_ =	shalt  }
0x75: {  	_ =	shalt  }
0x76: {  	_ =	shalt  }
0x77: {  	_ =	shalt  }
0x78: {  	_ =	shalt  }
0x79: {  	_ =	shalt  }
0x7a: {  	_ =	shalt  }
0x7b: {  	_ =	shalt  }
0x7c: {  	_ =	shalt  }
0x7d: {  	_ =	shalt  }
0x7e: {  	_ =	shalt  }
0x7f: {  	_ =	shalt  }
0x80: {  	_ =	shalt  }
0x81: {  	_ =	shalt  }
0x82: {  	_ =	shalt  }
0x83: {  	_ =	shalt  }
0x84: {  	_ =	shalt  }
0x85: {  	_ =	shalt  }
0x86: {  	_ =	shalt  }
0x87: {  	_ =	shalt  }
.Lfunc_end0:
.L_simem_size_0:
called_computation_lowered:
.L_overlay_start_0:
0x88: {  	s2 =	sld [smem:$0x3FD9]  }
0x89: {  	s3 =	sld [smem:$0x3FFE];
	_ =	sdelay $0x1  }
0x8a: {  	s1 =	srdreg.scid  }
0x8b: {  	s0 =	sand.u32 $0x1, s1  }
0x8c: {  	s17 =	sshll.u32 s0, $0xA;
	s2 =	sadd.s32 s3, s2  }
0x8d: {  	s2 =	sadd.s32 s2, s17  }
0x8e: {  	[smem:$0x3FC4] =	sst s2  }
0x8f: {  	_ = 	snop  }
0x90: {  	s2 =	sld [smem:$0x3FD0];
	(tm) =	ssettm $0x1  }
0x91: {  	s18 =	sld [smem:$0x3FFB];
	_ =	sdelay $0x3  }
0x92: {  	_ =	strace s18  }
0x93: {  	s3 =	sld [smem:$0x3FFC];
	_ =	sdelay $0x3  }
0x94: {  	_ =	strace s3  }
0x95: {  	s3 =	sld [smem:$0x3FFD];
	_ =	sdelay $0x3  }
0x96: {  	_ =	strace s3  }
0x97: {  	_ =	strace $0x8FFFFFFF  }
0x98: {  	s19 =	sld [smem:$0x3FDB];
	_ =	sdelay $0x1  }
0x99: {  	s4 =	simm.s32 $_scs_section_size  }
0x9a: {  	s5 =	simm.s32 $_size__tile_overlayer_lowered;
	s6 =	simm.s32 $_tile_overlayer_lowered  }
0x9b: {  	s22 =	simm.s32 $0x1BFF;
	s21 =	sshll.u32 s6, $0x1;
	s3 =	sadd.s32 s4, s19  }
0x9c: {  	s7 =	simm.s32 $0x0;
	s20 =	sshll.u32 s5, $0x1;
	s5 =	sadd.s32 s21, s3  }
0x9d: {  	[timem:s7], [sflag:s22] =	dma.local [hbm:s5], s20  }
0x9e: {  	_ =	swait.ge [sflag:s22], s20  }
0x9f: {  	s4 =	ssub.s32 $0x0, s20;
	[sflag:s22] =	ssyncset.done $0x0  }
0xa0: {  	[sflag:s22] =	ssyncadd.s32 s4;
	_ =	sdelay $0x1  }
0xa1: {  	s23 =	simm.s32 $0x1B8B  }
0xa2: {  	_ =	swait.ge [sflag:s23], $0x1  }
0xa3: {  	[sflag:s23] =	ssyncset.done $0x0  }
0xa4: {  	s25 =	simm.s32 $0x1B8E;
	s24 =	sld [smem:$0x3FFE];
	[sflag:s23] =	ssyncadd.s32 $0xFFFFFFFF  }
0xa5: {  	s26 =	simm.s32 $execute0_lowered;
	[smem:$0x3FD2] =	sst s25  }
0xa6: {  	s5 =	sshll.u32 s26, $0x1;
	_ =	strace $0x80000046;
	[dreg:$0x1] =	wrdreg $0xFFFFFFFF  }
0xa7: {  	s28 =	simm.s32 $_size_execute0_lowered;
	s3 =	sadd.s32 s3, s5;
	[dreg:$0x0] =	wrdreg $0x0  }
0xa8: {  	s5 =	sshll.u32 s28, $0x1;
	[dreg:$0x2] =	wrdreg s3  }
0xa9: {  	[dreg:$0x3] =	wrdreg s5  }
0xaa: {  	[dreg:$0x4] =	wrdreg $0xC0  }
0xab: {  	_ =	task [dreg:s7], $0x5FFFF  }
0xac: {  	[dreg:$0x1] =	wrdreg $0xFFFFFFFF  }
0xad: {  	[dreg:$0x0] =	wrdreg $0x60  }
0xae: {  	[dreg:$0x2] =	wrdreg s24  }
0xaf: {  	[dreg:$0x3] =	wrdreg s2  }
0xb0: {  	[dreg:$0x4] =	wrdreg $0x2B800  }
0xb1: {  	[dreg:$0x5] =	wrdreg $0x9  }
0xb2: {  	_ =	task.clear_ibuf [dreg:s7], $0x6FFFF;
	_ =	strace $0x90000046  }
0xb3: {  	s29 =	simm.s32 $0x9;
	_ =	strace $0x80000048  }
0xb4: {  	_ =	swait.ge [sflag:s29], $0x1  }
0xb5: {  	[sflag:s29] =	ssyncadd.s32 $0xFFFFFFFF  }
0xb6: {  	_ =	strace $0x90000048  }
0xb7: {  	_ =	sfence  }
0xb8: {  	s30 =	sld [smem:$0x0];
	_ =	sdelay $0x2  }
0xb9: {  	s31 =	sshll.u32 s1, $0xD;
	s1 =	sshrl.u32 s1, $0x2  }
0xba: {  	s3 =	sand.u32 $0x4000, s31;
	s1 =	sadd.s32 s1, s30  }
0xbb: {  	s0 =	sor.u32 s3, s0;
	s1 =	sshll.u32 s1, $0x11  }
0xbc: {  	s0 =	sor.u32 s1, s0  }
0xbd: {  	s0 =	sadd.s32 $0x8F2B, s0  }
0xbe: {  	[sflag:s0] =	ssyncadd.remote.s32 $0x1  }
0xbf: {  	_ =	sfence.sel $0xFFFF  }
0xc0: {  	[dreg:$0x0] =	wrdreg $0xFFFFFFFF;
	(pc) =	sbr.abs _section_cstart, $3  }
0xc1: {  	[dreg:$0x1] =	wrdreg $0xFFFFFFFF  }
0xc2: {  	_ =	task.clear_ibuf [dreg:s7], $0x2FFFF;
	_ =	strace $0x9FFFFFFF  }
0xc3: {  	(tm) =	ssettm $0x7FFFFFFF  }
tec
execute0_lowered:
.L_overlay_start_1:
0x0: {  	(tag) =	ssettag $0x1  }
0x1: {  	s4 =	rddreg [dreg:$0x0]  }
0x2: {  	s0 =	srdreg.scid;
	s6 =	rddreg [dreg:$0x1]  }
0x3: {  	s2 =	rddreg [dreg:$0x2];
	s1 =	stileid.u32  }
0x4: {  	s3 =	simm.s32 $0x0;
	s11 =	simm.s32 $0x2800;
	s12 =	simm.s32 $0x2880  }
0x5: {  	s15 =	simm.s32 $0x20;
	s16 =	simm.s32 $0x10;
	s17 =	simm.s32 $0x0  }
0x6: {  	s5 =	sand.u32 $0x1, s0;
	s0 =	rddreg [dreg:$0x3];
	s8 =	smul.u32 $0x500, s1  }
0x7: {  	[smem:$0x7FF] =	sst s3;
	s10 =	smul.u32 $0xA00, s1;
	s13 =	sshll.u32 s1, $0x6  }
0x8: {  	s7 =	sshll.u32 s5, $0x4;
	_ =	strace $0x80000047;
	s9 =	ssub.s32 $0x2, s5  }
0x9: {  	s5 =	sshll.u32 s5, $0x7;
	s13 =	sor.u32 $0x1C01, s13;
	s7 =	sor.u32 s1, s7  }
0xa: {  	s29 =	sshrl.u32 s9, $0x1;
	s5 =	sor.u32 s5, s8;
	s30 =	sshrl.u32 s10, $0x2  }
0xb: {  	s8 =	simm.s32 $0x1;
	s7 =	smul.u32 $0x500, s7;
	s31 =	sshrl.u32 s5, $0x3  }
0xc: {  	s10 =	simm.s32 $0x80;
	s5 =	sadd.s32 s30, s2;
	s6 =	sadd.s32 s6, s31  }
0xd: {  	s14 =	sshrl.u32 s5, $0x3;
	s4 =	sadd.s32 s7, s4;
	s7 =	ssub.s32 s9, s29  }
0xe: {  	v0 =	vimm.f32 $1.000000000e+00;
	v1 =	vimm.f32 $0.0e+00;
	s9 =	simm.s32 $0x2900;
	s4 =	sadd.s32 $0x1000, s4;
	s7 =	smax.u32 s7, $0x1  }
.LBB2_1:
0xf: {  	[tilespmem:s3], [sflag:$0x1] =	stream.linear.gather [hbm4b:s4+s3], $0x2800, $0x38;
	[tilespmem:$0x2E00] =	vst v63  }
0x10: {  	_ =	swait.ge [sflag:s8], $0x2800  }
0x11: {  	[sflag:s8] =	ssyncset.done $0x0  }
0x12: {  	[sflag:s8] =	ssyncadd.s32 $0xFFFFD800  }
0x13: {  	[tilespmem:$0x2880] =	vst v0  }
0x14: {  	[tilespmem:$0x2890] =	vst v0  }
0x15: {  	[tilespmem:$0x28A0] =	vst v0  }
0x16: {  	[tilespmem:$0x28B0] =	vst v0  }
0x17: {  	[tilespmem:$0x28C0] =	vst v0  }
0x18: {  	[tilespmem:$0x28D0] =	vst v0  }
0x19: {  	[tilespmem:$0x28E0] =	vst v0  }
0x1a: {  	[tilespmem:$0x28F0] =	vst v0  }
0x1b: {  	[tilespmem:$0x2900] =	vst v1  }
0x1c: {  	[tilespmem:$0x2910] =	vst v1  }
0x1d: {  	[tilespmem:$0x2920] =	vst v1  }
0x1e: {  	[tilespmem:$0x2930] =	vst v1  }
0x1f: {  	[tilespmem:$0x2940] =	vst v1  }
0x20: {  	[tilespmem:$0x2950] =	vst v1  }
0x21: {  	[tilespmem:$0x2960] =	vst v1  }
0x22: {  	[tilespmem:$0x2970] =	vst v1  }
0x23: {  	[tilespmem:$0x2980] =	vst v1  }
0x24: {  	[tilespmem:$0x2990] =	vst v1  }
0x25: {  	[tilespmem:$0x29A0] =	vst v1  }
0x26: {  	[tilespmem:$0x29B0] =	vst v1  }
0x27: {  	[tilespmem:$0x29C0] =	vst v1  }
0x28: {  	[tilespmem:$0x29D0] =	vst v1  }
0x29: {  	[tilespmem:$0x29E0] =	vst v1  }
0x2a: {  	[tilespmem:$0x29F0] =	vst v1  }
0x2b: {  	[tilespmem:$0x2A00] =	vst v1  }
0x2c: {  	[tilespmem:$0x2A10] =	vst v1  }
0x2d: {  	[tilespmem:$0x2A20] =	vst v1  }
0x2e: {  	[tilespmem:$0x2A30] =	vst v1  }
0x2f: {  	[tilespmem:$0x2A40] =	vst v1  }
0x30: {  	[tilespmem:$0x2A50] =	vst v1  }
0x31: {  	[tilespmem:$0x2A60] =	vst v1  }
0x32: {  	[tilespmem:$0x2A70] =	vst v1  }
0x33: {  	[tilespmem:$0x2A80] =	vst v1  }
0x34: {  	[tilespmem:$0x2A90] =	vst v1  }
0x35: {  	[tilespmem:$0x2AA0] =	vst v1  }
0x36: {  	[tilespmem:$0x2AB0] =	vst v1  }
0x37: {  	[tilespmem:$0x2AC0] =	vst v1  }
0x38: {  	[tilespmem:$0x2AD0] =	vst v1  }
0x39: {  	[tilespmem:$0x2AE0] =	vst v1  }
0x3a: {  	[tilespmem:$0x2AF0] =	vst v1  }
0x3b: {  	[tilespmem:$0x2B00] =	vst v1  }
0x3c: {  	[tilespmem:$0x2B10] =	vst v1  }
0x3d: {  	[tilespmem:$0x2B20] =	vst v1  }
0x3e: {  	[tilespmem:$0x2B30] =	vst v1  }
0x3f: {  	[tilespmem:$0x2B40] =	vst v1  }
0x40: {  	[tilespmem:$0x2B50] =	vst v1  }
0x41: {  	[tilespmem:$0x2B60] =	vst v1  }
0x42: {  	[tilespmem:$0x2B70] =	vst v1  }
0x43: {  	[spmem:s5] =	stream.linear.scatter [tilespmem:s9], [sflag:$0x1], $0x280, $0x38;
	[tilespmem:$0x2E00] =	vst v63  }
0x44: {  	_ =	swait.ge [sflag:s8], $0x280  }
0x45: {  	[sflag:s8] =	ssyncset.done $0x0  }
0x46: {  	[sflag:s8] =	ssyncadd.s32 $0xFFFFFD80  }
0x47: {  	s18 =	simm.s32 $0x0;
	[bflag:$0x0] =	sbarrier.arrive $0xFFFF  }
0x48: {  	v2 =	vld [tilespmem:s18+$0x0];
	_ =	sdelay $0x4  }
0x49: {  	v2 =	vshrl.u32 v2, $0xE  }
0x4a: {  	[tilespmem:$0x2800] =	vst v2  }
0x4b: {  	v2 =	vld [tilespmem:s18+$0x10];
	_ =	sdelay $0x4  }
0x4c: {  	v2 =	vshrl.u32 v2, $0xE  }
0x4d: {  	[tilespmem:$0x2810] =	vst v2  }
0x4e: {  	v2 =	vld [tilespmem:s18+$0x20];
	_ =	sdelay $0x4  }
0x4f: {  	v2 =	vshrl.u32 v2, $0xE  }
0x50: {  	[tilespmem:$0x2820] =	vst v2  }
0x51: {  	v2 =	vld [tilespmem:s18+$0x30];
	_ =	sdelay $0x4  }
0x52: {  	v2 =	vshrl.u32 v2, $0xE  }
0x53: {  	[tilespmem:$0x2830] =	vst v2  }
0x54: {  	v2 =	vld [tilespmem:s18+$0x40];
	_ =	sdelay $0x4  }
0x55: {  	v2 =	vshrl.u32 v2, $0xE  }
0x56: {  	[tilespmem:$0x2840] =	vst v2  }
0x57: {  	v2 =	vld [tilespmem:s18+$0x50];
	_ =	sdelay $0x4  }
0x58: {  	v2 =	vshrl.u32 v2, $0xE  }
0x59: {  	[tilespmem:$0x2850] =	vst v2  }
0x5a: {  	v2 =	vld [tilespmem:s18+$0x60];
	_ =	sdelay $0x4  }
0x5b: {  	v2 =	vshrl.u32 v2, $0xE  }
0x5c: {  	[tilespmem:$0x2860] =	vst v2  }
0x5d: {  	v2 =	vld [tilespmem:s18+$0x70];
	_ =	sdelay $0x4  }
0x5e: {  	v2 =	vshrl.u32 v2, $0xE  }
0x5f: {  	[tilespmem:$0x2870] =	vst v2  }
0x60: {  	[spmem:s2] =	stream.indirect.scatter.add.f32 [tilespmem:s12], [sflag:$0x1], $0x1, s11, s10, $0xb8;
	[tilespmem:$0x2E00] =	vst v63  }
0x61: {  	_ =	swait.ge [sflag:s8], $0x80  }
0x62: {  	s21 =	simm.s32 $0x400;
	s18 =	simm.s32 $0x200;
	[sflag:s8] =	ssyncset.done $0x0  }
.LBB2_2:
0x63: {  	s20 =	sshra.s32 s18, $0x2  }
0x64: {  	[sflag:s8] =	ssyncadd.s32 $0xFFFFFF80;
	s18 =	smov.u32 s21;
	s19 =	sadd.s32 $0x200, s21  }
0x65: {  	p0 =	sne.s32 s21, $0x9E00;
	v2 =	vld [tilespmem:s20+$0x0];
	_ =	sdelay $0x4  }
0x66: {  	v2 =	vshrl.u32 v2, $0xE  }
0x67: {  	[tilespmem:$0x2800] =	vst v2  }
0x68: {  	v2 =	vld [tilespmem:s20+$0x10];
	_ =	sdelay $0x4  }
0x69: {  	v2 =	vshrl.u32 v2, $0xE  }
0x6a: {  	[tilespmem:$0x2810] =	vst v2  }
0x6b: {  	v2 =	vld [tilespmem:s20+$0x20];
	_ =	sdelay $0x4  }
0x6c: {  	v2 =	vshrl.u32 v2, $0xE  }
0x6d: {  	[tilespmem:$0x2820] =	vst v2  }
0x6e: {  	v2 =	vld [tilespmem:s20+$0x30];
	_ =	sdelay $0x4  }
0x6f: {  	v2 =	vshrl.u32 v2, $0xE  }
0x70: {  	[tilespmem:$0x2830] =	vst v2  }
0x71: {  	v2 =	vld [tilespmem:s20+$0x40];
	_ =	sdelay $0x4  }
0x72: {  	v2 =	vshrl.u32 v2, $0xE  }
0x73: {  	[tilespmem:$0x2840] =	vst v2  }
0x74: {  	v2 =	vld [tilespmem:s20+$0x50];
	_ =	sdelay $0x4  }
0x75: {  	v2 =	vshrl.u32 v2, $0xE  }
0x76: {  	[tilespmem:$0x2850] =	vst v2  }
0x77: {  	v2 =	vld [tilespmem:s20+$0x60];
	_ =	sdelay $0x4  }
0x78: {  	v2 =	vshrl.u32 v2, $0xE  }
0x79: {  	[tilespmem:$0x2860] =	vst v2  }
0x7a: {  	v2 =	vld [tilespmem:s20+$0x70];
	_ =	sdelay $0x4  }
.Ltmp0:
0x7b: {  	v2 =	vshrl.u32 v2, $0xE;
	(pc) =	sbr.rel @p0 .LBB2_2-.Ltmp0, $4  }
0x7c: {  	[tilespmem:$0x2870] =	vst v2  }
0x7d: {  	[spmem:s2] =	stream.indirect.scatter.add.f32 [tilespmem:s12], [sflag:$0x1], $0x1, s11, s10, $0xb8;
	[tilespmem:$0x2E00] =	vst v63  }
0x7e: {  	_ =	swait.ge [sflag:s8], $0x80  }
0x7f: {  	s21 =	smov.u32 s19;
	[sflag:s8] =	ssyncset.done $0x0  }
0x80: {  	s18 =	sshra.s32 s18, $0x2;
	[sflag:s8] =	ssyncadd.s32 $0xFFFFFF80  }
0x81: {  	v2 =	vld [tilespmem:s18+$0x0];
	_ =	sdelay $0x4  }
0x82: {  	v2 =	vshrl.u32 v2, $0xE  }
0x83: {  	[tilespmem:$0x2800] =	vst v2  }
0x84: {  	v2 =	vld [tilespmem:s18+$0x10];
	_ =	sdelay $0x4  }
0x85: {  	v2 =	vshrl.u32 v2, $0xE  }
0x86: {  	[tilespmem:$0x2810] =	vst v2  }
0x87: {  	v2 =	vld [tilespmem:s18+$0x20];
	_ =	sdelay $0x4  }
0x88: {  	v2 =	vshrl.u32 v2, $0xE  }
0x89: {  	[tilespmem:$0x2820] =	vst v2  }
0x8a: {  	v2 =	vld [tilespmem:s18+$0x30];
	_ =	sdelay $0x4  }
0x8b: {  	v2 =	vshrl.u32 v2, $0xE  }
0x8c: {  	[tilespmem:$0x2830] =	vst v2  }
0x8d: {  	v2 =	vld [tilespmem:s18+$0x40];
	_ =	sdelay $0x4  }
0x8e: {  	v2 =	vshrl.u32 v2, $0xE  }
0x8f: {  	[tilespmem:$0x2840] =	vst v2  }
0x90: {  	v2 =	vld [tilespmem:s18+$0x50];
	_ =	sdelay $0x4  }
0x91: {  	v2 =	vshrl.u32 v2, $0xE  }
0x92: {  	[tilespmem:$0x2850] =	vst v2  }
0x93: {  	v2 =	vld [tilespmem:s18+$0x60];
	_ =	sdelay $0x4  }
0x94: {  	v2 =	vshrl.u32 v2, $0xE  }
0x95: {  	[tilespmem:$0x2860] =	vst v2  }
0x96: {  	v2 =	vld [tilespmem:s18+$0x70];
	_ =	sdelay $0x4  }
0x97: {  	v2 =	vshrl.u32 v2, $0xE  }
0x98: {  	[tilespmem:$0x2870] =	vst v2  }
0x99: {  	[spmem:s2] =	stream.indirect.scatter.add.f32 [tilespmem:s12], [sflag:$0x1], $0x1, s11, s10, $0xb8;
	[tilespmem:$0x2E00] =	vst v63  }
0x9a: {  	_ =	swait.ge [sflag:s8], $0x80  }
0x9b: {  	s17 =	sadd.s32 $0x1, s17;
	[sflag:s8] =	ssyncset.done $0x0  }
0x9c: {  	p0 =	sne.s32 s17, s7;
	[sflag:s8] =	ssyncadd.s32 $0xFFFFFF80  }
.Ltmp1:
0x9d: {  	[bflag:$0x0] =	sbarrier.arrive $0xFFFF;
	(pc) =	sbr.rel @p0 .LBB2_1-.Ltmp1, $4  }
0x9e: {  	[hbm:s6@s15], [sflag:s13] =	dma.strided [spmem:s14@s16], $0x50, s8, $0x10   }
0x9f: {  	_ =	swait.ge [sflag:s8], $0x50  }
0xa0: {  	[sflag:s8] =	ssyncset.done $0x0  }
0xa1: {  	[sflag:s8] =	ssyncadd.s32 $0xFFFFFFB0  }
0xa2: {  	_ =	sfence.sel $0x180000  }
0xa3: {  	[bflag:$0x0] =	sbarrier.arrive $0xFFFF  }
0xa4: {  	p0 =	sne.s32 s1, $0x0;
	_ =	strace $0x90000047  }
0xa5: {  	s0 =	sadd.s32 @!p0 $0x100000, s0;
	[bflag:$0x2] =	sbarrier.arrive $0xFFFF  }
0xa6: {  	[sflag:s0] =	ssyncadd.tile.s32 @!p0 $0x1;
	_ =	shalt  }
.Lfunc_end2:
_tile_overlayer_lowered:
.L_overlay_start_2:
0xa7: {  	(tag) =	ssettag $0x2  }
0xa8: {  	s0 =	rddreg [dreg:$0x0];
	s2 =	stileid.u32  }
0xa9: {  	s1 =	rddreg [dreg:$0x1];
	p0 =	sne.s32 s2, $0x0  }
0xaa: {  	s3 =	rddreg [dreg:$0x2];
	[bflag:$0x3] =	sbarrier.arrive $0xFFFF;
	s2 =	simm.s32 @!p0 $0x1C01  }
0xab: {  	[timem:s3], [sflag:s2] =	dma.local @!p0 [hbm:s0], s1  }
0xac: {  	s0 =	simm.s32 @!p0 $0x1  }
0xad: {  	_ =	swait.ge @!p0 [sflag:s0], s1  }
0xae: {  	s1 =	ssub.s32 @!p0 $0x0, s1;
	[sflag:s0] =	ssyncset.done @!p0 $0x0  }
0xaf: {  	[sflag:s0] =	ssyncadd.s32 @!p0 s1  }
0xb0: {  	[bflag:$0x3] =	sbarrier.arrive $0xFFFF  }
0xb1: {  	_ =	shalt  }

</sc_bundles>
